<compile_context>
chip_gen: v7x
topology: tpu7x:2x2x1
jax: 0.10.2.dev20260603
libtpu: 0.0.44.dev20260713+nightly
codegen_flags: <defaults>
</compile_context>

<pallas_src>
import functools

import jax
import jax.numpy as jnp
from jax import lax
from jax.experimental import pallas as pl
from jax.experimental.pallas import tpu as pltpu
from jax.experimental.pallas import tpu_sc as plsc

N = 10000
NP = 10008
E = 160000
NS = 16
NC = 2
EPT = E // NS
KB = 80
NBLK = 125
ROWS_A = 632
ROWS_B = NP - 15 * ROWS_A
BM = 1000


def _sc_agg(width, dtype):
    mesh = plsc.VectorSubcoreMesh(core_axis_name="c", subcore_axis_name="s")

    @functools.partial(
        pl.kernel,
        out_type=jax.ShapeDtypeStruct((NC, NP, width), dtype),
        mesh=mesh,
        scratch_types=[
            pltpu.VMEM((NBLK, KB), jnp.int32),
            pltpu.VMEM((NBLK, KB), jnp.int32),
            pltpu.VMEM((KB, width), dtype),
            pltpu.VMEM((KB, width), dtype),
            pltpu.VMEM((KB, width), dtype),
            pltpu.VMEM_SHARED((NP, width), dtype),
            pltpu.SemaphoreType.DMA,
            pltpu.SemaphoreType.DMA,
            pltpu.SemaphoreType.DMA,
            pltpu.SemaphoreType.DMA,
            pltpu.SemaphoreType.DMA,
            pltpu.SemaphoreType.DMA,
        ],
        compiler_params=pltpu.CompilerParams(use_tc_tiling_on_sc=False),
    )
    def k(y, ei, out, src_v, dst_v, buf_a, buf_b, buf_c, acc,
          sem_a, sem_b, sem_c, sem_sa, sem_sb, sem_sc):
        c = lax.axis_index("c")
        s = lax.axis_index("s")
        pltpu.sync_copy(ei.at[s], src_v)
        pltpu.sync_copy(ei.at[NS + s], dst_v)
        bufs = (buf_a, buf_b, buf_c)
        gsems = (sem_a, sem_b, sem_c)
        ssems = (sem_sa, sem_sb, sem_sc)

        def gwait(r):
            pltpu.make_async_copy(
                ytab.at[src_v.at[0]], bufs[r % 3], gsems[r % 3]).wait()

        def swait(r):
            pltpu.make_async_copy(
                bufs[r % 3], acc.at[dst_v.at[0]], ssems[r % 3]).wait()

        ytab = y.at[c]
        otab = out.at[c]
        pltpu.async_copy(ytab.at[src_v.at[0]], buf_a, sem_a)
        pltpu.async_copy(ytab.at[src_v.at[1]], buf_b, sem_b)

        @pl.when(s < 15)
        def _():
            pltpu.sync_copy(ytab.at[pl.ds(s * ROWS_A, ROWS_A)],
                            acc.at[pl.ds(s * ROWS_A, ROWS_A)])

        @pl.when(s == 15)
        def _():
            pltpu.sync_copy(ytab.at[pl.ds(15 * ROWS_A, ROWS_B)],
                            acc.at[pl.ds(15 * ROWS_A, ROWS_B)])

        plsc.subcore_barrier()

        def stage(j, r, fire_j, loop_j0):
            gwait(r)
            pltpu.async_copy(bufs[r % 3], acc.at[dst_v.at[j]],
                             ssems[r % 3], add=True)

            @pl.when(loop_j0 + r >= 1)
            def _():
                swait(r + 2)

            @pl.when(fire_j < NBLK)
            def _():
                pltpu.async_copy(ytab.at[src_v.at[fire_j]],
                                 bufs[(r + 2) % 3], gsems[(r + 2) % 3])

        def body(i, carry):
            j0 = 3 * i
            stage(j0, 0, j0 + 2, j0)

            @pl.when(j0 + 1 < NBLK)
            def _():
                stage(j0 + 1, 1, j0 + 3, j0)

            @pl.when(j0 + 2 < NBLK)
            def _():
                stage(j0 + 2, 2, j0 + 4, j0)

            return carry

        lax.fori_loop(0, (NBLK + 2) // 3, body, 0)
        swait(NBLK - 1)
        plsc.subcore_barrier()

        @pl.when(s < 15)
        def _():
            pltpu.sync_copy(acc.at[pl.ds(s * ROWS_A, ROWS_A)],
                            otab.at[pl.ds(s * ROWS_A, ROWS_A)])

        @pl.when(s == 15)
        def _():
            pltpu.sync_copy(acc.at[pl.ds(15 * ROWS_A, ROWS_B)],
                            otab.at[pl.ds(15 * ROWS_A, ROWS_B)])

    return k


def _sc_deg():
    mesh = plsc.VectorSubcoreMesh(core_axis_name="c", subcore_axis_name="s")

    @functools.partial(
        pl.kernel,
        out_type=jax.ShapeDtypeStruct((NP, 16), jnp.float32),
        mesh=mesh,
        scratch_types=[
            pltpu.VMEM((NBLK, KB), jnp.int32),
            pltpu.VMEM((KB, 16), jnp.float32),
            pltpu.VMEM((ROWS_A, 16), jnp.float32),
            pltpu.VMEM_SHARED((NP, 16), jnp.float32),
        ],
        compiler_params=pltpu.CompilerParams(use_tc_tiling_on_sc=False),
    )
    def k(ei, out, dst_v, ones_v, rows_v, acc):
        c = lax.axis_index("c")
        s = lax.axis_index("s")

        @pl.when(c == 0)
        def _():
            pltpu.sync_copy(ei.at[NS + s], dst_v)

            def fill_ones(i, carry):
                ones_v[i, :] = jnp.full((16,), 1.0, jnp.float32)
                return carry

            lax.fori_loop(0, KB, fill_ones, 0)

            def fill_rows(i, carry):
                rows_v[i, :] = jnp.full((16,), 1.0, jnp.float32)
                return carry

            lax.fori_loop(0, ROWS_A, fill_rows, 0)

            @pl.when(s < 15)
            def _():
                pltpu.sync_copy(rows_v, acc.at[pl.ds(s * ROWS_A, ROWS_A)])

            @pl.when(s == 15)
            def _():
                pltpu.sync_copy(rows_v.at[pl.ds(0, ROWS_B)],
                                acc.at[pl.ds(15 * ROWS_A, ROWS_B)])

            plsc.subcore_barrier()

            def body(j, carry):
                pltpu.sync_copy(ones_v, acc.at[dst_v.at[j]], add=True)
                return carry

            lax.fori_loop(0, NBLK, body, 0)
            plsc.subcore_barrier()

            @pl.when(s < 15)
            def _():
                pltpu.sync_copy(acc.at[pl.ds(s * ROWS_A, ROWS_A)],
                                out.at[pl.ds(s * ROWS_A, ROWS_A)])

            @pl.when(s == 15)
            def _():
                pltpu.sync_copy(acc.at[pl.ds(15 * ROWS_A, ROWS_B)],
                                out.at[pl.ds(15 * ROWS_A, ROWS_B)])

    return k


def _leaky(x):
    return jnp.where(x > 0, x, 0.01 * x)


def _tc_matmul_first(x, w, deg):
    k_in, d_out = w.shape
    wc = d_out // NC

    def body(x_ref, w_ref, deg_ref, out_ref):
        y = jnp.dot(x_ref[...], w_ref[...],
                    preferred_element_type=jnp.float32)
        y = (y * lax.rsqrt(deg_ref[:, 0:1])).astype(jnp.bfloat16)
        for cc in range(NC):
            out_ref[cc] = y[:, cc * wc:(cc + 1) * wc]

    return pl.pallas_call(
        body,
        grid=(N // BM,),
        in_specs=[
            pl.BlockSpec((BM, k_in), lambda m: (m, 0)),
            pl.BlockSpec((k_in, d_out), lambda m: (0, 0)),
            pl.BlockSpec((BM, 16), lambda m: (m, 0)),
        ],
        out_specs=pl.BlockSpec((NC, BM, wc), lambda m: (0, m, 0)),
        out_shape=jax.ShapeDtypeStruct((NC, NP, wc), jnp.bfloat16),
    )(x, w, deg)


def _tc_matmul(agg, w, b_prev, deg, out_dtype, out_wc):
    k_in, d_out = w.shape
    wc = k_in // NC
    cn = d_out // out_wc

    def body(agg_ref, w_ref, b_ref, deg_ref, out_ref):
        dinv = lax.rsqrt(deg_ref[:, 0:1])
        acc = jnp.zeros((BM, d_out), jnp.float32)
        for cc in range(NC):
            h = _leaky(dinv * agg_ref[cc].astype(jnp.float32)
                       + b_ref[0, cc * wc:(cc + 1) * wc])
            acc += jnp.dot(h, w_ref[cc * wc:(cc + 1) * wc, :],
                           preferred_element_type=jnp.float32)
        acc = (acc * dinv).astype(out_dtype)
        for cc in range(cn):
            out_ref[cc] = acc[:, cc * out_wc:(cc + 1) * out_wc]

    return pl.pallas_call(
        body,
        grid=(N // BM,),
        in_specs=[
            pl.BlockSpec((NC, BM, wc), lambda m: (0, m, 0)),
            pl.BlockSpec((k_in, d_out), lambda m: (0, 0)),
            pl.BlockSpec((1, k_in), lambda m: (0, 0)),
            pl.BlockSpec((BM, 16), lambda m: (m, 0)),
        ],
        out_specs=pl.BlockSpec((cn, BM, out_wc), lambda m: (0, m, 0)),
        out_shape=jax.ShapeDtypeStruct((cn, NP, out_wc), out_dtype),
    )(agg, w, b_prev.reshape(1, k_in), deg)


def _tc_epilogue(agg, b, deg, d_out):
    wc = d_out // NC

    def body(agg_ref, b_ref, deg_ref, out_ref):
        dinv = lax.rsqrt(deg_ref[:, 0:1])
        for cc in range(NC):
            out_ref[:, cc * wc:(cc + 1) * wc] = (
                dinv * agg_ref[cc] + b_ref[cc, 0])

    return pl.pallas_call(
        body,
        grid=(N // BM,),
        in_specs=[
            pl.BlockSpec((NC, BM, wc), lambda m: (0, m, 0)),
            pl.BlockSpec((NC, 1, wc), lambda m: (0, 0, 0)),
            pl.BlockSpec((BM, 16), lambda m: (m, 0)),
        ],
        out_specs=pl.BlockSpec((BM, d_out), lambda m: (m, 0)),
        out_shape=jax.ShapeDtypeStruct((N, d_out), jnp.float32),
    )(agg, b.reshape(NC, 1, wc), deg)


_deg_kernel = _sc_deg()
_agg_bf = _sc_agg(256, jnp.bfloat16)
_agg_f32 = _sc_agg(128, jnp.float32)


def kernel(x, edge_index, W_enc, b_enc, W_h0, b_h0, W_h1, b_h1, W_h2, b_h2,
           W_dec, b_dec):
    ei = edge_index.reshape(2 * NS, NBLK, KB)

    deg = _deg_kernel(ei)

    y = _tc_matmul_first(x, W_enc, deg)
    agg = _agg_bf(y, ei)
    y = _tc_matmul(agg, W_h0, b_enc, deg, jnp.bfloat16, 256)
    agg = _agg_bf(y, ei)
    y = _tc_matmul(agg, W_h1, b_h0, deg, jnp.bfloat16, 256)
    agg = _agg_bf(y, ei)
    y = _tc_matmul(agg, W_h2, b_h1, deg, jnp.bfloat16, 256)
    agg = _agg_bf(y, ei)
    y = _tc_matmul(agg, W_dec, b_h2, deg, jnp.float32, 128)
    agg = _agg_f32(y, ei)
    return _tc_epilogue(agg, b_dec, deg, 256)

# --- scband reference (transcript-rebuilt; emitter-appended) ---
"""Pipeline reference for scband-example-gnn-18554258718931 (READ-ONLY COPY).

The authoritative reference and input builder live on the scoring server;
editing this copy changes nothing except your own understanding.
"""

import jax, jax.numpy as jnp
import numpy as np

N, E, D_IN, D_H, D_OUT = 10000, 160000, 256, 512, 256


def gcn_conv(x, edge_index, W, b):
    n = x.shape[0]
    loop = jnp.arange(n, dtype=edge_index.dtype)
    src = jnp.concatenate([edge_index[0], loop])
    dst = jnp.concatenate([edge_index[1], loop])
    xw = x @ W
    ones = jnp.ones(src.shape[0], dtype=x.dtype)
    deg = jax.ops.segment_sum(ones, dst, num_segments=n)
    dinv = jnp.where(deg > 0, deg ** -0.5, 0.0)
    norm = dinv[src] * dinv[dst]
    msg = xw[src] * norm[:, None]
    out = jax.ops.segment_sum(msg, dst, num_segments=n)
    return out + b


def setup_inputs(seed: int = 0):
    key = jax.random.key(seed)
    ks = jax.random.split(key, 16)
    x = jax.random.normal(ks[0], (N, D_IN), dtype=jnp.float32)
    edge_index = jax.random.randint(ks[1], (2, E), 0, N, dtype=jnp.int32)
    inp = {"x": x, "edge_index": edge_index}
    inp["W_enc"] = jax.random.normal(ks[2], (D_IN, D_H), dtype=jnp.float32) / np.sqrt(D_IN)
    inp["b_enc"] = jnp.zeros((D_H,), dtype=jnp.float32)
    for i in range(3):
        inp[f"W_h{i}"] = jax.random.normal(ks[3 + i], (D_H, D_H), dtype=jnp.float32) / np.sqrt(D_H)
        inp[f"b_h{i}"] = jnp.zeros((D_H,), dtype=jnp.float32)
    inp["W_dec"] = jax.random.normal(ks[6], (D_H, D_OUT), dtype=jnp.float32) / np.sqrt(D_H)
    inp["b_dec"] = jnp.zeros((D_OUT,), dtype=jnp.float32)
    return inp


def reference(x, edge_index, W_enc, b_enc, W_h0, b_h0, W_h1, b_h1, W_h2, b_h2, W_dec, b_dec):
    h = jax.nn.leaky_relu(gcn_conv(x, edge_index, W_enc, b_enc), negative_slope=0.01)
    for W, b in ((W_h0, b_h0), (W_h1, b_h1), (W_h2, b_h2)):
        h = jax.nn.leaky_relu(gcn_conv(h, edge_index, W, b), negative_slope=0.01)
    out = gcn_conv(h, edge_index, W_dec, b_dec)
    return out

if __name__ == "__main__":
    import jax
    _d = setup_inputs()
    print(jax.jit(kernel)(*tuple(_d.values())))

</pallas_src>

<mosaic_0001>
#map = affine_map<(d0, d1) -> (0, 0, 0)>
module attributes {stable_mosaic.version = 14 : i64} {
  func.func @k(%arg0: i32, %arg1: i32, %arg2: memref<2x10008x256xbf16, #tpu.memory_space<hbm>>, %arg3: memref<32x125x80xi32, #tpu.memory_space<hbm>>, %arg4: memref<2x10008x256xbf16, #tpu.memory_space<hbm>>, %arg5: memref<125x80xi32, #tpu.memory_space<vmem>>, %arg6: memref<125x80xi32, #tpu.memory_space<vmem>>, %arg7: memref<80x256xbf16, #tpu.memory_space<vmem>>, %arg8: memref<80x256xbf16, #tpu.memory_space<vmem>>, %arg9: memref<80x256xbf16, #tpu.memory_space<vmem>>, %arg10: memref<10008x256xbf16, #tpu.memory_space<vmem_shared>>, %arg11: memref<!tpu.dma_semaphore, #tpu.memory_space<semaphore_mem>>, %arg12: memref<!tpu.dma_semaphore, #tpu.memory_space<semaphore_mem>>, %arg13: memref<!tpu.dma_semaphore, #tpu.memory_space<semaphore_mem>>, %arg14: memref<!tpu.dma_semaphore, #tpu.memory_space<semaphore_mem>>, %arg15: memref<!tpu.dma_semaphore, #tpu.memory_space<semaphore_mem>>, %arg16: memref<!tpu.dma_semaphore, #tpu.memory_space<semaphore_mem>>) attributes {dimension_semantics = [#tpu.dimension_semantics<core_parallel>, #tpu.dimension_semantics<subcore_parallel>], iteration_bounds = array<i64: 2, 16>, scalar_prefetch = 0 : i64, scratch_operands = 12 : i64, tpu.core_type = #tpu.core_type<sc_vector_subcore>, window_params = [{transform_indices = #map}, {transform_indices = #map}, {transform_indices = #map}]} {
    "tpu.region"() ({
      %run_scoped3A = tpu.sem_alloc : memref<!tpu.dma_semaphore, #tpu.memory_space<semaphore_mem>>
      %dma_start3A_50 = arith.constant 0 : i32
      %dma_start3A_51 = arith.constant 0 : i32
      %dma_start3A_52 = tpu.memref_slice %arg3[%arg1, %dma_start3A_50, %dma_start3A_51] : memref<32x125x80xi32, #tpu.memory_space<hbm>> -> memref<1x125x80xi32, #tpu.memory_space<hbm>>
      %dma_start3A_53 = tpu.memref_squeeze %dma_start3A_52 : memref<1x125x80xi32, #tpu.memory_space<hbm>> -> memref<125x80xi32, #tpu.memory_space<hbm>>
      %dma_start3A_54 = arith.constant 0 : i32
      %dma_start3A_55 = arith.constant 0 : i32
      %dma_start3A_56 = tpu.memref_slice %arg3[%arg1, %dma_start3A_54, %dma_start3A_55] : memref<32x125x80xi32, #tpu.memory_space<hbm>> -> memref<1x125x80xi32, #tpu.memory_space<hbm>>
      %dma_start3A_57 = tpu.memref_squeeze %dma_start3A_56 : memref<1x125x80xi32, #tpu.memory_space<hbm>> -> memref<125x80xi32, #tpu.memory_space<hbm>>
      tpu.enqueue_dma source(%dma_start3A_57 : memref<125x80xi32, #tpu.memory_space<hbm>>) target(%arg5 : memref<125x80xi32, #tpu.memory_space<vmem>>) target_semaphore(%run_scoped3A : memref<!tpu.dma_semaphore, #tpu.memory_space<semaphore_mem>>)
      %dma_wait3A_58 = arith.constant 0 : i32
      %dma_wait3A_59 = arith.constant 0 : i32
      %dma_wait3A_60 = tpu.memref_slice %arg3[%arg1, %dma_wait3A_58, %dma_wait3A_59] : memref<32x125x80xi32, #tpu.memory_space<hbm>> -> memref<1x125x80xi32, #tpu.memory_space<hbm>>
      %dma_wait3A_61 = tpu.memref_squeeze %dma_wait3A_60 : memref<1x125x80xi32, #tpu.memory_space<hbm>> -> memref<125x80xi32, #tpu.memory_space<hbm>>
      %dma_wait3A_62 = arith.constant 0 : i32
      %dma_wait3A_63 = arith.constant 0 : i32
      %dma_wait3A_64 = tpu.memref_slice %arg3[%arg1, %dma_wait3A_62, %dma_wait3A_63] : memref<32x125x80xi32, #tpu.memory_space<hbm>> -> memref<1x125x80xi32, #tpu.memory_space<hbm>>
      %dma_wait3A_65 = tpu.memref_squeeze %dma_wait3A_64 : memref<1x125x80xi32, #tpu.memory_space<hbm>> -> memref<125x80xi32, #tpu.memory_space<hbm>>
      tpu.wait_dma2 semaphore(%run_scoped3A : memref<!tpu.dma_semaphore, #tpu.memory_space<semaphore_mem>>) src(%dma_wait3A_65 : memref<125x80xi32, #tpu.memory_space<hbm>>) dst(%arg5 : memref<125x80xi32, #tpu.memory_space<vmem>>)
      tpu.yield
    }) : () -> ()
    %add3A = arith.constant 16 : i32
    %add3A_0 = arith.addi %add3A, %arg1 : i32
    "tpu.region"() ({
      %run_scoped3A = tpu.sem_alloc : memref<!tpu.dma_semaphore, #tpu.memory_space<semaphore_mem>>
      %dma_start3A_50 = arith.constant 0 : i32
      %dma_start3A_51 = arith.constant 0 : i32
      %dma_start3A_52 = tpu.memref_slice %arg3[%add3A_0, %dma_start3A_50, %dma_start3A_51] : memref<32x125x80xi32, #tpu.memory_space<hbm>> -> memref<1x125x80xi32, #tpu.memory_space<hbm>>
      %dma_start3A_53 = tpu.memref_squeeze %dma_start3A_52 : memref<1x125x80xi32, #tpu.memory_space<hbm>> -> memref<125x80xi32, #tpu.memory_space<hbm>>
      %dma_start3A_54 = arith.constant 0 : i32
      %dma_start3A_55 = arith.constant 0 : i32
      %dma_start3A_56 = tpu.memref_slice %arg3[%add3A_0, %dma_start3A_54, %dma_start3A_55] : memref<32x125x80xi32, #tpu.memory_space<hbm>> -> memref<1x125x80xi32, #tpu.memory_space<hbm>>
      %dma_start3A_57 = tpu.memref_squeeze %dma_start3A_56 : memref<1x125x80xi32, #tpu.memory_space<hbm>> -> memref<125x80xi32, #tpu.memory_space<hbm>>
      tpu.enqueue_dma source(%dma_start3A_57 : memref<125x80xi32, #tpu.memory_space<hbm>>) target(%arg6 : memref<125x80xi32, #tpu.memory_space<vmem>>) target_semaphore(%run_scoped3A : memref<!tpu.dma_semaphore, #tpu.memory_space<semaphore_mem>>)
      %dma_wait3A_58 = arith.constant 0 : i32
      %dma_wait3A_59 = arith.constant 0 : i32
      %dma_wait3A_60 = tpu.memref_slice %arg3[%add3A_0, %dma_wait3A_58, %dma_wait3A_59] : memref<32x125x80xi32, #tpu.memory_space<hbm>> -> memref<1x125x80xi32, #tpu.memory_space<hbm>>
      %dma_wait3A_61 = tpu.memref_squeeze %dma_wait3A_60 : memref<1x125x80xi32, #tpu.memory_space<hbm>> -> memref<125x80xi32, #tpu.memory_space<hbm>>
      %dma_wait3A_62 = arith.constant 0 : i32
      %dma_wait3A_63 = arith.constant 0 : i32
      %dma_wait3A_64 = tpu.memref_slice %arg3[%add3A_0, %dma_wait3A_62, %dma_wait3A_63] : memref<32x125x80xi32, #tpu.memory_space<hbm>> -> memref<1x125x80xi32, #tpu.memory_space<hbm>>
      %dma_wait3A_65 = tpu.memref_squeeze %dma_wait3A_64 : memref<1x125x80xi32, #tpu.memory_space<hbm>> -> memref<125x80xi32, #tpu.memory_space<hbm>>
      tpu.wait_dma2 semaphore(%run_scoped3A : memref<!tpu.dma_semaphore, #tpu.memory_space<semaphore_mem>>) src(%dma_wait3A_65 : memref<125x80xi32, #tpu.memory_space<hbm>>) dst(%arg6 : memref<125x80xi32, #tpu.memory_space<vmem>>)
      tpu.yield
    }) : () -> ()
    %dma_start3A = arith.constant 0 : i32
    %dma_start3A_1 = arith.constant 0 : i32
    %dma_start3A_2 = tpu.memref_slice %arg5[%dma_start3A, %dma_start3A_1] : memref<125x80xi32, #tpu.memory_space<vmem>> -> memref<1x80xi32, #tpu.memory_space<vmem>>
    %dma_start3A_3 = tpu.memref_squeeze %dma_start3A_2 : memref<1x80xi32, #tpu.memory_space<vmem>> -> memref<80xi32, #tpu.memory_space<vmem>>
    %dma_start3A_4 = arith.constant 0 : i32
    %dma_start3A_5 = arith.constant 0 : i32
    %dma_start3A_6 = tpu.memref_slice %arg2[%arg0, %dma_start3A_4, %dma_start3A_5] : memref<2x10008x256xbf16, #tpu.memory_space<hbm>> -> memref<1x10008x256xbf16, #tpu.memory_space<hbm>>
    %dma_start3A_7 = tpu.memref_squeeze %dma_start3A_6 : memref<1x10008x256xbf16, #tpu.memory_space<hbm>> -> memref<10008x256xbf16, #tpu.memory_space<hbm>>
    %dma_start3A_8 = arith.constant 0 : i32
    %dma_start3A_9 = arith.constant 0 : i32
    %dma_start3A_10 = tpu.memref_slice %dma_start3A_7[%dma_start3A_8, %dma_start3A_9] : memref<10008x256xbf16, #tpu.memory_space<hbm>> -> memref<10008x256xbf16, #tpu.memory_space<hbm>>
    tpu.enqueue_indirect_dma source(%dma_start3A_10 : memref<10008x256xbf16, #tpu.memory_space<hbm>>) target(%arg7 : memref<80x256xbf16, #tpu.memory_space<vmem>>) offsets(%dma_start3A_3 : memref<80xi32, #tpu.memory_space<vmem>>) semaphore(%arg11 : memref<!tpu.dma_semaphore, #tpu.memory_space<semaphore_mem>>)
    %dma_start3A_11 = arith.constant 1 : i32
    %dma_start3A_12 = arith.constant 0 : i32
    %dma_start3A_13 = tpu.memref_slice %arg5[%dma_start3A_11, %dma_start3A_12] : memref<125x80xi32, #tpu.memory_space<vmem>> -> memref<1x80xi32, #tpu.memory_space<vmem>>
    %dma_start3A_14 = tpu.memref_squeeze %dma_start3A_13 : memref<1x80xi32, #tpu.memory_space<vmem>> -> memref<80xi32, #tpu.memory_space<vmem>>
    %dma_start3A_15 = arith.constant 0 : i32
    %dma_start3A_16 = arith.constant 0 : i32
    %dma_start3A_17 = tpu.memref_slice %arg2[%arg0, %dma_start3A_15, %dma_start3A_16] : memref<2x10008x256xbf16, #tpu.memory_space<hbm>> -> memref<1x10008x256xbf16, #tpu.memory_space<hbm>>
    %dma_start3A_18 = tpu.memref_squeeze %dma_start3A_17 : memref<1x10008x256xbf16, #tpu.memory_space<hbm>> -> memref<10008x256xbf16, #tpu.memory_space<hbm>>
    %dma_start3A_19 = arith.constant 0 : i32
    %dma_start3A_20 = arith.constant 0 : i32
    %dma_start3A_21 = tpu.memref_slice %dma_start3A_18[%dma_start3A_19, %dma_start3A_20] : memref<10008x256xbf16, #tpu.memory_space<hbm>> -> memref<10008x256xbf16, #tpu.memory_space<hbm>>
    tpu.enqueue_indirect_dma source(%dma_start3A_21 : memref<10008x256xbf16, #tpu.memory_space<hbm>>) target(%arg8 : memref<80x256xbf16, #tpu.memory_space<vmem>>) offsets(%dma_start3A_14 : memref<80xi32, #tpu.memory_space<vmem>>) semaphore(%arg12 : memref<!tpu.dma_semaphore, #tpu.memory_space<semaphore_mem>>)
    %lt3A = arith.constant 15 : i32
    %lt3A_22 = arith.cmpi slt, %arg1, %lt3A : i32
    %convert_element_type3A = arith.extui %lt3A_22 : i1 to i32
    %cond3A = arith.constant 0 : i32
    %cond3A_23 = arith.cmpi ne, %convert_element_type3A, %cond3A : i32
    scf.if %cond3A_23 {
      %mul3A = arith.constant 632 : i32
      %mul3A_50 = arith.muli %arg1, %mul3A : i32
      %mul3A_51 = arith.constant 632 : i32
      %mul3A_52 = arith.muli %arg1, %mul3A_51 : i32
      "tpu.region"() ({
        %run_scoped3A = tpu.sem_alloc : memref<!tpu.dma_semaphore, #tpu.memory_space<semaphore_mem>>
        %dma_start3A_53 = arith.constant 0 : i32
        %dma_start3A_54 = tpu.memref_slice %arg10[%mul3A_52, %dma_start3A_53] : memref<10008x256xbf16, #tpu.memory_space<vmem_shared>> -> memref<632x256xbf16, #tpu.memory_space<vmem_shared>>
        %dma_start3A_55 = arith.constant 0 : i32
        %dma_start3A_56 = arith.constant 0 : i32
        %dma_start3A_57 = tpu.memref_slice %arg2[%arg0, %dma_start3A_55, %dma_start3A_56] : memref<2x10008x256xbf16, #tpu.memory_space<hbm>> -> memref<1x10008x256xbf16, #tpu.memory_space<hbm>>
        %dma_start3A_58 = tpu.memref_squeeze %dma_start3A_57 : memref<1x10008x256xbf16, #tpu.memory_space<hbm>> -> memref<10008x256xbf16, #tpu.memory_space<hbm>>
        %dma_start3A_59 = arith.constant 0 : i32
        %dma_start3A_60 = tpu.memref_slice %dma_start3A_58[%mul3A_50, %dma_start3A_59] : memref<10008x256xbf16, #tpu.memory_space<hbm>> -> memref<632x256xbf16, #tpu.memory_space<hbm>>
        tpu.enqueue_dma source(%dma_start3A_60 : memref<632x256xbf16, #tpu.memory_space<hbm>>) target(%dma_start3A_54 : memref<632x256xbf16, #tpu.memory_space<vmem_shared>>) target_semaphore(%run_scoped3A : memref<!tpu.dma_semaphore, #tpu.memory_space<semaphore_mem>>)
        %dma_wait3A_61 = arith.constant 0 : i32
        %dma_wait3A_62 = tpu.memref_slice %arg10[%mul3A_52, %dma_wait3A_61] : memref<10008x256xbf16, #tpu.memory_space<vmem_shared>> -> memref<632x256xbf16, #tpu.memory_space<vmem_shared>>
        %dma_wait3A_63 = arith.constant 0 : i32
        %dma_wait3A_64 = arith.constant 0 : i32
        %dma_wait3A_65 = tpu.memref_slice %arg2[%arg0, %dma_wait3A_63, %dma_wait3A_64] : memref<2x10008x256xbf16, #tpu.memory_space<hbm>> -> memref<1x10008x256xbf16, #tpu.memory_space<hbm>>
        %dma_wait3A_66 = tpu.memref_squeeze %dma_wait3A_65 : memref<1x10008x256xbf16, #tpu.memory_space<hbm>> -> memref<10008x256xbf16, #tpu.memory_space<hbm>>
        %dma_wait3A_67 = arith.constant 0 : i32
        %dma_wait3A_68 = tpu.memref_slice %dma_wait3A_66[%mul3A_50, %dma_wait3A_67] : memref<10008x256xbf16, #tpu.memory_space<hbm>> -> memref<632x256xbf16, #tpu.memory_space<hbm>>
        tpu.wait_dma2 semaphore(%run_scoped3A : memref<!tpu.dma_semaphore, #tpu.memory_space<semaphore_mem>>) src(%dma_wait3A_68 : memref<632x256xbf16, #tpu.memory_space<hbm>>) dst(%dma_wait3A_62 : memref<632x256xbf16, #tpu.memory_space<vmem_shared>>)
        tpu.yield
      }) : () -> ()
    } else {
    }
    %eq3A = arith.constant 15 : i32
    %eq3A_24 = arith.cmpi eq, %arg1, %eq3A : i32
    %convert_element_type3A_25 = arith.extui %eq3A_24 : i1 to i32
    %cond3A_26 = arith.constant 0 : i32
    %cond3A_27 = arith.cmpi ne, %convert_element_type3A_25, %cond3A_26 : i32
    scf.if %cond3A_27 {
      "tpu.region"() ({
        %run_scoped3A = tpu.sem_alloc : memref<!tpu.dma_semaphore, #tpu.memory_space<semaphore_mem>>
        %dma_start3A_50 = arith.constant 9480 : i32
        %dma_start3A_51 = arith.constant 0 : i32
        %dma_start3A_52 = tpu.memref_slice %arg10[%dma_start3A_50, %dma_start3A_51] : memref<10008x256xbf16, #tpu.memory_space<vmem_shared>> -> memref<528x256xbf16, #tpu.memory_space<vmem_shared>>
        %dma_start3A_53 = arith.constant 0 : i32
        %dma_start3A_54 = arith.constant 0 : i32
        %dma_start3A_55 = tpu.memref_slice %arg2[%arg0, %dma_start3A_53, %dma_start3A_54] : memref<2x10008x256xbf16, #tpu.memory_space<hbm>> -> memref<1x10008x256xbf16, #tpu.memory_space<hbm>>
        %dma_start3A_56 = tpu.memref_squeeze %dma_start3A_55 : memref<1x10008x256xbf16, #tpu.memory_space<hbm>> -> memref<10008x256xbf16, #tpu.memory_space<hbm>>
        %dma_start3A_57 = arith.constant 9480 : i32
        %dma_start3A_58 = arith.constant 0 : i32
        %dma_start3A_59 = tpu.memref_slice %dma_start3A_56[%dma_start3A_57, %dma_start3A_58] : memref<10008x256xbf16, #tpu.memory_space<hbm>> -> memref<528x256xbf16, #tpu.memory_space<hbm>>
        tpu.enqueue_dma source(%dma_start3A_59 : memref<528x256xbf16, #tpu.memory_space<hbm>>) target(%dma_start3A_52 : memref<528x256xbf16, #tpu.memory_space<vmem_shared>>) target_semaphore(%run_scoped3A : memref<!tpu.dma_semaphore, #tpu.memory_space<semaphore_mem>>)
        %dma_wait3A_60 = arith.constant 9480 : i32
        %dma_wait3A_61 = arith.constant 0 : i32
        %dma_wait3A_62 = tpu.memref_slice %arg10[%dma_wait3A_60, %dma_wait3A_61] : memref<10008x256xbf16, #tpu.memory_space<vmem_shared>> -> memref<528x256xbf16, #tpu.memory_space<vmem_shared>>
        %dma_wait3A_63 = arith.constant 0 : i32
        %dma_wait3A_64 = arith.constant 0 : i32
        %dma_wait3A_65 = tpu.memref_slice %arg2[%arg0, %dma_wait3A_63, %dma_wait3A_64] : memref<2x10008x256xbf16, #tpu.memory_space<hbm>> -> memref<1x10008x256xbf16, #tpu.memory_space<hbm>>
        %dma_wait3A_66 = tpu.memref_squeeze %dma_wait3A_65 : memref<1x10008x256xbf16, #tpu.memory_space<hbm>> -> memref<10008x256xbf16, #tpu.memory_space<hbm>>
        %dma_wait3A_67 = arith.constant 9480 : i32
        %dma_wait3A_68 = arith.constant 0 : i32
        %dma_wait3A_69 = tpu.memref_slice %dma_wait3A_66[%dma_wait3A_67, %dma_wait3A_68] : memref<10008x256xbf16, #tpu.memory_space<hbm>> -> memref<528x256xbf16, #tpu.memory_space<hbm>>
        tpu.wait_dma2 semaphore(%run_scoped3A : memref<!tpu.dma_semaphore, #tpu.memory_space<semaphore_mem>>) src(%dma_wait3A_69 : memref<528x256xbf16, #tpu.memory_space<hbm>>) dst(%dma_wait3A_62 : memref<528x256xbf16, #tpu.memory_space<vmem_shared>>)
        tpu.yield
      }) : () -> ()
    } else {
    }
    %barrier3A = arith.constant 0 : index
    tpu.barrier barrier_id(%barrier3A)
    %scan3A = arith.constant 0 : i32
    %scan3A_28 = arith.constant 0 : i32
    %scan3A_29 = arith.constant 42 : i32
    %scan3A_30 = arith.addi %scan3A_28, %scan3A_29 : i32
    %scan3A_31 = arith.constant 1 : i32
    scf.for %scan3A_50 = %scan3A_28 to %scan3A_30 step %scan3A_31  : i32 {
      %mul3A = arith.constant 3 : i32
      %mul3A_51 = arith.muli %mul3A, %scan3A_50 : i32
      %add3A_52 = arith.constant 2 : i32
      %add3A_53 = arith.addi %mul3A_51, %add3A_52 : i32
      %dma_wait3A_54 = arith.constant 0 : i32
      %dma_wait3A_55 = arith.constant 0 : i32
      %dma_wait3A_56 = tpu.memref_slice %arg5[%dma_wait3A_54, %dma_wait3A_55] : memref<125x80xi32, #tpu.memory_space<vmem>> -> memref<1x80xi32, #tpu.memory_space<vmem>>
      %dma_wait3A_57 = tpu.memref_squeeze %dma_wait3A_56 : memref<1x80xi32, #tpu.memory_space<vmem>> -> memref<80xi32, #tpu.memory_space<vmem>>
      %dma_wait3A_58 = arith.constant 0 : i32
      %dma_wait3A_59 = arith.constant 0 : i32
      %dma_wait3A_60 = tpu.memref_slice %arg2[%arg0, %dma_wait3A_58, %dma_wait3A_59] : memref<2x10008x256xbf16, #tpu.memory_space<hbm>> -> memref<1x10008x256xbf16, #tpu.memory_space<hbm>>
      %dma_wait3A_61 = tpu.memref_squeeze %dma_wait3A_60 : memref<1x10008x256xbf16, #tpu.memory_space<hbm>> -> memref<10008x256xbf16, #tpu.memory_space<hbm>>
      %dma_wait3A_62 = arith.constant 0 : i32
      %dma_wait3A_63 = arith.constant 0 : i32
      %dma_wait3A_64 = tpu.memref_slice %dma_wait3A_61[%dma_wait3A_62, %dma_wait3A_63] : memref<10008x256xbf16, #tpu.memory_space<hbm>> -> memref<10008x256xbf16, #tpu.memory_space<hbm>>
      tpu.wait_indirect_dma semaphore(%arg11 : memref<!tpu.dma_semaphore, #tpu.memory_space<semaphore_mem>>) src(%dma_wait3A_64 : memref<10008x256xbf16, #tpu.memory_space<hbm>>) dst(%arg7 : memref<80x256xbf16, #tpu.memory_space<vmem>>)
      %dma_start3A_65 = arith.constant 0 : i32
      %dma_start3A_66 = tpu.memref_slice %arg6[%mul3A_51, %dma_start3A_65] : memref<125x80xi32, #tpu.memory_space<vmem>> -> memref<1x80xi32, #tpu.memory_space<vmem>>
      %dma_start3A_67 = tpu.memref_squeeze %dma_start3A_66 : memref<1x80xi32, #tpu.memory_space<vmem>> -> memref<80xi32, #tpu.memory_space<vmem>>
      %dma_start3A_68 = arith.constant 0 : i32
      %dma_start3A_69 = arith.constant 0 : i32
      %dma_start3A_70 = tpu.memref_slice %arg10[%dma_start3A_68, %dma_start3A_69] : memref<10008x256xbf16, #tpu.memory_space<vmem_shared>> -> memref<10008x256xbf16, #tpu.memory_space<vmem_shared>>
      tpu.enqueue_indirect_dma source(%arg7 : memref<80x256xbf16, #tpu.memory_space<vmem>>) target(%dma_start3A_70 : memref<10008x256xbf16, #tpu.memory_space<vmem_shared>>) offsets(%dma_start3A_67 : memref<80xi32, #tpu.memory_space<vmem>>) semaphore(%arg14 : memref<!tpu.dma_semaphore, #tpu.memory_space<semaphore_mem>>) {add = true}
      %add3A_71 = arith.constant 0 : i32
      %add3A_72 = arith.addi %mul3A_51, %add3A_71 : i32
      %ge3A = arith.constant 1 : i32
      %ge3A_73 = arith.cmpi sge, %add3A_72, %ge3A : i32
      %convert_element_type3A_74 = arith.extui %ge3A_73 : i1 to i32
      %cond3A_75 = arith.constant 0 : i32
      %cond3A_76 = arith.cmpi ne, %convert_element_type3A_74, %cond3A_75 : i32
      scf.if %cond3A_76 {
        %dma_wait3A_96 = arith.constant 0 : i32
        %dma_wait3A_97 = arith.constant 0 : i32
        %dma_wait3A_98 = tpu.memref_slice %arg6[%dma_wait3A_96, %dma_wait3A_97] : memref<125x80xi32, #tpu.memory_space<vmem>> -> memref<1x80xi32, #tpu.memory_space<vmem>>
        %dma_wait3A_99 = tpu.memref_squeeze %dma_wait3A_98 : memref<1x80xi32, #tpu.memory_space<vmem>> -> memref<80xi32, #tpu.memory_space<vmem>>
        %dma_wait3A_100 = arith.constant 0 : i32
        %dma_wait3A_101 = arith.constant 0 : i32
        %dma_wait3A_102 = tpu.memref_slice %arg10[%dma_wait3A_100, %dma_wait3A_101] : memref<10008x256xbf16, #tpu.memory_space<vmem_shared>> -> memref<10008x256xbf16, #tpu.memory_space<vmem_shared>>
        tpu.wait_indirect_dma semaphore(%arg16 : memref<!tpu.dma_semaphore, #tpu.memory_space<semaphore_mem>>) src(%arg9 : memref<80x256xbf16, #tpu.memory_space<vmem>>) dst(%dma_wait3A_102 : memref<10008x256xbf16, #tpu.memory_space<vmem_shared>>)
      } else {
      }
      %lt3A_77 = arith.constant 125 : i32
      %lt3A_78 = arith.cmpi slt, %add3A_53, %lt3A_77 : i32
      %convert_element_type3A_79 = arith.extui %lt3A_78 : i1 to i32
      %cond3A_80 = arith.constant 0 : i32
      %cond3A_81 = arith.cmpi ne, %convert_element_type3A_79, %cond3A_80 : i32
      scf.if %cond3A_81 {
        %dma_start3A_96 = arith.constant 0 : i32
        %dma_start3A_97 = tpu.memref_slice %arg5[%add3A_53, %dma_start3A_96] : memref<125x80xi32, #tpu.memory_space<vmem>> -> memref<1x80xi32, #tpu.memory_space<vmem>>
        %dma_start3A_98 = tpu.memref_squeeze %dma_start3A_97 : memref<1x80xi32, #tpu.memory_space<vmem>> -> memref<80xi32, #tpu.memory_space<vmem>>
        %dma_start3A_99 = arith.constant 0 : i32
        %dma_start3A_100 = arith.constant 0 : i32
        %dma_start3A_101 = tpu.memref_slice %arg2[%arg0, %dma_start3A_99, %dma_start3A_100] : memref<2x10008x256xbf16, #tpu.memory_space<hbm>> -> memref<1x10008x256xbf16, #tpu.memory_space<hbm>>
        %dma_start3A_102 = tpu.memref_squeeze %dma_start3A_101 : memref<1x10008x256xbf16, #tpu.memory_space<hbm>> -> memref<10008x256xbf16, #tpu.memory_space<hbm>>
        %dma_start3A_103 = arith.constant 0 : i32
        %dma_start3A_104 = arith.constant 0 : i32
        %dma_start3A_105 = tpu.memref_slice %dma_start3A_102[%dma_start3A_103, %dma_start3A_104] : memref<10008x256xbf16, #tpu.memory_space<hbm>> -> memref<10008x256xbf16, #tpu.memory_space<hbm>>
        tpu.enqueue_indirect_dma source(%dma_start3A_105 : memref<10008x256xbf16, #tpu.memory_space<hbm>>) target(%arg9 : memref<80x256xbf16, #tpu.memory_space<vmem>>) offsets(%dma_start3A_98 : memref<80xi32, #tpu.memory_space<vmem>>) semaphore(%arg13 : memref<!tpu.dma_semaphore, #tpu.memory_space<semaphore_mem>>)
      } else {
      }
      %add3A_82 = arith.constant 1 : i32
      %add3A_83 = arith.addi %mul3A_51, %add3A_82 : i32
      %lt3A_84 = arith.constant 125 : i32
      %lt3A_85 = arith.cmpi slt, %add3A_83, %lt3A_84 : i32
      %convert_element_type3A_86 = arith.extui %lt3A_85 : i1 to i32
      %cond3A_87 = arith.constant 0 : i32
      %cond3A_88 = arith.cmpi ne, %convert_element_type3A_86, %cond3A_87 : i32
      scf.if %cond3A_88 {
        %add3A_96 = arith.constant 1 : i32
        %add3A_97 = arith.addi %mul3A_51, %add3A_96 : i32
        %add3A_98 = arith.constant 3 : i32
        %add3A_99 = arith.addi %mul3A_51, %add3A_98 : i32
        %dma_wait3A_100 = arith.constant 0 : i32
        %dma_wait3A_101 = arith.constant 0 : i32
        %dma_wait3A_102 = tpu.memref_slice %arg5[%dma_wait3A_100, %dma_wait3A_101] : memref<125x80xi32, #tpu.memory_space<vmem>> -> memref<1x80xi32, #tpu.memory_space<vmem>>
        %dma_wait3A_103 = tpu.memref_squeeze %dma_wait3A_102 : memref<1x80xi32, #tpu.memory_space<vmem>> -> memref<80xi32, #tpu.memory_space<vmem>>
        %dma_wait3A_104 = arith.constant 0 : i32
        %dma_wait3A_105 = arith.constant 0 : i32
        %dma_wait3A_106 = tpu.memref_slice %arg2[%arg0, %dma_wait3A_104, %dma_wait3A_105] : memref<2x10008x256xbf16, #tpu.memory_space<hbm>> -> memref<1x10008x256xbf16, #tpu.memory_space<hbm>>
        %dma_wait3A_107 = tpu.memref_squeeze %dma_wait3A_106 : memref<1x10008x256xbf16, #tpu.memory_space<hbm>> -> memref<10008x256xbf16, #tpu.memory_space<hbm>>
        %dma_wait3A_108 = arith.constant 0 : i32
        %dma_wait3A_109 = arith.constant 0 : i32
        %dma_wait3A_110 = tpu.memref_slice %dma_wait3A_107[%dma_wait3A_108, %dma_wait3A_109] : memref<10008x256xbf16, #tpu.memory_space<hbm>> -> memref<10008x256xbf16, #tpu.memory_space<hbm>>
        tpu.wait_indirect_dma semaphore(%arg12 : memref<!tpu.dma_semaphore, #tpu.memory_space<semaphore_mem>>) src(%dma_wait3A_110 : memref<10008x256xbf16, #tpu.memory_space<hbm>>) dst(%arg8 : memref<80x256xbf16, #tpu.memory_space<vmem>>)
        %dma_start3A_111 = arith.constant 0 : i32
        %dma_start3A_112 = tpu.memref_slice %arg6[%add3A_97, %dma_start3A_111] : memref<125x80xi32, #tpu.memory_space<vmem>> -> memref<1x80xi32, #tpu.memory_space<vmem>>
        %dma_start3A_113 = tpu.memref_squeeze %dma_start3A_112 : memref<1x80xi32, #tpu.memory_space<vmem>> -> memref<80xi32, #tpu.memory_space<vmem>>
        %dma_start3A_114 = arith.constant 0 : i32
        %dma_start3A_115 = arith.constant 0 : i32
        %dma_start3A_116 = tpu.memref_slice %arg10[%dma_start3A_114, %dma_start3A_115] : memref<10008x256xbf16, #tpu.memory_space<vmem_shared>> -> memref<10008x256xbf16, #tpu.memory_space<vmem_shared>>
        tpu.enqueue_indirect_dma source(%arg8 : memref<80x256xbf16, #tpu.memory_space<vmem>>) target(%dma_start3A_116 : memref<10008x256xbf16, #tpu.memory_space<vmem_shared>>) offsets(%dma_start3A_113 : memref<80xi32, #tpu.memory_space<vmem>>) semaphore(%arg15 : memref<!tpu.dma_semaphore, #tpu.memory_space<semaphore_mem>>) {add = true}
        %add3A_117 = arith.constant 1 : i32
        %add3A_118 = arith.addi %mul3A_51, %add3A_117 : i32
        %ge3A_119 = arith.constant 1 : i32
        %ge3A_120 = arith.cmpi sge, %add3A_118, %ge3A_119 : i32
        %convert_element_type3A_121 = arith.extui %ge3A_120 : i1 to i32
        %cond3A_122 = arith.constant 0 : i32
        %cond3A_123 = arith.cmpi ne, %convert_element_type3A_121, %cond3A_122 : i32
        scf.if %cond3A_123 {
          %dma_wait3A_129 = arith.constant 0 : i32
          %dma_wait3A_130 = arith.constant 0 : i32
          %dma_wait3A_131 = tpu.memref_slice %arg6[%dma_wait3A_129, %dma_wait3A_130] : memref<125x80xi32, #tpu.memory_space<vmem>> -> memref<1x80xi32, #tpu.memory_space<vmem>>
          %dma_wait3A_132 = tpu.memref_squeeze %dma_wait3A_131 : memref<1x80xi32, #tpu.memory_space<vmem>> -> memref<80xi32, #tpu.memory_space<vmem>>
          %dma_wait3A_133 = arith.constant 0 : i32
          %dma_wait3A_134 = arith.constant 0 : i32
          %dma_wait3A_135 = tpu.memref_slice %arg10[%dma_wait3A_133, %dma_wait3A_134] : memref<10008x256xbf16, #tpu.memory_space<vmem_shared>> -> memref<10008x256xbf16, #tpu.memory_space<vmem_shared>>
          tpu.wait_indirect_dma semaphore(%arg14 : memref<!tpu.dma_semaphore, #tpu.memory_space<semaphore_mem>>) src(%arg7 : memref<80x256xbf16, #tpu.memory_space<vmem>>) dst(%dma_wait3A_135 : memref<10008x256xbf16, #tpu.memory_space<vmem_shared>>)
        } else {
        }
        %lt3A_124 = arith.constant 125 : i32
        %lt3A_125 = arith.cmpi slt, %add3A_99, %lt3A_124 : i32
        %convert_element_type3A_126 = arith.extui %lt3A_125 : i1 to i32
        %cond3A_127 = arith.constant 0 : i32
        %cond3A_128 = arith.cmpi ne, %convert_element_type3A_126, %cond3A_127 : i32
        scf.if %cond3A_128 {
          %dma_start3A_129 = arith.constant 0 : i32
          %dma_start3A_130 = tpu.memref_slice %arg5[%add3A_99, %dma_start3A_129] : memref<125x80xi32, #tpu.memory_space<vmem>> -> memref<1x80xi32, #tpu.memory_space<vmem>>
          %dma_start3A_131 = tpu.memref_squeeze %dma_start3A_130 : memref<1x80xi32, #tpu.memory_space<vmem>> -> memref<80xi32, #tpu.memory_space<vmem>>
          %dma_start3A_132 = arith.constant 0 : i32
          %dma_start3A_133 = arith.constant 0 : i32
          %dma_start3A_134 = tpu.memref_slice %arg2[%arg0, %dma_start3A_132, %dma_start3A_133] : memref<2x10008x256xbf16, #tpu.memory_space<hbm>> -> memref<1x10008x256xbf16, #tpu.memory_space<hbm>>
          %dma_start3A_135 = tpu.memref_squeeze %dma_start3A_134 : memref<1x10008x256xbf16, #tpu.memory_space<hbm>> -> memref<10008x256xbf16, #tpu.memory_space<hbm>>
          %dma_start3A_136 = arith.constant 0 : i32
          %dma_start3A_137 = arith.constant 0 : i32
          %dma_start3A_138 = tpu.memref_slice %dma_start3A_135[%dma_start3A_136, %dma_start3A_137] : memref<10008x256xbf16, #tpu.memory_space<hbm>> -> memref<10008x256xbf16, #tpu.memory_space<hbm>>
          tpu.enqueue_indirect_dma source(%dma_start3A_138 : memref<10008x256xbf16, #tpu.memory_space<hbm>>) target(%arg7 : memref<80x256xbf16, #tpu.memory_space<vmem>>) offsets(%dma_start3A_131 : memref<80xi32, #tpu.memory_space<vmem>>) semaphore(%arg11 : memref<!tpu.dma_semaphore, #tpu.memory_space<semaphore_mem>>)
        } else {
        }
      } else {
      }
      %add3A_89 = arith.constant 2 : i32
      %add3A_90 = arith.addi %mul3A_51, %add3A_89 : i32
      %lt3A_91 = arith.constant 125 : i32
      %lt3A_92 = arith.cmpi slt, %add3A_90, %lt3A_91 : i32
      %convert_element_type3A_93 = arith.extui %lt3A_92 : i1 to i32
      %cond3A_94 = arith.constant 0 : i32
      %cond3A_95 = arith.cmpi ne, %convert_element_type3A_93, %cond3A_94 : i32
      scf.if %cond3A_95 {
        %add3A_96 = arith.constant 2 : i32
        %add3A_97 = arith.addi %mul3A_51, %add3A_96 : i32
        %add3A_98 = arith.constant 4 : i32
        %add3A_99 = arith.addi %mul3A_51, %add3A_98 : i32
        %dma_wait3A_100 = arith.constant 0 : i32
        %dma_wait3A_101 = arith.constant 0 : i32
        %dma_wait3A_102 = tpu.memref_slice %arg5[%dma_wait3A_100, %dma_wait3A_101] : memref<125x80xi32, #tpu.memory_space<vmem>> -> memref<1x80xi32, #tpu.memory_space<vmem>>
        %dma_wait3A_103 = tpu.memref_squeeze %dma_wait3A_102 : memref<1x80xi32, #tpu.memory_space<vmem>> -> memref<80xi32, #tpu.memory_space<vmem>>
        %dma_wait3A_104 = arith.constant 0 : i32
        %dma_wait3A_105 = arith.constant 0 : i32
        %dma_wait3A_106 = tpu.memref_slice %arg2[%arg0, %dma_wait3A_104, %dma_wait3A_105] : memref<2x10008x256xbf16, #tpu.memory_space<hbm>> -> memref<1x10008x256xbf16, #tpu.memory_space<hbm>>
        %dma_wait3A_107 = tpu.memref_squeeze %dma_wait3A_106 : memref<1x10008x256xbf16, #tpu.memory_space<hbm>> -> memref<10008x256xbf16, #tpu.memory_space<hbm>>
        %dma_wait3A_108 = arith.constant 0 : i32
        %dma_wait3A_109 = arith.constant 0 : i32
        %dma_wait3A_110 = tpu.memref_slice %dma_wait3A_107[%dma_wait3A_108, %dma_wait3A_109] : memref<10008x256xbf16, #tpu.memory_space<hbm>> -> memref<10008x256xbf16, #tpu.memory_space<hbm>>
        tpu.wait_indirect_dma semaphore(%arg13 : memref<!tpu.dma_semaphore, #tpu.memory_space<semaphore_mem>>) src(%dma_wait3A_110 : memref<10008x256xbf16, #tpu.memory_space<hbm>>) dst(%arg9 : memref<80x256xbf16, #tpu.memory_space<vmem>>)
        %dma_start3A_111 = arith.constant 0 : i32
        %dma_start3A_112 = tpu.memref_slice %arg6[%add3A_97, %dma_start3A_111] : memref<125x80xi32, #tpu.memory_space<vmem>> -> memref<1x80xi32, #tpu.memory_space<vmem>>
        %dma_start3A_113 = tpu.memref_squeeze %dma_start3A_112 : memref<1x80xi32, #tpu.memory_space<vmem>> -> memref<80xi32, #tpu.memory_space<vmem>>
        %dma_start3A_114 = arith.constant 0 : i32
        %dma_start3A_115 = arith.constant 0 : i32
        %dma_start3A_116 = tpu.memref_slice %arg10[%dma_start3A_114, %dma_start3A_115] : memref<10008x256xbf16, #tpu.memory_space<vmem_shared>> -> memref<10008x256xbf16, #tpu.memory_space<vmem_shared>>
        tpu.enqueue_indirect_dma source(%arg9 : memref<80x256xbf16, #tpu.memory_space<vmem>>) target(%dma_start3A_116 : memref<10008x256xbf16, #tpu.memory_space<vmem_shared>>) offsets(%dma_start3A_113 : memref<80xi32, #tpu.memory_space<vmem>>) semaphore(%arg16 : memref<!tpu.dma_semaphore, #tpu.memory_space<semaphore_mem>>) {add = true}
        %add3A_117 = arith.constant 2 : i32
        %add3A_118 = arith.addi %mul3A_51, %add3A_117 : i32
        %ge3A_119 = arith.constant 1 : i32
        %ge3A_120 = arith.cmpi sge, %add3A_118, %ge3A_119 : i32
        %convert_element_type3A_121 = arith.extui %ge3A_120 : i1 to i32
        %cond3A_122 = arith.constant 0 : i32
        %cond3A_123 = arith.cmpi ne, %convert_element_type3A_121, %cond3A_122 : i32
        scf.if %cond3A_123 {
          %dma_wait3A_129 = arith.constant 0 : i32
          %dma_wait3A_130 = arith.constant 0 : i32
          %dma_wait3A_131 = tpu.memref_slice %arg6[%dma_wait3A_129, %dma_wait3A_130] : memref<125x80xi32, #tpu.memory_space<vmem>> -> memref<1x80xi32, #tpu.memory_space<vmem>>
          %dma_wait3A_132 = tpu.memref_squeeze %dma_wait3A_131 : memref<1x80xi32, #tpu.memory_space<vmem>> -> memref<80xi32, #tpu.memory_space<vmem>>
          %dma_wait3A_133 = arith.constant 0 : i32
          %dma_wait3A_134 = arith.constant 0 : i32
          %dma_wait3A_135 = tpu.memref_slice %arg10[%dma_wait3A_133, %dma_wait3A_134] : memref<10008x256xbf16, #tpu.memory_space<vmem_shared>> -> memref<10008x256xbf16, #tpu.memory_space<vmem_shared>>
          tpu.wait_indirect_dma semaphore(%arg15 : memref<!tpu.dma_semaphore, #tpu.memory_space<semaphore_mem>>) src(%arg8 : memref<80x256xbf16, #tpu.memory_space<vmem>>) dst(%dma_wait3A_135 : memref<10008x256xbf16, #tpu.memory_space<vmem_shared>>)
        } else {
        }
        %lt3A_124 = arith.constant 125 : i32
        %lt3A_125 = arith.cmpi slt, %add3A_99, %lt3A_124 : i32
        %convert_element_type3A_126 = arith.extui %lt3A_125 : i1 to i32
        %cond3A_127 = arith.constant 0 : i32
        %cond3A_128 = arith.cmpi ne, %convert_element_type3A_126, %cond3A_127 : i32
        scf.if %cond3A_128 {
          %dma_start3A_129 = arith.constant 0 : i32
          %dma_start3A_130 = tpu.memref_slice %arg5[%add3A_99, %dma_start3A_129] : memref<125x80xi32, #tpu.memory_space<vmem>> -> memref<1x80xi32, #tpu.memory_space<vmem>>
          %dma_start3A_131 = tpu.memref_squeeze %dma_start3A_130 : memref<1x80xi32, #tpu.memory_space<vmem>> -> memref<80xi32, #tpu.memory_space<vmem>>
          %dma_start3A_132 = arith.constant 0 : i32
          %dma_start3A_133 = arith.constant 0 : i32
          %dma_start3A_134 = tpu.memref_slice %arg2[%arg0, %dma_start3A_132, %dma_start3A_133] : memref<2x10008x256xbf16, #tpu.memory_space<hbm>> -> memref<1x10008x256xbf16, #tpu.memory_space<hbm>>
          %dma_start3A_135 = tpu.memref_squeeze %dma_start3A_134 : memref<1x10008x256xbf16, #tpu.memory_space<hbm>> -> memref<10008x256xbf16, #tpu.memory_space<hbm>>
          %dma_start3A_136 = arith.constant 0 : i32
          %dma_start3A_137 = arith.constant 0 : i32
          %dma_start3A_138 = tpu.memref_slice %dma_start3A_135[%dma_start3A_136, %dma_start3A_137] : memref<10008x256xbf16, #tpu.memory_space<hbm>> -> memref<10008x256xbf16, #tpu.memory_space<hbm>>
          tpu.enqueue_indirect_dma source(%dma_start3A_138 : memref<10008x256xbf16, #tpu.memory_space<hbm>>) target(%arg8 : memref<80x256xbf16, #tpu.memory_space<vmem>>) offsets(%dma_start3A_131 : memref<80xi32, #tpu.memory_space<vmem>>) semaphore(%arg12 : memref<!tpu.dma_semaphore, #tpu.memory_space<semaphore_mem>>)
        } else {
        }
      } else {
      }
    }
    %scan3A_32 = arith.constant 42 : i32
    %dma_wait3A = arith.constant 0 : i32
    %dma_wait3A_33 = arith.constant 0 : i32
    %dma_wait3A_34 = tpu.memref_slice %arg6[%dma_wait3A, %dma_wait3A_33] : memref<125x80xi32, #tpu.memory_space<vmem>> -> memref<1x80xi32, #tpu.memory_space<vmem>>
    %dma_wait3A_35 = tpu.memref_squeeze %dma_wait3A_34 : memref<1x80xi32, #tpu.memory_space<vmem>> -> memref<80xi32, #tpu.memory_space<vmem>>
    %dma_wait3A_36 = arith.constant 0 : i32
    %dma_wait3A_37 = arith.constant 0 : i32
    %dma_wait3A_38 = tpu.memref_slice %arg10[%dma_wait3A_36, %dma_wait3A_37] : memref<10008x256xbf16, #tpu.memory_space<vmem_shared>> -> memref<10008x256xbf16, #tpu.memory_space<vmem_shared>>
    tpu.wait_indirect_dma semaphore(%arg15 : memref<!tpu.dma_semaphore, #tpu.memory_space<semaphore_mem>>) src(%arg8 : memref<80x256xbf16, #tpu.memory_space<vmem>>) dst(%dma_wait3A_38 : memref<10008x256xbf16, #tpu.memory_space<vmem_shared>>)
    %barrier3A_39 = arith.constant 0 : index
    tpu.barrier barrier_id(%barrier3A_39)
    %lt3A_40 = arith.constant 15 : i32
    %lt3A_41 = arith.cmpi slt, %arg1, %lt3A_40 : i32
    %convert_element_type3A_42 = arith.extui %lt3A_41 : i1 to i32
    %cond3A_43 = arith.constant 0 : i32
    %cond3A_44 = arith.cmpi ne, %convert_element_type3A_42, %cond3A_43 : i32
    scf.if %cond3A_44 {
      %mul3A = arith.constant 632 : i32
      %mul3A_50 = arith.muli %arg1, %mul3A : i32
      %mul3A_51 = arith.constant 632 : i32
      %mul3A_52 = arith.muli %arg1, %mul3A_51 : i32
      "tpu.region"() ({
        %run_scoped3A = tpu.sem_alloc : memref<!tpu.dma_semaphore, #tpu.memory_space<semaphore_mem>>
        %dma_start3A_53 = arith.constant 0 : i32
        %dma_start3A_54 = arith.constant 0 : i32
        %dma_start3A_55 = tpu.memref_slice %arg4[%arg0, %dma_start3A_53, %dma_start3A_54] : memref<2x10008x256xbf16, #tpu.memory_space<hbm>> -> memref<1x10008x256xbf16, #tpu.memory_space<hbm>>
        %dma_start3A_56 = tpu.memref_squeeze %dma_start3A_55 : memref<1x10008x256xbf16, #tpu.memory_space<hbm>> -> memref<10008x256xbf16, #tpu.memory_space<hbm>>
        %dma_start3A_57 = arith.constant 0 : i32
        %dma_start3A_58 = tpu.memref_slice %dma_start3A_56[%mul3A_52, %dma_start3A_57] : memref<10008x256xbf16, #tpu.memory_space<hbm>> -> memref<632x256xbf16, #tpu.memory_space<hbm>>
        %dma_start3A_59 = arith.constant 0 : i32
        %dma_start3A_60 = tpu.memref_slice %arg10[%mul3A_50, %dma_start3A_59] : memref<10008x256xbf16, #tpu.memory_space<vmem_shared>> -> memref<632x256xbf16, #tpu.memory_space<vmem_shared>>
        tpu.enqueue_dma source(%dma_start3A_60 : memref<632x256xbf16, #tpu.memory_space<vmem_shared>>) target(%dma_start3A_58 : memref<632x256xbf16, #tpu.memory_space<hbm>>) target_semaphore(%run_scoped3A : memref<!tpu.dma_semaphore, #tpu.memory_space<semaphore_mem>>)
        %dma_wait3A_61 = arith.constant 0 : i32
        %dma_wait3A_62 = arith.constant 0 : i32
        %dma_wait3A_63 = tpu.memref_slice %arg4[%arg0, %dma_wait3A_61, %dma_wait3A_62] : memref<2x10008x256xbf16, #tpu.memory_space<hbm>> -> memref<1x10008x256xbf16, #tpu.memory_space<hbm>>
        %dma_wait3A_64 = tpu.memref_squeeze %dma_wait3A_63 : memref<1x10008x256xbf16, #tpu.memory_space<hbm>> -> memref<10008x256xbf16, #tpu.memory_space<hbm>>
        %dma_wait3A_65 = arith.constant 0 : i32
        %dma_wait3A_66 = tpu.memref_slice %dma_wait3A_64[%mul3A_52, %dma_wait3A_65] : memref<10008x256xbf16, #tpu.memory_space<hbm>> -> memref<632x256xbf16, #tpu.memory_space<hbm>>
        %dma_wait3A_67 = arith.constant 0 : i32
        %dma_wait3A_68 = tpu.memref_slice %arg10[%mul3A_50, %dma_wait3A_67] : memref<10008x256xbf16, #tpu.memory_space<vmem_shared>> -> memref<632x256xbf16, #tpu.memory_space<vmem_shared>>
        tpu.wait_dma2 semaphore(%run_scoped3A : memref<!tpu.dma_semaphore, #tpu.memory_space<semaphore_mem>>) src(%dma_wait3A_68 : memref<632x256xbf16, #tpu.memory_space<vmem_shared>>) dst(%dma_wait3A_66 : memref<632x256xbf16, #tpu.memory_space<hbm>>)
        tpu.yield
      }) : () -> ()
    } else {
    }
    %eq3A_45 = arith.constant 15 : i32
    %eq3A_46 = arith.cmpi eq, %arg1, %eq3A_45 : i32
    %convert_element_type3A_47 = arith.extui %eq3A_46 : i1 to i32
    %cond3A_48 = arith.constant 0 : i32
    %cond3A_49 = arith.cmpi ne, %convert_element_type3A_47, %cond3A_48 : i32
    scf.if %cond3A_49 {
      "tpu.region"() ({
        %run_scoped3A = tpu.sem_alloc : memref<!tpu.dma_semaphore, #tpu.memory_space<semaphore_mem>>
        %dma_start3A_50 = arith.constant 0 : i32
        %dma_start3A_51 = arith.constant 0 : i32
        %dma_start3A_52 = tpu.memref_slice %arg4[%arg0, %dma_start3A_50, %dma_start3A_51] : memref<2x10008x256xbf16, #tpu.memory_space<hbm>> -> memref<1x10008x256xbf16, #tpu.memory_space<hbm>>
        %dma_start3A_53 = tpu.memref_squeeze %dma_start3A_52 : memref<1x10008x256xbf16, #tpu.memory_space<hbm>> -> memref<10008x256xbf16, #tpu.memory_space<hbm>>
        %dma_start3A_54 = arith.constant 9480 : i32
        %dma_start3A_55 = arith.constant 0 : i32
        %dma_start3A_56 = tpu.memref_slice %dma_start3A_53[%dma_start3A_54, %dma_start3A_55] : memref<10008x256xbf16, #tpu.memory_space<hbm>> -> memref<528x256xbf16, #tpu.memory_space<hbm>>
        %dma_start3A_57 = arith.constant 9480 : i32
        %dma_start3A_58 = arith.constant 0 : i32
        %dma_start3A_59 = tpu.memref_slice %arg10[%dma_start3A_57, %dma_start3A_58] : memref<10008x256xbf16, #tpu.memory_space<vmem_shared>> -> memref<528x256xbf16, #tpu.memory_space<vmem_shared>>
        tpu.enqueue_dma source(%dma_start3A_59 : memref<528x256xbf16, #tpu.memory_space<vmem_shared>>) target(%dma_start3A_56 : memref<528x256xbf16, #tpu.memory_space<hbm>>) target_semaphore(%run_scoped3A : memref<!tpu.dma_semaphore, #tpu.memory_space<semaphore_mem>>)
        %dma_wait3A_60 = arith.constant 0 : i32
        %dma_wait3A_61 = arith.constant 0 : i32
        %dma_wait3A_62 = tpu.memref_slice %arg4[%arg0, %dma_wait3A_60, %dma_wait3A_61] : memref<2x10008x256xbf16, #tpu.memory_space<hbm>> -> memref<1x10008x256xbf16, #tpu.memory_space<hbm>>
        %dma_wait3A_63 = tpu.memref_squeeze %dma_wait3A_62 : memref<1x10008x256xbf16, #tpu.memory_space<hbm>> -> memref<10008x256xbf16, #tpu.memory_space<hbm>>
        %dma_wait3A_64 = arith.constant 9480 : i32
        %dma_wait3A_65 = arith.constant 0 : i32
        %dma_wait3A_66 = tpu.memref_slice %dma_wait3A_63[%dma_wait3A_64, %dma_wait3A_65] : memref<10008x256xbf16, #tpu.memory_space<hbm>> -> memref<528x256xbf16, #tpu.memory_space<hbm>>
        %dma_wait3A_67 = arith.constant 9480 : i32
        %dma_wait3A_68 = arith.constant 0 : i32
        %dma_wait3A_69 = tpu.memref_slice %arg10[%dma_wait3A_67, %dma_wait3A_68] : memref<10008x256xbf16, #tpu.memory_space<vmem_shared>> -> memref<528x256xbf16, #tpu.memory_space<vmem_shared>>
        tpu.wait_dma2 semaphore(%run_scoped3A : memref<!tpu.dma_semaphore, #tpu.memory_space<semaphore_mem>>) src(%dma_wait3A_69 : memref<528x256xbf16, #tpu.memory_space<vmem_shared>>) dst(%dma_wait3A_66 : memref<528x256xbf16, #tpu.memory_space<hbm>>)
        tpu.yield
      }) : () -> ()
    } else {
    }
    return
  }
}

#map = affine_map<(d0, d1) -> (0, 0, 0)>
module attributes {stable_mosaic.version = 14 : i64} {
  func.func @k(%arg0: i32, %arg1: i32, %arg2: memref<2x10008x256xbf16, #tpu.memory_space<hbm>>, %arg3: memref<32x125x80xi32, #tpu.memory_space<hbm>>, %arg4: memref<2x10008x256xbf16, #tpu.memory_space<hbm>>, %arg5: memref<125x80xi32, #tpu.memory_space<vmem>>, %arg6: memref<125x80xi32, #tpu.memory_space<vmem>>, %arg7: memref<80x256xbf16, #tpu.memory_space<vmem>>, %arg8: memref<80x256xbf16, #tpu.memory_space<vmem>>, %arg9: memref<80x256xbf16, #tpu.memory_space<vmem>>, %arg10: memref<10008x256xbf16, #tpu.memory_space<vmem_shared>>, %arg11: memref<!tpu.dma_semaphore, #tpu.memory_space<semaphore_mem>>, %arg12: memref<!tpu.dma_semaphore, #tpu.memory_space<semaphore_mem>>, %arg13: memref<!tpu.dma_semaphore, #tpu.memory_space<semaphore_mem>>, %arg14: memref<!tpu.dma_semaphore, #tpu.memory_space<semaphore_mem>>, %arg15: memref<!tpu.dma_semaphore, #tpu.memory_space<semaphore_mem>>, %arg16: memref<!tpu.dma_semaphore, #tpu.memory_space<semaphore_mem>>) attributes {dimension_semantics = [#tpu.dimension_semantics<core_parallel>, #tpu.dimension_semantics<subcore_parallel>], iteration_bounds = array<i64: 2, 16>, scalar_prefetch = 0 : i64, scratch_operands = 12 : i64, tpu.core_type = #tpu.core_type<sc_vector_subcore>, window_params = [{transform_indices = #map}, {transform_indices = #map}, {transform_indices = #map}]} {
    "tpu.region"() ({
      %run_scoped3A = tpu.sem_alloc : memref<!tpu.dma_semaphore, #tpu.memory_space<semaphore_mem>>
      %dma_start3A_50 = arith.constant 0 : i32
      %dma_start3A_51 = arith.constant 0 : i32
      %dma_start3A_52 = tpu.memref_slice %arg3[%arg1, %dma_start3A_50, %dma_start3A_51] : memref<32x125x80xi32, #tpu.memory_space<hbm>> -> memref<1x125x80xi32, #tpu.memory_space<hbm>>
      %dma_start3A_53 = tpu.memref_squeeze %dma_start3A_52 : memref<1x125x80xi32, #tpu.memory_space<hbm>> -> memref<125x80xi32, #tpu.memory_space<hbm>>
      %dma_start3A_54 = arith.constant 0 : i32
      %dma_start3A_55 = arith.constant 0 : i32
      %dma_start3A_56 = tpu.memref_slice %arg3[%arg1, %dma_start3A_54, %dma_start3A_55] : memref<32x125x80xi32, #tpu.memory_space<hbm>> -> memref<1x125x80xi32, #tpu.memory_space<hbm>>
      %dma_start3A_57 = tpu.memref_squeeze %dma_start3A_56 : memref<1x125x80xi32, #tpu.memory_space<hbm>> -> memref<125x80xi32, #tpu.memory_space<hbm>>
      tpu.enqueue_dma source(%dma_start3A_57 : memref<125x80xi32, #tpu.memory_space<hbm>>) target(%arg5 : memref<125x80xi32, #tpu.memory_space<vmem>>) target_semaphore(%run_scoped3A : memref<!tpu.dma_semaphore, #tpu.memory_space<semaphore_mem>>)
      %dma_wait3A_58 = arith.constant 0 : i32
      %dma_wait3A_59 = arith.constant 0 : i32
      %dma_wait3A_60 = tpu.memref_slice %arg3[%arg1, %dma_wait3A_58, %dma_wait3A_59] : memref<32x125x80xi32, #tpu.memory_space<hbm>> -> memref<1x125x80xi32, #tpu.memory_space<hbm>>
      %dma_wait3A_61 = tpu.memref_squeeze %dma_wait3A_60 : memref<1x125x80xi32, #tpu.memory_space<hbm>> -> memref<125x80xi32, #tpu.memory_space<hbm>>
      %dma_wait3A_62 = arith.constant 0 : i32
      %dma_wait3A_63 = arith.constant 0 : i32
      %dma_wait3A_64 = tpu.memref_slice %arg3[%arg1, %dma_wait3A_62, %dma_wait3A_63] : memref<32x125x80xi32, #tpu.memory_space<hbm>> -> memref<1x125x80xi32, #tpu.memory_space<hbm>>
      %dma_wait3A_65 = tpu.memref_squeeze %dma_wait3A_64 : memref<1x125x80xi32, #tpu.memory_space<hbm>> -> memref<125x80xi32, #tpu.memory_space<hbm>>
      tpu.wait_dma2 semaphore(%run_scoped3A : memref<!tpu.dma_semaphore, #tpu.memory_space<semaphore_mem>>) src(%dma_wait3A_65 : memref<125x80xi32, #tpu.memory_space<hbm>>) dst(%arg5 : memref<125x80xi32, #tpu.memory_space<vmem>>)
      tpu.yield
    }) : () -> ()
    %add3A = arith.constant 16 : i32
    %add3A_0 = arith.addi %add3A, %arg1 : i32
    "tpu.region"() ({
      %run_scoped3A = tpu.sem_alloc : memref<!tpu.dma_semaphore, #tpu.memory_space<semaphore_mem>>
      %dma_start3A_50 = arith.constant 0 : i32
      %dma_start3A_51 = arith.constant 0 : i32
      %dma_start3A_52 = tpu.memref_slice %arg3[%add3A_0, %dma_start3A_50, %dma_start3A_51] : memref<32x125x80xi32, #tpu.memory_space<hbm>> -> memref<1x125x80xi32, #tpu.memory_space<hbm>>
      %dma_start3A_53 = tpu.memref_squeeze %dma_start3A_52 : memref<1x125x80xi32, #tpu.memory_space<hbm>> -> memref<125x80xi32, #tpu.memory_space<hbm>>
      %dma_start3A_54 = arith.constant 0 : i32
      %dma_start3A_55 = arith.constant 0 : i32
      %dma_start3A_56 = tpu.memref_slice %arg3[%add3A_0, %dma_start3A_54, %dma_start3A_55] : memref<32x125x80xi32, #tpu.memory_space<hbm>> -> memref<1x125x80xi32, #tpu.memory_space<hbm>>
      %dma_start3A_57 = tpu.memref_squeeze %dma_start3A_56 : memref<1x125x80xi32, #tpu.memory_space<hbm>> -> memref<125x80xi32, #tpu.memory_space<hbm>>
      tpu.enqueue_dma source(%dma_start3A_57 : memref<125x80xi32, #tpu.memory_space<hbm>>) target(%arg6 : memref<125x80xi32, #tpu.memory_space<vmem>>) target_semaphore(%run_scoped3A : memref<!tpu.dma_semaphore, #tpu.memory_space<semaphore_mem>>)
      %dma_wait3A_58 = arith.constant 0 : i32
      %dma_wait3A_59 = arith.constant 0 : i32
      %dma_wait3A_60 = tpu.memref_slice %arg3[%add3A_0, %dma_wait3A_58, %dma_wait3A_59] : memref<32x125x80xi32, #tpu.memory_space<hbm>> -> memref<1x125x80xi32, #tpu.memory_space<hbm>>
      %dma_wait3A_61 = tpu.memref_squeeze %dma_wait3A_60 : memref<1x125x80xi32, #tpu.memory_space<hbm>> -> memref<125x80xi32, #tpu.memory_space<hbm>>
      %dma_wait3A_62 = arith.constant 0 : i32
      %dma_wait3A_63 = arith.constant 0 : i32
      %dma_wait3A_64 = tpu.memref_slice %arg3[%add3A_0, %dma_wait3A_62, %dma_wait3A_63] : memref<32x125x80xi32, #tpu.memory_space<hbm>> -> memref<1x125x80xi32, #tpu.memory_space<hbm>>
      %dma_wait3A_65 = tpu.memref_squeeze %dma_wait3A_64 : memref<1x125x80xi32, #tpu.memory_space<hbm>> -> memref<125x80xi32, #tpu.memory_space<hbm>>
      tpu.wait_dma2 semaphore(%run_scoped3A : memref<!tpu.dma_semaphore, #tpu.memory_space<semaphore_mem>>) src(%dma_wait3A_65 : memref<125x80xi32, #tpu.memory_space<hbm>>) dst(%arg6 : memref<125x80xi32, #tpu.memory_space<vmem>>)
      tpu.yield
    }) : () -> ()
    %dma_start3A = arith.constant 0 : i32
    %dma_start3A_1 = arith.constant 0 : i32
    %dma_start3A_2 = tpu.memref_slice %arg5[%dma_start3A, %dma_start3A_1] : memref<125x80xi32, #tpu.memory_space<vmem>> -> memref<1x80xi32, #tpu.memory_space<vmem>>
    %dma_start3A_3 = tpu.memref_squeeze %dma_start3A_2 : memref<1x80xi32, #tpu.memory_space<vmem>> -> memref<80xi32, #tpu.memory_space<vmem>>
    %dma_start3A_4 = arith.constant 0 : i32
    %dma_start3A_5 = arith.constant 0 : i32
    %dma_start3A_6 = tpu.memref_slice %arg2[%arg0, %dma_start3A_4, %dma_start3A_5] : memref<2x10008x256xbf16, #tpu.memory_space<hbm>> -> memref<1x10008x256xbf16, #tpu.memory_space<hbm>>
    %dma_start3A_7 = tpu.memref_squeeze %dma_start3A_6 : memref<1x10008x256xbf16, #tpu.memory_space<hbm>> -> memref<10008x256xbf16, #tpu.memory_space<hbm>>
    %dma_start3A_8 = arith.constant 0 : i32
    %dma_start3A_9 = arith.constant 0 : i32
    %dma_start3A_10 = tpu.memref_slice %dma_start3A_7[%dma_start3A_8, %dma_start3A_9] : memref<10008x256xbf16, #tpu.memory_space<hbm>> -> memref<10008x256xbf16, #tpu.memory_space<hbm>>
    tpu.enqueue_indirect_dma source(%dma_start3A_10 : memref<10008x256xbf16, #tpu.memory_space<hbm>>) target(%arg7 : memref<80x256xbf16, #tpu.memory_space<vmem>>) offsets(%dma_start3A_3 : memref<80xi32, #tpu.memory_space<vmem>>) semaphore(%arg11 : memref<!tpu.dma_semaphore, #tpu.memory_space<semaphore_mem>>)
    %dma_start3A_11 = arith.constant 1 : i32
    %dma_start3A_12 = arith.constant 0 : i32
    %dma_start3A_13 = tpu.memref_slice %arg5[%dma_start3A_11, %dma_start3A_12] : memref<125x80xi32, #tpu.memory_space<vmem>> -> memref<1x80xi32, #tpu.memory_space<vmem>>
    %dma_start3A_14 = tpu.memref_squeeze %dma_start3A_13 : memref<1x80xi32, #tpu.memory_space<vmem>> -> memref<80xi32, #tpu.memory_space<vmem>>
    %dma_start3A_15 = arith.constant 0 : i32
    %dma_start3A_16 = arith.constant 0 : i32
    %dma_start3A_17 = tpu.memref_slice %arg2[%arg0, %dma_start3A_15, %dma_start3A_16] : memref<2x10008x256xbf16, #tpu.memory_space<hbm>> -> memref<1x10008x256xbf16, #tpu.memory_space<hbm>>
    %dma_start3A_18 = tpu.memref_squeeze %dma_start3A_17 : memref<1x10008x256xbf16, #tpu.memory_space<hbm>> -> memref<10008x256xbf16, #tpu.memory_space<hbm>>
    %dma_start3A_19 = arith.constant 0 : i32
    %dma_start3A_20 = arith.constant 0 : i32
    %dma_start3A_21 = tpu.memref_slice %dma_start3A_18[%dma_start3A_19, %dma_start3A_20] : memref<10008x256xbf16, #tpu.memory_space<hbm>> -> memref<10008x256xbf16, #tpu.memory_space<hbm>>
    tpu.enqueue_indirect_dma source(%dma_start3A_21 : memref<10008x256xbf16, #tpu.memory_space<hbm>>) target(%arg8 : memref<80x256xbf16, #tpu.memory_space<vmem>>) offsets(%dma_start3A_14 : memref<80xi32, #tpu.memory_space<vmem>>) semaphore(%arg12 : memref<!tpu.dma_semaphore, #tpu.memory_space<semaphore_mem>>)
    %lt3A = arith.constant 15 : i32
    %lt3A_22 = arith.cmpi slt, %arg1, %lt3A : i32
    %convert_element_type3A = arith.extui %lt3A_22 : i1 to i32
    %cond3A = arith.constant 0 : i32
    %cond3A_23 = arith.cmpi ne, %convert_element_type3A, %cond3A : i32
    scf.if %cond3A_23 {
      %mul3A = arith.constant 632 : i32
      %mul3A_50 = arith.muli %arg1, %mul3A : i32
      %mul3A_51 = arith.constant 632 : i32
      %mul3A_52 = arith.muli %arg1, %mul3A_51 : i32
      "tpu.region"() ({
        %run_scoped3A = tpu.sem_alloc : memref<!tpu.dma_semaphore, #tpu.memory_space<semaphore_mem>>
        %dma_start3A_53 = arith.constant 0 : i32
        %dma_start3A_54 = tpu.memref_slice %arg10[%mul3A_52, %dma_start3A_53] : memref<10008x256xbf16, #tpu.memory_space<vmem_shared>> -> memref<632x256xbf16, #tpu.memory_space<vmem_shared>>
        %dma_start3A_55 = arith.constant 0 : i32
        %dma_start3A_56 = arith.constant 0 : i32
        %dma_start3A_57 = tpu.memref_slice %arg2[%arg0, %dma_start3A_55, %dma_start3A_56] : memref<2x10008x256xbf16, #tpu.memory_space<hbm>> -> memref<1x10008x256xbf16, #tpu.memory_space<hbm>>
        %dma_start3A_58 = tpu.memref_squeeze %dma_start3A_57 : memref<1x10008x256xbf16, #tpu.memory_space<hbm>> -> memref<10008x256xbf16, #tpu.memory_space<hbm>>
        %dma_start3A_59 = arith.constant 0 : i32
        %dma_start3A_60 = tpu.memref_slice %dma_start3A_58[%mul3A_50, %dma_start3A_59] : memref<10008x256xbf16, #tpu.memory_space<hbm>> -> memref<632x256xbf16, #tpu.memory_space<hbm>>
        tpu.enqueue_dma source(%dma_start3A_60 : memref<632x256xbf16, #tpu.memory_space<hbm>>) target(%dma_start3A_54 : memref<632x256xbf16, #tpu.memory_space<vmem_shared>>) target_semaphore(%run_scoped3A : memref<!tpu.dma_semaphore, #tpu.memory_space<semaphore_mem>>)
        %dma_wait3A_61 = arith.constant 0 : i32
        %dma_wait3A_62 = tpu.memref_slice %arg10[%mul3A_52, %dma_wait3A_61] : memref<10008x256xbf16, #tpu.memory_space<vmem_shared>> -> memref<632x256xbf16, #tpu.memory_space<vmem_shared>>
        %dma_wait3A_63 = arith.constant 0 : i32
        %dma_wait3A_64 = arith.constant 0 : i32
        %dma_wait3A_65 = tpu.memref_slice %arg2[%arg0, %dma_wait3A_63, %dma_wait3A_64] : memref<2x10008x256xbf16, #tpu.memory_space<hbm>> -> memref<1x10008x256xbf16, #tpu.memory_space<hbm>>
        %dma_wait3A_66 = tpu.memref_squeeze %dma_wait3A_65 : memref<1x10008x256xbf16, #tpu.memory_space<hbm>> -> memref<10008x256xbf16, #tpu.memory_space<hbm>>
        %dma_wait3A_67 = arith.constant 0 : i32
        %dma_wait3A_68 = tpu.memref_slice %dma_wait3A_66[%mul3A_50, %dma_wait3A_67] : memref<10008x256xbf16, #tpu.memory_space<hbm>> -> memref<632x256xbf16, #tpu.memory_space<hbm>>
        tpu.wait_dma2 semaphore(%run_scoped3A : memref<!tpu.dma_semaphore, #tpu.memory_space<semaphore_mem>>) src(%dma_wait3A_68 : memref<632x256xbf16, #tpu.memory_space<hbm>>) dst(%dma_wait3A_62 : memref<632x256xbf16, #tpu.memory_space<vmem_shared>>)
        tpu.yield
      }) : () -> ()
    } else {
    }
    %eq3A = arith.constant 15 : i32
    %eq3A_24 = arith.cmpi eq, %arg1, %eq3A : i32
    %convert_element_type3A_25 = arith.extui %eq3A_24 : i1 to i32
    %cond3A_26 = arith.constant 0 : i32
    %cond3A_27 = arith.cmpi ne, %convert_element_type3A_25, %cond3A_26 : i32
    scf.if %cond3A_27 {
      "tpu.region"() ({
        %run_scoped3A = tpu.sem_alloc : memref<!tpu.dma_semaphore, #tpu.memory_space<semaphore_mem>>
        %dma_start3A_50 = arith.constant 9480 : i32
        %dma_start3A_51 = arith.constant 0 : i32
        %dma_start3A_52 = tpu.memref_slice %arg10[%dma_start3A_50, %dma_start3A_51] : memref<10008x256xbf16, #tpu.memory_space<vmem_shared>> -> memref<528x256xbf16, #tpu.memory_space<vmem_shared>>
        %dma_start3A_53 = arith.constant 0 : i32
        %dma_start3A_54 = arith.constant 0 : i32
        %dma_start3A_55 = tpu.memref_slice %arg2[%arg0, %dma_start3A_53, %dma_start3A_54] : memref<2x10008x256xbf16, #tpu.memory_space<hbm>> -> memref<1x10008x256xbf16, #tpu.memory_space<hbm>>
        %dma_start3A_56 = tpu.memref_squeeze %dma_start3A_55 : memref<1x10008x256xbf16, #tpu.memory_space<hbm>> -> memref<10008x256xbf16, #tpu.memory_space<hbm>>
        %dma_start3A_57 = arith.constant 9480 : i32
        %dma_start3A_58 = arith.constant 0 : i32
        %dma_start3A_59 = tpu.memref_slice %dma_start3A_56[%dma_start3A_57, %dma_start3A_58] : memref<10008x256xbf16, #tpu.memory_space<hbm>> -> memref<528x256xbf16, #tpu.memory_space<hbm>>
        tpu.enqueue_dma source(%dma_start3A_59 : memref<528x256xbf16, #tpu.memory_space<hbm>>) target(%dma_start3A_52 : memref<528x256xbf16, #tpu.memory_space<vmem_shared>>) target_semaphore(%run_scoped3A : memref<!tpu.dma_semaphore, #tpu.memory_space<semaphore_mem>>)
        %dma_wait3A_60 = arith.constant 9480 : i32
        %dma_wait3A_61 = arith.constant 0 : i32
        %dma_wait3A_62 = tpu.memref_slice %arg10[%dma_wait3A_60, %dma_wait3A_61] : memref<10008x256xbf16, #tpu.memory_space<vmem_shared>> -> memref<528x256xbf16, #tpu.memory_space<vmem_shared>>
        %dma_wait3A_63 = arith.constant 0 : i32
        %dma_wait3A_64 = arith.constant 0 : i32
        %dma_wait3A_65 = tpu.memref_slice %arg2[%arg0, %dma_wait3A_63, %dma_wait3A_64] : memref<2x10008x256xbf16, #tpu.memory_space<hbm>> -> memref<1x10008x256xbf16, #tpu.memory_space<hbm>>
        %dma_wait3A_66 = tpu.memref_squeeze %dma_wait3A_65 : memref<1x10008x256xbf16, #tpu.memory_space<hbm>> -> memref<10008x256xbf16, #tpu.memory_space<hbm>>
        %dma_wait3A_67 = arith.constant 9480 : i32
        %dma_wait3A_68 = arith.constant 0 : i32
        %dma_wait3A_69 = tpu.memref_slice %dma_wait3A_66[%dma_wait3A_67, %dma_wait3A_68] : memref<10008x256xbf16, #tpu.memory_space<hbm>> -> memref<528x256xbf16, #tpu.memory_space<hbm>>
        tpu.wait_dma2 semaphore(%run_scoped3A : memref<!tpu.dma_semaphore, #tpu.memory_space<semaphore_mem>>) src(%dma_wait3A_69 : memref<528x256xbf16, #tpu.memory_space<hbm>>) dst(%dma_wait3A_62 : memref<528x256xbf16, #tpu.memory_space<vmem_shared>>)
        tpu.yield
      }) : () -> ()
    } else {
    }
    %barrier3A = arith.constant 0 : index
    tpu.barrier barrier_id(%barrier3A)
    %scan3A = arith.constant 0 : i32
    %scan3A_28 = arith.constant 0 : i32
    %scan3A_29 = arith.constant 42 : i32
    %scan3A_30 = arith.addi %scan3A_28, %scan3A_29 : i32
    %scan3A_31 = arith.constant 1 : i32
    scf.for %scan3A_50 = %scan3A_28 to %scan3A_30 step %scan3A_31  : i32 {
      %mul3A = arith.constant 3 : i32
      %mul3A_51 = arith.muli %mul3A, %scan3A_50 : i32
      %add3A_52 = arith.constant 2 : i32
      %add3A_53 = arith.addi %mul3A_51, %add3A_52 : i32
      %dma_wait3A_54 = arith.constant 0 : i32
      %dma_wait3A_55 = arith.constant 0 : i32
      %dma_wait3A_56 = tpu.memref_slice %arg5[%dma_wait3A_54, %dma_wait3A_55] : memref<125x80xi32, #tpu.memory_space<vmem>> -> memref<1x80xi32, #tpu.memory_space<vmem>>
      %dma_wait3A_57 = tpu.memref_squeeze %dma_wait3A_56 : memref<1x80xi32, #tpu.memory_space<vmem>> -> memref<80xi32, #tpu.memory_space<vmem>>
      %dma_wait3A_58 = arith.constant 0 : i32
      %dma_wait3A_59 = arith.constant 0 : i32
      %dma_wait3A_60 = tpu.memref_slice %arg2[%arg0, %dma_wait3A_58, %dma_wait3A_59] : memref<2x10008x256xbf16, #tpu.memory_space<hbm>> -> memref<1x10008x256xbf16, #tpu.memory_space<hbm>>
      %dma_wait3A_61 = tpu.memref_squeeze %dma_wait3A_60 : memref<1x10008x256xbf16, #tpu.memory_space<hbm>> -> memref<10008x256xbf16, #tpu.memory_space<hbm>>
      %dma_wait3A_62 = arith.constant 0 : i32
      %dma_wait3A_63 = arith.constant 0 : i32
      %dma_wait3A_64 = tpu.memref_slice %dma_wait3A_61[%dma_wait3A_62, %dma_wait3A_63] : memref<10008x256xbf16, #tpu.memory_space<hbm>> -> memref<10008x256xbf16, #tpu.memory_space<hbm>>
      tpu.wait_indirect_dma semaphore(%arg11 : memref<!tpu.dma_semaphore, #tpu.memory_space<semaphore_mem>>) src(%dma_wait3A_64 : memref<10008x256xbf16, #tpu.memory_space<hbm>>) dst(%arg7 : memref<80x256xbf16, #tpu.memory_space<vmem>>)
      %dma_start3A_65 = arith.constant 0 : i32
      %dma_start3A_66 = tpu.memref_slice %arg6[%mul3A_51, %dma_start3A_65] : memref<125x80xi32, #tpu.memory_space<vmem>> -> memref<1x80xi32, #tpu.memory_space<vmem>>
      %dma_start3A_67 = tpu.memref_squeeze %dma_start3A_66 : memref<1x80xi32, #tpu.memory_space<vmem>> -> memref<80xi32, #tpu.memory_space<vmem>>
      %dma_start3A_68 = arith.constant 0 : i32
      %dma_start3A_69 = arith.constant 0 : i32
      %dma_start3A_70 = tpu.memref_slice %arg10[%dma_start3A_68, %dma_start3A_69] : memref<10008x256xbf16, #tpu.memory_space<vmem_shared>> -> memref<10008x256xbf16, #tpu.memory_space<vmem_shared>>
      tpu.enqueue_indirect_dma source(%arg7 : memref<80x256xbf16, #tpu.memory_space<vmem>>) target(%dma_start3A_70 : memref<10008x256xbf16, #tpu.memory_space<vmem_shared>>) offsets(%dma_start3A_67 : memref<80xi32, #tpu.memory_space<vmem>>) semaphore(%arg14 : memref<!tpu.dma_semaphore, #tpu.memory_space<semaphore_mem>>) {add = true}
      %add3A_71 = arith.constant 0 : i32
      %add3A_72 = arith.addi %mul3A_51, %add3A_71 : i32
      %ge3A = arith.constant 1 : i32
      %ge3A_73 = arith.cmpi sge, %add3A_72, %ge3A : i32
      %convert_element_type3A_74 = arith.extui %ge3A_73 : i1 to i32
      %cond3A_75 = arith.constant 0 : i32
      %cond3A_76 = arith.cmpi ne, %convert_element_type3A_74, %cond3A_75 : i32
      scf.if %cond3A_76 {
        %dma_wait3A_96 = arith.constant 0 : i32
        %dma_wait3A_97 = arith.constant 0 : i32
        %dma_wait3A_98 = tpu.memref_slice %arg6[%dma_wait3A_96, %dma_wait3A_97] : memref<125x80xi32, #tpu.memory_space<vmem>> -> memref<1x80xi32, #tpu.memory_space<vmem>>
        %dma_wait3A_99 = tpu.memref_squeeze %dma_wait3A_98 : memref<1x80xi32, #tpu.memory_space<vmem>> -> memref<80xi32, #tpu.memory_space<vmem>>
        %dma_wait3A_100 = arith.constant 0 : i32
        %dma_wait3A_101 = arith.constant 0 : i32
        %dma_wait3A_102 = tpu.memref_slice %arg10[%dma_wait3A_100, %dma_wait3A_101] : memref<10008x256xbf16, #tpu.memory_space<vmem_shared>> -> memref<10008x256xbf16, #tpu.memory_space<vmem_shared>>
        tpu.wait_indirect_dma semaphore(%arg16 : memref<!tpu.dma_semaphore, #tpu.memory_space<semaphore_mem>>) src(%arg9 : memref<80x256xbf16, #tpu.memory_space<vmem>>) dst(%dma_wait3A_102 : memref<10008x256xbf16, #tpu.memory_space<vmem_shared>>)
      } else {
      }
      %lt3A_77 = arith.constant 125 : i32
      %lt3A_78 = arith.cmpi slt, %add3A_53, %lt3A_77 : i32
      %convert_element_type3A_79 = arith.extui %lt3A_78 : i1 to i32
      %cond3A_80 = arith.constant 0 : i32
      %cond3A_81 = arith.cmpi ne, %convert_element_type3A_79, %cond3A_80 : i32
      scf.if %cond3A_81 {
        %dma_start3A_96 = arith.constant 0 : i32
        %dma_start3A_97 = tpu.memref_slice %arg5[%add3A_53, %dma_start3A_96] : memref<125x80xi32, #tpu.memory_space<vmem>> -> memref<1x80xi32, #tpu.memory_space<vmem>>
        %dma_start3A_98 = tpu.memref_squeeze %dma_start3A_97 : memref<1x80xi32, #tpu.memory_space<vmem>> -> memref<80xi32, #tpu.memory_space<vmem>>
        %dma_start3A_99 = arith.constant 0 : i32
        %dma_start3A_100 = arith.constant 0 : i32
        %dma_start3A_101 = tpu.memref_slice %arg2[%arg0, %dma_start3A_99, %dma_start3A_100] : memref<2x10008x256xbf16, #tpu.memory_space<hbm>> -> memref<1x10008x256xbf16, #tpu.memory_space<hbm>>
        %dma_start3A_102 = tpu.memref_squeeze %dma_start3A_101 : memref<1x10008x256xbf16, #tpu.memory_space<hbm>> -> memref<10008x256xbf16, #tpu.memory_space<hbm>>
        %dma_start3A_103 = arith.constant 0 : i32
        %dma_start3A_104 = arith.constant 0 : i32
        %dma_start3A_105 = tpu.memref_slice %dma_start3A_102[%dma_start3A_103, %dma_start3A_104] : memref<10008x256xbf16, #tpu.memory_space<hbm>> -> memref<10008x256xbf16, #tpu.memory_space<hbm>>
        tpu.enqueue_indirect_dma source(%dma_start3A_105 : memref<10008x256xbf16, #tpu.memory_space<hbm>>) target(%arg9 : memref<80x256xbf16, #tpu.memory_space<vmem>>) offsets(%dma_start3A_98 : memref<80xi32, #tpu.memory_space<vmem>>) semaphore(%arg13 : memref<!tpu.dma_semaphore, #tpu.memory_space<semaphore_mem>>)
      } else {
      }
      %add3A_82 = arith.constant 1 : i32
      %add3A_83 = arith.addi %mul3A_51, %add3A_82 : i32
      %lt3A_84 = arith.constant 125 : i32
      %lt3A_85 = arith.cmpi slt, %add3A_83, %lt3A_84 : i32
      %convert_element_type3A_86 = arith.extui %lt3A_85 : i1 to i32
      %cond3A_87 = arith.constant 0 : i32
      %cond3A_88 = arith.cmpi ne, %convert_element_type3A_86, %cond3A_87 : i32
      scf.if %cond3A_88 {
        %add3A_96 = arith.constant 1 : i32
        %add3A_97 = arith.addi %mul3A_51, %add3A_96 : i32
        %add3A_98 = arith.constant 3 : i32
        %add3A_99 = arith.addi %mul3A_51, %add3A_98 : i32
        %dma_wait3A_100 = arith.constant 0 : i32
        %dma_wait3A_101 = arith.constant 0 : i32
        %dma_wait3A_102 = tpu.memref_slice %arg5[%dma_wait3A_100, %dma_wait3A_101] : memref<125x80xi32, #tpu.memory_space<vmem>> -> memref<1x80xi32, #tpu.memory_space<vmem>>
        %dma_wait3A_103 = tpu.memref_squeeze %dma_wait3A_102 : memref<1x80xi32, #tpu.memory_space<vmem>> -> memref<80xi32, #tpu.memory_space<vmem>>
        %dma_wait3A_104 = arith.constant 0 : i32
        %dma_wait3A_105 = arith.constant 0 : i32
        %dma_wait3A_106 = tpu.memref_slice %arg2[%arg0, %dma_wait3A_104, %dma_wait3A_105] : memref<2x10008x256xbf16, #tpu.memory_space<hbm>> -> memref<1x10008x256xbf16, #tpu.memory_space<hbm>>
        %dma_wait3A_107 = tpu.memref_squeeze %dma_wait3A_106 : memref<1x10008x256xbf16, #tpu.memory_space<hbm>> -> memref<10008x256xbf16, #tpu.memory_space<hbm>>
        %dma_wait3A_108 = arith.constant 0 : i32
        %dma_wait3A_109 = arith.constant 0 : i32
        %dma_wait3A_110 = tpu.memref_slice %dma_wait3A_107[%dma_wait3A_108, %dma_wait3A_109] : memref<10008x256xbf16, #tpu.memory_space<hbm>> -> memref<10008x256xbf16, #tpu.memory_space<hbm>>
        tpu.wait_indirect_dma semaphore(%arg12 : memref<!tpu.dma_semaphore, #tpu.memory_space<semaphore_mem>>) src(%dma_wait3A_110 : memref<10008x256xbf16, #tpu.memory_space<hbm>>) dst(%arg8 : memref<80x256xbf16, #tpu.memory_space<vmem>>)
        %dma_start3A_111 = arith.constant 0 : i32
        %dma_start3A_112 = tpu.memref_slice %arg6[%add3A_97, %dma_start3A_111] : memref<125x80xi32, #tpu.memory_space<vmem>> -> memref<1x80xi32, #tpu.memory_space<vmem>>
        %dma_start3A_113 = tpu.memref_squeeze %dma_start3A_112 : memref<1x80xi32, #tpu.memory_space<vmem>> -> memref<80xi32, #tpu.memory_space<vmem>>
        %dma_start3A_114 = arith.constant 0 : i32
        %dma_start3A_115 = arith.constant 0 : i32
        %dma_start3A_116 = tpu.memref_slice %arg10[%dma_start3A_114, %dma_start3A_115] : memref<10008x256xbf16, #tpu.memory_space<vmem_shared>> -> memref<10008x256xbf16, #tpu.memory_space<vmem_shared>>
        tpu.enqueue_indirect_dma source(%arg8 : memref<80x256xbf16, #tpu.memory_space<vmem>>) target(%dma_start3A_116 : memref<10008x256xbf16, #tpu.memory_space<vmem_shared>>) offsets(%dma_start3A_113 : memref<80xi32, #tpu.memory_space<vmem>>) semaphore(%arg15 : memref<!tpu.dma_semaphore, #tpu.memory_space<semaphore_mem>>) {add = true}
        %add3A_117 = arith.constant 1 : i32
        %add3A_118 = arith.addi %mul3A_51, %add3A_117 : i32
        %ge3A_119 = arith.constant 1 : i32
        %ge3A_120 = arith.cmpi sge, %add3A_118, %ge3A_119 : i32
        %convert_element_type3A_121 = arith.extui %ge3A_120 : i1 to i32
        %cond3A_122 = arith.constant 0 : i32
        %cond3A_123 = arith.cmpi ne, %convert_element_type3A_121, %cond3A_122 : i32
        scf.if %cond3A_123 {
          %dma_wait3A_129 = arith.constant 0 : i32
          %dma_wait3A_130 = arith.constant 0 : i32
          %dma_wait3A_131 = tpu.memref_slice %arg6[%dma_wait3A_129, %dma_wait3A_130] : memref<125x80xi32, #tpu.memory_space<vmem>> -> memref<1x80xi32, #tpu.memory_space<vmem>>
          %dma_wait3A_132 = tpu.memref_squeeze %dma_wait3A_131 : memref<1x80xi32, #tpu.memory_space<vmem>> -> memref<80xi32, #tpu.memory_space<vmem>>
          %dma_wait3A_133 = arith.constant 0 : i32
          %dma_wait3A_134 = arith.constant 0 : i32
          %dma_wait3A_135 = tpu.memref_slice %arg10[%dma_wait3A_133, %dma_wait3A_134] : memref<10008x256xbf16, #tpu.memory_space<vmem_shared>> -> memref<10008x256xbf16, #tpu.memory_space<vmem_shared>>
          tpu.wait_indirect_dma semaphore(%arg14 : memref<!tpu.dma_semaphore, #tpu.memory_space<semaphore_mem>>) src(%arg7 : memref<80x256xbf16, #tpu.memory_space<vmem>>) dst(%dma_wait3A_135 : memref<10008x256xbf16, #tpu.memory_space<vmem_shared>>)
        } else {
        }
        %lt3A_124 = arith.constant 125 : i32
        %lt3A_125 = arith.cmpi slt, %add3A_99, %lt3A_124 : i32
        %convert_element_type3A_126 = arith.extui %lt3A_125 : i1 to i32
        %cond3A_127 = arith.constant 0 : i32
        %cond3A_128 = arith.cmpi ne, %convert_element_type3A_126, %cond3A_127 : i32
        scf.if %cond3A_128 {
          %dma_start3A_129 = arith.constant 0 : i32
          %dma_start3A_130 = tpu.memref_slice %arg5[%add3A_99, %dma_start3A_129] : memref<125x80xi32, #tpu.memory_space<vmem>> -> memref<1x80xi32, #tpu.memory_space<vmem>>
          %dma_start3A_131 = tpu.memref_squeeze %dma_start3A_130 : memref<1x80xi32, #tpu.memory_space<vmem>> -> memref<80xi32, #tpu.memory_space<vmem>>
          %dma_start3A_132 = arith.constant 0 : i32
          %dma_start3A_133 = arith.constant 0 : i32
          %dma_start3A_134 = tpu.memref_slice %arg2[%arg0, %dma_start3A_132, %dma_start3A_133] : memref<2x10008x256xbf16, #tpu.memory_space<hbm>> -> memref<1x10008x256xbf16, #tpu.memory_space<hbm>>
          %dma_start3A_135 = tpu.memref_squeeze %dma_start3A_134 : memref<1x10008x256xbf16, #tpu.memory_space<hbm>> -> memref<10008x256xbf16, #tpu.memory_space<hbm>>
          %dma_start3A_136 = arith.constant 0 : i32
          %dma_start3A_137 = arith.constant 0 : i32
          %dma_start3A_138 = tpu.memref_slice %dma_start3A_135[%dma_start3A_136, %dma_start3A_137] : memref<10008x256xbf16, #tpu.memory_space<hbm>> -> memref<10008x256xbf16, #tpu.memory_space<hbm>>
          tpu.enqueue_indirect_dma source(%dma_start3A_138 : memref<10008x256xbf16, #tpu.memory_space<hbm>>) target(%arg7 : memref<80x256xbf16, #tpu.memory_space<vmem>>) offsets(%dma_start3A_131 : memref<80xi32, #tpu.memory_space<vmem>>) semaphore(%arg11 : memref<!tpu.dma_semaphore, #tpu.memory_space<semaphore_mem>>)
        } else {
        }
      } else {
      }
      %add3A_89 = arith.constant 2 : i32
      %add3A_90 = arith.addi %mul3A_51, %add3A_89 : i32
      %lt3A_91 = arith.constant 125 : i32
      %lt3A_92 = arith.cmpi slt, %add3A_90, %lt3A_91 : i32
      %convert_element_type3A_93 = arith.extui %lt3A_92 : i1 to i32
      %cond3A_94 = arith.constant 0 : i32
      %cond3A_95 = arith.cmpi ne, %convert_element_type3A_93, %cond3A_94 : i32
      scf.if %cond3A_95 {
        %add3A_96 = arith.constant 2 : i32
        %add3A_97 = arith.addi %mul3A_51, %add3A_96 : i32
        %add3A_98 = arith.constant 4 : i32
        %add3A_99 = arith.addi %mul3A_51, %add3A_98 : i32
        %dma_wait3A_100 = arith.constant 0 : i32
        %dma_wait3A_101 = arith.constant 0 : i32
        %dma_wait3A_102 = tpu.memref_slice %arg5[%dma_wait3A_100, %dma_wait3A_101] : memref<125x80xi32, #tpu.memory_space<vmem>> -> memref<1x80xi32, #tpu.memory_space<vmem>>
        %dma_wait3A_103 = tpu.memref_squeeze %dma_wait3A_102 : memref<1x80xi32, #tpu.memory_space<vmem>> -> memref<80xi32, #tpu.memory_space<vmem>>
        %dma_wait3A_104 = arith.constant 0 : i32
        %dma_wait3A_105 = arith.constant 0 : i32
        %dma_wait3A_106 = tpu.memref_slice %arg2[%arg0, %dma_wait3A_104, %dma_wait3A_105] : memref<2x10008x256xbf16, #tpu.memory_space<hbm>> -> memref<1x10008x256xbf16, #tpu.memory_space<hbm>>
        %dma_wait3A_107 = tpu.memref_squeeze %dma_wait3A_106 : memref<1x10008x256xbf16, #tpu.memory_space<hbm>> -> memref<10008x256xbf16, #tpu.memory_space<hbm>>
        %dma_wait3A_108 = arith.constant 0 : i32
        %dma_wait3A_109 = arith.constant 0 : i32
        %dma_wait3A_110 = tpu.memref_slice %dma_wait3A_107[%dma_wait3A_108, %dma_wait3A_109] : memref<10008x256xbf16, #tpu.memory_space<hbm>> -> memref<10008x256xbf16, #tpu.memory_space<hbm>>
        tpu.wait_indirect_dma semaphore(%arg13 : memref<!tpu.dma_semaphore, #tpu.memory_space<semaphore_mem>>) src(%dma_wait3A_110 : memref<10008x256xbf16, #tpu.memory_space<hbm>>) dst(%arg9 : memref<80x256xbf16, #tpu.memory_space<vmem>>)
        %dma_start3A_111 = arith.constant 0 : i32
        %dma_start3A_112 = tpu.memref_slice %arg6[%add3A_97, %dma_start3A_111] : memref<125x80xi32, #tpu.memory_space<vmem>> -> memref<1x80xi32, #tpu.memory_space<vmem>>
        %dma_start3A_113 = tpu.memref_squeeze %dma_start3A_112 : memref<1x80xi32, #tpu.memory_space<vmem>> -> memref<80xi32, #tpu.memory_space<vmem>>
        %dma_start3A_114 = arith.constant 0 : i32
        %dma_start3A_115 = arith.constant 0 : i32
        %dma_start3A_116 = tpu.memref_slice %arg10[%dma_start3A_114, %dma_start3A_115] : memref<10008x256xbf16, #tpu.memory_space<vmem_shared>> -> memref<10008x256xbf16, #tpu.memory_space<vmem_shared>>
        tpu.enqueue_indirect_dma source(%arg9 : memref<80x256xbf16, #tpu.memory_space<vmem>>) target(%dma_start3A_116 : memref<10008x256xbf16, #tpu.memory_space<vmem_shared>>) offsets(%dma_start3A_113 : memref<80xi32, #tpu.memory_space<vmem>>) semaphore(%arg16 : memref<!tpu.dma_semaphore, #tpu.memory_space<semaphore_mem>>) {add = true}
        %add3A_117 = arith.constant 2 : i32
        %add3A_118 = arith.addi %mul3A_51, %add3A_117 : i32
        %ge3A_119 = arith.constant 1 : i32
        %ge3A_120 = arith.cmpi sge, %add3A_118, %ge3A_119 : i32
        %convert_element_type3A_121 = arith.extui %ge3A_120 : i1 to i32
        %cond3A_122 = arith.constant 0 : i32
        %cond3A_123 = arith.cmpi ne, %convert_element_type3A_121, %cond3A_122 : i32
        scf.if %cond3A_123 {
          %dma_wait3A_129 = arith.constant 0 : i32
          %dma_wait3A_130 = arith.constant 0 : i32
          %dma_wait3A_131 = tpu.memref_slice %arg6[%dma_wait3A_129, %dma_wait3A_130] : memref<125x80xi32, #tpu.memory_space<vmem>> -> memref<1x80xi32, #tpu.memory_space<vmem>>
          %dma_wait3A_132 = tpu.memref_squeeze %dma_wait3A_131 : memref<1x80xi32, #tpu.memory_space<vmem>> -> memref<80xi32, #tpu.memory_space<vmem>>
          %dma_wait3A_133 = arith.constant 0 : i32
          %dma_wait3A_134 = arith.constant 0 : i32
          %dma_wait3A_135 = tpu.memref_slice %arg10[%dma_wait3A_133, %dma_wait3A_134] : memref<10008x256xbf16, #tpu.memory_space<vmem_shared>> -> memref<10008x256xbf16, #tpu.memory_space<vmem_shared>>
          tpu.wait_indirect_dma semaphore(%arg15 : memref<!tpu.dma_semaphore, #tpu.memory_space<semaphore_mem>>) src(%arg8 : memref<80x256xbf16, #tpu.memory_space<vmem>>) dst(%dma_wait3A_135 : memref<10008x256xbf16, #tpu.memory_space<vmem_shared>>)
        } else {
        }
        %lt3A_124 = arith.constant 125 : i32
        %lt3A_125 = arith.cmpi slt, %add3A_99, %lt3A_124 : i32
        %convert_element_type3A_126 = arith.extui %lt3A_125 : i1 to i32
        %cond3A_127 = arith.constant 0 : i32
        %cond3A_128 = arith.cmpi ne, %convert_element_type3A_126, %cond3A_127 : i32
        scf.if %cond3A_128 {
          %dma_start3A_129 = arith.constant 0 : i32
          %dma_start3A_130 = tpu.memref_slice %arg5[%add3A_99, %dma_start3A_129] : memref<125x80xi32, #tpu.memory_space<vmem>> -> memref<1x80xi32, #tpu.memory_space<vmem>>
          %dma_start3A_131 = tpu.memref_squeeze %dma_start3A_130 : memref<1x80xi32, #tpu.memory_space<vmem>> -> memref<80xi32, #tpu.memory_space<vmem>>
          %dma_start3A_132 = arith.constant 0 : i32
          %dma_start3A_133 = arith.constant 0 : i32
          %dma_start3A_134 = tpu.memref_slice %arg2[%arg0, %dma_start3A_132, %dma_start3A_133] : memref<2x10008x256xbf16, #tpu.memory_space<hbm>> -> memref<1x10008x256xbf16, #tpu.memory_space<hbm>>
          %dma_start3A_135 = tpu.memref_squeeze %dma_start3A_134 : memref<1x10008x256xbf16, #tpu.memory_space<hbm>> -> memref<10008x256xbf16, #tpu.memory_space<hbm>>
          %dma_start3A_136 = arith.constant 0 : i32
          %dma_start3A_137 = arith.constant 0 : i32
          %dma_start3A_138 = tpu.memref_slice %dma_start3A_135[%dma_start3A_136, %dma_start3A_137] : memref<10008x256xbf16, #tpu.memory_space<hbm>> -> memref<10008x256xbf16, #tpu.memory_space<hbm>>
          tpu.enqueue_indirect_dma source(%dma_start3A_138 : memref<10008x256xbf16, #tpu.memory_space<hbm>>) target(%arg8 : memref<80x256xbf16, #tpu.memory_space<vmem>>) offsets(%dma_start3A_131 : memref<80xi32, #tpu.memory_space<vmem>>) semaphore(%arg12 : memref<!tpu.dma_semaphore, #tpu.memory_space<semaphore_mem>>)
        } else {
        }
      } else {
      }
    }
    %scan3A_32 = arith.constant 42 : i32
    %dma_wait3A = arith.constant 0 : i32
    %dma_wait3A_33 = arith.constant 0 : i32
    %dma_wait3A_34 = tpu.memref_slice %arg6[%dma_wait3A, %dma_wait3A_33] : memref<125x80xi32, #tpu.memory_space<vmem>> -> memref<1x80xi32, #tpu.memory_space<vmem>>
    %dma_wait3A_35 = tpu.memref_squeeze %dma_wait3A_34 : memref<1x80xi32, #tpu.memory_space<vmem>> -> memref<80xi32, #tpu.memory_space<vmem>>
    %dma_wait3A_36 = arith.constant 0 : i32
    %dma_wait3A_37 = arith.constant 0 : i32
    %dma_wait3A_38 = tpu.memref_slice %arg10[%dma_wait3A_36, %dma_wait3A_37] : memref<10008x256xbf16, #tpu.memory_space<vmem_shared>> -> memref<10008x256xbf16, #tpu.memory_space<vmem_shared>>
    tpu.wait_indirect_dma semaphore(%arg15 : memref<!tpu.dma_semaphore, #tpu.memory_space<semaphore_mem>>) src(%arg8 : memref<80x256xbf16, #tpu.memory_space<vmem>>) dst(%dma_wait3A_38 : memref<10008x256xbf16, #tpu.memory_space<vmem_shared>>)
    %barrier3A_39 = arith.constant 0 : index
    tpu.barrier barrier_id(%barrier3A_39)
    %lt3A_40 = arith.constant 15 : i32
    %lt3A_41 = arith.cmpi slt, %arg1, %lt3A_40 : i32
    %convert_element_type3A_42 = arith.extui %lt3A_41 : i1 to i32
    %cond3A_43 = arith.constant 0 : i32
    %cond3A_44 = arith.cmpi ne, %convert_element_type3A_42, %cond3A_43 : i32
    scf.if %cond3A_44 {
      %mul3A = arith.constant 632 : i32
      %mul3A_50 = arith.muli %arg1, %mul3A : i32
      %mul3A_51 = arith.constant 632 : i32
      %mul3A_52 = arith.muli %arg1, %mul3A_51 : i32
      "tpu.region"() ({
        %run_scoped3A = tpu.sem_alloc : memref<!tpu.dma_semaphore, #tpu.memory_space<semaphore_mem>>
        %dma_start3A_53 = arith.constant 0 : i32
        %dma_start3A_54 = arith.constant 0 : i32
        %dma_start3A_55 = tpu.memref_slice %arg4[%arg0, %dma_start3A_53, %dma_start3A_54] : memref<2x10008x256xbf16, #tpu.memory_space<hbm>> -> memref<1x10008x256xbf16, #tpu.memory_space<hbm>>
        %dma_start3A_56 = tpu.memref_squeeze %dma_start3A_55 : memref<1x10008x256xbf16, #tpu.memory_space<hbm>> -> memref<10008x256xbf16, #tpu.memory_space<hbm>>
        %dma_start3A_57 = arith.constant 0 : i32
        %dma_start3A_58 = tpu.memref_slice %dma_start3A_56[%mul3A_52, %dma_start3A_57] : memref<10008x256xbf16, #tpu.memory_space<hbm>> -> memref<632x256xbf16, #tpu.memory_space<hbm>>
        %dma_start3A_59 = arith.constant 0 : i32
        %dma_start3A_60 = tpu.memref_slice %arg10[%mul3A_50, %dma_start3A_59] : memref<10008x256xbf16, #tpu.memory_space<vmem_shared>> -> memref<632x256xbf16, #tpu.memory_space<vmem_shared>>
        tpu.enqueue_dma source(%dma_start3A_60 : memref<632x256xbf16, #tpu.memory_space<vmem_shared>>) target(%dma_start3A_58 : memref<632x256xbf16, #tpu.memory_space<hbm>>) target_semaphore(%run_scoped3A : memref<!tpu.dma_semaphore, #tpu.memory_space<semaphore_mem>>)
        %dma_wait3A_61 = arith.constant 0 : i32
        %dma_wait3A_62 = arith.constant 0 : i32
        %dma_wait3A_63 = tpu.memref_slice %arg4[%arg0, %dma_wait3A_61, %dma_wait3A_62] : memref<2x10008x256xbf16, #tpu.memory_space<hbm>> -> memref<1x10008x256xbf16, #tpu.memory_space<hbm>>
        %dma_wait3A_64 = tpu.memref_squeeze %dma_wait3A_63 : memref<1x10008x256xbf16, #tpu.memory_space<hbm>> -> memref<10008x256xbf16, #tpu.memory_space<hbm>>
        %dma_wait3A_65 = arith.constant 0 : i32
        %dma_wait3A_66 = tpu.memref_slice %dma_wait3A_64[%mul3A_52, %dma_wait3A_65] : memref<10008x256xbf16, #tpu.memory_space<hbm>> -> memref<632x256xbf16, #tpu.memory_space<hbm>>
        %dma_wait3A_67 = arith.constant 0 : i32
        %dma_wait3A_68 = tpu.memref_slice %arg10[%mul3A_50, %dma_wait3A_67] : memref<10008x256xbf16, #tpu.memory_space<vmem_shared>> -> memref<632x256xbf16, #tpu.memory_space<vmem_shared>>
        tpu.wait_dma2 semaphore(%run_scoped3A : memref<!tpu.dma_semaphore, #tpu.memory_space<semaphore_mem>>) src(%dma_wait3A_68 : memref<632x256xbf16, #tpu.memory_space<vmem_shared>>) dst(%dma_wait3A_66 : memref<632x256xbf16, #tpu.memory_space<hbm>>)
        tpu.yield
      }) : () -> ()
    } else {
    }
    %eq3A_45 = arith.constant 15 : i32
    %eq3A_46 = arith.cmpi eq, %arg1, %eq3A_45 : i32
    %convert_element_type3A_47 = arith.extui %eq3A_46 : i1 to i32
    %cond3A_48 = arith.constant 0 : i32
    %cond3A_49 = arith.cmpi ne, %convert_element_type3A_47, %cond3A_48 : i32
    scf.if %cond3A_49 {
      "tpu.region"() ({
        %run_scoped3A = tpu.sem_alloc : memref<!tpu.dma_semaphore, #tpu.memory_space<semaphore_mem>>
        %dma_start3A_50 = arith.constant 0 : i32
        %dma_start3A_51 = arith.constant 0 : i32
        %dma_start3A_52 = tpu.memref_slice %arg4[%arg0, %dma_start3A_50, %dma_start3A_51] : memref<2x10008x256xbf16, #tpu.memory_space<hbm>> -> memref<1x10008x256xbf16, #tpu.memory_space<hbm>>
        %dma_start3A_53 = tpu.memref_squeeze %dma_start3A_52 : memref<1x10008x256xbf16, #tpu.memory_space<hbm>> -> memref<10008x256xbf16, #tpu.memory_space<hbm>>
        %dma_start3A_54 = arith.constant 9480 : i32
        %dma_start3A_55 = arith.constant 0 : i32
        %dma_start3A_56 = tpu.memref_slice %dma_start3A_53[%dma_start3A_54, %dma_start3A_55] : memref<10008x256xbf16, #tpu.memory_space<hbm>> -> memref<528x256xbf16, #tpu.memory_space<hbm>>
        %dma_start3A_57 = arith.constant 9480 : i32
        %dma_start3A_58 = arith.constant 0 : i32
        %dma_start3A_59 = tpu.memref_slice %arg10[%dma_start3A_57, %dma_start3A_58] : memref<10008x256xbf16, #tpu.memory_space<vmem_shared>> -> memref<528x256xbf16, #tpu.memory_space<vmem_shared>>
        tpu.enqueue_dma source(%dma_start3A_59 : memref<528x256xbf16, #tpu.memory_space<vmem_shared>>) target(%dma_start3A_56 : memref<528x256xbf16, #tpu.memory_space<hbm>>) target_semaphore(%run_scoped3A : memref<!tpu.dma_semaphore, #tpu.memory_space<semaphore_mem>>)
        %dma_wait3A_60 = arith.constant 0 : i32
        %dma_wait3A_61 = arith.constant 0 : i32
        %dma_wait3A_62 = tpu.memref_slice %arg4[%arg0, %dma_wait3A_60, %dma_wait3A_61] : memref<2x10008x256xbf16, #tpu.memory_space<hbm>> -> memref<1x10008x256xbf16, #tpu.memory_space<hbm>>
        %dma_wait3A_63 = tpu.memref_squeeze %dma_wait3A_62 : memref<1x10008x256xbf16, #tpu.memory_space<hbm>> -> memref<10008x256xbf16, #tpu.memory_space<hbm>>
        %dma_wait3A_64 = arith.constant 9480 : i32
        %dma_wait3A_65 = arith.constant 0 : i32
        %dma_wait3A_66 = tpu.memref_slice %dma_wait3A_63[%dma_wait3A_64, %dma_wait3A_65] : memref<10008x256xbf16, #tpu.memory_space<hbm>> -> memref<528x256xbf16, #tpu.memory_space<hbm>>
        %dma_wait3A_67 = arith.constant 9480 : i32
        %dma_wait3A_68 = arith.constant 0 : i32
        %dma_wait3A_69 = tpu.memref_slice %arg10[%dma_wait3A_67, %dma_wait3A_68] : memref<10008x256xbf16, #tpu.memory_space<vmem_shared>> -> memref<528x256xbf16, #tpu.memory_space<vmem_shared>>
        tpu.wait_dma2 semaphore(%run_scoped3A : memref<!tpu.dma_semaphore, #tpu.memory_space<semaphore_mem>>) src(%dma_wait3A_69 : memref<528x256xbf16, #tpu.memory_space<vmem_shared>>) dst(%dma_wait3A_66 : memref<528x256xbf16, #tpu.memory_space<hbm>>)
        tpu.yield
      }) : () -> ()
    } else {
    }
    return
  }
}

#map = affine_map<(d0, d1) -> (0, 0, 0)>
module attributes {stable_mosaic.version = 14 : i64} {
  func.func @k(%arg0: i32, %arg1: i32, %arg2: memref<2x10008x256xbf16, #tpu.memory_space<hbm>>, %arg3: memref<32x125x80xi32, #tpu.memory_space<hbm>>, %arg4: memref<2x10008x256xbf16, #tpu.memory_space<hbm>>, %arg5: memref<125x80xi32, #tpu.memory_space<vmem>>, %arg6: memref<125x80xi32, #tpu.memory_space<vmem>>, %arg7: memref<80x256xbf16, #tpu.memory_space<vmem>>, %arg8: memref<80x256xbf16, #tpu.memory_space<vmem>>, %arg9: memref<80x256xbf16, #tpu.memory_space<vmem>>, %arg10: memref<10008x256xbf16, #tpu.memory_space<vmem_shared>>, %arg11: memref<!tpu.dma_semaphore, #tpu.memory_space<semaphore_mem>>, %arg12: memref<!tpu.dma_semaphore, #tpu.memory_space<semaphore_mem>>, %arg13: memref<!tpu.dma_semaphore, #tpu.memory_space<semaphore_mem>>, %arg14: memref<!tpu.dma_semaphore, #tpu.memory_space<semaphore_mem>>, %arg15: memref<!tpu.dma_semaphore, #tpu.memory_space<semaphore_mem>>, %arg16: memref<!tpu.dma_semaphore, #tpu.memory_space<semaphore_mem>>) attributes {dimension_semantics = [#tpu.dimension_semantics<core_parallel>, #tpu.dimension_semantics<subcore_parallel>], iteration_bounds = array<i64: 2, 16>, scalar_prefetch = 0 : i64, scratch_operands = 12 : i64, tpu.core_type = #tpu.core_type<sc_vector_subcore>, window_params = [{transform_indices = #map}, {transform_indices = #map}, {transform_indices = #map}]} {
    "tpu.region"() ({
      %run_scoped3A = tpu.sem_alloc : memref<!tpu.dma_semaphore, #tpu.memory_space<semaphore_mem>>
      %dma_start3A_50 = arith.constant 0 : i32
      %dma_start3A_51 = arith.constant 0 : i32
      %dma_start3A_52 = tpu.memref_slice %arg3[%arg1, %dma_start3A_50, %dma_start3A_51] : memref<32x125x80xi32, #tpu.memory_space<hbm>> -> memref<1x125x80xi32, #tpu.memory_space<hbm>>
      %dma_start3A_53 = tpu.memref_squeeze %dma_start3A_52 : memref<1x125x80xi32, #tpu.memory_space<hbm>> -> memref<125x80xi32, #tpu.memory_space<hbm>>
      %dma_start3A_54 = arith.constant 0 : i32
      %dma_start3A_55 = arith.constant 0 : i32
      %dma_start3A_56 = tpu.memref_slice %arg3[%arg1, %dma_start3A_54, %dma_start3A_55] : memref<32x125x80xi32, #tpu.memory_space<hbm>> -> memref<1x125x80xi32, #tpu.memory_space<hbm>>
      %dma_start3A_57 = tpu.memref_squeeze %dma_start3A_56 : memref<1x125x80xi32, #tpu.memory_space<hbm>> -> memref<125x80xi32, #tpu.memory_space<hbm>>
      tpu.enqueue_dma source(%dma_start3A_57 : memref<125x80xi32, #tpu.memory_space<hbm>>) target(%arg5 : memref<125x80xi32, #tpu.memory_space<vmem>>) target_semaphore(%run_scoped3A : memref<!tpu.dma_semaphore, #tpu.memory_space<semaphore_mem>>)
      %dma_wait3A_58 = arith.constant 0 : i32
      %dma_wait3A_59 = arith.constant 0 : i32
      %dma_wait3A_60 = tpu.memref_slice %arg3[%arg1, %dma_wait3A_58, %dma_wait3A_59] : memref<32x125x80xi32, #tpu.memory_space<hbm>> -> memref<1x125x80xi32, #tpu.memory_space<hbm>>
      %dma_wait3A_61 = tpu.memref_squeeze %dma_wait3A_60 : memref<1x125x80xi32, #tpu.memory_space<hbm>> -> memref<125x80xi32, #tpu.memory_space<hbm>>
      %dma_wait3A_62 = arith.constant 0 : i32
      %dma_wait3A_63 = arith.constant 0 : i32
      %dma_wait3A_64 = tpu.memref_slice %arg3[%arg1, %dma_wait3A_62, %dma_wait3A_63] : memref<32x125x80xi32, #tpu.memory_space<hbm>> -> memref<1x125x80xi32, #tpu.memory_space<hbm>>
      %dma_wait3A_65 = tpu.memref_squeeze %dma_wait3A_64 : memref<1x125x80xi32, #tpu.memory_space<hbm>> -> memref<125x80xi32, #tpu.memory_space<hbm>>
      tpu.wait_dma2 semaphore(%run_scoped3A : memref<!tpu.dma_semaphore, #tpu.memory_space<semaphore_mem>>) src(%dma_wait3A_65 : memref<125x80xi32, #tpu.memory_space<hbm>>) dst(%arg5 : memref<125x80xi32, #tpu.memory_space<vmem>>)
      tpu.yield
    }) : () -> ()
    %add3A = arith.constant 16 : i32
    %add3A_0 = arith.addi %add3A, %arg1 : i32
    "tpu.region"() ({
      %run_scoped3A = tpu.sem_alloc : memref<!tpu.dma_semaphore, #tpu.memory_space<semaphore_mem>>
      %dma_start3A_50 = arith.constant 0 : i32
      %dma_start3A_51 = arith.constant 0 : i32
      %dma_start3A_52 = tpu.memref_slice %arg3[%add3A_0, %dma_start3A_50, %dma_start3A_51] : memref<32x125x80xi32, #tpu.memory_space<hbm>> -> memref<1x125x80xi32, #tpu.memory_space<hbm>>
      %dma_start3A_53 = tpu.memref_squeeze %dma_start3A_52 : memref<1x125x80xi32, #tpu.memory_space<hbm>> -> memref<125x80xi32, #tpu.memory_space<hbm>>
      %dma_start3A_54 = arith.constant 0 : i32
      %dma_start3A_55 = arith.constant 0 : i32
      %dma_start3A_56 = tpu.memref_slice %arg3[%add3A_0, %dma_start3A_54, %dma_start3A_55] : memref<32x125x80xi32, #tpu.memory_space<hbm>> -> memref<1x125x80xi32, #tpu.memory_space<hbm>>
      %dma_start3A_57 = tpu.memref_squeeze %dma_start3A_56 : memref<1x125x80xi32, #tpu.memory_space<hbm>> -> memref<125x80xi32, #tpu.memory_space<hbm>>
      tpu.enqueue_dma source(%dma_start3A_57 : memref<125x80xi32, #tpu.memory_space<hbm>>) target(%arg6 : memref<125x80xi32, #tpu.memory_space<vmem>>) target_semaphore(%run_scoped3A : memref<!tpu.dma_semaphore, #tpu.memory_space<semaphore_mem>>)
      %dma_wait3A_58 = arith.constant 0 : i32
      %dma_wait3A_59 = arith.constant 0 : i32
      %dma_wait3A_60 = tpu.memref_slice %arg3[%add3A_0, %dma_wait3A_58, %dma_wait3A_59] : memref<32x125x80xi32, #tpu.memory_space<hbm>> -> memref<1x125x80xi32, #tpu.memory_space<hbm>>
      %dma_wait3A_61 = tpu.memref_squeeze %dma_wait3A_60 : memref<1x125x80xi32, #tpu.memory_space<hbm>> -> memref<125x80xi32, #tpu.memory_space<hbm>>
      %dma_wait3A_62 = arith.constant 0 : i32
      %dma_wait3A_63 = arith.constant 0 : i32
      %dma_wait3A_64 = tpu.memref_slice %arg3[%add3A_0, %dma_wait3A_62, %dma_wait3A_63] : memref<32x125x80xi32, #tpu.memory_space<hbm>> -> memref<1x125x80xi32, #tpu.memory_space<hbm>>
      %dma_wait3A_65 = tpu.memref_squeeze %dma_wait3A_64 : memref<1x125x80xi32, #tpu.memory_space<hbm>> -> memref<125x80xi32, #tpu.memory_space<hbm>>
      tpu.wait_dma2 semaphore(%run_scoped3A : memref<!tpu.dma_semaphore, #tpu.memory_space<semaphore_mem>>) src(%dma_wait3A_65 : memref<125x80xi32, #tpu.memory_space<hbm>>) dst(%arg6 : memref<125x80xi32, #tpu.memory_space<vmem>>)
      tpu.yield
    }) : () -> ()
    %dma_start3A = arith.constant 0 : i32
    %dma_start3A_1 = arith.constant 0 : i32
    %dma_start3A_2 = tpu.memref_slice %arg5[%dma_start3A, %dma_start3A_1] : memref<125x80xi32, #tpu.memory_space<vmem>> -> memref<1x80xi32, #tpu.memory_space<vmem>>
    %dma_start3A_3 = tpu.memref_squeeze %dma_start3A_2 : memref<1x80xi32, #tpu.memory_space<vmem>> -> memref<80xi32, #tpu.memory_space<vmem>>
    %dma_start3A_4 = arith.constant 0 : i32
    %dma_start3A_5 = arith.constant 0 : i32
    %dma_start3A_6 = tpu.memref_slice %arg2[%arg0, %dma_start3A_4, %dma_start3A_5] : memref<2x10008x256xbf16, #tpu.memory_space<hbm>> -> memref<1x10008x256xbf16, #tpu.memory_space<hbm>>
    %dma_start3A_7 = tpu.memref_squeeze %dma_start3A_6 : memref<1x10008x256xbf16, #tpu.memory_space<hbm>> -> memref<10008x256xbf16, #tpu.memory_space<hbm>>
    %dma_start3A_8 = arith.constant 0 : i32
    %dma_start3A_9 = arith.constant 0 : i32
    %dma_start3A_10 = tpu.memref_slice %dma_start3A_7[%dma_start3A_8, %dma_start3A_9] : memref<10008x256xbf16, #tpu.memory_space<hbm>> -> memref<10008x256xbf16, #tpu.memory_space<hbm>>
    tpu.enqueue_indirect_dma source(%dma_start3A_10 : memref<10008x256xbf16, #tpu.memory_space<hbm>>) target(%arg7 : memref<80x256xbf16, #tpu.memory_space<vmem>>) offsets(%dma_start3A_3 : memref<80xi32, #tpu.memory_space<vmem>>) semaphore(%arg11 : memref<!tpu.dma_semaphore, #tpu.memory_space<semaphore_mem>>)
    %dma_start3A_11 = arith.constant 1 : i32
    %dma_start3A_12 = arith.constant 0 : i32
    %dma_start3A_13 = tpu.memref_slice %arg5[%dma_start3A_11, %dma_start3A_12] : memref<125x80xi32, #tpu.memory_space<vmem>> -> memref<1x80xi32, #tpu.memory_space<vmem>>
    %dma_start3A_14 = tpu.memref_squeeze %dma_start3A_13 : memref<1x80xi32, #tpu.memory_space<vmem>> -> memref<80xi32, #tpu.memory_space<vmem>>
    %dma_start3A_15 = arith.constant 0 : i32
    %dma_start3A_16 = arith.constant 0 : i32
    %dma_start3A_17 = tpu.memref_slice %arg2[%arg0, %dma_start3A_15, %dma_start3A_16] : memref<2x10008x256xbf16, #tpu.memory_space<hbm>> -> memref<1x10008x256xbf16, #tpu.memory_space<hbm>>
    %dma_start3A_18 = tpu.memref_squeeze %dma_start3A_17 : memref<1x10008x256xbf16, #tpu.memory_space<hbm>> -> memref<10008x256xbf16, #tpu.memory_space<hbm>>
    %dma_start3A_19 = arith.constant 0 : i32
    %dma_start3A_20 = arith.constant 0 : i32
    %dma_start3A_21 = tpu.memref_slice %dma_start3A_18[%dma_start3A_19, %dma_start3A_20] : memref<10008x256xbf16, #tpu.memory_space<hbm>> -> memref<10008x256xbf16, #tpu.memory_space<hbm>>
    tpu.enqueue_indirect_dma source(%dma_start3A_21 : memref<10008x256xbf16, #tpu.memory_space<hbm>>) target(%arg8 : memref<80x256xbf16, #tpu.memory_space<vmem>>) offsets(%dma_start3A_14 : memref<80xi32, #tpu.memory_space<vmem>>) semaphore(%arg12 : memref<!tpu.dma_semaphore, #tpu.memory_space<semaphore_mem>>)
    %lt3A = arith.constant 15 : i32
    %lt3A_22 = arith.cmpi slt, %arg1, %lt3A : i32
    %convert_element_type3A = arith.extui %lt3A_22 : i1 to i32
    %cond3A = arith.constant 0 : i32
    %cond3A_23 = arith.cmpi ne, %convert_element_type3A, %cond3A : i32
    scf.if %cond3A_23 {
      %mul3A = arith.constant 632 : i32
      %mul3A_50 = arith.muli %arg1, %mul3A : i32
      %mul3A_51 = arith.constant 632 : i32
      %mul3A_52 = arith.muli %arg1, %mul3A_51 : i32
      "tpu.region"() ({
        %run_scoped3A = tpu.sem_alloc : memref<!tpu.dma_semaphore, #tpu.memory_space<semaphore_mem>>
        %dma_start3A_53 = arith.constant 0 : i32
        %dma_start3A_54 = tpu.memref_slice %arg10[%mul3A_52, %dma_start3A_53] : memref<10008x256xbf16, #tpu.memory_space<vmem_shared>> -> memref<632x256xbf16, #tpu.memory_space<vmem_shared>>
        %dma_start3A_55 = arith.constant 0 : i32
        %dma_start3A_56 = arith.constant 0 : i32
        %dma_start3A_57 = tpu.memref_slice %arg2[%arg0, %dma_start3A_55, %dma_start3A_56] : memref<2x10008x256xbf16, #tpu.memory_space<hbm>> -> memref<1x10008x256xbf16, #tpu.memory_space<hbm>>
        %dma_start3A_58 = tpu.memref_squeeze %dma_start3A_57 : memref<1x10008x256xbf16, #tpu.memory_space<hbm>> -> memref<10008x256xbf16, #tpu.memory_space<hbm>>
        %dma_start3A_59 = arith.constant 0 : i32
        %dma_start3A_60 = tpu.memref_slice %dma_start3A_58[%mul3A_50, %dma_start3A_59] : memref<10008x256xbf16, #tpu.memory_space<hbm>> -> memref<632x256xbf16, #tpu.memory_space<hbm>>
        tpu.enqueue_dma source(%dma_start3A_60 : memref<632x256xbf16, #tpu.memory_space<hbm>>) target(%dma_start3A_54 : memref<632x256xbf16, #tpu.memory_space<vmem_shared>>) target_semaphore(%run_scoped3A : memref<!tpu.dma_semaphore, #tpu.memory_space<semaphore_mem>>)
        %dma_wait3A_61 = arith.constant 0 : i32
        %dma_wait3A_62 = tpu.memref_slice %arg10[%mul3A_52, %dma_wait3A_61] : memref<10008x256xbf16, #tpu.memory_space<vmem_shared>> -> memref<632x256xbf16, #tpu.memory_space<vmem_shared>>
        %dma_wait3A_63 = arith.constant 0 : i32
        %dma_wait3A_64 = arith.constant 0 : i32
        %dma_wait3A_65 = tpu.memref_slice %arg2[%arg0, %dma_wait3A_63, %dma_wait3A_64] : memref<2x10008x256xbf16, #tpu.memory_space<hbm>> -> memref<1x10008x256xbf16, #tpu.memory_space<hbm>>
        %dma_wait3A_66 = tpu.memref_squeeze %dma_wait3A_65 : memref<1x10008x256xbf16, #tpu.memory_space<hbm>> -> memref<10008x256xbf16, #tpu.memory_space<hbm>>
        %dma_wait3A_67 = arith.constant 0 : i32
        %dma_wait3A_68 = tpu.memref_slice %dma_wait3A_66[%mul3A_50, %dma_wait3A_67] : memref<10008x256xbf16, #tpu.memory_space<hbm>> -> memref<632x256xbf16, #tpu.memory_space<hbm>>
        tpu.wait_dma2 semaphore(%run_scoped3A : memref<!tpu.dma_semaphore, #tpu.memory_space<semaphore_mem>>) src(%dma_wait3A_68 : memref<632x256xbf16, #tpu.memory_space<hbm>>) dst(%dma_wait3A_62 : memref<632x256xbf16, #tpu.memory_space<vmem_shared>>)
        tpu.yield
      }) : () -> ()
    } else {
    }
    %eq3A = arith.constant 15 : i32
    %eq3A_24 = arith.cmpi eq, %arg1, %eq3A : i32
    %convert_element_type3A_25 = arith.extui %eq3A_24 : i1 to i32
    %cond3A_26 = arith.constant 0 : i32
    %cond3A_27 = arith.cmpi ne, %convert_element_type3A_25, %cond3A_26 : i32
    scf.if %cond3A_27 {
      "tpu.region"() ({
        %run_scoped3A = tpu.sem_alloc : memref<!tpu.dma_semaphore, #tpu.memory_space<semaphore_mem>>
        %dma_start3A_50 = arith.constant 9480 : i32
        %dma_start3A_51 = arith.constant 0 : i32
        %dma_start3A_52 = tpu.memref_slice %arg10[%dma_start3A_50, %dma_start3A_51] : memref<10008x256xbf16, #tpu.memory_space<vmem_shared>> -> memref<528x256xbf16, #tpu.memory_space<vmem_shared>>
        %dma_start3A_53 = arith.constant 0 : i32
        %dma_start3A_54 = arith.constant 0 : i32
        %dma_start3A_55 = tpu.memref_slice %arg2[%arg0, %dma_start3A_53, %dma_start3A_54] : memref<2x10008x256xbf16, #tpu.memory_space<hbm>> -> memref<1x10008x256xbf16, #tpu.memory_space<hbm>>
        %dma_start3A_56 = tpu.memref_squeeze %dma_start3A_55 : memref<1x10008x256xbf16, #tpu.memory_space<hbm>> -> memref<10008x256xbf16, #tpu.memory_space<hbm>>
        %dma_start3A_57 = arith.constant 9480 : i32
        %dma_start3A_58 = arith.constant 0 : i32
        %dma_start3A_59 = tpu.memref_slice %dma_start3A_56[%dma_start3A_57, %dma_start3A_58] : memref<10008x256xbf16, #tpu.memory_space<hbm>> -> memref<528x256xbf16, #tpu.memory_space<hbm>>
        tpu.enqueue_dma source(%dma_start3A_59 : memref<528x256xbf16, #tpu.memory_space<hbm>>) target(%dma_start3A_52 : memref<528x256xbf16, #tpu.memory_space<vmem_shared>>) target_semaphore(%run_scoped3A : memref<!tpu.dma_semaphore, #tpu.memory_space<semaphore_mem>>)
        %dma_wait3A_60 = arith.constant 9480 : i32
        %dma_wait3A_61 = arith.constant 0 : i32
        %dma_wait3A_62 = tpu.memref_slice %arg10[%dma_wait3A_60, %dma_wait3A_61] : memref<10008x256xbf16, #tpu.memory_space<vmem_shared>> -> memref<528x256xbf16, #tpu.memory_space<vmem_shared>>
        %dma_wait3A_63 = arith.constant 0 : i32
        %dma_wait3A_64 = arith.constant 0 : i32
        %dma_wait3A_65 = tpu.memref_slice %arg2[%arg0, %dma_wait3A_63, %dma_wait3A_64] : memref<2x10008x256xbf16, #tpu.memory_space<hbm>> -> memref<1x10008x256xbf16, #tpu.memory_space<hbm>>
        %dma_wait3A_66 = tpu.memref_squeeze %dma_wait3A_65 : memref<1x10008x256xbf16, #tpu.memory_space<hbm>> -> memref<10008x256xbf16, #tpu.memory_space<hbm>>
        %dma_wait3A_67 = arith.constant 9480 : i32
        %dma_wait3A_68 = arith.constant 0 : i32
        %dma_wait3A_69 = tpu.memref_slice %dma_wait3A_66[%dma_wait3A_67, %dma_wait3A_68] : memref<10008x256xbf16, #tpu.memory_space<hbm>> -> memref<528x256xbf16, #tpu.memory_space<hbm>>
        tpu.wait_dma2 semaphore(%run_scoped3A : memref<!tpu.dma_semaphore, #tpu.memory_space<semaphore_mem>>) src(%dma_wait3A_69 : memref<528x256xbf16, #tpu.memory_space<hbm>>) dst(%dma_wait3A_62 : memref<528x256xbf16, #tpu.memory_space<vmem_shared>>)
        tpu.yield
      }) : () -> ()
    } else {
    }
    %barrier3A = arith.constant 0 : index
    tpu.barrier barrier_id(%barrier3A)
    %scan3A = arith.constant 0 : i32
    %scan3A_28 = arith.constant 0 : i32
    %scan3A_29 = arith.constant 42 : i32
    %scan3A_30 = arith.addi %scan3A_28, %scan3A_29 : i32
    %scan3A_31 = arith.constant 1 : i32
    scf.for %scan3A_50 = %scan3A_28 to %scan3A_30 step %scan3A_31  : i32 {
      %mul3A = arith.constant 3 : i32
      %mul3A_51 = arith.muli %mul3A, %scan3A_50 : i32
      %add3A_52 = arith.constant 2 : i32
      %add3A_53 = arith.addi %mul3A_51, %add3A_52 : i32
      %dma_wait3A_54 = arith.constant 0 : i32
      %dma_wait3A_55 = arith.constant 0 : i32
      %dma_wait3A_56 = tpu.memref_slice %arg5[%dma_wait3A_54, %dma_wait3A_55] : memref<125x80xi32, #tpu.memory_space<vmem>> -> memref<1x80xi32, #tpu.memory_space<vmem>>
      %dma_wait3A_57 = tpu.memref_squeeze %dma_wait3A_56 : memref<1x80xi32, #tpu.memory_space<vmem>> -> memref<80xi32, #tpu.memory_space<vmem>>
      %dma_wait3A_58 = arith.constant 0 : i32
      %dma_wait3A_59 = arith.constant 0 : i32
      %dma_wait3A_60 = tpu.memref_slice %arg2[%arg0, %dma_wait3A_58, %dma_wait3A_59] : memref<2x10008x256xbf16, #tpu.memory_space<hbm>> -> memref<1x10008x256xbf16, #tpu.memory_space<hbm>>
      %dma_wait3A_61 = tpu.memref_squeeze %dma_wait3A_60 : memref<1x10008x256xbf16, #tpu.memory_space<hbm>> -> memref<10008x256xbf16, #tpu.memory_space<hbm>>
      %dma_wait3A_62 = arith.constant 0 : i32
      %dma_wait3A_63 = arith.constant 0 : i32
      %dma_wait3A_64 = tpu.memref_slice %dma_wait3A_61[%dma_wait3A_62, %dma_wait3A_63] : memref<10008x256xbf16, #tpu.memory_space<hbm>> -> memref<10008x256xbf16, #tpu.memory_space<hbm>>
      tpu.wait_indirect_dma semaphore(%arg11 : memref<!tpu.dma_semaphore, #tpu.memory_space<semaphore_mem>>) src(%dma_wait3A_64 : memref<10008x256xbf16, #tpu.memory_space<hbm>>) dst(%arg7 : memref<80x256xbf16, #tpu.memory_space<vmem>>)
      %dma_start3A_65 = arith.constant 0 : i32
      %dma_start3A_66 = tpu.memref_slice %arg6[%mul3A_51, %dma_start3A_65] : memref<125x80xi32, #tpu.memory_space<vmem>> -> memref<1x80xi32, #tpu.memory_space<vmem>>
      %dma_start3A_67 = tpu.memref_squeeze %dma_start3A_66 : memref<1x80xi32, #tpu.memory_space<vmem>> -> memref<80xi32, #tpu.memory_space<vmem>>
      %dma_start3A_68 = arith.constant 0 : i32
      %dma_start3A_69 = arith.constant 0 : i32
      %dma_start3A_70 = tpu.memref_slice %arg10[%dma_start3A_68, %dma_start3A_69] : memref<10008x256xbf16, #tpu.memory_space<vmem_shared>> -> memref<10008x256xbf16, #tpu.memory_space<vmem_shared>>
      tpu.enqueue_indirect_dma source(%arg7 : memref<80x256xbf16, #tpu.memory_space<vmem>>) target(%dma_start3A_70 : memref<10008x256xbf16, #tpu.memory_space<vmem_shared>>) offsets(%dma_start3A_67 : memref<80xi32, #tpu.memory_space<vmem>>) semaphore(%arg14 : memref<!tpu.dma_semaphore, #tpu.memory_space<semaphore_mem>>) {add = true}
      %add3A_71 = arith.constant 0 : i32
      %add3A_72 = arith.addi %mul3A_51, %add3A_71 : i32
      %ge3A = arith.constant 1 : i32
      %ge3A_73 = arith.cmpi sge, %add3A_72, %ge3A : i32
      %convert_element_type3A_74 = arith.extui %ge3A_73 : i1 to i32
      %cond3A_75 = arith.constant 0 : i32
      %cond3A_76 = arith.cmpi ne, %convert_element_type3A_74, %cond3A_75 : i32
      scf.if %cond3A_76 {
        %dma_wait3A_96 = arith.constant 0 : i32
        %dma_wait3A_97 = arith.constant 0 : i32
        %dma_wait3A_98 = tpu.memref_slice %arg6[%dma_wait3A_96, %dma_wait3A_97] : memref<125x80xi32, #tpu.memory_space<vmem>> -> memref<1x80xi32, #tpu.memory_space<vmem>>
        %dma_wait3A_99 = tpu.memref_squeeze %dma_wait3A_98 : memref<1x80xi32, #tpu.memory_space<vmem>> -> memref<80xi32, #tpu.memory_space<vmem>>
        %dma_wait3A_100 = arith.constant 0 : i32
        %dma_wait3A_101 = arith.constant 0 : i32
        %dma_wait3A_102 = tpu.memref_slice %arg10[%dma_wait3A_100, %dma_wait3A_101] : memref<10008x256xbf16, #tpu.memory_space<vmem_shared>> -> memref<10008x256xbf16, #tpu.memory_space<vmem_shared>>
        tpu.wait_indirect_dma semaphore(%arg16 : memref<!tpu.dma_semaphore, #tpu.memory_space<semaphore_mem>>) src(%arg9 : memref<80x256xbf16, #tpu.memory_space<vmem>>) dst(%dma_wait3A_102 : memref<10008x256xbf16, #tpu.memory_space<vmem_shared>>)
      } else {
      }
      %lt3A_77 = arith.constant 125 : i32
      %lt3A_78 = arith.cmpi slt, %add3A_53, %lt3A_77 : i32
      %convert_element_type3A_79 = arith.extui %lt3A_78 : i1 to i32
      %cond3A_80 = arith.constant 0 : i32
      %cond3A_81 = arith.cmpi ne, %convert_element_type3A_79, %cond3A_80 : i32
      scf.if %cond3A_81 {
        %dma_start3A_96 = arith.constant 0 : i32
        %dma_start3A_97 = tpu.memref_slice %arg5[%add3A_53, %dma_start3A_96] : memref<125x80xi32, #tpu.memory_space<vmem>> -> memref<1x80xi32, #tpu.memory_space<vmem>>
        %dma_start3A_98 = tpu.memref_squeeze %dma_start3A_97 : memref<1x80xi32, #tpu.memory_space<vmem>> -> memref<80xi32, #tpu.memory_space<vmem>>
        %dma_start3A_99 = arith.constant 0 : i32
        %dma_start3A_100 = arith.constant 0 : i32
        %dma_start3A_101 = tpu.memref_slice %arg2[%arg0, %dma_start3A_99, %dma_start3A_100] : memref<2x10008x256xbf16, #tpu.memory_space<hbm>> -> memref<1x10008x256xbf16, #tpu.memory_space<hbm>>
        %dma_start3A_102 = tpu.memref_squeeze %dma_start3A_101 : memref<1x10008x256xbf16, #tpu.memory_space<hbm>> -> memref<10008x256xbf16, #tpu.memory_space<hbm>>
        %dma_start3A_103 = arith.constant 0 : i32
        %dma_start3A_104 = arith.constant 0 : i32
        %dma_start3A_105 = tpu.memref_slice %dma_start3A_102[%dma_start3A_103, %dma_start3A_104] : memref<10008x256xbf16, #tpu.memory_space<hbm>> -> memref<10008x256xbf16, #tpu.memory_space<hbm>>
        tpu.enqueue_indirect_dma source(%dma_start3A_105 : memref<10008x256xbf16, #tpu.memory_space<hbm>>) target(%arg9 : memref<80x256xbf16, #tpu.memory_space<vmem>>) offsets(%dma_start3A_98 : memref<80xi32, #tpu.memory_space<vmem>>) semaphore(%arg13 : memref<!tpu.dma_semaphore, #tpu.memory_space<semaphore_mem>>)
      } else {
      }
      %add3A_82 = arith.constant 1 : i32
      %add3A_83 = arith.addi %mul3A_51, %add3A_82 : i32
      %lt3A_84 = arith.constant 125 : i32
      %lt3A_85 = arith.cmpi slt, %add3A_83, %lt3A_84 : i32
      %convert_element_type3A_86 = arith.extui %lt3A_85 : i1 to i32
      %cond3A_87 = arith.constant 0 : i32
      %cond3A_88 = arith.cmpi ne, %convert_element_type3A_86, %cond3A_87 : i32
      scf.if %cond3A_88 {
        %add3A_96 = arith.constant 1 : i32
        %add3A_97 = arith.addi %mul3A_51, %add3A_96 : i32
        %add3A_98 = arith.constant 3 : i32
        %add3A_99 = arith.addi %mul3A_51, %add3A_98 : i32
        %dma_wait3A_100 = arith.constant 0 : i32
        %dma_wait3A_101 = arith.constant 0 : i32
        %dma_wait3A_102 = tpu.memref_slice %arg5[%dma_wait3A_100, %dma_wait3A_101] : memref<125x80xi32, #tpu.memory_space<vmem>> -> memref<1x80xi32, #tpu.memory_space<vmem>>
        %dma_wait3A_103 = tpu.memref_squeeze %dma_wait3A_102 : memref<1x80xi32, #tpu.memory_space<vmem>> -> memref<80xi32, #tpu.memory_space<vmem>>
        %dma_wait3A_104 = arith.constant 0 : i32
        %dma_wait3A_105 = arith.constant 0 : i32
        %dma_wait3A_106 = tpu.memref_slice %arg2[%arg0, %dma_wait3A_104, %dma_wait3A_105] : memref<2x10008x256xbf16, #tpu.memory_space<hbm>> -> memref<1x10008x256xbf16, #tpu.memory_space<hbm>>
        %dma_wait3A_107 = tpu.memref_squeeze %dma_wait3A_106 : memref<1x10008x256xbf16, #tpu.memory_space<hbm>> -> memref<10008x256xbf16, #tpu.memory_space<hbm>>
        %dma_wait3A_108 = arith.constant 0 : i32
        %dma_wait3A_109 = arith.constant 0 : i32
        %dma_wait3A_110 = tpu.memref_slice %dma_wait3A_107[%dma_wait3A_108, %dma_wait3A_109] : memref<10008x256xbf16, #tpu.memory_space<hbm>> -> memref<10008x256xbf16, #tpu.memory_space<hbm>>
        tpu.wait_indirect_dma semaphore(%arg12 : memref<!tpu.dma_semaphore, #tpu.memory_space<semaphore_mem>>) src(%dma_wait3A_110 : memref<10008x256xbf16, #tpu.memory_space<hbm>>) dst(%arg8 : memref<80x256xbf16, #tpu.memory_space<vmem>>)
        %dma_start3A_111 = arith.constant 0 : i32
        %dma_start3A_112 = tpu.memref_slice %arg6[%add3A_97, %dma_start3A_111] : memref<125x80xi32, #tpu.memory_space<vmem>> -> memref<1x80xi32, #tpu.memory_space<vmem>>
        %dma_start3A_113 = tpu.memref_squeeze %dma_start3A_112 : memref<1x80xi32, #tpu.memory_space<vmem>> -> memref<80xi32, #tpu.memory_space<vmem>>
        %dma_start3A_114 = arith.constant 0 : i32
        %dma_start3A_115 = arith.constant 0 : i32
        %dma_start3A_116 = tpu.memref_slice %arg10[%dma_start3A_114, %dma_start3A_115] : memref<10008x256xbf16, #tpu.memory_space<vmem_shared>> -> memref<10008x256xbf16, #tpu.memory_space<vmem_shared>>
        tpu.enqueue_indirect_dma source(%arg8 : memref<80x256xbf16, #tpu.memory_space<vmem>>) target(%dma_start3A_116 : memref<10008x256xbf16, #tpu.memory_space<vmem_shared>>) offsets(%dma_start3A_113 : memref<80xi32, #tpu.memory_space<vmem>>) semaphore(%arg15 : memref<!tpu.dma_semaphore, #tpu.memory_space<semaphore_mem>>) {add = true}
        %add3A_117 = arith.constant 1 : i32
        %add3A_118 = arith.addi %mul3A_51, %add3A_117 : i32
        %ge3A_119 = arith.constant 1 : i32
        %ge3A_120 = arith.cmpi sge, %add3A_118, %ge3A_119 : i32
        %convert_element_type3A_121 = arith.extui %ge3A_120 : i1 to i32
        %cond3A_122 = arith.constant 0 : i32
        %cond3A_123 = arith.cmpi ne, %convert_element_type3A_121, %cond3A_122 : i32
        scf.if %cond3A_123 {
          %dma_wait3A_129 = arith.constant 0 : i32
          %dma_wait3A_130 = arith.constant 0 : i32
          %dma_wait3A_131 = tpu.memref_slice %arg6[%dma_wait3A_129, %dma_wait3A_130] : memref<125x80xi32, #tpu.memory_space<vmem>> -> memref<1x80xi32, #tpu.memory_space<vmem>>
          %dma_wait3A_132 = tpu.memref_squeeze %dma_wait3A_131 : memref<1x80xi32, #tpu.memory_space<vmem>> -> memref<80xi32, #tpu.memory_space<vmem>>
          %dma_wait3A_133 = arith.constant 0 : i32
          %dma_wait3A_134 = arith.constant 0 : i32
          %dma_wait3A_135 = tpu.memref_slice %arg10[%dma_wait3A_133, %dma_wait3A_134] : memref<10008x256xbf16, #tpu.memory_space<vmem_shared>> -> memref<10008x256xbf16, #tpu.memory_space<vmem_shared>>
          tpu.wait_indirect_dma semaphore(%arg14 : memref<!tpu.dma_semaphore, #tpu.memory_space<semaphore_mem>>) src(%arg7 : memref<80x256xbf16, #tpu.memory_space<vmem>>) dst(%dma_wait3A_135 : memref<10008x256xbf16, #tpu.memory_space<vmem_shared>>)
        } else {
        }
        %lt3A_124 = arith.constant 125 : i32
        %lt3A_125 = arith.cmpi slt, %add3A_99, %lt3A_124 : i32
        %convert_element_type3A_126 = arith.extui %lt3A_125 : i1 to i32
        %cond3A_127 = arith.constant 0 : i32
        %cond3A_128 = arith.cmpi ne, %convert_element_type3A_126, %cond3A_127 : i32
        scf.if %cond3A_128 {
          %dma_start3A_129 = arith.constant 0 : i32
          %dma_start3A_130 = tpu.memref_slice %arg5[%add3A_99, %dma_start3A_129] : memref<125x80xi32, #tpu.memory_space<vmem>> -> memref<1x80xi32, #tpu.memory_space<vmem>>
          %dma_start3A_131 = tpu.memref_squeeze %dma_start3A_130 : memref<1x80xi32, #tpu.memory_space<vmem>> -> memref<80xi32, #tpu.memory_space<vmem>>
          %dma_start3A_132 = arith.constant 0 : i32
          %dma_start3A_133 = arith.constant 0 : i32
          %dma_start3A_134 = tpu.memref_slice %arg2[%arg0, %dma_start3A_132, %dma_start3A_133] : memref<2x10008x256xbf16, #tpu.memory_space<hbm>> -> memref<1x10008x256xbf16, #tpu.memory_space<hbm>>
          %dma_start3A_135 = tpu.memref_squeeze %dma_start3A_134 : memref<1x10008x256xbf16, #tpu.memory_space<hbm>> -> memref<10008x256xbf16, #tpu.memory_space<hbm>>
          %dma_start3A_136 = arith.constant 0 : i32
          %dma_start3A_137 = arith.constant 0 : i32
          %dma_start3A_138 = tpu.memref_slice %dma_start3A_135[%dma_start3A_136, %dma_start3A_137] : memref<10008x256xbf16, #tpu.memory_space<hbm>> -> memref<10008x256xbf16, #tpu.memory_space<hbm>>
          tpu.enqueue_indirect_dma source(%dma_start3A_138 : memref<10008x256xbf16, #tpu.memory_space<hbm>>) target(%arg7 : memref<80x256xbf16, #tpu.memory_space<vmem>>) offsets(%dma_start3A_131 : memref<80xi32, #tpu.memory_space<vmem>>) semaphore(%arg11 : memref<!tpu.dma_semaphore, #tpu.memory_space<semaphore_mem>>)
        } else {
        }
      } else {
      }
      %add3A_89 = arith.constant 2 : i32
      %add3A_90 = arith.addi %mul3A_51, %add3A_89 : i32
      %lt3A_91 = arith.constant 125 : i32
      %lt3A_92 = arith.cmpi slt, %add3A_90, %lt3A_91 : i32
      %convert_element_type3A_93 = arith.extui %lt3A_92 : i1 to i32
      %cond3A_94 = arith.constant 0 : i32
      %cond3A_95 = arith.cmpi ne, %convert_element_type3A_93, %cond3A_94 : i32
      scf.if %cond3A_95 {
        %add3A_96 = arith.constant 2 : i32
        %add3A_97 = arith.addi %mul3A_51, %add3A_96 : i32
        %add3A_98 = arith.constant 4 : i32
        %add3A_99 = arith.addi %mul3A_51, %add3A_98 : i32
        %dma_wait3A_100 = arith.constant 0 : i32
        %dma_wait3A_101 = arith.constant 0 : i32
        %dma_wait3A_102 = tpu.memref_slice %arg5[%dma_wait3A_100, %dma_wait3A_101] : memref<125x80xi32, #tpu.memory_space<vmem>> -> memref<1x80xi32, #tpu.memory_space<vmem>>
        %dma_wait3A_103 = tpu.memref_squeeze %dma_wait3A_102 : memref<1x80xi32, #tpu.memory_space<vmem>> -> memref<80xi32, #tpu.memory_space<vmem>>
        %dma_wait3A_104 = arith.constant 0 : i32
        %dma_wait3A_105 = arith.constant 0 : i32
        %dma_wait3A_106 = tpu.memref_slice %arg2[%arg0, %dma_wait3A_104, %dma_wait3A_105] : memref<2x10008x256xbf16, #tpu.memory_space<hbm>> -> memref<1x10008x256xbf16, #tpu.memory_space<hbm>>
        %dma_wait3A_107 = tpu.memref_squeeze %dma_wait3A_106 : memref<1x10008x256xbf16, #tpu.memory_space<hbm>> -> memref<10008x256xbf16, #tpu.memory_space<hbm>>
        %dma_wait3A_108 = arith.constant 0 : i32
        %dma_wait3A_109 = arith.constant 0 : i32
        %dma_wait3A_110 = tpu.memref_slice %dma_wait3A_107[%dma_wait3A_108, %dma_wait3A_109] : memref<10008x256xbf16, #tpu.memory_space<hbm>> -> memref<10008x256xbf16, #tpu.memory_space<hbm>>
        tpu.wait_indirect_dma semaphore(%arg13 : memref<!tpu.dma_semaphore, #tpu.memory_space<semaphore_mem>>) src(%dma_wait3A_110 : memref<10008x256xbf16, #tpu.memory_space<hbm>>) dst(%arg9 : memref<80x256xbf16, #tpu.memory_space<vmem>>)
        %dma_start3A_111 = arith.constant 0 : i32
        %dma_start3A_112 = tpu.memref_slice %arg6[%add3A_97, %dma_start3A_111] : memref<125x80xi32, #tpu.memory_space<vmem>> -> memref<1x80xi32, #tpu.memory_space<vmem>>
        %dma_start3A_113 = tpu.memref_squeeze %dma_start3A_112 : memref<1x80xi32, #tpu.memory_space<vmem>> -> memref<80xi32, #tpu.memory_space<vmem>>
        %dma_start3A_114 = arith.constant 0 : i32
        %dma_start3A_115 = arith.constant 0 : i32
        %dma_start3A_116 = tpu.memref_slice %arg10[%dma_start3A_114, %dma_start3A_115] : memref<10008x256xbf16, #tpu.memory_space<vmem_shared>> -> memref<10008x256xbf16, #tpu.memory_space<vmem_shared>>
        tpu.enqueue_indirect_dma source(%arg9 : memref<80x256xbf16, #tpu.memory_space<vmem>>) target(%dma_start3A_116 : memref<10008x256xbf16, #tpu.memory_space<vmem_shared>>) offsets(%dma_start3A_113 : memref<80xi32, #tpu.memory_space<vmem>>) semaphore(%arg16 : memref<!tpu.dma_semaphore, #tpu.memory_space<semaphore_mem>>) {add = true}
        %add3A_117 = arith.constant 2 : i32
        %add3A_118 = arith.addi %mul3A_51, %add3A_117 : i32
        %ge3A_119 = arith.constant 1 : i32
        %ge3A_120 = arith.cmpi sge, %add3A_118, %ge3A_119 : i32
        %convert_element_type3A_121 = arith.extui %ge3A_120 : i1 to i32
        %cond3A_122 = arith.constant 0 : i32
        %cond3A_123 = arith.cmpi ne, %convert_element_type3A_121, %cond3A_122 : i32
        scf.if %cond3A_123 {
          %dma_wait3A_129 = arith.constant 0 : i32
          %dma_wait3A_130 = arith.constant 0 : i32
          %dma_wait3A_131 = tpu.memref_slice %arg6[%dma_wait3A_129, %dma_wait3A_130] : memref<125x80xi32, #tpu.memory_space<vmem>> -> memref<1x80xi32, #tpu.memory_space<vmem>>
          %dma_wait3A_132 = tpu.memref_squeeze %dma_wait3A_131 : memref<1x80xi32, #tpu.memory_space<vmem>> -> memref<80xi32, #tpu.memory_space<vmem>>
          %dma_wait3A_133 = arith.constant 0 : i32
          %dma_wait3A_134 = arith.constant 0 : i32
          %dma_wait3A_135 = tpu.memref_slice %arg10[%dma_wait3A_133, %dma_wait3A_134] : memref<10008x256xbf16, #tpu.memory_space<vmem_shared>> -> memref<10008x256xbf16, #tpu.memory_space<vmem_shared>>
          tpu.wait_indirect_dma semaphore(%arg15 : memref<!tpu.dma_semaphore, #tpu.memory_space<semaphore_mem>>) src(%arg8 : memref<80x256xbf16, #tpu.memory_space<vmem>>) dst(%dma_wait3A_135 : memref<10008x256xbf16, #tpu.memory_space<vmem_shared>>)
        } else {
        }
        %lt3A_124 = arith.constant 125 : i32
        %lt3A_125 = arith.cmpi slt, %add3A_99, %lt3A_124 : i32
        %convert_element_type3A_126 = arith.extui %lt3A_125 : i1 to i32
        %cond3A_127 = arith.constant 0 : i32
        %cond3A_128 = arith.cmpi ne, %convert_element_type3A_126, %cond3A_127 : i32
        scf.if %cond3A_128 {
          %dma_start3A_129 = arith.constant 0 : i32
          %dma_start3A_130 = tpu.memref_slice %arg5[%add3A_99, %dma_start3A_129] : memref<125x80xi32, #tpu.memory_space<vmem>> -> memref<1x80xi32, #tpu.memory_space<vmem>>
          %dma_start3A_131 = tpu.memref_squeeze %dma_start3A_130 : memref<1x80xi32, #tpu.memory_space<vmem>> -> memref<80xi32, #tpu.memory_space<vmem>>
          %dma_start3A_132 = arith.constant 0 : i32
          %dma_start3A_133 = arith.constant 0 : i32
          %dma_start3A_134 = tpu.memref_slice %arg2[%arg0, %dma_start3A_132, %dma_start3A_133] : memref<2x10008x256xbf16, #tpu.memory_space<hbm>> -> memref<1x10008x256xbf16, #tpu.memory_space<hbm>>
          %dma_start3A_135 = tpu.memref_squeeze %dma_start3A_134 : memref<1x10008x256xbf16, #tpu.memory_space<hbm>> -> memref<10008x256xbf16, #tpu.memory_space<hbm>>
          %dma_start3A_136 = arith.constant 0 : i32
          %dma_start3A_137 = arith.constant 0 : i32
          %dma_start3A_138 = tpu.memref_slice %dma_start3A_135[%dma_start3A_136, %dma_start3A_137] : memref<10008x256xbf16, #tpu.memory_space<hbm>> -> memref<10008x256xbf16, #tpu.memory_space<hbm>>
          tpu.enqueue_indirect_dma source(%dma_start3A_138 : memref<10008x256xbf16, #tpu.memory_space<hbm>>) target(%arg8 : memref<80x256xbf16, #tpu.memory_space<vmem>>) offsets(%dma_start3A_131 : memref<80xi32, #tpu.memory_space<vmem>>) semaphore(%arg12 : memref<!tpu.dma_semaphore, #tpu.memory_space<semaphore_mem>>)
        } else {
        }
      } else {
      }
    }
    %scan3A_32 = arith.constant 42 : i32
    %dma_wait3A = arith.constant 0 : i32
    %dma_wait3A_33 = arith.constant 0 : i32
    %dma_wait3A_34 = tpu.memref_slice %arg6[%dma_wait3A, %dma_wait3A_33] : memref<125x80xi32, #tpu.memory_space<vmem>> -> memref<1x80xi32, #tpu.memory_space<vmem>>
    %dma_wait3A_35 = tpu.memref_squeeze %dma_wait3A_34 : memref<1x80xi32, #tpu.memory_space<vmem>> -> memref<80xi32, #tpu.memory_space<vmem>>
    %dma_wait3A_36 = arith.constant 0 : i32
    %dma_wait3A_37 = arith.constant 0 : i32
    %dma_wait3A_38 = tpu.memref_slice %arg10[%dma_wait3A_36, %dma_wait3A_37] : memref<10008x256xbf16, #tpu.memory_space<vmem_shared>> -> memref<10008x256xbf16, #tpu.memory_space<vmem_shared>>
    tpu.wait_indirect_dma semaphore(%arg15 : memref<!tpu.dma_semaphore, #tpu.memory_space<semaphore_mem>>) src(%arg8 : memref<80x256xbf16, #tpu.memory_space<vmem>>) dst(%dma_wait3A_38 : memref<10008x256xbf16, #tpu.memory_space<vmem_shared>>)
    %barrier3A_39 = arith.constant 0 : index
    tpu.barrier barrier_id(%barrier3A_39)
    %lt3A_40 = arith.constant 15 : i32
    %lt3A_41 = arith.cmpi slt, %arg1, %lt3A_40 : i32
    %convert_element_type3A_42 = arith.extui %lt3A_41 : i1 to i32
    %cond3A_43 = arith.constant 0 : i32
    %cond3A_44 = arith.cmpi ne, %convert_element_type3A_42, %cond3A_43 : i32
    scf.if %cond3A_44 {
      %mul3A = arith.constant 632 : i32
      %mul3A_50 = arith.muli %arg1, %mul3A : i32
      %mul3A_51 = arith.constant 632 : i32
      %mul3A_52 = arith.muli %arg1, %mul3A_51 : i32
      "tpu.region"() ({
        %run_scoped3A = tpu.sem_alloc : memref<!tpu.dma_semaphore, #tpu.memory_space<semaphore_mem>>
        %dma_start3A_53 = arith.constant 0 : i32
        %dma_start3A_54 = arith.constant 0 : i32
        %dma_start3A_55 = tpu.memref_slice %arg4[%arg0, %dma_start3A_53, %dma_start3A_54] : memref<2x10008x256xbf16, #tpu.memory_space<hbm>> -> memref<1x10008x256xbf16, #tpu.memory_space<hbm>>
        %dma_start3A_56 = tpu.memref_squeeze %dma_start3A_55 : memref<1x10008x256xbf16, #tpu.memory_space<hbm>> -> memref<10008x256xbf16, #tpu.memory_space<hbm>>
        %dma_start3A_57 = arith.constant 0 : i32
        %dma_start3A_58 = tpu.memref_slice %dma_start3A_56[%mul3A_52, %dma_start3A_57] : memref<10008x256xbf16, #tpu.memory_space<hbm>> -> memref<632x256xbf16, #tpu.memory_space<hbm>>
        %dma_start3A_59 = arith.constant 0 : i32
        %dma_start3A_60 = tpu.memref_slice %arg10[%mul3A_50, %dma_start3A_59] : memref<10008x256xbf16, #tpu.memory_space<vmem_shared>> -> memref<632x256xbf16, #tpu.memory_space<vmem_shared>>
        tpu.enqueue_dma source(%dma_start3A_60 : memref<632x256xbf16, #tpu.memory_space<vmem_shared>>) target(%dma_start3A_58 : memref<632x256xbf16, #tpu.memory_space<hbm>>) target_semaphore(%run_scoped3A : memref<!tpu.dma_semaphore, #tpu.memory_space<semaphore_mem>>)
        %dma_wait3A_61 = arith.constant 0 : i32
        %dma_wait3A_62 = arith.constant 0 : i32
        %dma_wait3A_63 = tpu.memref_slice %arg4[%arg0, %dma_wait3A_61, %dma_wait3A_62] : memref<2x10008x256xbf16, #tpu.memory_space<hbm>> -> memref<1x10008x256xbf16, #tpu.memory_space<hbm>>
        %dma_wait3A_64 = tpu.memref_squeeze %dma_wait3A_63 : memref<1x10008x256xbf16, #tpu.memory_space<hbm>> -> memref<10008x256xbf16, #tpu.memory_space<hbm>>
        %dma_wait3A_65 = arith.constant 0 : i32
        %dma_wait3A_66 = tpu.memref_slice %dma_wait3A_64[%mul3A_52, %dma_wait3A_65] : memref<10008x256xbf16, #tpu.memory_space<hbm>> -> memref<632x256xbf16, #tpu.memory_space<hbm>>
        %dma_wait3A_67 = arith.constant 0 : i32
        %dma_wait3A_68 = tpu.memref_slice %arg10[%mul3A_50, %dma_wait3A_67] : memref<10008x256xbf16, #tpu.memory_space<vmem_shared>> -> memref<632x256xbf16, #tpu.memory_space<vmem_shared>>
        tpu.wait_dma2 semaphore(%run_scoped3A : memref<!tpu.dma_semaphore, #tpu.memory_space<semaphore_mem>>) src(%dma_wait3A_68 : memref<632x256xbf16, #tpu.memory_space<vmem_shared>>) dst(%dma_wait3A_66 : memref<632x256xbf16, #tpu.memory_space<hbm>>)
        tpu.yield
      }) : () -> ()
    } else {
    }
    %eq3A_45 = arith.constant 15 : i32
    %eq3A_46 = arith.cmpi eq, %arg1, %eq3A_45 : i32
    %convert_element_type3A_47 = arith.extui %eq3A_46 : i1 to i32
    %cond3A_48 = arith.constant 0 : i32
    %cond3A_49 = arith.cmpi ne, %convert_element_type3A_47, %cond3A_48 : i32
    scf.if %cond3A_49 {
      "tpu.region"() ({
        %run_scoped3A = tpu.sem_alloc : memref<!tpu.dma_semaphore, #tpu.memory_space<semaphore_mem>>
        %dma_start3A_50 = arith.constant 0 : i32
        %dma_start3A_51 = arith.constant 0 : i32
        %dma_start3A_52 = tpu.memref_slice %arg4[%arg0, %dma_start3A_50, %dma_start3A_51] : memref<2x10008x256xbf16, #tpu.memory_space<hbm>> -> memref<1x10008x256xbf16, #tpu.memory_space<hbm>>
        %dma_start3A_53 = tpu.memref_squeeze %dma_start3A_52 : memref<1x10008x256xbf16, #tpu.memory_space<hbm>> -> memref<10008x256xbf16, #tpu.memory_space<hbm>>
        %dma_start3A_54 = arith.constant 9480 : i32
        %dma_start3A_55 = arith.constant 0 : i32
        %dma_start3A_56 = tpu.memref_slice %dma_start3A_53[%dma_start3A_54, %dma_start3A_55] : memref<10008x256xbf16, #tpu.memory_space<hbm>> -> memref<528x256xbf16, #tpu.memory_space<hbm>>
        %dma_start3A_57 = arith.constant 9480 : i32
        %dma_start3A_58 = arith.constant 0 : i32
        %dma_start3A_59 = tpu.memref_slice %arg10[%dma_start3A_57, %dma_start3A_58] : memref<10008x256xbf16, #tpu.memory_space<vmem_shared>> -> memref<528x256xbf16, #tpu.memory_space<vmem_shared>>
        tpu.enqueue_dma source(%dma_start3A_59 : memref<528x256xbf16, #tpu.memory_space<vmem_shared>>) target(%dma_start3A_56 : memref<528x256xbf16, #tpu.memory_space<hbm>>) target_semaphore(%run_scoped3A : memref<!tpu.dma_semaphore, #tpu.memory_space<semaphore_mem>>)
        %dma_wait3A_60 = arith.constant 0 : i32
        %dma_wait3A_61 = arith.constant 0 : i32
        %dma_wait3A_62 = tpu.memref_slice %arg4[%arg0, %dma_wait3A_60, %dma_wait3A_61] : memref<2x10008x256xbf16, #tpu.memory_space<hbm>> -> memref<1x10008x256xbf16, #tpu.memory_space<hbm>>
        %dma_wait3A_63 = tpu.memref_squeeze %dma_wait3A_62 : memref<1x10008x256xbf16, #tpu.memory_space<hbm>> -> memref<10008x256xbf16, #tpu.memory_space<hbm>>
        %dma_wait3A_64 = arith.constant 9480 : i32
        %dma_wait3A_65 = arith.constant 0 : i32
        %dma_wait3A_66 = tpu.memref_slice %dma_wait3A_63[%dma_wait3A_64, %dma_wait3A_65] : memref<10008x256xbf16, #tpu.memory_space<hbm>> -> memref<528x256xbf16, #tpu.memory_space<hbm>>
        %dma_wait3A_67 = arith.constant 9480 : i32
        %dma_wait3A_68 = arith.constant 0 : i32
        %dma_wait3A_69 = tpu.memref_slice %arg10[%dma_wait3A_67, %dma_wait3A_68] : memref<10008x256xbf16, #tpu.memory_space<vmem_shared>> -> memref<528x256xbf16, #tpu.memory_space<vmem_shared>>
        tpu.wait_dma2 semaphore(%run_scoped3A : memref<!tpu.dma_semaphore, #tpu.memory_space<semaphore_mem>>) src(%dma_wait3A_69 : memref<528x256xbf16, #tpu.memory_space<vmem_shared>>) dst(%dma_wait3A_66 : memref<528x256xbf16, #tpu.memory_space<hbm>>)
        tpu.yield
      }) : () -> ()
    } else {
    }
    return
  }
}

#map = affine_map<(d0, d1) -> (0, 0, 0)>
#map1 = affine_map<(d0, d1) -> (0, 0)>
module attributes {stable_mosaic.version = 14 : i64} {
  func.func @k(%arg0: i32, %arg1: i32, %arg2: memref<32x125x80xi32, #tpu.memory_space<hbm>>, %arg3: memref<10008x16xf32, #tpu.memory_space<hbm>>, %arg4: memref<125x80xi32, #tpu.memory_space<vmem>>, %arg5: memref<80x16xf32, #tpu.memory_space<vmem>>, %arg6: memref<632x16xf32, #tpu.memory_space<vmem>>, %arg7: memref<10008x16xf32, #tpu.memory_space<vmem_shared>>) attributes {dimension_semantics = [#tpu.dimension_semantics<core_parallel>, #tpu.dimension_semantics<subcore_parallel>], iteration_bounds = array<i64: 2, 16>, scalar_prefetch = 0 : i64, scratch_operands = 4 : i64, tpu.core_type = #tpu.core_type<sc_vector_subcore>, window_params = [{transform_indices = #map}, {transform_indices = #map1}]} {
    %eq3A = arith.constant 0 : i32
    %eq3A_0 = arith.cmpi eq, %arg0, %eq3A : i32
    %convert_element_type3A = arith.extui %eq3A_0 : i1 to i32
    %cond3A = arith.constant 0 : i32
    %cond3A_1 = arith.cmpi ne, %convert_element_type3A, %cond3A : i32
    scf.if %cond3A_1 {
      %add3A = arith.constant 16 : i32
      %add3A_2 = arith.addi %add3A, %arg1 : i32
      "tpu.region"() ({
        %run_scoped3A = tpu.sem_alloc : memref<!tpu.dma_semaphore, #tpu.memory_space<semaphore_mem>>
        %dma_start3A = arith.constant 0 : i32
        %dma_start3A_40 = arith.constant 0 : i32
        %dma_start3A_41 = tpu.memref_slice %arg2[%add3A_2, %dma_start3A, %dma_start3A_40] : memref<32x125x80xi32, #tpu.memory_space<hbm>> -> memref<1x125x80xi32, #tpu.memory_space<hbm>>
        %dma_start3A_42 = tpu.memref_squeeze %dma_start3A_41 : memref<1x125x80xi32, #tpu.memory_space<hbm>> -> memref<125x80xi32, #tpu.memory_space<hbm>>
        %dma_start3A_43 = arith.constant 0 : i32
        %dma_start3A_44 = arith.constant 0 : i32
        %dma_start3A_45 = tpu.memref_slice %arg2[%add3A_2, %dma_start3A_43, %dma_start3A_44] : memref<32x125x80xi32, #tpu.memory_space<hbm>> -> memref<1x125x80xi32, #tpu.memory_space<hbm>>
        %dma_start3A_46 = tpu.memref_squeeze %dma_start3A_45 : memref<1x125x80xi32, #tpu.memory_space<hbm>> -> memref<125x80xi32, #tpu.memory_space<hbm>>
        tpu.enqueue_dma source(%dma_start3A_46 : memref<125x80xi32, #tpu.memory_space<hbm>>) target(%arg4 : memref<125x80xi32, #tpu.memory_space<vmem>>) target_semaphore(%run_scoped3A : memref<!tpu.dma_semaphore, #tpu.memory_space<semaphore_mem>>)
        %dma_wait3A = arith.constant 0 : i32
        %dma_wait3A_47 = arith.constant 0 : i32
        %dma_wait3A_48 = tpu.memref_slice %arg2[%add3A_2, %dma_wait3A, %dma_wait3A_47] : memref<32x125x80xi32, #tpu.memory_space<hbm>> -> memref<1x125x80xi32, #tpu.memory_space<hbm>>
        %dma_wait3A_49 = tpu.memref_squeeze %dma_wait3A_48 : memref<1x125x80xi32, #tpu.memory_space<hbm>> -> memref<125x80xi32, #tpu.memory_space<hbm>>
        %dma_wait3A_50 = arith.constant 0 : i32
        %dma_wait3A_51 = arith.constant 0 : i32
        %dma_wait3A_52 = tpu.memref_slice %arg2[%add3A_2, %dma_wait3A_50, %dma_wait3A_51] : memref<32x125x80xi32, #tpu.memory_space<hbm>> -> memref<1x125x80xi32, #tpu.memory_space<hbm>>
        %dma_wait3A_53 = tpu.memref_squeeze %dma_wait3A_52 : memref<1x125x80xi32, #tpu.memory_space<hbm>> -> memref<125x80xi32, #tpu.memory_space<hbm>>
        tpu.wait_dma2 semaphore(%run_scoped3A : memref<!tpu.dma_semaphore, #tpu.memory_space<semaphore_mem>>) src(%dma_wait3A_53 : memref<125x80xi32, #tpu.memory_space<hbm>>) dst(%arg4 : memref<125x80xi32, #tpu.memory_space<vmem>>)
        tpu.yield
      }) : () -> ()
      %scan3A = arith.constant 0 : i32
      %scan3A_3 = arith.constant 0 : i32
      %scan3A_4 = arith.constant 80 : i32
      %scan3A_5 = arith.addi %scan3A_3, %scan3A_4 : i32
      %scan3A_6 = arith.constant 1 : i32
      scf.for %scan3A_40 = %scan3A_3 to %scan3A_5 step %scan3A_6  : i32 {
        %broadcast_in_dim3A = arith.constant 1.000000e+00 : f32
        %broadcast_in_dim3A_41 = vector.broadcast %broadcast_in_dim3A : f32 to vector<16xf32>
        %swap3A = arith.index_cast %scan3A_40 : i32 to index
        %swap3A_42 = arith.constant 0 : index
        %swap3A_43 = tpu.vector_load %arg5[%swap3A, %swap3A_42] {strides = array<i32>} : memref<80x16xf32, #tpu.memory_space<vmem>>, vector<1x16xf32>,
        %swap3A_44 = vector.shape_cast %swap3A_43 : vector<1x16xf32> to vector<16xf32>
        %swap3A_45 = vector.shape_cast %broadcast_in_dim3A_41 : vector<16xf32> to vector<1x16xf32>
        tpu.vector_store %arg5[%swap3A, %swap3A_42], %swap3A_45 {strides = array<i32>} : memref<80x16xf32, #tpu.memory_space<vmem>>, vector<1x16xf32>,
      }
      %scan3A_7 = arith.constant 80 : i32
      %scan3A_8 = arith.constant 0 : i32
      %scan3A_9 = arith.constant 0 : i32
      %scan3A_10 = arith.constant 632 : i32
      %scan3A_11 = arith.addi %scan3A_9, %scan3A_10 : i32
      %scan3A_12 = arith.constant 1 : i32
      scf.for %scan3A_40 = %scan3A_9 to %scan3A_11 step %scan3A_12  : i32 {
        %broadcast_in_dim3A = arith.constant 1.000000e+00 : f32
        %broadcast_in_dim3A_41 = vector.broadcast %broadcast_in_dim3A : f32 to vector<16xf32>
        %swap3A = arith.index_cast %scan3A_40 : i32 to index
        %swap3A_42 = arith.constant 0 : index
        %swap3A_43 = tpu.vector_load %arg6[%swap3A, %swap3A_42] {strides = array<i32>} : memref<632x16xf32, #tpu.memory_space<vmem>>, vector<1x16xf32>,
        %swap3A_44 = vector.shape_cast %swap3A_43 : vector<1x16xf32> to vector<16xf32>
        %swap3A_45 = vector.shape_cast %broadcast_in_dim3A_41 : vector<16xf32> to vector<1x16xf32>
        tpu.vector_store %arg6[%swap3A, %swap3A_42], %swap3A_45 {strides = array<i32>} : memref<632x16xf32, #tpu.memory_space<vmem>>, vector<1x16xf32>,
      }
      %scan3A_13 = arith.constant 632 : i32
      %lt3A = arith.constant 15 : i32
      %lt3A_14 = arith.cmpi slt, %arg1, %lt3A : i32
      %convert_element_type3A_15 = arith.extui %lt3A_14 : i1 to i32
      %cond3A_16 = arith.constant 0 : i32
      %cond3A_17 = arith.cmpi ne, %convert_element_type3A_15, %cond3A_16 : i32
      scf.if %cond3A_17 {
        %mul3A = arith.constant 632 : i32
        %mul3A_40 = arith.muli %arg1, %mul3A : i32
        "tpu.region"() ({
          %run_scoped3A = tpu.sem_alloc : memref<!tpu.dma_semaphore, #tpu.memory_space<semaphore_mem>>
          %dma_start3A = arith.constant 0 : i32
          %dma_start3A_41 = tpu.memref_slice %arg7[%mul3A_40, %dma_start3A] : memref<10008x16xf32, #tpu.memory_space<vmem_shared>> -> memref<632x16xf32, #tpu.memory_space<vmem_shared>>
          %dma_start3A_42 = arith.constant 0 : i32
          %dma_start3A_43 = tpu.memref_slice %arg7[%mul3A_40, %dma_start3A_42] : memref<10008x16xf32, #tpu.memory_space<vmem_shared>> -> memref<632x16xf32, #tpu.memory_space<vmem_shared>>
          tpu.enqueue_dma source(%arg6 : memref<632x16xf32, #tpu.memory_space<vmem>>) target(%dma_start3A_43 : memref<632x16xf32, #tpu.memory_space<vmem_shared>>) target_semaphore(%run_scoped3A : memref<!tpu.dma_semaphore, #tpu.memory_space<semaphore_mem>>)
          %dma_wait3A = arith.constant 0 : i32
          %dma_wait3A_44 = tpu.memref_slice %arg7[%mul3A_40, %dma_wait3A] : memref<10008x16xf32, #tpu.memory_space<vmem_shared>> -> memref<632x16xf32, #tpu.memory_space<vmem_shared>>
          %dma_wait3A_45 = arith.constant 0 : i32
          %dma_wait3A_46 = tpu.memref_slice %arg7[%mul3A_40, %dma_wait3A_45] : memref<10008x16xf32, #tpu.memory_space<vmem_shared>> -> memref<632x16xf32, #tpu.memory_space<vmem_shared>>
          tpu.wait_dma2 semaphore(%run_scoped3A : memref<!tpu.dma_semaphore, #tpu.memory_space<semaphore_mem>>) src(%arg6 : memref<632x16xf32, #tpu.memory_space<vmem>>) dst(%dma_wait3A_46 : memref<632x16xf32, #tpu.memory_space<vmem_shared>>)
          tpu.yield
        }) : () -> ()
      } else {
      }
      %eq3A_18 = arith.constant 15 : i32
      %eq3A_19 = arith.cmpi eq, %arg1, %eq3A_18 : i32
      %convert_element_type3A_20 = arith.extui %eq3A_19 : i1 to i32
      %cond3A_21 = arith.constant 0 : i32
      %cond3A_22 = arith.cmpi ne, %convert_element_type3A_20, %cond3A_21 : i32
      scf.if %cond3A_22 {
        "tpu.region"() ({
          %run_scoped3A = tpu.sem_alloc : memref<!tpu.dma_semaphore, #tpu.memory_space<semaphore_mem>>
          %dma_start3A = arith.constant 0 : i32
          %dma_start3A_40 = arith.constant 0 : i32
          %dma_start3A_41 = tpu.memref_slice %arg6[%dma_start3A, %dma_start3A_40] : memref<632x16xf32, #tpu.memory_space<vmem>> -> memref<528x16xf32, #tpu.memory_space<vmem>>
          %dma_start3A_42 = arith.constant 9480 : i32
          %dma_start3A_43 = arith.constant 0 : i32
          %dma_start3A_44 = tpu.memref_slice %arg7[%dma_start3A_42, %dma_start3A_43] : memref<10008x16xf32, #tpu.memory_space<vmem_shared>> -> memref<528x16xf32, #tpu.memory_space<vmem_shared>>
          %dma_start3A_45 = arith.constant 9480 : i32
          %dma_start3A_46 = arith.constant 0 : i32
          %dma_start3A_47 = tpu.memref_slice %arg7[%dma_start3A_45, %dma_start3A_46] : memref<10008x16xf32, #tpu.memory_space<vmem_shared>> -> memref<528x16xf32, #tpu.memory_space<vmem_shared>>
          %dma_start3A_48 = arith.constant 0 : i32
          %dma_start3A_49 = arith.constant 0 : i32
          %dma_start3A_50 = tpu.memref_slice %arg6[%dma_start3A_48, %dma_start3A_49] : memref<632x16xf32, #tpu.memory_space<vmem>> -> memref<528x16xf32, #tpu.memory_space<vmem>>
          tpu.enqueue_dma source(%dma_start3A_50 : memref<528x16xf32, #tpu.memory_space<vmem>>) target(%dma_start3A_47 : memref<528x16xf32, #tpu.memory_space<vmem_shared>>) target_semaphore(%run_scoped3A : memref<!tpu.dma_semaphore, #tpu.memory_space<semaphore_mem>>)
          %dma_wait3A = arith.constant 0 : i32
          %dma_wait3A_51 = arith.constant 0 : i32
          %dma_wait3A_52 = tpu.memref_slice %arg6[%dma_wait3A, %dma_wait3A_51] : memref<632x16xf32, #tpu.memory_space<vmem>> -> memref<528x16xf32, #tpu.memory_space<vmem>>
          %dma_wait3A_53 = arith.constant 9480 : i32
          %dma_wait3A_54 = arith.constant 0 : i32
          %dma_wait3A_55 = tpu.memref_slice %arg7[%dma_wait3A_53, %dma_wait3A_54] : memref<10008x16xf32, #tpu.memory_space<vmem_shared>> -> memref<528x16xf32, #tpu.memory_space<vmem_shared>>
          %dma_wait3A_56 = arith.constant 9480 : i32
          %dma_wait3A_57 = arith.constant 0 : i32
          %dma_wait3A_58 = tpu.memref_slice %arg7[%dma_wait3A_56, %dma_wait3A_57] : memref<10008x16xf32, #tpu.memory_space<vmem_shared>> -> memref<528x16xf32, #tpu.memory_space<vmem_shared>>
          %dma_wait3A_59 = arith.constant 0 : i32
          %dma_wait3A_60 = arith.constant 0 : i32
          %dma_wait3A_61 = tpu.memref_slice %arg6[%dma_wait3A_59, %dma_wait3A_60] : memref<632x16xf32, #tpu.memory_space<vmem>> -> memref<528x16xf32, #tpu.memory_space<vmem>>
          tpu.wait_dma2 semaphore(%run_scoped3A : memref<!tpu.dma_semaphore, #tpu.memory_space<semaphore_mem>>) src(%dma_wait3A_61 : memref<528x16xf32, #tpu.memory_space<vmem>>) dst(%dma_wait3A_58 : memref<528x16xf32, #tpu.memory_space<vmem_shared>>)
          tpu.yield
        }) : () -> ()
      } else {
      }
      %barrier3A = arith.constant 0 : index
      tpu.barrier barrier_id(%barrier3A)
      %scan3A_23 = arith.constant 0 : i32
      %scan3A_24 = arith.constant 0 : i32
      %scan3A_25 = arith.constant 125 : i32
      %scan3A_26 = arith.addi %scan3A_24, %scan3A_25 : i32
      %scan3A_27 = arith.constant 1 : i32
      scf.for %scan3A_40 = %scan3A_24 to %scan3A_26 step %scan3A_27  : i32 {
        "tpu.region"() ({
          %run_scoped3A = tpu.sem_alloc : memref<!tpu.dma_semaphore, #tpu.memory_space<semaphore_mem>>
          %dma_start3A = arith.constant 0 : i32
          %dma_start3A_41 = tpu.memref_slice %arg4[%scan3A_40, %dma_start3A] : memref<125x80xi32, #tpu.memory_space<vmem>> -> memref<1x80xi32, #tpu.memory_space<vmem>>
          %dma_start3A_42 = tpu.memref_squeeze %dma_start3A_41 : memref<1x80xi32, #tpu.memory_space<vmem>> -> memref<80xi32, #tpu.memory_space<vmem>>
          %dma_start3A_43 = arith.constant 0 : i32
          %dma_start3A_44 = arith.constant 0 : i32
          %dma_start3A_45 = tpu.memref_slice %arg7[%dma_start3A_43, %dma_start3A_44] : memref<10008x16xf32, #tpu.memory_space<vmem_shared>> -> memref<10008x16xf32, #tpu.memory_space<vmem_shared>>
          tpu.enqueue_indirect_dma source(%arg5 : memref<80x16xf32, #tpu.memory_space<vmem>>) target(%dma_start3A_45 : memref<10008x16xf32, #tpu.memory_space<vmem_shared>>) offsets(%dma_start3A_42 : memref<80xi32, #tpu.memory_space<vmem>>) semaphore(%run_scoped3A : memref<!tpu.dma_semaphore, #tpu.memory_space<semaphore_mem>>) {add = true}
          %dma_wait3A = arith.constant 0 : i32
          %dma_wait3A_46 = tpu.memref_slice %arg4[%scan3A_40, %dma_wait3A] : memref<125x80xi32, #tpu.memory_space<vmem>> -> memref<1x80xi32, #tpu.memory_space<vmem>>
          %dma_wait3A_47 = tpu.memref_squeeze %dma_wait3A_46 : memref<1x80xi32, #tpu.memory_space<vmem>> -> memref<80xi32, #tpu.memory_space<vmem>>
          %dma_wait3A_48 = arith.constant 0 : i32
          %dma_wait3A_49 = arith.constant 0 : i32
          %dma_wait3A_50 = tpu.memref_slice %arg7[%dma_wait3A_48, %dma_wait3A_49] : memref<10008x16xf32, #tpu.memory_space<vmem_shared>> -> memref<10008x16xf32, #tpu.memory_space<vmem_shared>>
          tpu.wait_indirect_dma semaphore(%run_scoped3A : memref<!tpu.dma_semaphore, #tpu.memory_space<semaphore_mem>>) src(%arg5 : memref<80x16xf32, #tpu.memory_space<vmem>>) dst(%dma_wait3A_50 : memref<10008x16xf32, #tpu.memory_space<vmem_shared>>)
          tpu.yield
        }) : () -> ()
      }
      %scan3A_28 = arith.constant 125 : i32
      %barrier3A_29 = arith.constant 0 : index
      tpu.barrier barrier_id(%barrier3A_29)
      %lt3A_30 = arith.constant 15 : i32
      %lt3A_31 = arith.cmpi slt, %arg1, %lt3A_30 : i32
      %convert_element_type3A_32 = arith.extui %lt3A_31 : i1 to i32
      %cond3A_33 = arith.constant 0 : i32
      %cond3A_34 = arith.cmpi ne, %convert_element_type3A_32, %cond3A_33 : i32
      scf.if %cond3A_34 {
        %mul3A = arith.constant 632 : i32
        %mul3A_40 = arith.muli %arg1, %mul3A : i32
        %mul3A_41 = arith.constant 632 : i32
        %mul3A_42 = arith.muli %arg1, %mul3A_41 : i32
        "tpu.region"() ({
          %run_scoped3A = tpu.sem_alloc : memref<!tpu.dma_semaphore, #tpu.memory_space<semaphore_mem>>
          %dma_start3A = arith.constant 0 : i32
          %dma_start3A_43 = tpu.memref_slice %arg3[%mul3A_42, %dma_start3A] : memref<10008x16xf32, #tpu.memory_space<hbm>> -> memref<632x16xf32, #tpu.memory_space<hbm>>
          %dma_start3A_44 = arith.constant 0 : i32
          %dma_start3A_45 = tpu.memref_slice %arg7[%mul3A_40, %dma_start3A_44] : memref<10008x16xf32, #tpu.memory_space<vmem_shared>> -> memref<632x16xf32, #tpu.memory_space<vmem_shared>>
          tpu.enqueue_dma source(%dma_start3A_45 : memref<632x16xf32, #tpu.memory_space<vmem_shared>>) target(%dma_start3A_43 : memref<632x16xf32, #tpu.memory_space<hbm>>) target_semaphore(%run_scoped3A : memref<!tpu.dma_semaphore, #tpu.memory_space<semaphore_mem>>)
          %dma_wait3A = arith.constant 0 : i32
          %dma_wait3A_46 = tpu.memref_slice %arg3[%mul3A_42, %dma_wait3A] : memref<10008x16xf32, #tpu.memory_space<hbm>> -> memref<632x16xf32, #tpu.memory_space<hbm>>
          %dma_wait3A_47 = arith.constant 0 : i32
          %dma_wait3A_48 = tpu.memref_slice %arg7[%mul3A_40, %dma_wait3A_47] : memref<10008x16xf32, #tpu.memory_space<vmem_shared>> -> memref<632x16xf32, #tpu.memory_space<vmem_shared>>
          tpu.wait_dma2 semaphore(%run_scoped3A : memref<!tpu.dma_semaphore, #tpu.memory_space<semaphore_mem>>) src(%dma_wait3A_48 : memref<632x16xf32, #tpu.memory_space<vmem_shared>>) dst(%dma_wait3A_46 : memref<632x16xf32, #tpu.memory_space<hbm>>)
          tpu.yield
        }) : () -> ()
      } else {
      }
      %eq3A_35 = arith.constant 15 : i32
      %eq3A_36 = arith.cmpi eq, %arg1, %eq3A_35 : i32
      %convert_element_type3A_37 = arith.extui %eq3A_36 : i1 to i32
      %cond3A_38 = arith.constant 0 : i32
      %cond3A_39 = arith.cmpi ne, %convert_element_type3A_37, %cond3A_38 : i32
      scf.if %cond3A_39 {
        "tpu.region"() ({
          %run_scoped3A = tpu.sem_alloc : memref<!tpu.dma_semaphore, #tpu.memory_space<semaphore_mem>>
          %dma_start3A = arith.constant 9480 : i32
          %dma_start3A_40 = arith.constant 0 : i32
          %dma_start3A_41 = tpu.memref_slice %arg3[%dma_start3A, %dma_start3A_40] : memref<10008x16xf32, #tpu.memory_space<hbm>> -> memref<528x16xf32, #tpu.memory_space<hbm>>
          %dma_start3A_42 = arith.constant 9480 : i32
          %dma_start3A_43 = arith.constant 0 : i32
          %dma_start3A_44 = tpu.memref_slice %arg7[%dma_start3A_42, %dma_start3A_43] : memref<10008x16xf32, #tpu.memory_space<vmem_shared>> -> memref<528x16xf32, #tpu.memory_space<vmem_shared>>
          tpu.enqueue_dma source(%dma_start3A_44 : memref<528x16xf32, #tpu.memory_space<vmem_shared>>) target(%dma_start3A_41 : memref<528x16xf32, #tpu.memory_space<hbm>>) target_semaphore(%run_scoped3A : memref<!tpu.dma_semaphore, #tpu.memory_space<semaphore_mem>>)
          %dma_wait3A = arith.constant 9480 : i32
          %dma_wait3A_45 = arith.constant 0 : i32
          %dma_wait3A_46 = tpu.memref_slice %arg3[%dma_wait3A, %dma_wait3A_45] : memref<10008x16xf32, #tpu.memory_space<hbm>> -> memref<528x16xf32, #tpu.memory_space<hbm>>
          %dma_wait3A_47 = arith.constant 9480 : i32
          %dma_wait3A_48 = arith.constant 0 : i32
          %dma_wait3A_49 = tpu.memref_slice %arg7[%dma_wait3A_47, %dma_wait3A_48] : memref<10008x16xf32, #tpu.memory_space<vmem_shared>> -> memref<528x16xf32, #tpu.memory_space<vmem_shared>>
          tpu.wait_dma2 semaphore(%run_scoped3A : memref<!tpu.dma_semaphore, #tpu.memory_space<semaphore_mem>>) src(%dma_wait3A_49 : memref<528x16xf32, #tpu.memory_space<vmem_shared>>) dst(%dma_wait3A_46 : memref<528x16xf32, #tpu.memory_space<hbm>>)
          tpu.yield
        }) : () -> ()
      } else {
      }
    } else {
    }
    return
  }
}

#map = affine_map<(d0, d1) -> (0, 0, 0)>
module attributes {stable_mosaic.version = 14 : i64} {
  func.func @k(%arg0: i32, %arg1: i32, %arg2: memref<2x10008x128xf32, #tpu.memory_space<hbm>>, %arg3: memref<32x125x80xi32, #tpu.memory_space<hbm>>, %arg4: memref<2x10008x128xf32, #tpu.memory_space<hbm>>, %arg5: memref<125x80xi32, #tpu.memory_space<vmem>>, %arg6: memref<125x80xi32, #tpu.memory_space<vmem>>, %arg7: memref<80x128xf32, #tpu.memory_space<vmem>>, %arg8: memref<80x128xf32, #tpu.memory_space<vmem>>, %arg9: memref<80x128xf32, #tpu.memory_space<vmem>>, %arg10: memref<10008x128xf32, #tpu.memory_space<vmem_shared>>, %arg11: memref<!tpu.dma_semaphore, #tpu.memory_space<semaphore_mem>>, %arg12: memref<!tpu.dma_semaphore, #tpu.memory_space<semaphore_mem>>, %arg13: memref<!tpu.dma_semaphore, #tpu.memory_space<semaphore_mem>>, %arg14: memref<!tpu.dma_semaphore, #tpu.memory_space<semaphore_mem>>, %arg15: memref<!tpu.dma_semaphore, #tpu.memory_space<semaphore_mem>>, %arg16: memref<!tpu.dma_semaphore, #tpu.memory_space<semaphore_mem>>) attributes {dimension_semantics = [#tpu.dimension_semantics<core_parallel>, #tpu.dimension_semantics<subcore_parallel>], iteration_bounds = array<i64: 2, 16>, scalar_prefetch = 0 : i64, scratch_operands = 12 : i64, tpu.core_type = #tpu.core_type<sc_vector_subcore>, window_params = [{transform_indices = #map}, {transform_indices = #map}, {transform_indices = #map}]} {
    "tpu.region"() ({
      %run_scoped3A = tpu.sem_alloc : memref<!tpu.dma_semaphore, #tpu.memory_space<semaphore_mem>>
      %dma_start3A_50 = arith.constant 0 : i32
      %dma_start3A_51 = arith.constant 0 : i32
      %dma_start3A_52 = tpu.memref_slice %arg3[%arg1, %dma_start3A_50, %dma_start3A_51] : memref<32x125x80xi32, #tpu.memory_space<hbm>> -> memref<1x125x80xi32, #tpu.memory_space<hbm>>
      %dma_start3A_53 = tpu.memref_squeeze %dma_start3A_52 : memref<1x125x80xi32, #tpu.memory_space<hbm>> -> memref<125x80xi32, #tpu.memory_space<hbm>>
      %dma_start3A_54 = arith.constant 0 : i32
      %dma_start3A_55 = arith.constant 0 : i32
      %dma_start3A_56 = tpu.memref_slice %arg3[%arg1, %dma_start3A_54, %dma_start3A_55] : memref<32x125x80xi32, #tpu.memory_space<hbm>> -> memref<1x125x80xi32, #tpu.memory_space<hbm>>
      %dma_start3A_57 = tpu.memref_squeeze %dma_start3A_56 : memref<1x125x80xi32, #tpu.memory_space<hbm>> -> memref<125x80xi32, #tpu.memory_space<hbm>>
      tpu.enqueue_dma source(%dma_start3A_57 : memref<125x80xi32, #tpu.memory_space<hbm>>) target(%arg5 : memref<125x80xi32, #tpu.memory_space<vmem>>) target_semaphore(%run_scoped3A : memref<!tpu.dma_semaphore, #tpu.memory_space<semaphore_mem>>)
      %dma_wait3A_58 = arith.constant 0 : i32
      %dma_wait3A_59 = arith.constant 0 : i32
      %dma_wait3A_60 = tpu.memref_slice %arg3[%arg1, %dma_wait3A_58, %dma_wait3A_59] : memref<32x125x80xi32, #tpu.memory_space<hbm>> -> memref<1x125x80xi32, #tpu.memory_space<hbm>>
      %dma_wait3A_61 = tpu.memref_squeeze %dma_wait3A_60 : memref<1x125x80xi32, #tpu.memory_space<hbm>> -> memref<125x80xi32, #tpu.memory_space<hbm>>
      %dma_wait3A_62 = arith.constant 0 : i32
      %dma_wait3A_63 = arith.constant 0 : i32
      %dma_wait3A_64 = tpu.memref_slice %arg3[%arg1, %dma_wait3A_62, %dma_wait3A_63] : memref<32x125x80xi32, #tpu.memory_space<hbm>> -> memref<1x125x80xi32, #tpu.memory_space<hbm>>
      %dma_wait3A_65 = tpu.memref_squeeze %dma_wait3A_64 : memref<1x125x80xi32, #tpu.memory_space<hbm>> -> memref<125x80xi32, #tpu.memory_space<hbm>>
      tpu.wait_dma2 semaphore(%run_scoped3A : memref<!tpu.dma_semaphore, #tpu.memory_space<semaphore_mem>>) src(%dma_wait3A_65 : memref<125x80xi32, #tpu.memory_space<hbm>>) dst(%arg5 : memref<125x80xi32, #tpu.memory_space<vmem>>)
      tpu.yield
    }) : () -> ()
    %add3A = arith.constant 16 : i32
    %add3A_0 = arith.addi %add3A, %arg1 : i32
    "tpu.region"() ({
      %run_scoped3A = tpu.sem_alloc : memref<!tpu.dma_semaphore, #tpu.memory_space<semaphore_mem>>
      %dma_start3A_50 = arith.constant 0 : i32
      %dma_start3A_51 = arith.constant 0 : i32
      %dma_start3A_52 = tpu.memref_slice %arg3[%add3A_0, %dma_start3A_50, %dma_start3A_51] : memref<32x125x80xi32, #tpu.memory_space<hbm>> -> memref<1x125x80xi32, #tpu.memory_space<hbm>>
      %dma_start3A_53 = tpu.memref_squeeze %dma_start3A_52 : memref<1x125x80xi32, #tpu.memory_space<hbm>> -> memref<125x80xi32, #tpu.memory_space<hbm>>
      %dma_start3A_54 = arith.constant 0 : i32
      %dma_start3A_55 = arith.constant 0 : i32
      %dma_start3A_56 = tpu.memref_slice %arg3[%add3A_0, %dma_start3A_54, %dma_start3A_55] : memref<32x125x80xi32, #tpu.memory_space<hbm>> -> memref<1x125x80xi32, #tpu.memory_space<hbm>>
      %dma_start3A_57 = tpu.memref_squeeze %dma_start3A_56 : memref<1x125x80xi32, #tpu.memory_space<hbm>> -> memref<125x80xi32, #tpu.memory_space<hbm>>
      tpu.enqueue_dma source(%dma_start3A_57 : memref<125x80xi32, #tpu.memory_space<hbm>>) target(%arg6 : memref<125x80xi32, #tpu.memory_space<vmem>>) target_semaphore(%run_scoped3A : memref<!tpu.dma_semaphore, #tpu.memory_space<semaphore_mem>>)
      %dma_wait3A_58 = arith.constant 0 : i32
      %dma_wait3A_59 = arith.constant 0 : i32
      %dma_wait3A_60 = tpu.memref_slice %arg3[%add3A_0, %dma_wait3A_58, %dma_wait3A_59] : memref<32x125x80xi32, #tpu.memory_space<hbm>> -> memref<1x125x80xi32, #tpu.memory_space<hbm>>
      %dma_wait3A_61 = tpu.memref_squeeze %dma_wait3A_60 : memref<1x125x80xi32, #tpu.memory_space<hbm>> -> memref<125x80xi32, #tpu.memory_space<hbm>>
      %dma_wait3A_62 = arith.constant 0 : i32
      %dma_wait3A_63 = arith.constant 0 : i32
      %dma_wait3A_64 = tpu.memref_slice %arg3[%add3A_0, %dma_wait3A_62, %dma_wait3A_63] : memref<32x125x80xi32, #tpu.memory_space<hbm>> -> memref<1x125x80xi32, #tpu.memory_space<hbm>>
      %dma_wait3A_65 = tpu.memref_squeeze %dma_wait3A_64 : memref<1x125x80xi32, #tpu.memory_space<hbm>> -> memref<125x80xi32, #tpu.memory_space<hbm>>
      tpu.wait_dma2 semaphore(%run_scoped3A : memref<!tpu.dma_semaphore, #tpu.memory_space<semaphore_mem>>) src(%dma_wait3A_65 : memref<125x80xi32, #tpu.memory_space<hbm>>) dst(%arg6 : memref<125x80xi32, #tpu.memory_space<vmem>>)
      tpu.yield
    }) : () -> ()
    %dma_start3A = arith.constant 0 : i32
    %dma_start3A_1 = arith.constant 0 : i32
    %dma_start3A_2 = tpu.memref_slice %arg5[%dma_start3A, %dma_start3A_1] : memref<125x80xi32, #tpu.memory_space<vmem>> -> memref<1x80xi32, #tpu.memory_space<vmem>>
    %dma_start3A_3 = tpu.memref_squeeze %dma_start3A_2 : memref<1x80xi32, #tpu.memory_space<vmem>> -> memref<80xi32, #tpu.memory_space<vmem>>
    %dma_start3A_4 = arith.constant 0 : i32
    %dma_start3A_5 = arith.constant 0 : i32
    %dma_start3A_6 = tpu.memref_slice %arg2[%arg0, %dma_start3A_4, %dma_start3A_5] : memref<2x10008x128xf32, #tpu.memory_space<hbm>> -> memref<1x10008x128xf32, #tpu.memory_space<hbm>>
    %dma_start3A_7 = tpu.memref_squeeze %dma_start3A_6 : memref<1x10008x128xf32, #tpu.memory_space<hbm>> -> memref<10008x128xf32, #tpu.memory_space<hbm>>
    %dma_start3A_8 = arith.constant 0 : i32
    %dma_start3A_9 = arith.constant 0 : i32
    %dma_start3A_10 = tpu.memref_slice %dma_start3A_7[%dma_start3A_8, %dma_start3A_9] : memref<10008x128xf32, #tpu.memory_space<hbm>> -> memref<10008x128xf32, #tpu.memory_space<hbm>>
    tpu.enqueue_indirect_dma source(%dma_start3A_10 : memref<10008x128xf32, #tpu.memory_space<hbm>>) target(%arg7 : memref<80x128xf32, #tpu.memory_space<vmem>>) offsets(%dma_start3A_3 : memref<80xi32, #tpu.memory_space<vmem>>) semaphore(%arg11 : memref<!tpu.dma_semaphore, #tpu.memory_space<semaphore_mem>>)
    %dma_start3A_11 = arith.constant 1 : i32
    %dma_start3A_12 = arith.constant 0 : i32
    %dma_start3A_13 = tpu.memref_slice %arg5[%dma_start3A_11, %dma_start3A_12] : memref<125x80xi32, #tpu.memory_space<vmem>> -> memref<1x80xi32, #tpu.memory_space<vmem>>
    %dma_start3A_14 = tpu.memref_squeeze %dma_start3A_13 : memref<1x80xi32, #tpu.memory_space<vmem>> -> memref<80xi32, #tpu.memory_space<vmem>>
    %dma_start3A_15 = arith.constant 0 : i32
    %dma_start3A_16 = arith.constant 0 : i32
    %dma_start3A_17 = tpu.memref_slice %arg2[%arg0, %dma_start3A_15, %dma_start3A_16] : memref<2x10008x128xf32, #tpu.memory_space<hbm>> -> memref<1x10008x128xf32, #tpu.memory_space<hbm>>
    %dma_start3A_18 = tpu.memref_squeeze %dma_start3A_17 : memref<1x10008x128xf32, #tpu.memory_space<hbm>> -> memref<10008x128xf32, #tpu.memory_space<hbm>>
    %dma_start3A_19 = arith.constant 0 : i32
    %dma_start3A_20 = arith.constant 0 : i32
    %dma_start3A_21 = tpu.memref_slice %dma_start3A_18[%dma_start3A_19, %dma_start3A_20] : memref<10008x128xf32, #tpu.memory_space<hbm>> -> memref<10008x128xf32, #tpu.memory_space<hbm>>
    tpu.enqueue_indirect_dma source(%dma_start3A_21 : memref<10008x128xf32, #tpu.memory_space<hbm>>) target(%arg8 : memref<80x128xf32, #tpu.memory_space<vmem>>) offsets(%dma_start3A_14 : memref<80xi32, #tpu.memory_space<vmem>>) semaphore(%arg12 : memref<!tpu.dma_semaphore, #tpu.memory_space<semaphore_mem>>)
    %lt3A = arith.constant 15 : i32
    %lt3A_22 = arith.cmpi slt, %arg1, %lt3A : i32
    %convert_element_type3A = arith.extui %lt3A_22 : i1 to i32
    %cond3A = arith.constant 0 : i32
    %cond3A_23 = arith.cmpi ne, %convert_element_type3A, %cond3A : i32
    scf.if %cond3A_23 {
      %mul3A = arith.constant 632 : i32
      %mul3A_50 = arith.muli %arg1, %mul3A : i32
      %mul3A_51 = arith.constant 632 : i32
      %mul3A_52 = arith.muli %arg1, %mul3A_51 : i32
      "tpu.region"() ({
        %run_scoped3A = tpu.sem_alloc : memref<!tpu.dma_semaphore, #tpu.memory_space<semaphore_mem>>
        %dma_start3A_53 = arith.constant 0 : i32
        %dma_start3A_54 = tpu.memref_slice %arg10[%mul3A_52, %dma_start3A_53] : memref<10008x128xf32, #tpu.memory_space<vmem_shared>> -> memref<632x128xf32, #tpu.memory_space<vmem_shared>>
        %dma_start3A_55 = arith.constant 0 : i32
        %dma_start3A_56 = arith.constant 0 : i32
        %dma_start3A_57 = tpu.memref_slice %arg2[%arg0, %dma_start3A_55, %dma_start3A_56] : memref<2x10008x128xf32, #tpu.memory_space<hbm>> -> memref<1x10008x128xf32, #tpu.memory_space<hbm>>
        %dma_start3A_58 = tpu.memref_squeeze %dma_start3A_57 : memref<1x10008x128xf32, #tpu.memory_space<hbm>> -> memref<10008x128xf32, #tpu.memory_space<hbm>>
        %dma_start3A_59 = arith.constant 0 : i32
        %dma_start3A_60 = tpu.memref_slice %dma_start3A_58[%mul3A_50, %dma_start3A_59] : memref<10008x128xf32, #tpu.memory_space<hbm>> -> memref<632x128xf32, #tpu.memory_space<hbm>>
        tpu.enqueue_dma source(%dma_start3A_60 : memref<632x128xf32, #tpu.memory_space<hbm>>) target(%dma_start3A_54 : memref<632x128xf32, #tpu.memory_space<vmem_shared>>) target_semaphore(%run_scoped3A : memref<!tpu.dma_semaphore, #tpu.memory_space<semaphore_mem>>)
        %dma_wait3A_61 = arith.constant 0 : i32
        %dma_wait3A_62 = tpu.memref_slice %arg10[%mul3A_52, %dma_wait3A_61] : memref<10008x128xf32, #tpu.memory_space<vmem_shared>> -> memref<632x128xf32, #tpu.memory_space<vmem_shared>>
        %dma_wait3A_63 = arith.constant 0 : i32
        %dma_wait3A_64 = arith.constant 0 : i32
        %dma_wait3A_65 = tpu.memref_slice %arg2[%arg0, %dma_wait3A_63, %dma_wait3A_64] : memref<2x10008x128xf32, #tpu.memory_space<hbm>> -> memref<1x10008x128xf32, #tpu.memory_space<hbm>>
        %dma_wait3A_66 = tpu.memref_squeeze %dma_wait3A_65 : memref<1x10008x128xf32, #tpu.memory_space<hbm>> -> memref<10008x128xf32, #tpu.memory_space<hbm>>
        %dma_wait3A_67 = arith.constant 0 : i32
        %dma_wait3A_68 = tpu.memref_slice %dma_wait3A_66[%mul3A_50, %dma_wait3A_67] : memref<10008x128xf32, #tpu.memory_space<hbm>> -> memref<632x128xf32, #tpu.memory_space<hbm>>
        tpu.wait_dma2 semaphore(%run_scoped3A : memref<!tpu.dma_semaphore, #tpu.memory_space<semaphore_mem>>) src(%dma_wait3A_68 : memref<632x128xf32, #tpu.memory_space<hbm>>) dst(%dma_wait3A_62 : memref<632x128xf32, #tpu.memory_space<vmem_shared>>)
        tpu.yield
      }) : () -> ()
    } else {
    }
    %eq3A = arith.constant 15 : i32
    %eq3A_24 = arith.cmpi eq, %arg1, %eq3A : i32
    %convert_element_type3A_25 = arith.extui %eq3A_24 : i1 to i32
    %cond3A_26 = arith.constant 0 : i32
    %cond3A_27 = arith.cmpi ne, %convert_element_type3A_25, %cond3A_26 : i32
    scf.if %cond3A_27 {
      "tpu.region"() ({
        %run_scoped3A = tpu.sem_alloc : memref<!tpu.dma_semaphore, #tpu.memory_space<semaphore_mem>>
        %dma_start3A_50 = arith.constant 9480 : i32
        %dma_start3A_51 = arith.constant 0 : i32
        %dma_start3A_52 = tpu.memref_slice %arg10[%dma_start3A_50, %dma_start3A_51] : memref<10008x128xf32, #tpu.memory_space<vmem_shared>> -> memref<528x128xf32, #tpu.memory_space<vmem_shared>>
        %dma_start3A_53 = arith.constant 0 : i32
        %dma_start3A_54 = arith.constant 0 : i32
        %dma_start3A_55 = tpu.memref_slice %arg2[%arg0, %dma_start3A_53, %dma_start3A_54] : memref<2x10008x128xf32, #tpu.memory_space<hbm>> -> memref<1x10008x128xf32, #tpu.memory_space<hbm>>
        %dma_start3A_56 = tpu.memref_squeeze %dma_start3A_55 : memref<1x10008x128xf32, #tpu.memory_space<hbm>> -> memref<10008x128xf32, #tpu.memory_space<hbm>>
        %dma_start3A_57 = arith.constant 9480 : i32
        %dma_start3A_58 = arith.constant 0 : i32
        %dma_start3A_59 = tpu.memref_slice %dma_start3A_56[%dma_start3A_57, %dma_start3A_58] : memref<10008x128xf32, #tpu.memory_space<hbm>> -> memref<528x128xf32, #tpu.memory_space<hbm>>
        tpu.enqueue_dma source(%dma_start3A_59 : memref<528x128xf32, #tpu.memory_space<hbm>>) target(%dma_start3A_52 : memref<528x128xf32, #tpu.memory_space<vmem_shared>>) target_semaphore(%run_scoped3A : memref<!tpu.dma_semaphore, #tpu.memory_space<semaphore_mem>>)
        %dma_wait3A_60 = arith.constant 9480 : i32
        %dma_wait3A_61 = arith.constant 0 : i32
        %dma_wait3A_62 = tpu.memref_slice %arg10[%dma_wait3A_60, %dma_wait3A_61] : memref<10008x128xf32, #tpu.memory_space<vmem_shared>> -> memref<528x128xf32, #tpu.memory_space<vmem_shared>>
        %dma_wait3A_63 = arith.constant 0 : i32
        %dma_wait3A_64 = arith.constant 0 : i32
        %dma_wait3A_65 = tpu.memref_slice %arg2[%arg0, %dma_wait3A_63, %dma_wait3A_64] : memref<2x10008x128xf32, #tpu.memory_space<hbm>> -> memref<1x10008x128xf32, #tpu.memory_space<hbm>>
        %dma_wait3A_66 = tpu.memref_squeeze %dma_wait3A_65 : memref<1x10008x128xf32, #tpu.memory_space<hbm>> -> memref<10008x128xf32, #tpu.memory_space<hbm>>
        %dma_wait3A_67 = arith.constant 9480 : i32
        %dma_wait3A_68 = arith.constant 0 : i32
        %dma_wait3A_69 = tpu.memref_slice %dma_wait3A_66[%dma_wait3A_67, %dma_wait3A_68] : memref<10008x128xf32, #tpu.memory_space<hbm>> -> memref<528x128xf32, #tpu.memory_space<hbm>>
        tpu.wait_dma2 semaphore(%run_scoped3A : memref<!tpu.dma_semaphore, #tpu.memory_space<semaphore_mem>>) src(%dma_wait3A_69 : memref<528x128xf32, #tpu.memory_space<hbm>>) dst(%dma_wait3A_62 : memref<528x128xf32, #tpu.memory_space<vmem_shared>>)
        tpu.yield
      }) : () -> ()
    } else {
    }
    %barrier3A = arith.constant 0 : index
    tpu.barrier barrier_id(%barrier3A)
    %scan3A = arith.constant 0 : i32
    %scan3A_28 = arith.constant 0 : i32
    %scan3A_29 = arith.constant 42 : i32
    %scan3A_30 = arith.addi %scan3A_28, %scan3A_29 : i32
    %scan3A_31 = arith.constant 1 : i32
    scf.for %scan3A_50 = %scan3A_28 to %scan3A_30 step %scan3A_31  : i32 {
      %mul3A = arith.constant 3 : i32
      %mul3A_51 = arith.muli %mul3A, %scan3A_50 : i32
      %add3A_52 = arith.constant 2 : i32
      %add3A_53 = arith.addi %mul3A_51, %add3A_52 : i32
      %dma_wait3A_54 = arith.constant 0 : i32
      %dma_wait3A_55 = arith.constant 0 : i32
      %dma_wait3A_56 = tpu.memref_slice %arg5[%dma_wait3A_54, %dma_wait3A_55] : memref<125x80xi32, #tpu.memory_space<vmem>> -> memref<1x80xi32, #tpu.memory_space<vmem>>
      %dma_wait3A_57 = tpu.memref_squeeze %dma_wait3A_56 : memref<1x80xi32, #tpu.memory_space<vmem>> -> memref<80xi32, #tpu.memory_space<vmem>>
      %dma_wait3A_58 = arith.constant 0 : i32
      %dma_wait3A_59 = arith.constant 0 : i32
      %dma_wait3A_60 = tpu.memref_slice %arg2[%arg0, %dma_wait3A_58, %dma_wait3A_59] : memref<2x10008x128xf32, #tpu.memory_space<hbm>> -> memref<1x10008x128xf32, #tpu.memory_space<hbm>>
      %dma_wait3A_61 = tpu.memref_squeeze %dma_wait3A_60 : memref<1x10008x128xf32, #tpu.memory_space<hbm>> -> memref<10008x128xf32, #tpu.memory_space<hbm>>
      %dma_wait3A_62 = arith.constant 0 : i32
      %dma_wait3A_63 = arith.constant 0 : i32
      %dma_wait3A_64 = tpu.memref_slice %dma_wait3A_61[%dma_wait3A_62, %dma_wait3A_63] : memref<10008x128xf32, #tpu.memory_space<hbm>> -> memref<10008x128xf32, #tpu.memory_space<hbm>>
      tpu.wait_indirect_dma semaphore(%arg11 : memref<!tpu.dma_semaphore, #tpu.memory_space<semaphore_mem>>) src(%dma_wait3A_64 : memref<10008x128xf32, #tpu.memory_space<hbm>>) dst(%arg7 : memref<80x128xf32, #tpu.memory_space<vmem>>)
      %dma_start3A_65 = arith.constant 0 : i32
      %dma_start3A_66 = tpu.memref_slice %arg6[%mul3A_51, %dma_start3A_65] : memref<125x80xi32, #tpu.memory_space<vmem>> -> memref<1x80xi32, #tpu.memory_space<vmem>>
      %dma_start3A_67 = tpu.memref_squeeze %dma_start3A_66 : memref<1x80xi32, #tpu.memory_space<vmem>> -> memref<80xi32, #tpu.memory_space<vmem>>
      %dma_start3A_68 = arith.constant 0 : i32
      %dma_start3A_69 = arith.constant 0 : i32
      %dma_start3A_70 = tpu.memref_slice %arg10[%dma_start3A_68, %dma_start3A_69] : memref<10008x128xf32, #tpu.memory_space<vmem_shared>> -> memref<10008x128xf32, #tpu.memory_space<vmem_shared>>
      tpu.enqueue_indirect_dma source(%arg7 : memref<80x128xf32, #tpu.memory_space<vmem>>) target(%dma_start3A_70 : memref<10008x128xf32, #tpu.memory_space<vmem_shared>>) offsets(%dma_start3A_67 : memref<80xi32, #tpu.memory_space<vmem>>) semaphore(%arg14 : memref<!tpu.dma_semaphore, #tpu.memory_space<semaphore_mem>>) {add = true}
      %add3A_71 = arith.constant 0 : i32
      %add3A_72 = arith.addi %mul3A_51, %add3A_71 : i32
      %ge3A = arith.constant 1 : i32
      %ge3A_73 = arith.cmpi sge, %add3A_72, %ge3A : i32
      %convert_element_type3A_74 = arith.extui %ge3A_73 : i1 to i32
      %cond3A_75 = arith.constant 0 : i32
      %cond3A_76 = arith.cmpi ne, %convert_element_type3A_74, %cond3A_75 : i32
      scf.if %cond3A_76 {
        %dma_wait3A_96 = arith.constant 0 : i32
        %dma_wait3A_97 = arith.constant 0 : i32
        %dma_wait3A_98 = tpu.memref_slice %arg6[%dma_wait3A_96, %dma_wait3A_97] : memref<125x80xi32, #tpu.memory_space<vmem>> -> memref<1x80xi32, #tpu.memory_space<vmem>>
        %dma_wait3A_99 = tpu.memref_squeeze %dma_wait3A_98 : memref<1x80xi32, #tpu.memory_space<vmem>> -> memref<80xi32, #tpu.memory_space<vmem>>
        %dma_wait3A_100 = arith.constant 0 : i32
        %dma_wait3A_101 = arith.constant 0 : i32
        %dma_wait3A_102 = tpu.memref_slice %arg10[%dma_wait3A_100, %dma_wait3A_101] : memref<10008x128xf32, #tpu.memory_space<vmem_shared>> -> memref<10008x128xf32, #tpu.memory_space<vmem_shared>>
        tpu.wait_indirect_dma semaphore(%arg16 : memref<!tpu.dma_semaphore, #tpu.memory_space<semaphore_mem>>) src(%arg9 : memref<80x128xf32, #tpu.memory_space<vmem>>) dst(%dma_wait3A_102 : memref<10008x128xf32, #tpu.memory_space<vmem_shared>>)
      } else {
      }
      %lt3A_77 = arith.constant 125 : i32
      %lt3A_78 = arith.cmpi slt, %add3A_53, %lt3A_77 : i32
      %convert_element_type3A_79 = arith.extui %lt3A_78 : i1 to i32
      %cond3A_80 = arith.constant 0 : i32
      %cond3A_81 = arith.cmpi ne, %convert_element_type3A_79, %cond3A_80 : i32
      scf.if %cond3A_81 {
        %dma_start3A_96 = arith.constant 0 : i32
        %dma_start3A_97 = tpu.memref_slice %arg5[%add3A_53, %dma_start3A_96] : memref<125x80xi32, #tpu.memory_space<vmem>> -> memref<1x80xi32, #tpu.memory_space<vmem>>
        %dma_start3A_98 = tpu.memref_squeeze %dma_start3A_97 : memref<1x80xi32, #tpu.memory_space<vmem>> -> memref<80xi32, #tpu.memory_space<vmem>>
        %dma_start3A_99 = arith.constant 0 : i32
        %dma_start3A_100 = arith.constant 0 : i32
        %dma_start3A_101 = tpu.memref_slice %arg2[%arg0, %dma_start3A_99, %dma_start3A_100] : memref<2x10008x128xf32, #tpu.memory_space<hbm>> -> memref<1x10008x128xf32, #tpu.memory_space<hbm>>
        %dma_start3A_102 = tpu.memref_squeeze %dma_start3A_101 : memref<1x10008x128xf32, #tpu.memory_space<hbm>> -> memref<10008x128xf32, #tpu.memory_space<hbm>>
        %dma_start3A_103 = arith.constant 0 : i32
        %dma_start3A_104 = arith.constant 0 : i32
        %dma_start3A_105 = tpu.memref_slice %dma_start3A_102[%dma_start3A_103, %dma_start3A_104] : memref<10008x128xf32, #tpu.memory_space<hbm>> -> memref<10008x128xf32, #tpu.memory_space<hbm>>
        tpu.enqueue_indirect_dma source(%dma_start3A_105 : memref<10008x128xf32, #tpu.memory_space<hbm>>) target(%arg9 : memref<80x128xf32, #tpu.memory_space<vmem>>) offsets(%dma_start3A_98 : memref<80xi32, #tpu.memory_space<vmem>>) semaphore(%arg13 : memref<!tpu.dma_semaphore, #tpu.memory_space<semaphore_mem>>)
      } else {
      }
      %add3A_82 = arith.constant 1 : i32
      %add3A_83 = arith.addi %mul3A_51, %add3A_82 : i32
      %lt3A_84 = arith.constant 125 : i32
      %lt3A_85 = arith.cmpi slt, %add3A_83, %lt3A_84 : i32
      %convert_element_type3A_86 = arith.extui %lt3A_85 : i1 to i32
      %cond3A_87 = arith.constant 0 : i32
      %cond3A_88 = arith.cmpi ne, %convert_element_type3A_86, %cond3A_87 : i32
      scf.if %cond3A_88 {
        %add3A_96 = arith.constant 1 : i32
        %add3A_97 = arith.addi %mul3A_51, %add3A_96 : i32
        %add3A_98 = arith.constant 3 : i32
        %add3A_99 = arith.addi %mul3A_51, %add3A_98 : i32
        %dma_wait3A_100 = arith.constant 0 : i32
        %dma_wait3A_101 = arith.constant 0 : i32
        %dma_wait3A_102 = tpu.memref_slice %arg5[%dma_wait3A_100, %dma_wait3A_101] : memref<125x80xi32, #tpu.memory_space<vmem>> -> memref<1x80xi32, #tpu.memory_space<vmem>>
        %dma_wait3A_103 = tpu.memref_squeeze %dma_wait3A_102 : memref<1x80xi32, #tpu.memory_space<vmem>> -> memref<80xi32, #tpu.memory_space<vmem>>
        %dma_wait3A_104 = arith.constant 0 : i32
        %dma_wait3A_105 = arith.constant 0 : i32
        %dma_wait3A_106 = tpu.memref_slice %arg2[%arg0, %dma_wait3A_104, %dma_wait3A_105] : memref<2x10008x128xf32, #tpu.memory_space<hbm>> -> memref<1x10008x128xf32, #tpu.memory_space<hbm>>
        %dma_wait3A_107 = tpu.memref_squeeze %dma_wait3A_106 : memref<1x10008x128xf32, #tpu.memory_space<hbm>> -> memref<10008x128xf32, #tpu.memory_space<hbm>>
        %dma_wait3A_108 = arith.constant 0 : i32
        %dma_wait3A_109 = arith.constant 0 : i32
        %dma_wait3A_110 = tpu.memref_slice %dma_wait3A_107[%dma_wait3A_108, %dma_wait3A_109] : memref<10008x128xf32, #tpu.memory_space<hbm>> -> memref<10008x128xf32, #tpu.memory_space<hbm>>
        tpu.wait_indirect_dma semaphore(%arg12 : memref<!tpu.dma_semaphore, #tpu.memory_space<semaphore_mem>>) src(%dma_wait3A_110 : memref<10008x128xf32, #tpu.memory_space<hbm>>) dst(%arg8 : memref<80x128xf32, #tpu.memory_space<vmem>>)
        %dma_start3A_111 = arith.constant 0 : i32
        %dma_start3A_112 = tpu.memref_slice %arg6[%add3A_97, %dma_start3A_111] : memref<125x80xi32, #tpu.memory_space<vmem>> -> memref<1x80xi32, #tpu.memory_space<vmem>>
        %dma_start3A_113 = tpu.memref_squeeze %dma_start3A_112 : memref<1x80xi32, #tpu.memory_space<vmem>> -> memref<80xi32, #tpu.memory_space<vmem>>
        %dma_start3A_114 = arith.constant 0 : i32
        %dma_start3A_115 = arith.constant 0 : i32
        %dma_start3A_116 = tpu.memref_slice %arg10[%dma_start3A_114, %dma_start3A_115] : memref<10008x128xf32, #tpu.memory_space<vmem_shared>> -> memref<10008x128xf32, #tpu.memory_space<vmem_shared>>
        tpu.enqueue_indirect_dma source(%arg8 : memref<80x128xf32, #tpu.memory_space<vmem>>) target(%dma_start3A_116 : memref<10008x128xf32, #tpu.memory_space<vmem_shared>>) offsets(%dma_start3A_113 : memref<80xi32, #tpu.memory_space<vmem>>) semaphore(%arg15 : memref<!tpu.dma_semaphore, #tpu.memory_space<semaphore_mem>>) {add = true}
        %add3A_117 = arith.constant 1 : i32
        %add3A_118 = arith.addi %mul3A_51, %add3A_117 : i32
        %ge3A_119 = arith.constant 1 : i32
        %ge3A_120 = arith.cmpi sge, %add3A_118, %ge3A_119 : i32
        %convert_element_type3A_121 = arith.extui %ge3A_120 : i1 to i32
        %cond3A_122 = arith.constant 0 : i32
        %cond3A_123 = arith.cmpi ne, %convert_element_type3A_121, %cond3A_122 : i32
        scf.if %cond3A_123 {
          %dma_wait3A_129 = arith.constant 0 : i32
          %dma_wait3A_130 = arith.constant 0 : i32
          %dma_wait3A_131 = tpu.memref_slice %arg6[%dma_wait3A_129, %dma_wait3A_130] : memref<125x80xi32, #tpu.memory_space<vmem>> -> memref<1x80xi32, #tpu.memory_space<vmem>>
          %dma_wait3A_132 = tpu.memref_squeeze %dma_wait3A_131 : memref<1x80xi32, #tpu.memory_space<vmem>> -> memref<80xi32, #tpu.memory_space<vmem>>
          %dma_wait3A_133 = arith.constant 0 : i32
          %dma_wait3A_134 = arith.constant 0 : i32
          %dma_wait3A_135 = tpu.memref_slice %arg10[%dma_wait3A_133, %dma_wait3A_134] : memref<10008x128xf32, #tpu.memory_space<vmem_shared>> -> memref<10008x128xf32, #tpu.memory_space<vmem_shared>>
          tpu.wait_indirect_dma semaphore(%arg14 : memref<!tpu.dma_semaphore, #tpu.memory_space<semaphore_mem>>) src(%arg7 : memref<80x128xf32, #tpu.memory_space<vmem>>) dst(%dma_wait3A_135 : memref<10008x128xf32, #tpu.memory_space<vmem_shared>>)
        } else {
        }
        %lt3A_124 = arith.constant 125 : i32
        %lt3A_125 = arith.cmpi slt, %add3A_99, %lt3A_124 : i32
        %convert_element_type3A_126 = arith.extui %lt3A_125 : i1 to i32
        %cond3A_127 = arith.constant 0 : i32
        %cond3A_128 = arith.cmpi ne, %convert_element_type3A_126, %cond3A_127 : i32
        scf.if %cond3A_128 {
          %dma_start3A_129 = arith.constant 0 : i32
          %dma_start3A_130 = tpu.memref_slice %arg5[%add3A_99, %dma_start3A_129] : memref<125x80xi32, #tpu.memory_space<vmem>> -> memref<1x80xi32, #tpu.memory_space<vmem>>
          %dma_start3A_131 = tpu.memref_squeeze %dma_start3A_130 : memref<1x80xi32, #tpu.memory_space<vmem>> -> memref<80xi32, #tpu.memory_space<vmem>>
          %dma_start3A_132 = arith.constant 0 : i32
          %dma_start3A_133 = arith.constant 0 : i32
          %dma_start3A_134 = tpu.memref_slice %arg2[%arg0, %dma_start3A_132, %dma_start3A_133] : memref<2x10008x128xf32, #tpu.memory_space<hbm>> -> memref<1x10008x128xf32, #tpu.memory_space<hbm>>
          %dma_start3A_135 = tpu.memref_squeeze %dma_start3A_134 : memref<1x10008x128xf32, #tpu.memory_space<hbm>> -> memref<10008x128xf32, #tpu.memory_space<hbm>>
          %dma_start3A_136 = arith.constant 0 : i32
          %dma_start3A_137 = arith.constant 0 : i32
          %dma_start3A_138 = tpu.memref_slice %dma_start3A_135[%dma_start3A_136, %dma_start3A_137] : memref<10008x128xf32, #tpu.memory_space<hbm>> -> memref<10008x128xf32, #tpu.memory_space<hbm>>
          tpu.enqueue_indirect_dma source(%dma_start3A_138 : memref<10008x128xf32, #tpu.memory_space<hbm>>) target(%arg7 : memref<80x128xf32, #tpu.memory_space<vmem>>) offsets(%dma_start3A_131 : memref<80xi32, #tpu.memory_space<vmem>>) semaphore(%arg11 : memref<!tpu.dma_semaphore, #tpu.memory_space<semaphore_mem>>)
        } else {
        }
      } else {
      }
      %add3A_89 = arith.constant 2 : i32
      %add3A_90 = arith.addi %mul3A_51, %add3A_89 : i32
      %lt3A_91 = arith.constant 125 : i32
      %lt3A_92 = arith.cmpi slt, %add3A_90, %lt3A_91 : i32
      %convert_element_type3A_93 = arith.extui %lt3A_92 : i1 to i32
      %cond3A_94 = arith.constant 0 : i32
      %cond3A_95 = arith.cmpi ne, %convert_element_type3A_93, %cond3A_94 : i32
      scf.if %cond3A_95 {
        %add3A_96 = arith.constant 2 : i32
        %add3A_97 = arith.addi %mul3A_51, %add3A_96 : i32
        %add3A_98 = arith.constant 4 : i32
        %add3A_99 = arith.addi %mul3A_51, %add3A_98 : i32
        %dma_wait3A_100 = arith.constant 0 : i32
        %dma_wait3A_101 = arith.constant 0 : i32
        %dma_wait3A_102 = tpu.memref_slice %arg5[%dma_wait3A_100, %dma_wait3A_101] : memref<125x80xi32, #tpu.memory_space<vmem>> -> memref<1x80xi32, #tpu.memory_space<vmem>>
        %dma_wait3A_103 = tpu.memref_squeeze %dma_wait3A_102 : memref<1x80xi32, #tpu.memory_space<vmem>> -> memref<80xi32, #tpu.memory_space<vmem>>
        %dma_wait3A_104 = arith.constant 0 : i32
        %dma_wait3A_105 = arith.constant 0 : i32
        %dma_wait3A_106 = tpu.memref_slice %arg2[%arg0, %dma_wait3A_104, %dma_wait3A_105] : memref<2x10008x128xf32, #tpu.memory_space<hbm>> -> memref<1x10008x128xf32, #tpu.memory_space<hbm>>
        %dma_wait3A_107 = tpu.memref_squeeze %dma_wait3A_106 : memref<1x10008x128xf32, #tpu.memory_space<hbm>> -> memref<10008x128xf32, #tpu.memory_space<hbm>>
        %dma_wait3A_108 = arith.constant 0 : i32
        %dma_wait3A_109 = arith.constant 0 : i32
        %dma_wait3A_110 = tpu.memref_slice %dma_wait3A_107[%dma_wait3A_108, %dma_wait3A_109] : memref<10008x128xf32, #tpu.memory_space<hbm>> -> memref<10008x128xf32, #tpu.memory_space<hbm>>
        tpu.wait_indirect_dma semaphore(%arg13 : memref<!tpu.dma_semaphore, #tpu.memory_space<semaphore_mem>>) src(%dma_wait3A_110 : memref<10008x128xf32, #tpu.memory_space<hbm>>) dst(%arg9 : memref<80x128xf32, #tpu.memory_space<vmem>>)
        %dma_start3A_111 = arith.constant 0 : i32
        %dma_start3A_112 = tpu.memref_slice %arg6[%add3A_97, %dma_start3A_111] : memref<125x80xi32, #tpu.memory_space<vmem>> -> memref<1x80xi32, #tpu.memory_space<vmem>>
        %dma_start3A_113 = tpu.memref_squeeze %dma_start3A_112 : memref<1x80xi32, #tpu.memory_space<vmem>> -> memref<80xi32, #tpu.memory_space<vmem>>
        %dma_start3A_114 = arith.constant 0 : i32
        %dma_start3A_115 = arith.constant 0 : i32
        %dma_start3A_116 = tpu.memref_slice %arg10[%dma_start3A_114, %dma_start3A_115] : memref<10008x128xf32, #tpu.memory_space<vmem_shared>> -> memref<10008x128xf32, #tpu.memory_space<vmem_shared>>
        tpu.enqueue_indirect_dma source(%arg9 : memref<80x128xf32, #tpu.memory_space<vmem>>) target(%dma_start3A_116 : memref<10008x128xf32, #tpu.memory_space<vmem_shared>>) offsets(%dma_start3A_113 : memref<80xi32, #tpu.memory_space<vmem>>) semaphore(%arg16 : memref<!tpu.dma_semaphore, #tpu.memory_space<semaphore_mem>>) {add = true}
        %add3A_117 = arith.constant 2 : i32
        %add3A_118 = arith.addi %mul3A_51, %add3A_117 : i32
        %ge3A_119 = arith.constant 1 : i32
        %ge3A_120 = arith.cmpi sge, %add3A_118, %ge3A_119 : i32
        %convert_element_type3A_121 = arith.extui %ge3A_120 : i1 to i32
        %cond3A_122 = arith.constant 0 : i32
        %cond3A_123 = arith.cmpi ne, %convert_element_type3A_121, %cond3A_122 : i32
        scf.if %cond3A_123 {
          %dma_wait3A_129 = arith.constant 0 : i32
          %dma_wait3A_130 = arith.constant 0 : i32
          %dma_wait3A_131 = tpu.memref_slice %arg6[%dma_wait3A_129, %dma_wait3A_130] : memref<125x80xi32, #tpu.memory_space<vmem>> -> memref<1x80xi32, #tpu.memory_space<vmem>>
          %dma_wait3A_132 = tpu.memref_squeeze %dma_wait3A_131 : memref<1x80xi32, #tpu.memory_space<vmem>> -> memref<80xi32, #tpu.memory_space<vmem>>
          %dma_wait3A_133 = arith.constant 0 : i32
          %dma_wait3A_134 = arith.constant 0 : i32
          %dma_wait3A_135 = tpu.memref_slice %arg10[%dma_wait3A_133, %dma_wait3A_134] : memref<10008x128xf32, #tpu.memory_space<vmem_shared>> -> memref<10008x128xf32, #tpu.memory_space<vmem_shared>>
          tpu.wait_indirect_dma semaphore(%arg15 : memref<!tpu.dma_semaphore, #tpu.memory_space<semaphore_mem>>) src(%arg8 : memref<80x128xf32, #tpu.memory_space<vmem>>) dst(%dma_wait3A_135 : memref<10008x128xf32, #tpu.memory_space<vmem_shared>>)
        } else {
        }
        %lt3A_124 = arith.constant 125 : i32
        %lt3A_125 = arith.cmpi slt, %add3A_99, %lt3A_124 : i32
        %convert_element_type3A_126 = arith.extui %lt3A_125 : i1 to i32
        %cond3A_127 = arith.constant 0 : i32
        %cond3A_128 = arith.cmpi ne, %convert_element_type3A_126, %cond3A_127 : i32
        scf.if %cond3A_128 {
          %dma_start3A_129 = arith.constant 0 : i32
          %dma_start3A_130 = tpu.memref_slice %arg5[%add3A_99, %dma_start3A_129] : memref<125x80xi32, #tpu.memory_space<vmem>> -> memref<1x80xi32, #tpu.memory_space<vmem>>
          %dma_start3A_131 = tpu.memref_squeeze %dma_start3A_130 : memref<1x80xi32, #tpu.memory_space<vmem>> -> memref<80xi32, #tpu.memory_space<vmem>>
          %dma_start3A_132 = arith.constant 0 : i32
          %dma_start3A_133 = arith.constant 0 : i32
          %dma_start3A_134 = tpu.memref_slice %arg2[%arg0, %dma_start3A_132, %dma_start3A_133] : memref<2x10008x128xf32, #tpu.memory_space<hbm>> -> memref<1x10008x128xf32, #tpu.memory_space<hbm>>
          %dma_start3A_135 = tpu.memref_squeeze %dma_start3A_134 : memref<1x10008x128xf32, #tpu.memory_space<hbm>> -> memref<10008x128xf32, #tpu.memory_space<hbm>>
          %dma_start3A_136 = arith.constant 0 : i32
          %dma_start3A_137 = arith.constant 0 : i32
          %dma_start3A_138 = tpu.memref_slice %dma_start3A_135[%dma_start3A_136, %dma_start3A_137] : memref<10008x128xf32, #tpu.memory_space<hbm>> -> memref<10008x128xf32, #tpu.memory_space<hbm>>
          tpu.enqueue_indirect_dma source(%dma_start3A_138 : memref<10008x128xf32, #tpu.memory_space<hbm>>) target(%arg8 : memref<80x128xf32, #tpu.memory_space<vmem>>) offsets(%dma_start3A_131 : memref<80xi32, #tpu.memory_space<vmem>>) semaphore(%arg12 : memref<!tpu.dma_semaphore, #tpu.memory_space<semaphore_mem>>)
        } else {
        }
      } else {
      }
    }
    %scan3A_32 = arith.constant 42 : i32
    %dma_wait3A = arith.constant 0 : i32
    %dma_wait3A_33 = arith.constant 0 : i32
    %dma_wait3A_34 = tpu.memref_slice %arg6[%dma_wait3A, %dma_wait3A_33] : memref<125x80xi32, #tpu.memory_space<vmem>> -> memref<1x80xi32, #tpu.memory_space<vmem>>
    %dma_wait3A_35 = tpu.memref_squeeze %dma_wait3A_34 : memref<1x80xi32, #tpu.memory_space<vmem>> -> memref<80xi32, #tpu.memory_space<vmem>>
    %dma_wait3A_36 = arith.constant 0 : i32
    %dma_wait3A_37 = arith.constant 0 : i32
    %dma_wait3A_38 = tpu.memref_slice %arg10[%dma_wait3A_36, %dma_wait3A_37] : memref<10008x128xf32, #tpu.memory_space<vmem_shared>> -> memref<10008x128xf32, #tpu.memory_space<vmem_shared>>
    tpu.wait_indirect_dma semaphore(%arg15 : memref<!tpu.dma_semaphore, #tpu.memory_space<semaphore_mem>>) src(%arg8 : memref<80x128xf32, #tpu.memory_space<vmem>>) dst(%dma_wait3A_38 : memref<10008x128xf32, #tpu.memory_space<vmem_shared>>)
    %barrier3A_39 = arith.constant 0 : index
    tpu.barrier barrier_id(%barrier3A_39)
    %lt3A_40 = arith.constant 15 : i32
    %lt3A_41 = arith.cmpi slt, %arg1, %lt3A_40 : i32
    %convert_element_type3A_42 = arith.extui %lt3A_41 : i1 to i32
    %cond3A_43 = arith.constant 0 : i32
    %cond3A_44 = arith.cmpi ne, %convert_element_type3A_42, %cond3A_43 : i32
    scf.if %cond3A_44 {
      %mul3A = arith.constant 632 : i32
      %mul3A_50 = arith.muli %arg1, %mul3A : i32
      %mul3A_51 = arith.constant 632 : i32
      %mul3A_52 = arith.muli %arg1, %mul3A_51 : i32
      "tpu.region"() ({
        %run_scoped3A = tpu.sem_alloc : memref<!tpu.dma_semaphore, #tpu.memory_space<semaphore_mem>>
        %dma_start3A_53 = arith.constant 0 : i32
        %dma_start3A_54 = arith.constant 0 : i32
        %dma_start3A_55 = tpu.memref_slice %arg4[%arg0, %dma_start3A_53, %dma_start3A_54] : memref<2x10008x128xf32, #tpu.memory_space<hbm>> -> memref<1x10008x128xf32, #tpu.memory_space<hbm>>
        %dma_start3A_56 = tpu.memref_squeeze %dma_start3A_55 : memref<1x10008x128xf32, #tpu.memory_space<hbm>> -> memref<10008x128xf32, #tpu.memory_space<hbm>>
        %dma_start3A_57 = arith.constant 0 : i32
        %dma_start3A_58 = tpu.memref_slice %dma_start3A_56[%mul3A_52, %dma_start3A_57] : memref<10008x128xf32, #tpu.memory_space<hbm>> -> memref<632x128xf32, #tpu.memory_space<hbm>>
        %dma_start3A_59 = arith.constant 0 : i32
        %dma_start3A_60 = tpu.memref_slice %arg10[%mul3A_50, %dma_start3A_59] : memref<10008x128xf32, #tpu.memory_space<vmem_shared>> -> memref<632x128xf32, #tpu.memory_space<vmem_shared>>
        tpu.enqueue_dma source(%dma_start3A_60 : memref<632x128xf32, #tpu.memory_space<vmem_shared>>) target(%dma_start3A_58 : memref<632x128xf32, #tpu.memory_space<hbm>>) target_semaphore(%run_scoped3A : memref<!tpu.dma_semaphore, #tpu.memory_space<semaphore_mem>>)
        %dma_wait3A_61 = arith.constant 0 : i32
        %dma_wait3A_62 = arith.constant 0 : i32
        %dma_wait3A_63 = tpu.memref_slice %arg4[%arg0, %dma_wait3A_61, %dma_wait3A_62] : memref<2x10008x128xf32, #tpu.memory_space<hbm>> -> memref<1x10008x128xf32, #tpu.memory_space<hbm>>
        %dma_wait3A_64 = tpu.memref_squeeze %dma_wait3A_63 : memref<1x10008x128xf32, #tpu.memory_space<hbm>> -> memref<10008x128xf32, #tpu.memory_space<hbm>>
        %dma_wait3A_65 = arith.constant 0 : i32
        %dma_wait3A_66 = tpu.memref_slice %dma_wait3A_64[%mul3A_52, %dma_wait3A_65] : memref<10008x128xf32, #tpu.memory_space<hbm>> -> memref<632x128xf32, #tpu.memory_space<hbm>>
        %dma_wait3A_67 = arith.constant 0 : i32
        %dma_wait3A_68 = tpu.memref_slice %arg10[%mul3A_50, %dma_wait3A_67] : memref<10008x128xf32, #tpu.memory_space<vmem_shared>> -> memref<632x128xf32, #tpu.memory_space<vmem_shared>>
        tpu.wait_dma2 semaphore(%run_scoped3A : memref<!tpu.dma_semaphore, #tpu.memory_space<semaphore_mem>>) src(%dma_wait3A_68 : memref<632x128xf32, #tpu.memory_space<vmem_shared>>) dst(%dma_wait3A_66 : memref<632x128xf32, #tpu.memory_space<hbm>>)
        tpu.yield
      }) : () -> ()
    } else {
    }
    %eq3A_45 = arith.constant 15 : i32
    %eq3A_46 = arith.cmpi eq, %arg1, %eq3A_45 : i32
    %convert_element_type3A_47 = arith.extui %eq3A_46 : i1 to i32
    %cond3A_48 = arith.constant 0 : i32
    %cond3A_49 = arith.cmpi ne, %convert_element_type3A_47, %cond3A_48 : i32
    scf.if %cond3A_49 {
      "tpu.region"() ({
        %run_scoped3A = tpu.sem_alloc : memref<!tpu.dma_semaphore, #tpu.memory_space<semaphore_mem>>
        %dma_start3A_50 = arith.constant 0 : i32
        %dma_start3A_51 = arith.constant 0 : i32
        %dma_start3A_52 = tpu.memref_slice %arg4[%arg0, %dma_start3A_50, %dma_start3A_51] : memref<2x10008x128xf32, #tpu.memory_space<hbm>> -> memref<1x10008x128xf32, #tpu.memory_space<hbm>>
        %dma_start3A_53 = tpu.memref_squeeze %dma_start3A_52 : memref<1x10008x128xf32, #tpu.memory_space<hbm>> -> memref<10008x128xf32, #tpu.memory_space<hbm>>
        %dma_start3A_54 = arith.constant 9480 : i32
        %dma_start3A_55 = arith.constant 0 : i32
        %dma_start3A_56 = tpu.memref_slice %dma_start3A_53[%dma_start3A_54, %dma_start3A_55] : memref<10008x128xf32, #tpu.memory_space<hbm>> -> memref<528x128xf32, #tpu.memory_space<hbm>>
        %dma_start3A_57 = arith.constant 9480 : i32
        %dma_start3A_58 = arith.constant 0 : i32
        %dma_start3A_59 = tpu.memref_slice %arg10[%dma_start3A_57, %dma_start3A_58] : memref<10008x128xf32, #tpu.memory_space<vmem_shared>> -> memref<528x128xf32, #tpu.memory_space<vmem_shared>>
        tpu.enqueue_dma source(%dma_start3A_59 : memref<528x128xf32, #tpu.memory_space<vmem_shared>>) target(%dma_start3A_56 : memref<528x128xf32, #tpu.memory_space<hbm>>) target_semaphore(%run_scoped3A : memref<!tpu.dma_semaphore, #tpu.memory_space<semaphore_mem>>)
        %dma_wait3A_60 = arith.constant 0 : i32
        %dma_wait3A_61 = arith.constant 0 : i32
        %dma_wait3A_62 = tpu.memref_slice %arg4[%arg0, %dma_wait3A_60, %dma_wait3A_61] : memref<2x10008x128xf32, #tpu.memory_space<hbm>> -> memref<1x10008x128xf32, #tpu.memory_space<hbm>>
        %dma_wait3A_63 = tpu.memref_squeeze %dma_wait3A_62 : memref<1x10008x128xf32, #tpu.memory_space<hbm>> -> memref<10008x128xf32, #tpu.memory_space<hbm>>
        %dma_wait3A_64 = arith.constant 9480 : i32
        %dma_wait3A_65 = arith.constant 0 : i32
        %dma_wait3A_66 = tpu.memref_slice %dma_wait3A_63[%dma_wait3A_64, %dma_wait3A_65] : memref<10008x128xf32, #tpu.memory_space<hbm>> -> memref<528x128xf32, #tpu.memory_space<hbm>>
        %dma_wait3A_67 = arith.constant 9480 : i32
        %dma_wait3A_68 = arith.constant 0 : i32
        %dma_wait3A_69 = tpu.memref_slice %arg10[%dma_wait3A_67, %dma_wait3A_68] : memref<10008x128xf32, #tpu.memory_space<vmem_shared>> -> memref<528x128xf32, #tpu.memory_space<vmem_shared>>
        tpu.wait_dma2 semaphore(%run_scoped3A : memref<!tpu.dma_semaphore, #tpu.memory_space<semaphore_mem>>) src(%dma_wait3A_69 : memref<528x128xf32, #tpu.memory_space<vmem_shared>>) dst(%dma_wait3A_66 : memref<528x128xf32, #tpu.memory_space<hbm>>)
        tpu.yield
      }) : () -> ()
    } else {
    }
    return
  }
}

#map = affine_map<(d0, d1) -> (0, 0, 0)>
module attributes {stable_mosaic.version = 14 : i64} {
  func.func @k(%arg0: i32, %arg1: i32, %arg2: memref<2x10008x256xbf16, #tpu.memory_space<hbm>>, %arg3: memref<32x125x80xi32, #tpu.memory_space<hbm>>, %arg4: memref<2x10008x256xbf16, #tpu.memory_space<hbm>>, %arg5: memref<125x80xi32, #tpu.memory_space<vmem>>, %arg6: memref<125x80xi32, #tpu.memory_space<vmem>>, %arg7: memref<80x256xbf16, #tpu.memory_space<vmem>>, %arg8: memref<80x256xbf16, #tpu.memory_space<vmem>>, %arg9: memref<80x256xbf16, #tpu.memory_space<vmem>>, %arg10: memref<10008x256xbf16, #tpu.memory_space<vmem_shared>>, %arg11: memref<!tpu.dma_semaphore, #tpu.memory_space<semaphore_mem>>, %arg12: memref<!tpu.dma_semaphore, #tpu.memory_space<semaphore_mem>>, %arg13: memref<!tpu.dma_semaphore, #tpu.memory_space<semaphore_mem>>, %arg14: memref<!tpu.dma_semaphore, #tpu.memory_space<semaphore_mem>>, %arg15: memref<!tpu.dma_semaphore, #tpu.memory_space<semaphore_mem>>, %arg16: memref<!tpu.dma_semaphore, #tpu.memory_space<semaphore_mem>>) attributes {dimension_semantics = [#tpu.dimension_semantics<core_parallel>, #tpu.dimension_semantics<subcore_parallel>], iteration_bounds = array<i64: 2, 16>, scalar_prefetch = 0 : i64, scratch_operands = 12 : i64, tpu.core_type = #tpu.core_type<sc_vector_subcore>, window_params = [{transform_indices = #map}, {transform_indices = #map}, {transform_indices = #map}]} {
    "tpu.region"() ({
      %run_scoped3A = tpu.sem_alloc : memref<!tpu.dma_semaphore, #tpu.memory_space<semaphore_mem>>
      %dma_start3A_50 = arith.constant 0 : i32
      %dma_start3A_51 = arith.constant 0 : i32
      %dma_start3A_52 = tpu.memref_slice %arg3[%arg1, %dma_start3A_50, %dma_start3A_51] : memref<32x125x80xi32, #tpu.memory_space<hbm>> -> memref<1x125x80xi32, #tpu.memory_space<hbm>>
      %dma_start3A_53 = tpu.memref_squeeze %dma_start3A_52 : memref<1x125x80xi32, #tpu.memory_space<hbm>> -> memref<125x80xi32, #tpu.memory_space<hbm>>
      %dma_start3A_54 = arith.constant 0 : i32
      %dma_start3A_55 = arith.constant 0 : i32
      %dma_start3A_56 = tpu.memref_slice %arg3[%arg1, %dma_start3A_54, %dma_start3A_55] : memref<32x125x80xi32, #tpu.memory_space<hbm>> -> memref<1x125x80xi32, #tpu.memory_space<hbm>>
      %dma_start3A_57 = tpu.memref_squeeze %dma_start3A_56 : memref<1x125x80xi32, #tpu.memory_space<hbm>> -> memref<125x80xi32, #tpu.memory_space<hbm>>
      tpu.enqueue_dma source(%dma_start3A_57 : memref<125x80xi32, #tpu.memory_space<hbm>>) target(%arg5 : memref<125x80xi32, #tpu.memory_space<vmem>>) target_semaphore(%run_scoped3A : memref<!tpu.dma_semaphore, #tpu.memory_space<semaphore_mem>>)
      %dma_wait3A_58 = arith.constant 0 : i32
      %dma_wait3A_59 = arith.constant 0 : i32
      %dma_wait3A_60 = tpu.memref_slice %arg3[%arg1, %dma_wait3A_58, %dma_wait3A_59] : memref<32x125x80xi32, #tpu.memory_space<hbm>> -> memref<1x125x80xi32, #tpu.memory_space<hbm>>
      %dma_wait3A_61 = tpu.memref_squeeze %dma_wait3A_60 : memref<1x125x80xi32, #tpu.memory_space<hbm>> -> memref<125x80xi32, #tpu.memory_space<hbm>>
      %dma_wait3A_62 = arith.constant 0 : i32
      %dma_wait3A_63 = arith.constant 0 : i32
      %dma_wait3A_64 = tpu.memref_slice %arg3[%arg1, %dma_wait3A_62, %dma_wait3A_63] : memref<32x125x80xi32, #tpu.memory_space<hbm>> -> memref<1x125x80xi32, #tpu.memory_space<hbm>>
      %dma_wait3A_65 = tpu.memref_squeeze %dma_wait3A_64 : memref<1x125x80xi32, #tpu.memory_space<hbm>> -> memref<125x80xi32, #tpu.memory_space<hbm>>
      tpu.wait_dma2 semaphore(%run_scoped3A : memref<!tpu.dma_semaphore, #tpu.memory_space<semaphore_mem>>) src(%dma_wait3A_65 : memref<125x80xi32, #tpu.memory_space<hbm>>) dst(%arg5 : memref<125x80xi32, #tpu.memory_space<vmem>>)
      tpu.yield
    }) : () -> ()
    %add3A = arith.constant 16 : i32
    %add3A_0 = arith.addi %add3A, %arg1 : i32
    "tpu.region"() ({
      %run_scoped3A = tpu.sem_alloc : memref<!tpu.dma_semaphore, #tpu.memory_space<semaphore_mem>>
      %dma_start3A_50 = arith.constant 0 : i32
      %dma_start3A_51 = arith.constant 0 : i32
      %dma_start3A_52 = tpu.memref_slice %arg3[%add3A_0, %dma_start3A_50, %dma_start3A_51] : memref<32x125x80xi32, #tpu.memory_space<hbm>> -> memref<1x125x80xi32, #tpu.memory_space<hbm>>
      %dma_start3A_53 = tpu.memref_squeeze %dma_start3A_52 : memref<1x125x80xi32, #tpu.memory_space<hbm>> -> memref<125x80xi32, #tpu.memory_space<hbm>>
      %dma_start3A_54 = arith.constant 0 : i32
      %dma_start3A_55 = arith.constant 0 : i32
      %dma_start3A_56 = tpu.memref_slice %arg3[%add3A_0, %dma_start3A_54, %dma_start3A_55] : memref<32x125x80xi32, #tpu.memory_space<hbm>> -> memref<1x125x80xi32, #tpu.memory_space<hbm>>
      %dma_start3A_57 = tpu.memref_squeeze %dma_start3A_56 : memref<1x125x80xi32, #tpu.memory_space<hbm>> -> memref<125x80xi32, #tpu.memory_space<hbm>>
      tpu.enqueue_dma source(%dma_start3A_57 : memref<125x80xi32, #tpu.memory_space<hbm>>) target(%arg6 : memref<125x80xi32, #tpu.memory_space<vmem>>) target_semaphore(%run_scoped3A : memref<!tpu.dma_semaphore, #tpu.memory_space<semaphore_mem>>)
      %dma_wait3A_58 = arith.constant 0 : i32
      %dma_wait3A_59 = arith.constant 0 : i32
      %dma_wait3A_60 = tpu.memref_slice %arg3[%add3A_0, %dma_wait3A_58, %dma_wait3A_59] : memref<32x125x80xi32, #tpu.memory_space<hbm>> -> memref<1x125x80xi32, #tpu.memory_space<hbm>>
      %dma_wait3A_61 = tpu.memref_squeeze %dma_wait3A_60 : memref<1x125x80xi32, #tpu.memory_space<hbm>> -> memref<125x80xi32, #tpu.memory_space<hbm>>
      %dma_wait3A_62 = arith.constant 0 : i32
      %dma_wait3A_63 = arith.constant 0 : i32
      %dma_wait3A_64 = tpu.memref_slice %arg3[%add3A_0, %dma_wait3A_62, %dma_wait3A_63] : memref<32x125x80xi32, #tpu.memory_space<hbm>> -> memref<1x125x80xi32, #tpu.memory_space<hbm>>
      %dma_wait3A_65 = tpu.memref_squeeze %dma_wait3A_64 : memref<1x125x80xi32, #tpu.memory_space<hbm>> -> memref<125x80xi32, #tpu.memory_space<hbm>>
      tpu.wait_dma2 semaphore(%run_scoped3A : memref<!tpu.dma_semaphore, #tpu.memory_space<semaphore_mem>>) src(%dma_wait3A_65 : memref<125x80xi32, #tpu.memory_space<hbm>>) dst(%arg6 : memref<125x80xi32, #tpu.memory_space<vmem>>)
      tpu.yield
    }) : () -> ()
    %dma_start3A = arith.constant 0 : i32
    %dma_start3A_1 = arith.constant 0 : i32
    %dma_start3A_2 = tpu.memref_slice %arg5[%dma_start3A, %dma_start3A_1] : memref<125x80xi32, #tpu.memory_space<vmem>> -> memref<1x80xi32, #tpu.memory_space<vmem>>
    %dma_start3A_3 = tpu.memref_squeeze %dma_start3A_2 : memref<1x80xi32, #tpu.memory_space<vmem>> -> memref<80xi32, #tpu.memory_space<vmem>>
    %dma_start3A_4 = arith.constant 0 : i32
    %dma_start3A_5 = arith.constant 0 : i32
    %dma_start3A_6 = tpu.memref_slice %arg2[%arg0, %dma_start3A_4, %dma_start3A_5] : memref<2x10008x256xbf16, #tpu.memory_space<hbm>> -> memref<1x10008x256xbf16, #tpu.memory_space<hbm>>
    %dma_start3A_7 = tpu.memref_squeeze %dma_start3A_6 : memref<1x10008x256xbf16, #tpu.memory_space<hbm>> -> memref<10008x256xbf16, #tpu.memory_space<hbm>>
    %dma_start3A_8 = arith.constant 0 : i32
    %dma_start3A_9 = arith.constant 0 : i32
    %dma_start3A_10 = tpu.memref_slice %dma_start3A_7[%dma_start3A_8, %dma_start3A_9] : memref<10008x256xbf16, #tpu.memory_space<hbm>> -> memref<10008x256xbf16, #tpu.memory_space<hbm>>
    tpu.enqueue_indirect_dma source(%dma_start3A_10 : memref<10008x256xbf16, #tpu.memory_space<hbm>>) target(%arg7 : memref<80x256xbf16, #tpu.memory_space<vmem>>) offsets(%dma_start3A_3 : memref<80xi32, #tpu.memory_space<vmem>>) semaphore(%arg11 : memref<!tpu.dma_semaphore, #tpu.memory_space<semaphore_mem>>)
    %dma_start3A_11 = arith.constant 1 : i32
    %dma_start3A_12 = arith.constant 0 : i32
    %dma_start3A_13 = tpu.memref_slice %arg5[%dma_start3A_11, %dma_start3A_12] : memref<125x80xi32, #tpu.memory_space<vmem>> -> memref<1x80xi32, #tpu.memory_space<vmem>>
    %dma_start3A_14 = tpu.memref_squeeze %dma_start3A_13 : memref<1x80xi32, #tpu.memory_space<vmem>> -> memref<80xi32, #tpu.memory_space<vmem>>
    %dma_start3A_15 = arith.constant 0 : i32
    %dma_start3A_16 = arith.constant 0 : i32
    %dma_start3A_17 = tpu.memref_slice %arg2[%arg0, %dma_start3A_15, %dma_start3A_16] : memref<2x10008x256xbf16, #tpu.memory_space<hbm>> -> memref<1x10008x256xbf16, #tpu.memory_space<hbm>>
    %dma_start3A_18 = tpu.memref_squeeze %dma_start3A_17 : memref<1x10008x256xbf16, #tpu.memory_space<hbm>> -> memref<10008x256xbf16, #tpu.memory_space<hbm>>
    %dma_start3A_19 = arith.constant 0 : i32
    %dma_start3A_20 = arith.constant 0 : i32
    %dma_start3A_21 = tpu.memref_slice %dma_start3A_18[%dma_start3A_19, %dma_start3A_20] : memref<10008x256xbf16, #tpu.memory_space<hbm>> -> memref<10008x256xbf16, #tpu.memory_space<hbm>>
    tpu.enqueue_indirect_dma source(%dma_start3A_21 : memref<10008x256xbf16, #tpu.memory_space<hbm>>) target(%arg8 : memref<80x256xbf16, #tpu.memory_space<vmem>>) offsets(%dma_start3A_14 : memref<80xi32, #tpu.memory_space<vmem>>) semaphore(%arg12 : memref<!tpu.dma_semaphore, #tpu.memory_space<semaphore_mem>>)
    %lt3A = arith.constant 15 : i32
    %lt3A_22 = arith.cmpi slt, %arg1, %lt3A : i32
    %convert_element_type3A = arith.extui %lt3A_22 : i1 to i32
    %cond3A = arith.constant 0 : i32
    %cond3A_23 = arith.cmpi ne, %convert_element_type3A, %cond3A : i32
    scf.if %cond3A_23 {
      %mul3A = arith.constant 632 : i32
      %mul3A_50 = arith.muli %arg1, %mul3A : i32
      %mul3A_51 = arith.constant 632 : i32
      %mul3A_52 = arith.muli %arg1, %mul3A_51 : i32
      "tpu.region"() ({
        %run_scoped3A = tpu.sem_alloc : memref<!tpu.dma_semaphore, #tpu.memory_space<semaphore_mem>>
        %dma_start3A_53 = arith.constant 0 : i32
        %dma_start3A_54 = tpu.memref_slice %arg10[%mul3A_52, %dma_start3A_53] : memref<10008x256xbf16, #tpu.memory_space<vmem_shared>> -> memref<632x256xbf16, #tpu.memory_space<vmem_shared>>
        %dma_start3A_55 = arith.constant 0 : i32
        %dma_start3A_56 = arith.constant 0 : i32
        %dma_start3A_57 = tpu.memref_slice %arg2[%arg0, %dma_start3A_55, %dma_start3A_56] : memref<2x10008x256xbf16, #tpu.memory_space<hbm>> -> memref<1x10008x256xbf16, #tpu.memory_space<hbm>>
        %dma_start3A_58 = tpu.memref_squeeze %dma_start3A_57 : memref<1x10008x256xbf16, #tpu.memory_space<hbm>> -> memref<10008x256xbf16, #tpu.memory_space<hbm>>
        %dma_start3A_59 = arith.constant 0 : i32
        %dma_start3A_60 = tpu.memref_slice %dma_start3A_58[%mul3A_50, %dma_start3A_59] : memref<10008x256xbf16, #tpu.memory_space<hbm>> -> memref<632x256xbf16, #tpu.memory_space<hbm>>
        tpu.enqueue_dma source(%dma_start3A_60 : memref<632x256xbf16, #tpu.memory_space<hbm>>) target(%dma_start3A_54 : memref<632x256xbf16, #tpu.memory_space<vmem_shared>>) target_semaphore(%run_scoped3A : memref<!tpu.dma_semaphore, #tpu.memory_space<semaphore_mem>>)
        %dma_wait3A_61 = arith.constant 0 : i32
        %dma_wait3A_62 = tpu.memref_slice %arg10[%mul3A_52, %dma_wait3A_61] : memref<10008x256xbf16, #tpu.memory_space<vmem_shared>> -> memref<632x256xbf16, #tpu.memory_space<vmem_shared>>
        %dma_wait3A_63 = arith.constant 0 : i32
        %dma_wait3A_64 = arith.constant 0 : i32
        %dma_wait3A_65 = tpu.memref_slice %arg2[%arg0, %dma_wait3A_63, %dma_wait3A_64] : memref<2x10008x256xbf16, #tpu.memory_space<hbm>> -> memref<1x10008x256xbf16, #tpu.memory_space<hbm>>
        %dma_wait3A_66 = tpu.memref_squeeze %dma_wait3A_65 : memref<1x10008x256xbf16, #tpu.memory_space<hbm>> -> memref<10008x256xbf16, #tpu.memory_space<hbm>>
        %dma_wait3A_67 = arith.constant 0 : i32
        %dma_wait3A_68 = tpu.memref_slice %dma_wait3A_66[%mul3A_50, %dma_wait3A_67] : memref<10008x256xbf16, #tpu.memory_space<hbm>> -> memref<632x256xbf16, #tpu.memory_space<hbm>>
        tpu.wait_dma2 semaphore(%run_scoped3A : memref<!tpu.dma_semaphore, #tpu.memory_space<semaphore_mem>>) src(%dma_wait3A_68 : memref<632x256xbf16, #tpu.memory_space<hbm>>) dst(%dma_wait3A_62 : memref<632x256xbf16, #tpu.memory_space<vmem_shared>>)
        tpu.yield
      }) : () -> ()
    } else {
    }
    %eq3A = arith.constant 15 : i32
    %eq3A_24 = arith.cmpi eq, %arg1, %eq3A : i32
    %convert_element_type3A_25 = arith.extui %eq3A_24 : i1 to i32
    %cond3A_26 = arith.constant 0 : i32
    %cond3A_27 = arith.cmpi ne, %convert_element_type3A_25, %cond3A_26 : i32
    scf.if %cond3A_27 {
      "tpu.region"() ({
        %run_scoped3A = tpu.sem_alloc : memref<!tpu.dma_semaphore, #tpu.memory_space<semaphore_mem>>
        %dma_start3A_50 = arith.constant 9480 : i32
        %dma_start3A_51 = arith.constant 0 : i32
        %dma_start3A_52 = tpu.memref_slice %arg10[%dma_start3A_50, %dma_start3A_51] : memref<10008x256xbf16, #tpu.memory_space<vmem_shared>> -> memref<528x256xbf16, #tpu.memory_space<vmem_shared>>
        %dma_start3A_53 = arith.constant 0 : i32
        %dma_start3A_54 = arith.constant 0 : i32
        %dma_start3A_55 = tpu.memref_slice %arg2[%arg0, %dma_start3A_53, %dma_start3A_54] : memref<2x10008x256xbf16, #tpu.memory_space<hbm>> -> memref<1x10008x256xbf16, #tpu.memory_space<hbm>>
        %dma_start3A_56 = tpu.memref_squeeze %dma_start3A_55 : memref<1x10008x256xbf16, #tpu.memory_space<hbm>> -> memref<10008x256xbf16, #tpu.memory_space<hbm>>
        %dma_start3A_57 = arith.constant 9480 : i32
        %dma_start3A_58 = arith.constant 0 : i32
        %dma_start3A_59 = tpu.memref_slice %dma_start3A_56[%dma_start3A_57, %dma_start3A_58] : memref<10008x256xbf16, #tpu.memory_space<hbm>> -> memref<528x256xbf16, #tpu.memory_space<hbm>>
        tpu.enqueue_dma source(%dma_start3A_59 : memref<528x256xbf16, #tpu.memory_space<hbm>>) target(%dma_start3A_52 : memref<528x256xbf16, #tpu.memory_space<vmem_shared>>) target_semaphore(%run_scoped3A : memref<!tpu.dma_semaphore, #tpu.memory_space<semaphore_mem>>)
        %dma_wait3A_60 = arith.constant 9480 : i32
        %dma_wait3A_61 = arith.constant 0 : i32
        %dma_wait3A_62 = tpu.memref_slice %arg10[%dma_wait3A_60, %dma_wait3A_61] : memref<10008x256xbf16, #tpu.memory_space<vmem_shared>> -> memref<528x256xbf16, #tpu.memory_space<vmem_shared>>
        %dma_wait3A_63 = arith.constant 0 : i32
        %dma_wait3A_64 = arith.constant 0 : i32
        %dma_wait3A_65 = tpu.memref_slice %arg2[%arg0, %dma_wait3A_63, %dma_wait3A_64] : memref<2x10008x256xbf16, #tpu.memory_space<hbm>> -> memref<1x10008x256xbf16, #tpu.memory_space<hbm>>
        %dma_wait3A_66 = tpu.memref_squeeze %dma_wait3A_65 : memref<1x10008x256xbf16, #tpu.memory_space<hbm>> -> memref<10008x256xbf16, #tpu.memory_space<hbm>>
        %dma_wait3A_67 = arith.constant 9480 : i32
        %dma_wait3A_68 = arith.constant 0 : i32
        %dma_wait3A_69 = tpu.memref_slice %dma_wait3A_66[%dma_wait3A_67, %dma_wait3A_68] : memref<10008x256xbf16, #tpu.memory_space<hbm>> -> memref<528x256xbf16, #tpu.memory_space<hbm>>
        tpu.wait_dma2 semaphore(%run_scoped3A : memref<!tpu.dma_semaphore, #tpu.memory_space<semaphore_mem>>) src(%dma_wait3A_69 : memref<528x256xbf16, #tpu.memory_space<hbm>>) dst(%dma_wait3A_62 : memref<528x256xbf16, #tpu.memory_space<vmem_shared>>)
        tpu.yield
      }) : () -> ()
    } else {
    }
    %barrier3A = arith.constant 0 : index
    tpu.barrier barrier_id(%barrier3A)
    %scan3A = arith.constant 0 : i32
    %scan3A_28 = arith.constant 0 : i32
    %scan3A_29 = arith.constant 42 : i32
    %scan3A_30 = arith.addi %scan3A_28, %scan3A_29 : i32
    %scan3A_31 = arith.constant 1 : i32
    scf.for %scan3A_50 = %scan3A_28 to %scan3A_30 step %scan3A_31  : i32 {
      %mul3A = arith.constant 3 : i32
      %mul3A_51 = arith.muli %mul3A, %scan3A_50 : i32
      %add3A_52 = arith.constant 2 : i32
      %add3A_53 = arith.addi %mul3A_51, %add3A_52 : i32
      %dma_wait3A_54 = arith.constant 0 : i32
      %dma_wait3A_55 = arith.constant 0 : i32
      %dma_wait3A_56 = tpu.memref_slice %arg5[%dma_wait3A_54, %dma_wait3A_55] : memref<125x80xi32, #tpu.memory_space<vmem>> -> memref<1x80xi32, #tpu.memory_space<vmem>>
      %dma_wait3A_57 = tpu.memref_squeeze %dma_wait3A_56 : memref<1x80xi32, #tpu.memory_space<vmem>> -> memref<80xi32, #tpu.memory_space<vmem>>
      %dma_wait3A_58 = arith.constant 0 : i32
      %dma_wait3A_59 = arith.constant 0 : i32
      %dma_wait3A_60 = tpu.memref_slice %arg2[%arg0, %dma_wait3A_58, %dma_wait3A_59] : memref<2x10008x256xbf16, #tpu.memory_space<hbm>> -> memref<1x10008x256xbf16, #tpu.memory_space<hbm>>
      %dma_wait3A_61 = tpu.memref_squeeze %dma_wait3A_60 : memref<1x10008x256xbf16, #tpu.memory_space<hbm>> -> memref<10008x256xbf16, #tpu.memory_space<hbm>>
      %dma_wait3A_62 = arith.constant 0 : i32
      %dma_wait3A_63 = arith.constant 0 : i32
      %dma_wait3A_64 = tpu.memref_slice %dma_wait3A_61[%dma_wait3A_62, %dma_wait3A_63] : memref<10008x256xbf16, #tpu.memory_space<hbm>> -> memref<10008x256xbf16, #tpu.memory_space<hbm>>
      tpu.wait_indirect_dma semaphore(%arg11 : memref<!tpu.dma_semaphore, #tpu.memory_space<semaphore_mem>>) src(%dma_wait3A_64 : memref<10008x256xbf16, #tpu.memory_space<hbm>>) dst(%arg7 : memref<80x256xbf16, #tpu.memory_space<vmem>>)
      %dma_start3A_65 = arith.constant 0 : i32
      %dma_start3A_66 = tpu.memref_slice %arg6[%mul3A_51, %dma_start3A_65] : memref<125x80xi32, #tpu.memory_space<vmem>> -> memref<1x80xi32, #tpu.memory_space<vmem>>
      %dma_start3A_67 = tpu.memref_squeeze %dma_start3A_66 : memref<1x80xi32, #tpu.memory_space<vmem>> -> memref<80xi32, #tpu.memory_space<vmem>>
      %dma_start3A_68 = arith.constant 0 : i32
      %dma_start3A_69 = arith.constant 0 : i32
      %dma_start3A_70 = tpu.memref_slice %arg10[%dma_start3A_68, %dma_start3A_69] : memref<10008x256xbf16, #tpu.memory_space<vmem_shared>> -> memref<10008x256xbf16, #tpu.memory_space<vmem_shared>>
      tpu.enqueue_indirect_dma source(%arg7 : memref<80x256xbf16, #tpu.memory_space<vmem>>) target(%dma_start3A_70 : memref<10008x256xbf16, #tpu.memory_space<vmem_shared>>) offsets(%dma_start3A_67 : memref<80xi32, #tpu.memory_space<vmem>>) semaphore(%arg14 : memref<!tpu.dma_semaphore, #tpu.memory_space<semaphore_mem>>) {add = true}
      %add3A_71 = arith.constant 0 : i32
      %add3A_72 = arith.addi %mul3A_51, %add3A_71 : i32
      %ge3A = arith.constant 1 : i32
      %ge3A_73 = arith.cmpi sge, %add3A_72, %ge3A : i32
      %convert_element_type3A_74 = arith.extui %ge3A_73 : i1 to i32
      %cond3A_75 = arith.constant 0 : i32
      %cond3A_76 = arith.cmpi ne, %convert_element_type3A_74, %cond3A_75 : i32
      scf.if %cond3A_76 {
        %dma_wait3A_96 = arith.constant 0 : i32
        %dma_wait3A_97 = arith.constant 0 : i32
        %dma_wait3A_98 = tpu.memref_slice %arg6[%dma_wait3A_96, %dma_wait3A_97] : memref<125x80xi32, #tpu.memory_space<vmem>> -> memref<1x80xi32, #tpu.memory_space<vmem>>
        %dma_wait3A_99 = tpu.memref_squeeze %dma_wait3A_98 : memref<1x80xi32, #tpu.memory_space<vmem>> -> memref<80xi32, #tpu.memory_space<vmem>>
        %dma_wait3A_100 = arith.constant 0 : i32
        %dma_wait3A_101 = arith.constant 0 : i32
        %dma_wait3A_102 = tpu.memref_slice %arg10[%dma_wait3A_100, %dma_wait3A_101] : memref<10008x256xbf16, #tpu.memory_space<vmem_shared>> -> memref<10008x256xbf16, #tpu.memory_space<vmem_shared>>
        tpu.wait_indirect_dma semaphore(%arg16 : memref<!tpu.dma_semaphore, #tpu.memory_space<semaphore_mem>>) src(%arg9 : memref<80x256xbf16, #tpu.memory_space<vmem>>) dst(%dma_wait3A_102 : memref<10008x256xbf16, #tpu.memory_space<vmem_shared>>)
      } else {
      }
      %lt3A_77 = arith.constant 125 : i32
      %lt3A_78 = arith.cmpi slt, %add3A_53, %lt3A_77 : i32
      %convert_element_type3A_79 = arith.extui %lt3A_78 : i1 to i32
      %cond3A_80 = arith.constant 0 : i32
      %cond3A_81 = arith.cmpi ne, %convert_element_type3A_79, %cond3A_80 : i32
      scf.if %cond3A_81 {
        %dma_start3A_96 = arith.constant 0 : i32
        %dma_start3A_97 = tpu.memref_slice %arg5[%add3A_53, %dma_start3A_96] : memref<125x80xi32, #tpu.memory_space<vmem>> -> memref<1x80xi32, #tpu.memory_space<vmem>>
        %dma_start3A_98 = tpu.memref_squeeze %dma_start3A_97 : memref<1x80xi32, #tpu.memory_space<vmem>> -> memref<80xi32, #tpu.memory_space<vmem>>
        %dma_start3A_99 = arith.constant 0 : i32
        %dma_start3A_100 = arith.constant 0 : i32
        %dma_start3A_101 = tpu.memref_slice %arg2[%arg0, %dma_start3A_99, %dma_start3A_100] : memref<2x10008x256xbf16, #tpu.memory_space<hbm>> -> memref<1x10008x256xbf16, #tpu.memory_space<hbm>>
        %dma_start3A_102 = tpu.memref_squeeze %dma_start3A_101 : memref<1x10008x256xbf16, #tpu.memory_space<hbm>> -> memref<10008x256xbf16, #tpu.memory_space<hbm>>
        %dma_start3A_103 = arith.constant 0 : i32
        %dma_start3A_104 = arith.constant 0 : i32
        %dma_start3A_105 = tpu.memref_slice %dma_start3A_102[%dma_start3A_103, %dma_start3A_104] : memref<10008x256xbf16, #tpu.memory_space<hbm>> -> memref<10008x256xbf16, #tpu.memory_space<hbm>>
        tpu.enqueue_indirect_dma source(%dma_start3A_105 : memref<10008x256xbf16, #tpu.memory_space<hbm>>) target(%arg9 : memref<80x256xbf16, #tpu.memory_space<vmem>>) offsets(%dma_start3A_98 : memref<80xi32, #tpu.memory_space<vmem>>) semaphore(%arg13 : memref<!tpu.dma_semaphore, #tpu.memory_space<semaphore_mem>>)
      } else {
      }
      %add3A_82 = arith.constant 1 : i32
      %add3A_83 = arith.addi %mul3A_51, %add3A_82 : i32
      %lt3A_84 = arith.constant 125 : i32
      %lt3A_85 = arith.cmpi slt, %add3A_83, %lt3A_84 : i32
      %convert_element_type3A_86 = arith.extui %lt3A_85 : i1 to i32
      %cond3A_87 = arith.constant 0 : i32
      %cond3A_88 = arith.cmpi ne, %convert_element_type3A_86, %cond3A_87 : i32
      scf.if %cond3A_88 {
        %add3A_96 = arith.constant 1 : i32
        %add3A_97 = arith.addi %mul3A_51, %add3A_96 : i32
        %add3A_98 = arith.constant 3 : i32
        %add3A_99 = arith.addi %mul3A_51, %add3A_98 : i32
        %dma_wait3A_100 = arith.constant 0 : i32
        %dma_wait3A_101 = arith.constant 0 : i32
        %dma_wait3A_102 = tpu.memref_slice %arg5[%dma_wait3A_100, %dma_wait3A_101] : memref<125x80xi32, #tpu.memory_space<vmem>> -> memref<1x80xi32, #tpu.memory_space<vmem>>
        %dma_wait3A_103 = tpu.memref_squeeze %dma_wait3A_102 : memref<1x80xi32, #tpu.memory_space<vmem>> -> memref<80xi32, #tpu.memory_space<vmem>>
        %dma_wait3A_104 = arith.constant 0 : i32
        %dma_wait3A_105 = arith.constant 0 : i32
        %dma_wait3A_106 = tpu.memref_slice %arg2[%arg0, %dma_wait3A_104, %dma_wait3A_105] : memref<2x10008x256xbf16, #tpu.memory_space<hbm>> -> memref<1x10008x256xbf16, #tpu.memory_space<hbm>>
        %dma_wait3A_107 = tpu.memref_squeeze %dma_wait3A_106 : memref<1x10008x256xbf16, #tpu.memory_space<hbm>> -> memref<10008x256xbf16, #tpu.memory_space<hbm>>
        %dma_wait3A_108 = arith.constant 0 : i32
        %dma_wait3A_109 = arith.constant 0 : i32
        %dma_wait3A_110 = tpu.memref_slice %dma_wait3A_107[%dma_wait3A_108, %dma_wait3A_109] : memref<10008x256xbf16, #tpu.memory_space<hbm>> -> memref<10008x256xbf16, #tpu.memory_space<hbm>>
        tpu.wait_indirect_dma semaphore(%arg12 : memref<!tpu.dma_semaphore, #tpu.memory_space<semaphore_mem>>) src(%dma_wait3A_110 : memref<10008x256xbf16, #tpu.memory_space<hbm>>) dst(%arg8 : memref<80x256xbf16, #tpu.memory_space<vmem>>)
        %dma_start3A_111 = arith.constant 0 : i32
        %dma_start3A_112 = tpu.memref_slice %arg6[%add3A_97, %dma_start3A_111] : memref<125x80xi32, #tpu.memory_space<vmem>> -> memref<1x80xi32, #tpu.memory_space<vmem>>
        %dma_start3A_113 = tpu.memref_squeeze %dma_start3A_112 : memref<1x80xi32, #tpu.memory_space<vmem>> -> memref<80xi32, #tpu.memory_space<vmem>>
        %dma_start3A_114 = arith.constant 0 : i32
        %dma_start3A_115 = arith.constant 0 : i32
        %dma_start3A_116 = tpu.memref_slice %arg10[%dma_start3A_114, %dma_start3A_115] : memref<10008x256xbf16, #tpu.memory_space<vmem_shared>> -> memref<10008x256xbf16, #tpu.memory_space<vmem_shared>>
        tpu.enqueue_indirect_dma source(%arg8 : memref<80x256xbf16, #tpu.memory_space<vmem>>) target(%dma_start3A_116 : memref<10008x256xbf16, #tpu.memory_space<vmem_shared>>) offsets(%dma_start3A_113 : memref<80xi32, #tpu.memory_space<vmem>>) semaphore(%arg15 : memref<!tpu.dma_semaphore, #tpu.memory_space<semaphore_mem>>) {add = true}
        %add3A_117 = arith.constant 1 : i32
        %add3A_118 = arith.addi %mul3A_51, %add3A_117 : i32
        %ge3A_119 = arith.constant 1 : i32
        %ge3A_120 = arith.cmpi sge, %add3A_118, %ge3A_119 : i32
        %convert_element_type3A_121 = arith.extui %ge3A_120 : i1 to i32
        %cond3A_122 = arith.constant 0 : i32
        %cond3A_123 = arith.cmpi ne, %convert_element_type3A_121, %cond3A_122 : i32
        scf.if %cond3A_123 {
          %dma_wait3A_129 = arith.constant 0 : i32
          %dma_wait3A_130 = arith.constant 0 : i32
          %dma_wait3A_131 = tpu.memref_slice %arg6[%dma_wait3A_129, %dma_wait3A_130] : memref<125x80xi32, #tpu.memory_space<vmem>> -> memref<1x80xi32, #tpu.memory_space<vmem>>
          %dma_wait3A_132 = tpu.memref_squeeze %dma_wait3A_131 : memref<1x80xi32, #tpu.memory_space<vmem>> -> memref<80xi32, #tpu.memory_space<vmem>>
          %dma_wait3A_133 = arith.constant 0 : i32
          %dma_wait3A_134 = arith.constant 0 : i32
          %dma_wait3A_135 = tpu.memref_slice %arg10[%dma_wait3A_133, %dma_wait3A_134] : memref<10008x256xbf16, #tpu.memory_space<vmem_shared>> -> memref<10008x256xbf16, #tpu.memory_space<vmem_shared>>
          tpu.wait_indirect_dma semaphore(%arg14 : memref<!tpu.dma_semaphore, #tpu.memory_space<semaphore_mem>>) src(%arg7 : memref<80x256xbf16, #tpu.memory_space<vmem>>) dst(%dma_wait3A_135 : memref<10008x256xbf16, #tpu.memory_space<vmem_shared>>)
        } else {
        }
        %lt3A_124 = arith.constant 125 : i32
        %lt3A_125 = arith.cmpi slt, %add3A_99, %lt3A_124 : i32
        %convert_element_type3A_126 = arith.extui %lt3A_125 : i1 to i32
        %cond3A_127 = arith.constant 0 : i32
        %cond3A_128 = arith.cmpi ne, %convert_element_type3A_126, %cond3A_127 : i32
        scf.if %cond3A_128 {
          %dma_start3A_129 = arith.constant 0 : i32
          %dma_start3A_130 = tpu.memref_slice %arg5[%add3A_99, %dma_start3A_129] : memref<125x80xi32, #tpu.memory_space<vmem>> -> memref<1x80xi32, #tpu.memory_space<vmem>>
          %dma_start3A_131 = tpu.memref_squeeze %dma_start3A_130 : memref<1x80xi32, #tpu.memory_space<vmem>> -> memref<80xi32, #tpu.memory_space<vmem>>
          %dma_start3A_132 = arith.constant 0 : i32
          %dma_start3A_133 = arith.constant 0 : i32
          %dma_start3A_134 = tpu.memref_slice %arg2[%arg0, %dma_start3A_132, %dma_start3A_133] : memref<2x10008x256xbf16, #tpu.memory_space<hbm>> -> memref<1x10008x256xbf16, #tpu.memory_space<hbm>>
          %dma_start3A_135 = tpu.memref_squeeze %dma_start3A_134 : memref<1x10008x256xbf16, #tpu.memory_space<hbm>> -> memref<10008x256xbf16, #tpu.memory_space<hbm>>
          %dma_start3A_136 = arith.constant 0 : i32
          %dma_start3A_137 = arith.constant 0 : i32
          %dma_start3A_138 = tpu.memref_slice %dma_start3A_135[%dma_start3A_136, %dma_start3A_137] : memref<10008x256xbf16, #tpu.memory_space<hbm>> -> memref<10008x256xbf16, #tpu.memory_space<hbm>>
          tpu.enqueue_indirect_dma source(%dma_start3A_138 : memref<10008x256xbf16, #tpu.memory_space<hbm>>) target(%arg7 : memref<80x256xbf16, #tpu.memory_space<vmem>>) offsets(%dma_start3A_131 : memref<80xi32, #tpu.memory_space<vmem>>) semaphore(%arg11 : memref<!tpu.dma_semaphore, #tpu.memory_space<semaphore_mem>>)
        } else {
        }
      } else {
      }
      %add3A_89 = arith.constant 2 : i32
      %add3A_90 = arith.addi %mul3A_51, %add3A_89 : i32
      %lt3A_91 = arith.constant 125 : i32
      %lt3A_92 = arith.cmpi slt, %add3A_90, %lt3A_91 : i32
      %convert_element_type3A_93 = arith.extui %lt3A_92 : i1 to i32
      %cond3A_94 = arith.constant 0 : i32
      %cond3A_95 = arith.cmpi ne, %convert_element_type3A_93, %cond3A_94 : i32
      scf.if %cond3A_95 {
        %add3A_96 = arith.constant 2 : i32
        %add3A_97 = arith.addi %mul3A_51, %add3A_96 : i32
        %add3A_98 = arith.constant 4 : i32
        %add3A_99 = arith.addi %mul3A_51, %add3A_98 : i32
        %dma_wait3A_100 = arith.constant 0 : i32
        %dma_wait3A_101 = arith.constant 0 : i32
        %dma_wait3A_102 = tpu.memref_slice %arg5[%dma_wait3A_100, %dma_wait3A_101] : memref<125x80xi32, #tpu.memory_space<vmem>> -> memref<1x80xi32, #tpu.memory_space<vmem>>
        %dma_wait3A_103 = tpu.memref_squeeze %dma_wait3A_102 : memref<1x80xi32, #tpu.memory_space<vmem>> -> memref<80xi32, #tpu.memory_space<vmem>>
        %dma_wait3A_104 = arith.constant 0 : i32
        %dma_wait3A_105 = arith.constant 0 : i32
        %dma_wait3A_106 = tpu.memref_slice %arg2[%arg0, %dma_wait3A_104, %dma_wait3A_105] : memref<2x10008x256xbf16, #tpu.memory_space<hbm>> -> memref<1x10008x256xbf16, #tpu.memory_space<hbm>>
        %dma_wait3A_107 = tpu.memref_squeeze %dma_wait3A_106 : memref<1x10008x256xbf16, #tpu.memory_space<hbm>> -> memref<10008x256xbf16, #tpu.memory_space<hbm>>
        %dma_wait3A_108 = arith.constant 0 : i32
        %dma_wait3A_109 = arith.constant 0 : i32
        %dma_wait3A_110 = tpu.memref_slice %dma_wait3A_107[%dma_wait3A_108, %dma_wait3A_109] : memref<10008x256xbf16, #tpu.memory_space<hbm>> -> memref<10008x256xbf16, #tpu.memory_space<hbm>>
        tpu.wait_indirect_dma semaphore(%arg13 : memref<!tpu.dma_semaphore, #tpu.memory_space<semaphore_mem>>) src(%dma_wait3A_110 : memref<10008x256xbf16, #tpu.memory_space<hbm>>) dst(%arg9 : memref<80x256xbf16, #tpu.memory_space<vmem>>)
        %dma_start3A_111 = arith.constant 0 : i32
        %dma_start3A_112 = tpu.memref_slice %arg6[%add3A_97, %dma_start3A_111] : memref<125x80xi32, #tpu.memory_space<vmem>> -> memref<1x80xi32, #tpu.memory_space<vmem>>
        %dma_start3A_113 = tpu.memref_squeeze %dma_start3A_112 : memref<1x80xi32, #tpu.memory_space<vmem>> -> memref<80xi32, #tpu.memory_space<vmem>>
        %dma_start3A_114 = arith.constant 0 : i32
        %dma_start3A_115 = arith.constant 0 : i32
        %dma_start3A_116 = tpu.memref_slice %arg10[%dma_start3A_114, %dma_start3A_115] : memref<10008x256xbf16, #tpu.memory_space<vmem_shared>> -> memref<10008x256xbf16, #tpu.memory_space<vmem_shared>>
        tpu.enqueue_indirect_dma source(%arg9 : memref<80x256xbf16, #tpu.memory_space<vmem>>) target(%dma_start3A_116 : memref<10008x256xbf16, #tpu.memory_space<vmem_shared>>) offsets(%dma_start3A_113 : memref<80xi32, #tpu.memory_space<vmem>>) semaphore(%arg16 : memref<!tpu.dma_semaphore, #tpu.memory_space<semaphore_mem>>) {add = true}
        %add3A_117 = arith.constant 2 : i32
        %add3A_118 = arith.addi %mul3A_51, %add3A_117 : i32
        %ge3A_119 = arith.constant 1 : i32
        %ge3A_120 = arith.cmpi sge, %add3A_118, %ge3A_119 : i32
        %convert_element_type3A_121 = arith.extui %ge3A_120 : i1 to i32
        %cond3A_122 = arith.constant 0 : i32
        %cond3A_123 = arith.cmpi ne, %convert_element_type3A_121, %cond3A_122 : i32
        scf.if %cond3A_123 {
          %dma_wait3A_129 = arith.constant 0 : i32
          %dma_wait3A_130 = arith.constant 0 : i32
          %dma_wait3A_131 = tpu.memref_slice %arg6[%dma_wait3A_129, %dma_wait3A_130] : memref<125x80xi32, #tpu.memory_space<vmem>> -> memref<1x80xi32, #tpu.memory_space<vmem>>
          %dma_wait3A_132 = tpu.memref_squeeze %dma_wait3A_131 : memref<1x80xi32, #tpu.memory_space<vmem>> -> memref<80xi32, #tpu.memory_space<vmem>>
          %dma_wait3A_133 = arith.constant 0 : i32
          %dma_wait3A_134 = arith.constant 0 : i32
          %dma_wait3A_135 = tpu.memref_slice %arg10[%dma_wait3A_133, %dma_wait3A_134] : memref<10008x256xbf16, #tpu.memory_space<vmem_shared>> -> memref<10008x256xbf16, #tpu.memory_space<vmem_shared>>
          tpu.wait_indirect_dma semaphore(%arg15 : memref<!tpu.dma_semaphore, #tpu.memory_space<semaphore_mem>>) src(%arg8 : memref<80x256xbf16, #tpu.memory_space<vmem>>) dst(%dma_wait3A_135 : memref<10008x256xbf16, #tpu.memory_space<vmem_shared>>)
        } else {
        }
        %lt3A_124 = arith.constant 125 : i32
        %lt3A_125 = arith.cmpi slt, %add3A_99, %lt3A_124 : i32
        %convert_element_type3A_126 = arith.extui %lt3A_125 : i1 to i32
        %cond3A_127 = arith.constant 0 : i32
        %cond3A_128 = arith.cmpi ne, %convert_element_type3A_126, %cond3A_127 : i32
        scf.if %cond3A_128 {
          %dma_start3A_129 = arith.constant 0 : i32
          %dma_start3A_130 = tpu.memref_slice %arg5[%add3A_99, %dma_start3A_129] : memref<125x80xi32, #tpu.memory_space<vmem>> -> memref<1x80xi32, #tpu.memory_space<vmem>>
          %dma_start3A_131 = tpu.memref_squeeze %dma_start3A_130 : memref<1x80xi32, #tpu.memory_space<vmem>> -> memref<80xi32, #tpu.memory_space<vmem>>
          %dma_start3A_132 = arith.constant 0 : i32
          %dma_start3A_133 = arith.constant 0 : i32
          %dma_start3A_134 = tpu.memref_slice %arg2[%arg0, %dma_start3A_132, %dma_start3A_133] : memref<2x10008x256xbf16, #tpu.memory_space<hbm>> -> memref<1x10008x256xbf16, #tpu.memory_space<hbm>>
          %dma_start3A_135 = tpu.memref_squeeze %dma_start3A_134 : memref<1x10008x256xbf16, #tpu.memory_space<hbm>> -> memref<10008x256xbf16, #tpu.memory_space<hbm>>
          %dma_start3A_136 = arith.constant 0 : i32
          %dma_start3A_137 = arith.constant 0 : i32
          %dma_start3A_138 = tpu.memref_slice %dma_start3A_135[%dma_start3A_136, %dma_start3A_137] : memref<10008x256xbf16, #tpu.memory_space<hbm>> -> memref<10008x256xbf16, #tpu.memory_space<hbm>>
          tpu.enqueue_indirect_dma source(%dma_start3A_138 : memref<10008x256xbf16, #tpu.memory_space<hbm>>) target(%arg8 : memref<80x256xbf16, #tpu.memory_space<vmem>>) offsets(%dma_start3A_131 : memref<80xi32, #tpu.memory_space<vmem>>) semaphore(%arg12 : memref<!tpu.dma_semaphore, #tpu.memory_space<semaphore_mem>>)
        } else {
        }
      } else {
      }
    }
    %scan3A_32 = arith.constant 42 : i32
    %dma_wait3A = arith.constant 0 : i32
    %dma_wait3A_33 = arith.constant 0 : i32
    %dma_wait3A_34 = tpu.memref_slice %arg6[%dma_wait3A, %dma_wait3A_33] : memref<125x80xi32, #tpu.memory_space<vmem>> -> memref<1x80xi32, #tpu.memory_space<vmem>>
    %dma_wait3A_35 = tpu.memref_squeeze %dma_wait3A_34 : memref<1x80xi32, #tpu.memory_space<vmem>> -> memref<80xi32, #tpu.memory_space<vmem>>
    %dma_wait3A_36 = arith.constant 0 : i32
    %dma_wait3A_37 = arith.constant 0 : i32
    %dma_wait3A_38 = tpu.memref_slice %arg10[%dma_wait3A_36, %dma_wait3A_37] : memref<10008x256xbf16, #tpu.memory_space<vmem_shared>> -> memref<10008x256xbf16, #tpu.memory_space<vmem_shared>>
    tpu.wait_indirect_dma semaphore(%arg15 : memref<!tpu.dma_semaphore, #tpu.memory_space<semaphore_mem>>) src(%arg8 : memref<80x256xbf16, #tpu.memory_space<vmem>>) dst(%dma_wait3A_38 : memref<10008x256xbf16, #tpu.memory_space<vmem_shared>>)
    %barrier3A_39 = arith.constant 0 : index
    tpu.barrier barrier_id(%barrier3A_39)
    %lt3A_40 = arith.constant 15 : i32
    %lt3A_41 = arith.cmpi slt, %arg1, %lt3A_40 : i32
    %convert_element_type3A_42 = arith.extui %lt3A_41 : i1 to i32
    %cond3A_43 = arith.constant 0 : i32
    %cond3A_44 = arith.cmpi ne, %convert_element_type3A_42, %cond3A_43 : i32
    scf.if %cond3A_44 {
      %mul3A = arith.constant 632 : i32
      %mul3A_50 = arith.muli %arg1, %mul3A : i32
      %mul3A_51 = arith.constant 632 : i32
      %mul3A_52 = arith.muli %arg1, %mul3A_51 : i32
      "tpu.region"() ({
        %run_scoped3A = tpu.sem_alloc : memref<!tpu.dma_semaphore, #tpu.memory_space<semaphore_mem>>
        %dma_start3A_53 = arith.constant 0 : i32
        %dma_start3A_54 = arith.constant 0 : i32
        %dma_start3A_55 = tpu.memref_slice %arg4[%arg0, %dma_start3A_53, %dma_start3A_54] : memref<2x10008x256xbf16, #tpu.memory_space<hbm>> -> memref<1x10008x256xbf16, #tpu.memory_space<hbm>>
        %dma_start3A_56 = tpu.memref_squeeze %dma_start3A_55 : memref<1x10008x256xbf16, #tpu.memory_space<hbm>> -> memref<10008x256xbf16, #tpu.memory_space<hbm>>
        %dma_start3A_57 = arith.constant 0 : i32
        %dma_start3A_58 = tpu.memref_slice %dma_start3A_56[%mul3A_52, %dma_start3A_57] : memref<10008x256xbf16, #tpu.memory_space<hbm>> -> memref<632x256xbf16, #tpu.memory_space<hbm>>
        %dma_start3A_59 = arith.constant 0 : i32
        %dma_start3A_60 = tpu.memref_slice %arg10[%mul3A_50, %dma_start3A_59] : memref<10008x256xbf16, #tpu.memory_space<vmem_shared>> -> memref<632x256xbf16, #tpu.memory_space<vmem_shared>>
        tpu.enqueue_dma source(%dma_start3A_60 : memref<632x256xbf16, #tpu.memory_space<vmem_shared>>) target(%dma_start3A_58 : memref<632x256xbf16, #tpu.memory_space<hbm>>) target_semaphore(%run_scoped3A : memref<!tpu.dma_semaphore, #tpu.memory_space<semaphore_mem>>)
        %dma_wait3A_61 = arith.constant 0 : i32
        %dma_wait3A_62 = arith.constant 0 : i32
        %dma_wait3A_63 = tpu.memref_slice %arg4[%arg0, %dma_wait3A_61, %dma_wait3A_62] : memref<2x10008x256xbf16, #tpu.memory_space<hbm>> -> memref<1x10008x256xbf16, #tpu.memory_space<hbm>>
        %dma_wait3A_64 = tpu.memref_squeeze %dma_wait3A_63 : memref<1x10008x256xbf16, #tpu.memory_space<hbm>> -> memref<10008x256xbf16, #tpu.memory_space<hbm>>
        %dma_wait3A_65 = arith.constant 0 : i32
        %dma_wait3A_66 = tpu.memref_slice %dma_wait3A_64[%mul3A_52, %dma_wait3A_65] : memref<10008x256xbf16, #tpu.memory_space<hbm>> -> memref<632x256xbf16, #tpu.memory_space<hbm>>
        %dma_wait3A_67 = arith.constant 0 : i32
        %dma_wait3A_68 = tpu.memref_slice %arg10[%mul3A_50, %dma_wait3A_67] : memref<10008x256xbf16, #tpu.memory_space<vmem_shared>> -> memref<632x256xbf16, #tpu.memory_space<vmem_shared>>
        tpu.wait_dma2 semaphore(%run_scoped3A : memref<!tpu.dma_semaphore, #tpu.memory_space<semaphore_mem>>) src(%dma_wait3A_68 : memref<632x256xbf16, #tpu.memory_space<vmem_shared>>) dst(%dma_wait3A_66 : memref<632x256xbf16, #tpu.memory_space<hbm>>)
        tpu.yield
      }) : () -> ()
    } else {
    }
    %eq3A_45 = arith.constant 15 : i32
    %eq3A_46 = arith.cmpi eq, %arg1, %eq3A_45 : i32
    %convert_element_type3A_47 = arith.extui %eq3A_46 : i1 to i32
    %cond3A_48 = arith.constant 0 : i32
    %cond3A_49 = arith.cmpi ne, %convert_element_type3A_47, %cond3A_48 : i32
    scf.if %cond3A_49 {
      "tpu.region"() ({
        %run_scoped3A = tpu.sem_alloc : memref<!tpu.dma_semaphore, #tpu.memory_space<semaphore_mem>>
        %dma_start3A_50 = arith.constant 0 : i32
        %dma_start3A_51 = arith.constant 0 : i32
        %dma_start3A_52 = tpu.memref_slice %arg4[%arg0, %dma_start3A_50, %dma_start3A_51] : memref<2x10008x256xbf16, #tpu.memory_space<hbm>> -> memref<1x10008x256xbf16, #tpu.memory_space<hbm>>
        %dma_start3A_53 = tpu.memref_squeeze %dma_start3A_52 : memref<1x10008x256xbf16, #tpu.memory_space<hbm>> -> memref<10008x256xbf16, #tpu.memory_space<hbm>>
        %dma_start3A_54 = arith.constant 9480 : i32
        %dma_start3A_55 = arith.constant 0 : i32
        %dma_start3A_56 = tpu.memref_slice %dma_start3A_53[%dma_start3A_54, %dma_start3A_55] : memref<10008x256xbf16, #tpu.memory_space<hbm>> -> memref<528x256xbf16, #tpu.memory_space<hbm>>
        %dma_start3A_57 = arith.constant 9480 : i32
        %dma_start3A_58 = arith.constant 0 : i32
        %dma_start3A_59 = tpu.memref_slice %arg10[%dma_start3A_57, %dma_start3A_58] : memref<10008x256xbf16, #tpu.memory_space<vmem_shared>> -> memref<528x256xbf16, #tpu.memory_space<vmem_shared>>
        tpu.enqueue_dma source(%dma_start3A_59 : memref<528x256xbf16, #tpu.memory_space<vmem_shared>>) target(%dma_start3A_56 : memref<528x256xbf16, #tpu.memory_space<hbm>>) target_semaphore(%run_scoped3A : memref<!tpu.dma_semaphore, #tpu.memory_space<semaphore_mem>>)
        %dma_wait3A_60 = arith.constant 0 : i32
        %dma_wait3A_61 = arith.constant 0 : i32
        %dma_wait3A_62 = tpu.memref_slice %arg4[%arg0, %dma_wait3A_60, %dma_wait3A_61] : memref<2x10008x256xbf16, #tpu.memory_space<hbm>> -> memref<1x10008x256xbf16, #tpu.memory_space<hbm>>
        %dma_wait3A_63 = tpu.memref_squeeze %dma_wait3A_62 : memref<1x10008x256xbf16, #tpu.memory_space<hbm>> -> memref<10008x256xbf16, #tpu.memory_space<hbm>>
        %dma_wait3A_64 = arith.constant 9480 : i32
        %dma_wait3A_65 = arith.constant 0 : i32
        %dma_wait3A_66 = tpu.memref_slice %dma_wait3A_63[%dma_wait3A_64, %dma_wait3A_65] : memref<10008x256xbf16, #tpu.memory_space<hbm>> -> memref<528x256xbf16, #tpu.memory_space<hbm>>
        %dma_wait3A_67 = arith.constant 9480 : i32
        %dma_wait3A_68 = arith.constant 0 : i32
        %dma_wait3A_69 = tpu.memref_slice %arg10[%dma_wait3A_67, %dma_wait3A_68] : memref<10008x256xbf16, #tpu.memory_space<vmem_shared>> -> memref<528x256xbf16, #tpu.memory_space<vmem_shared>>
        tpu.wait_dma2 semaphore(%run_scoped3A : memref<!tpu.dma_semaphore, #tpu.memory_space<semaphore_mem>>) src(%dma_wait3A_69 : memref<528x256xbf16, #tpu.memory_space<vmem_shared>>) dst(%dma_wait3A_66 : memref<528x256xbf16, #tpu.memory_space<hbm>>)
        tpu.yield
      }) : () -> ()
    } else {
    }
    return
  }
}

module attributes {stable_mosaic.version = 14 : i64} {
  func.func @body(%arg0: i32, %arg1: memref<1000x256xf32, #tpu.memory_space<vmem>>, %arg2: memref<256x512xf32, #tpu.memory_space<vmem>>, %arg3: memref<1000x16xf32, #tpu.memory_space<vmem>>, %arg4: memref<2x1000x256xbf16, #tpu.memory_space<vmem>>) attributes {dimension_semantics = [#tpu.dimension_semantics<arbitrary>], iteration_bounds = array<i64: 10>, scalar_prefetch = 0 : i64, scratch_operands = 0 : i64, tpu.core_type = #tpu.core_type<tc>, window_params = [{transform_indices = @transform_0, window_bounds = array<i64: 1000, 256>}, {pipeline_mode = #tpu.pipeline_mode<synchronous>, transform_indices = @transform_1, window_bounds = array<i64: 256, 512>}, {transform_indices = @transform_2, window_bounds = array<i64: 1000, 16>}, {transform_indices = @transform_3, window_bounds = array<i64: 2, 1000, 256>}]} {
    %get3A = arith.constant 0 : index
    %get3A_0 = arith.constant 0 : index
    %get3A_1 = vector.load %arg1[%get3A, %get3A_0] : memref<1000x256xf32, #tpu.memory_space<vmem>>, vector<1000x256xf32>
    %get3A_2 = arith.constant 0 : index
    %get3A_3 = arith.constant 0 : index
    %get3A_4 = vector.load %arg2[%get3A_2, %get3A_3] : memref<256x512xf32, #tpu.memory_space<vmem>>, vector<256x512xf32>
    %dot_general3A = arith.constant dense<0.000000e+00> : vector<1000x512xf32>
    %dot_general3A_5 = tpu.matmul %get3A_1, %get3A_4, %dot_general3A {dimension_numbers = #tpu.dot_dimension_numbers<[1], [0], [0], [1], [0, 0, 1, 1], [], []>, transpose_lhs_hint = false} : vector<1000x256xf32>, vector<256x512xf32>, vector<1000x512xf32> -> vector<1000x512xf32>
    %get3A_6 = arith.constant 0 : index
    %get3A_7 = arith.constant 0 : index
    %get3A_8 = vector.load %arg3[%get3A_6, %get3A_7] : memref<1000x16xf32, #tpu.memory_space<vmem>>, vector<1000x1xf32>
    %rsqrt3A = math.rsqrt %get3A_8 : vector<1000x1xf32>
    %mul3A = vector.broadcast %rsqrt3A : vector<1000x1xf32> to vector<1000x512xf32>
    %mul3A_9 = arith.mulf %dot_general3A_5, %mul3A : vector<1000x512xf32>
    %convert_element_type3A = arith.truncf %mul3A_9 : vector<1000x512xf32> to vector<1000x512xbf16>
    %slice3A = vector.extract_strided_slice %convert_element_type3A {offsets = [0, 0], sizes = [1000, 256], strides = [1, 1]} : vector<1000x512xbf16> to vector<1000x256xbf16>
    %swap3A = arith.constant 0 : index
    %swap3A_10 = arith.constant 0 : index
    %swap3A_11 = arith.constant 0 : index
    %swap3A_12 = vector.load %arg4[%swap3A, %swap3A_10, %swap3A_11] : memref<2x1000x256xbf16, #tpu.memory_space<vmem>>, vector<1x1000x256xbf16>
    %swap3A_13 = vector.shape_cast %swap3A_12 : vector<1x1000x256xbf16> to vector<1000x256xbf16>
    %swap3A_14 = vector.shape_cast %slice3A : vector<1000x256xbf16> to vector<1x1000x256xbf16>
    tpu.vector_store %arg4[%swap3A, %swap3A_10, %swap3A_11], %swap3A_14 {strides = array<i32>} : memref<2x1000x256xbf16, #tpu.memory_space<vmem>>, vector<1x1000x256xbf16>,
    %slice3A_15 = vector.extract_strided_slice %convert_element_type3A {offsets = [0, 256], sizes = [1000, 256], strides = [1, 1]} : vector<1000x512xbf16> to vector<1000x256xbf16>
    %swap3A_16 = arith.constant 1 : index
    %swap3A_17 = arith.constant 0 : index
    %swap3A_18 = arith.constant 0 : index
    %swap3A_19 = vector.load %arg4[%swap3A_16, %swap3A_17, %swap3A_18] : memref<2x1000x256xbf16, #tpu.memory_space<vmem>>, vector<1x1000x256xbf16>
    %swap3A_20 = vector.shape_cast %swap3A_19 : vector<1x1000x256xbf16> to vector<1000x256xbf16>
    %swap3A_21 = vector.shape_cast %slice3A_15 : vector<1000x256xbf16> to vector<1x1000x256xbf16>
    tpu.vector_store %arg4[%swap3A_16, %swap3A_17, %swap3A_18], %swap3A_21 {strides = array<i32>} : memref<2x1000x256xbf16, #tpu.memory_space<vmem>>, vector<1x1000x256xbf16>,
    return
  }
  func.func @transform_0(%arg0: i32) -> (i32, i32) {
    %c0_i32 = arith.constant 0 : i32
    %c0_i32_0 = arith.constant 0 : i32
    return %arg0, %c0_i32 : i32, i32
  }
  func.func @transform_1(%arg0: i32) -> (i32, i32) {
    %c0_i32 = arith.constant 0 : i32
    %c0_i32_0 = arith.constant 0 : i32
    %c0_i32_1 = arith.constant 0 : i32
    return %c0_i32, %c0_i32_0 : i32, i32
  }
  func.func @transform_2(%arg0: i32) -> (i32, i32) {
    %c0_i32 = arith.constant 0 : i32
    %c0_i32_0 = arith.constant 0 : i32
    return %arg0, %c0_i32 : i32, i32
  }
  func.func @transform_3(%arg0: i32) -> (i32, i32, i32) {
    %c0_i32 = arith.constant 0 : i32
    %c0_i32_0 = arith.constant 0 : i32
    %c0_i32_1 = arith.constant 0 : i32
    return %c0_i32, %arg0, %c0_i32_0 : i32, i32, i32
  }
}

module attributes {stable_mosaic.version = 14 : i64} {
  func.func @body(%arg0: i32, %arg1: memref<2x1000x256xbf16, #tpu.memory_space<vmem>>, %arg2: memref<512x512xf32, #tpu.memory_space<vmem>>, %arg3: memref<1x512xf32, #tpu.memory_space<vmem>>, %arg4: memref<1000x16xf32, #tpu.memory_space<vmem>>, %arg5: memref<2x1000x256xbf16, #tpu.memory_space<vmem>>) attributes {dimension_semantics = [#tpu.dimension_semantics<arbitrary>], iteration_bounds = array<i64: 10>, scalar_prefetch = 0 : i64, scratch_operands = 0 : i64, tpu.core_type = #tpu.core_type<tc>, window_params = [{transform_indices = @transform_0, window_bounds = array<i64: 2, 1000, 256>}, {pipeline_mode = #tpu.pipeline_mode<synchronous>, transform_indices = @transform_1, window_bounds = array<i64: 512, 512>}, {pipeline_mode = #tpu.pipeline_mode<synchronous>, transform_indices = @transform_2, window_bounds = array<i64: 1, 512>}, {transform_indices = @transform_3, window_bounds = array<i64: 1000, 16>}, {transform_indices = @transform_4, window_bounds = array<i64: 2, 1000, 256>}]} {
    %get3A = arith.constant 0 : index
    %get3A_0 = arith.constant 0 : index
    %get3A_1 = vector.load %arg4[%get3A, %get3A_0] : memref<1000x16xf32, #tpu.memory_space<vmem>>, vector<1000x1xf32>
    %rsqrt3A = math.rsqrt %get3A_1 : vector<1000x1xf32>
    %broadcast_in_dim3A = arith.constant 0.000000e+00 : f32
    %broadcast_in_dim3A_2 = vector.broadcast %broadcast_in_dim3A : f32 to vector<1000x512xf32>
    %get3A_3 = arith.constant 0 : index
    %get3A_4 = arith.constant 0 : index
    %get3A_5 = arith.constant 0 : index
    %get3A_6 = vector.load %arg1[%get3A_3, %get3A_4, %get3A_5] : memref<2x1000x256xbf16, #tpu.memory_space<vmem>>, vector<1x1000x256xbf16>
    %get3A_7 = vector.shape_cast %get3A_6 : vector<1x1000x256xbf16> to vector<1000x256xbf16>
    %convert_element_type3A = arith.extf %get3A_7 : vector<1000x256xbf16> to vector<1000x256xf32>
    %mul3A = vector.broadcast %rsqrt3A : vector<1000x1xf32> to vector<1000x256xf32>
    %mul3A_8 = arith.mulf %mul3A, %convert_element_type3A : vector<1000x256xf32>
    %get3A_9 = arith.constant 0 : index
    %get3A_10 = arith.constant 0 : index
    %get3A_11 = vector.load %arg3[%get3A_9, %get3A_10] : memref<1x512xf32, #tpu.memory_space<vmem>>, vector<1x256xf32>
    %get3A_12 = vector.shape_cast %get3A_11 : vector<1x256xf32> to vector<256xf32>
    %broadcast_in_dim3A_13 = vector.shape_cast %get3A_12 : vector<256xf32> to vector<1x256xf32>
    %add3A = vector.broadcast %broadcast_in_dim3A_13 : vector<1x256xf32> to vector<1000x256xf32>
    %add3A_14 = arith.addf %mul3A_8, %add3A : vector<1000x256xf32>
    %gt3A = arith.constant 0.000000e+00 : f32
    %gt3A_15 = vector.broadcast %gt3A : f32 to vector<1000x256xf32>
    %gt3A_16 = arith.cmpf ogt, %add3A_14, %gt3A_15 : vector<1000x256xf32>
    %mul3A_17 = arith.constant 0.00999999977 : f32
    %mul3A_18 = vector.broadcast %mul3A_17 : f32 to vector<1000x256xf32>
    %mul3A_19 = arith.mulf %mul3A_18, %add3A_14 : vector<1000x256xf32>
    %select_n3A = arith.select %gt3A_16, %add3A_14, %mul3A_19 : vector<1000x256xi1>, vector<1000x256xf32>
    %get3A_20 = arith.constant 0 : index
    %get3A_21 = arith.constant 0 : index
    %get3A_22 = vector.load %arg2[%get3A_20, %get3A_21] : memref<512x512xf32, #tpu.memory_space<vmem>>, vector<256x512xf32>
    %dot_general3A = arith.constant dense<0.000000e+00> : vector<1000x512xf32>
    %dot_general3A_23 = tpu.matmul %select_n3A, %get3A_22, %dot_general3A {dimension_numbers = #tpu.dot_dimension_numbers<[1], [0], [0], [1], [0, 0, 1, 1], [], []>, transpose_lhs_hint = false} : vector<1000x256xf32>, vector<256x512xf32>, vector<1000x512xf32> -> vector<1000x512xf32>
    %add3A_24 = arith.addf %broadcast_in_dim3A_2, %dot_general3A_23 : vector<1000x512xf32>
    %get3A_25 = arith.constant 1 : index
    %get3A_26 = arith.constant 0 : index
    %get3A_27 = arith.constant 0 : index
    %get3A_28 = vector.load %arg1[%get3A_25, %get3A_26, %get3A_27] : memref<2x1000x256xbf16, #tpu.memory_space<vmem>>, vector<1x1000x256xbf16>
    %get3A_29 = vector.shape_cast %get3A_28 : vector<1x1000x256xbf16> to vector<1000x256xbf16>
    %convert_element_type3A_30 = arith.extf %get3A_29 : vector<1000x256xbf16> to vector<1000x256xf32>
    %mul3A_31 = vector.broadcast %rsqrt3A : vector<1000x1xf32> to vector<1000x256xf32>
    %mul3A_32 = arith.mulf %mul3A_31, %convert_element_type3A_30 : vector<1000x256xf32>
    %get3A_33 = arith.constant 0 : index
    %get3A_34 = arith.constant 256 : index
    %get3A_35 = vector.load %arg3[%get3A_33, %get3A_34] : memref<1x512xf32, #tpu.memory_space<vmem>>, vector<1x256xf32>
    %get3A_36 = vector.shape_cast %get3A_35 : vector<1x256xf32> to vector<256xf32>
    %broadcast_in_dim3A_37 = vector.shape_cast %get3A_36 : vector<256xf32> to vector<1x256xf32>
    %add3A_38 = vector.broadcast %broadcast_in_dim3A_37 : vector<1x256xf32> to vector<1000x256xf32>
    %add3A_39 = arith.addf %mul3A_32, %add3A_38 : vector<1000x256xf32>
    %gt3A_40 = arith.constant 0.000000e+00 : f32
    %gt3A_41 = vector.broadcast %gt3A_40 : f32 to vector<1000x256xf32>
    %gt3A_42 = arith.cmpf ogt, %add3A_39, %gt3A_41 : vector<1000x256xf32>
    %mul3A_43 = arith.constant 0.00999999977 : f32
    %mul3A_44 = vector.broadcast %mul3A_43 : f32 to vector<1000x256xf32>
    %mul3A_45 = arith.mulf %mul3A_44, %add3A_39 : vector<1000x256xf32>
    %select_n3A_46 = arith.select %gt3A_42, %add3A_39, %mul3A_45 : vector<1000x256xi1>, vector<1000x256xf32>
    %get3A_47 = arith.constant 256 : index
    %get3A_48 = arith.constant 0 : index
    %get3A_49 = vector.load %arg2[%get3A_47, %get3A_48] : memref<512x512xf32, #tpu.memory_space<vmem>>, vector<256x512xf32>
    %dot_general3A_50 = arith.constant dense<0.000000e+00> : vector<1000x512xf32>
    %dot_general3A_51 = tpu.matmul %select_n3A_46, %get3A_49, %dot_general3A_50 {dimension_numbers = #tpu.dot_dimension_numbers<[1], [0], [0], [1], [0, 0, 1, 1], [], []>, transpose_lhs_hint = false} : vector<1000x256xf32>, vector<256x512xf32>, vector<1000x512xf32> -> vector<1000x512xf32>
    %add3A_52 = arith.addf %add3A_24, %dot_general3A_51 : vector<1000x512xf32>
    %mul3A_53 = vector.broadcast %rsqrt3A : vector<1000x1xf32> to vector<1000x512xf32>
    %mul3A_54 = arith.mulf %add3A_52, %mul3A_53 : vector<1000x512xf32>
    %convert_element_type3A_55 = arith.truncf %mul3A_54 : vector<1000x512xf32> to vector<1000x512xbf16>
    %slice3A = vector.extract_strided_slice %convert_element_type3A_55 {offsets = [0, 0], sizes = [1000, 256], strides = [1, 1]} : vector<1000x512xbf16> to vector<1000x256xbf16>
    %swap3A = arith.constant 0 : index
    %swap3A_56 = arith.constant 0 : index
    %swap3A_57 = arith.constant 0 : index
    %swap3A_58 = vector.load %arg5[%swap3A, %swap3A_56, %swap3A_57] : memref<2x1000x256xbf16, #tpu.memory_space<vmem>>, vector<1x1000x256xbf16>
    %swap3A_59 = vector.shape_cast %swap3A_58 : vector<1x1000x256xbf16> to vector<1000x256xbf16>
    %swap3A_60 = vector.shape_cast %slice3A : vector<1000x256xbf16> to vector<1x1000x256xbf16>
    tpu.vector_store %arg5[%swap3A, %swap3A_56, %swap3A_57], %swap3A_60 {strides = array<i32>} : memref<2x1000x256xbf16, #tpu.memory_space<vmem>>, vector<1x1000x256xbf16>,
    %slice3A_61 = vector.extract_strided_slice %convert_element_type3A_55 {offsets = [0, 256], sizes = [1000, 256], strides = [1, 1]} : vector<1000x512xbf16> to vector<1000x256xbf16>
    %swap3A_62 = arith.constant 1 : index
    %swap3A_63 = arith.constant 0 : index
    %swap3A_64 = arith.constant 0 : index
    %swap3A_65 = vector.load %arg5[%swap3A_62, %swap3A_63, %swap3A_64] : memref<2x1000x256xbf16, #tpu.memory_space<vmem>>, vector<1x1000x256xbf16>
    %swap3A_66 = vector.shape_cast %swap3A_65 : vector<1x1000x256xbf16> to vector<1000x256xbf16>
    %swap3A_67 = vector.shape_cast %slice3A_61 : vector<1000x256xbf16> to vector<1x1000x256xbf16>
    tpu.vector_store %arg5[%swap3A_62, %swap3A_63, %swap3A_64], %swap3A_67 {strides = array<i32>} : memref<2x1000x256xbf16, #tpu.memory_space<vmem>>, vector<1x1000x256xbf16>,
    return
  }
  func.func @transform_0(%arg0: i32) -> (i32, i32, i32) {
    %c0_i32 = arith.constant 0 : i32
    %c0_i32_0 = arith.constant 0 : i32
    %c0_i32_1 = arith.constant 0 : i32
    return %c0_i32, %arg0, %c0_i32_0 : i32, i32, i32
  }
  func.func @transform_1(%arg0: i32) -> (i32, i32) {
    %c0_i32 = arith.constant 0 : i32
    %c0_i32_0 = arith.constant 0 : i32
    %c0_i32_1 = arith.constant 0 : i32
    return %c0_i32, %c0_i32_0 : i32, i32
  }
  func.func @transform_2(%arg0: i32) -> (i32, i32) {
    %c0_i32 = arith.constant 0 : i32
    %c0_i32_0 = arith.constant 0 : i32
    %c0_i32_1 = arith.constant 0 : i32
    return %c0_i32, %c0_i32_0 : i32, i32
  }
  func.func @transform_3(%arg0: i32) -> (i32, i32) {
    %c0_i32 = arith.constant 0 : i32
    %c0_i32_0 = arith.constant 0 : i32
    return %arg0, %c0_i32 : i32, i32
  }
  func.func @transform_4(%arg0: i32) -> (i32, i32, i32) {
    %c0_i32 = arith.constant 0 : i32
    %c0_i32_0 = arith.constant 0 : i32
    %c0_i32_1 = arith.constant 0 : i32
    return %c0_i32, %arg0, %c0_i32_0 : i32, i32, i32
  }
}

module attributes {stable_mosaic.version = 14 : i64} {
  func.func @body(%arg0: i32, %arg1: memref<2x1000x256xbf16, #tpu.memory_space<vmem>>, %arg2: memref<512x256xf32, #tpu.memory_space<vmem>>, %arg3: memref<1x512xf32, #tpu.memory_space<vmem>>, %arg4: memref<1000x16xf32, #tpu.memory_space<vmem>>, %arg5: memref<2x1000x128xf32, #tpu.memory_space<vmem>>) attributes {dimension_semantics = [#tpu.dimension_semantics<arbitrary>], iteration_bounds = array<i64: 10>, scalar_prefetch = 0 : i64, scratch_operands = 0 : i64, tpu.core_type = #tpu.core_type<tc>, window_params = [{transform_indices = @transform_0, window_bounds = array<i64: 2, 1000, 256>}, {pipeline_mode = #tpu.pipeline_mode<synchronous>, transform_indices = @transform_1, window_bounds = array<i64: 512, 256>}, {pipeline_mode = #tpu.pipeline_mode<synchronous>, transform_indices = @transform_2, window_bounds = array<i64: 1, 512>}, {transform_indices = @transform_3, window_bounds = array<i64: 1000, 16>}, {transform_indices = @transform_4, window_bounds = array<i64: 2, 1000, 128>}]} {
    %get3A = arith.constant 0 : index
    %get3A_0 = arith.constant 0 : index
    %get3A_1 = vector.load %arg4[%get3A, %get3A_0] : memref<1000x16xf32, #tpu.memory_space<vmem>>, vector<1000x1xf32>
    %rsqrt3A = math.rsqrt %get3A_1 : vector<1000x1xf32>
    %broadcast_in_dim3A = arith.constant 0.000000e+00 : f32
    %broadcast_in_dim3A_2 = vector.broadcast %broadcast_in_dim3A : f32 to vector<1000x256xf32>
    %get3A_3 = arith.constant 0 : index
    %get3A_4 = arith.constant 0 : index
    %get3A_5 = arith.constant 0 : index
    %get3A_6 = vector.load %arg1[%get3A_3, %get3A_4, %get3A_5] : memref<2x1000x256xbf16, #tpu.memory_space<vmem>>, vector<1x1000x256xbf16>
    %get3A_7 = vector.shape_cast %get3A_6 : vector<1x1000x256xbf16> to vector<1000x256xbf16>
    %convert_element_type3A = arith.extf %get3A_7 : vector<1000x256xbf16> to vector<1000x256xf32>
    %mul3A = vector.broadcast %rsqrt3A : vector<1000x1xf32> to vector<1000x256xf32>
    %mul3A_8 = arith.mulf %mul3A, %convert_element_type3A : vector<1000x256xf32>
    %get3A_9 = arith.constant 0 : index
    %get3A_10 = arith.constant 0 : index
    %get3A_11 = vector.load %arg3[%get3A_9, %get3A_10] : memref<1x512xf32, #tpu.memory_space<vmem>>, vector<1x256xf32>
    %get3A_12 = vector.shape_cast %get3A_11 : vector<1x256xf32> to vector<256xf32>
    %broadcast_in_dim3A_13 = vector.shape_cast %get3A_12 : vector<256xf32> to vector<1x256xf32>
    %add3A = vector.broadcast %broadcast_in_dim3A_13 : vector<1x256xf32> to vector<1000x256xf32>
    %add3A_14 = arith.addf %mul3A_8, %add3A : vector<1000x256xf32>
    %gt3A = arith.constant 0.000000e+00 : f32
    %gt3A_15 = vector.broadcast %gt3A : f32 to vector<1000x256xf32>
    %gt3A_16 = arith.cmpf ogt, %add3A_14, %gt3A_15 : vector<1000x256xf32>
    %mul3A_17 = arith.constant 0.00999999977 : f32
    %mul3A_18 = vector.broadcast %mul3A_17 : f32 to vector<1000x256xf32>
    %mul3A_19 = arith.mulf %mul3A_18, %add3A_14 : vector<1000x256xf32>
    %select_n3A = arith.select %gt3A_16, %add3A_14, %mul3A_19 : vector<1000x256xi1>, vector<1000x256xf32>
    %get3A_20 = arith.constant 0 : index
    %get3A_21 = arith.constant 0 : index
    %get3A_22 = vector.load %arg2[%get3A_20, %get3A_21] : memref<512x256xf32, #tpu.memory_space<vmem>>, vector<256x256xf32>
    %dot_general3A = arith.constant dense<0.000000e+00> : vector<1000x256xf32>
    %dot_general3A_23 = tpu.matmul %select_n3A, %get3A_22, %dot_general3A {dimension_numbers = #tpu.dot_dimension_numbers<[1], [0], [0], [1], [0, 0, 1, 1], [], []>, transpose_lhs_hint = false} : vector<1000x256xf32>, vector<256x256xf32>, vector<1000x256xf32> -> vector<1000x256xf32>
    %add3A_24 = arith.addf %broadcast_in_dim3A_2, %dot_general3A_23 : vector<1000x256xf32>
    %get3A_25 = arith.constant 1 : index
    %get3A_26 = arith.constant 0 : index
    %get3A_27 = arith.constant 0 : index
    %get3A_28 = vector.load %arg1[%get3A_25, %get3A_26, %get3A_27] : memref<2x1000x256xbf16, #tpu.memory_space<vmem>>, vector<1x1000x256xbf16>
    %get3A_29 = vector.shape_cast %get3A_28 : vector<1x1000x256xbf16> to vector<1000x256xbf16>
    %convert_element_type3A_30 = arith.extf %get3A_29 : vector<1000x256xbf16> to vector<1000x256xf32>
    %mul3A_31 = vector.broadcast %rsqrt3A : vector<1000x1xf32> to vector<1000x256xf32>
    %mul3A_32 = arith.mulf %mul3A_31, %convert_element_type3A_30 : vector<1000x256xf32>
    %get3A_33 = arith.constant 0 : index
    %get3A_34 = arith.constant 256 : index
    %get3A_35 = vector.load %arg3[%get3A_33, %get3A_34] : memref<1x512xf32, #tpu.memory_space<vmem>>, vector<1x256xf32>
    %get3A_36 = vector.shape_cast %get3A_35 : vector<1x256xf32> to vector<256xf32>
    %broadcast_in_dim3A_37 = vector.shape_cast %get3A_36 : vector<256xf32> to vector<1x256xf32>
    %add3A_38 = vector.broadcast %broadcast_in_dim3A_37 : vector<1x256xf32> to vector<1000x256xf32>
    %add3A_39 = arith.addf %mul3A_32, %add3A_38 : vector<1000x256xf32>
    %gt3A_40 = arith.constant 0.000000e+00 : f32
    %gt3A_41 = vector.broadcast %gt3A_40 : f32 to vector<1000x256xf32>
    %gt3A_42 = arith.cmpf ogt, %add3A_39, %gt3A_41 : vector<1000x256xf32>
    %mul3A_43 = arith.constant 0.00999999977 : f32
    %mul3A_44 = vector.broadcast %mul3A_43 : f32 to vector<1000x256xf32>
    %mul3A_45 = arith.mulf %mul3A_44, %add3A_39 : vector<1000x256xf32>
    %select_n3A_46 = arith.select %gt3A_42, %add3A_39, %mul3A_45 : vector<1000x256xi1>, vector<1000x256xf32>
    %get3A_47 = arith.constant 256 : index
    %get3A_48 = arith.constant 0 : index
    %get3A_49 = vector.load %arg2[%get3A_47, %get3A_48] : memref<512x256xf32, #tpu.memory_space<vmem>>, vector<256x256xf32>
    %dot_general3A_50 = arith.constant dense<0.000000e+00> : vector<1000x256xf32>
    %dot_general3A_51 = tpu.matmul %select_n3A_46, %get3A_49, %dot_general3A_50 {dimension_numbers = #tpu.dot_dimension_numbers<[1], [0], [0], [1], [0, 0, 1, 1], [], []>, transpose_lhs_hint = false} : vector<1000x256xf32>, vector<256x256xf32>, vector<1000x256xf32> -> vector<1000x256xf32>
    %add3A_52 = arith.addf %add3A_24, %dot_general3A_51 : vector<1000x256xf32>
    %mul3A_53 = vector.broadcast %rsqrt3A : vector<1000x1xf32> to vector<1000x256xf32>
    %mul3A_54 = arith.mulf %add3A_52, %mul3A_53 : vector<1000x256xf32>
    %slice3A = vector.extract_strided_slice %mul3A_54 {offsets = [0, 0], sizes = [1000, 128], strides = [1, 1]} : vector<1000x256xf32> to vector<1000x128xf32>
    %swap3A = arith.constant 0 : index
    %swap3A_55 = arith.constant 0 : index
    %swap3A_56 = arith.constant 0 : index
    %swap3A_57 = vector.load %arg5[%swap3A, %swap3A_55, %swap3A_56] : memref<2x1000x128xf32, #tpu.memory_space<vmem>>, vector<1x1000x128xf32>
    %swap3A_58 = vector.shape_cast %swap3A_57 : vector<1x1000x128xf32> to vector<1000x128xf32>
    %swap3A_59 = vector.shape_cast %slice3A : vector<1000x128xf32> to vector<1x1000x128xf32>
    tpu.vector_store %arg5[%swap3A, %swap3A_55, %swap3A_56], %swap3A_59 {strides = array<i32>} : memref<2x1000x128xf32, #tpu.memory_space<vmem>>, vector<1x1000x128xf32>,
    %slice3A_60 = vector.extract_strided_slice %mul3A_54 {offsets = [0, 128], sizes = [1000, 128], strides = [1, 1]} : vector<1000x256xf32> to vector<1000x128xf32>
    %swap3A_61 = arith.constant 1 : index
    %swap3A_62 = arith.constant 0 : index
    %swap3A_63 = arith.constant 0 : index
    %swap3A_64 = vector.load %arg5[%swap3A_61, %swap3A_62, %swap3A_63] : memref<2x1000x128xf32, #tpu.memory_space<vmem>>, vector<1x1000x128xf32>
    %swap3A_65 = vector.shape_cast %swap3A_64 : vector<1x1000x128xf32> to vector<1000x128xf32>
    %swap3A_66 = vector.shape_cast %slice3A_60 : vector<1000x128xf32> to vector<1x1000x128xf32>
    tpu.vector_store %arg5[%swap3A_61, %swap3A_62, %swap3A_63], %swap3A_66 {strides = array<i32>} : memref<2x1000x128xf32, #tpu.memory_space<vmem>>, vector<1x1000x128xf32>,
    return
  }
  func.func @transform_0(%arg0: i32) -> (i32, i32, i32) {
    %c0_i32 = arith.constant 0 : i32
    %c0_i32_0 = arith.constant 0 : i32
    %c0_i32_1 = arith.constant 0 : i32
    return %c0_i32, %arg0, %c0_i32_0 : i32, i32, i32
  }
  func.func @transform_1(%arg0: i32) -> (i32, i32) {
    %c0_i32 = arith.constant 0 : i32
    %c0_i32_0 = arith.constant 0 : i32
    %c0_i32_1 = arith.constant 0 : i32
    return %c0_i32, %c0_i32_0 : i32, i32
  }
  func.func @transform_2(%arg0: i32) -> (i32, i32) {
    %c0_i32 = arith.constant 0 : i32
    %c0_i32_0 = arith.constant 0 : i32
    %c0_i32_1 = arith.constant 0 : i32
    return %c0_i32, %c0_i32_0 : i32, i32
  }
  func.func @transform_3(%arg0: i32) -> (i32, i32) {
    %c0_i32 = arith.constant 0 : i32
    %c0_i32_0 = arith.constant 0 : i32
    return %arg0, %c0_i32 : i32, i32
  }
  func.func @transform_4(%arg0: i32) -> (i32, i32, i32) {
    %c0_i32 = arith.constant 0 : i32
    %c0_i32_0 = arith.constant 0 : i32
    %c0_i32_1 = arith.constant 0 : i32
    return %c0_i32, %arg0, %c0_i32_0 : i32, i32, i32
  }
}

module attributes {stable_mosaic.version = 14 : i64} {
  func.func @body(%arg0: i32, %arg1: memref<2x1000x128xf32, #tpu.memory_space<vmem>>, %arg2: memref<2x1x128xf32, #tpu.memory_space<vmem>>, %arg3: memref<1000x16xf32, #tpu.memory_space<vmem>>, %arg4: memref<1000x256xf32, #tpu.memory_space<vmem>>) attributes {dimension_semantics = [#tpu.dimension_semantics<arbitrary>], iteration_bounds = array<i64: 10>, scalar_prefetch = 0 : i64, scratch_operands = 0 : i64, tpu.core_type = #tpu.core_type<tc>, window_params = [{transform_indices = @transform_0, window_bounds = array<i64: 2, 1000, 128>}, {pipeline_mode = #tpu.pipeline_mode<synchronous>, transform_indices = @transform_1, window_bounds = array<i64: 2, 1, 128>}, {transform_indices = @transform_2, window_bounds = array<i64: 1000, 16>}, {transform_indices = @transform_3, window_bounds = array<i64: 1000, 256>}]} {
    %get3A = arith.constant 0 : index
    %get3A_0 = arith.constant 0 : index
    %get3A_1 = vector.load %arg3[%get3A, %get3A_0] : memref<1000x16xf32, #tpu.memory_space<vmem>>, vector<1000x1xf32>
    %rsqrt3A = math.rsqrt %get3A_1 : vector<1000x1xf32>
    %get3A_2 = arith.constant 0 : index
    %get3A_3 = arith.constant 0 : index
    %get3A_4 = arith.constant 0 : index
    %get3A_5 = vector.load %arg1[%get3A_2, %get3A_3, %get3A_4] : memref<2x1000x128xf32, #tpu.memory_space<vmem>>, vector<1x1000x128xf32>
    %get3A_6 = vector.shape_cast %get3A_5 : vector<1x1000x128xf32> to vector<1000x128xf32>
    %mul3A = vector.broadcast %rsqrt3A : vector<1000x1xf32> to vector<1000x128xf32>
    %mul3A_7 = arith.mulf %mul3A, %get3A_6 : vector<1000x128xf32>
    %get3A_8 = arith.constant 0 : index
    %get3A_9 = arith.constant 0 : index
    %get3A_10 = arith.constant 0 : index
    %get3A_11 = vector.load %arg2[%get3A_8, %get3A_9, %get3A_10] : memref<2x1x128xf32, #tpu.memory_space<vmem>>, vector<1x1x128xf32>
    %get3A_12 = vector.shape_cast %get3A_11 : vector<1x1x128xf32> to vector<128xf32>
    %broadcast_in_dim3A = vector.shape_cast %get3A_12 : vector<128xf32> to vector<1x128xf32>
    %add3A = vector.broadcast %broadcast_in_dim3A : vector<1x128xf32> to vector<1000x128xf32>
    %add3A_13 = arith.addf %mul3A_7, %add3A : vector<1000x128xf32>
    %swap3A = arith.constant 0 : index
    %swap3A_14 = arith.constant 0 : index
    %swap3A_15 = vector.load %arg4[%swap3A, %swap3A_14] : memref<1000x256xf32, #tpu.memory_space<vmem>>, vector<1000x128xf32>
    tpu.vector_store %arg4[%swap3A, %swap3A_14], %add3A_13 {strides = array<i32>} : memref<1000x256xf32, #tpu.memory_space<vmem>>, vector<1000x128xf32>,
    %get3A_16 = arith.constant 1 : index
    %get3A_17 = arith.constant 0 : index
    %get3A_18 = arith.constant 0 : index
    %get3A_19 = vector.load %arg1[%get3A_16, %get3A_17, %get3A_18] : memref<2x1000x128xf32, #tpu.memory_space<vmem>>, vector<1x1000x128xf32>
    %get3A_20 = vector.shape_cast %get3A_19 : vector<1x1000x128xf32> to vector<1000x128xf32>
    %mul3A_21 = vector.broadcast %rsqrt3A : vector<1000x1xf32> to vector<1000x128xf32>
    %mul3A_22 = arith.mulf %mul3A_21, %get3A_20 : vector<1000x128xf32>
    %get3A_23 = arith.constant 1 : index
    %get3A_24 = arith.constant 0 : index
    %get3A_25 = arith.constant 0 : index
    %get3A_26 = vector.load %arg2[%get3A_23, %get3A_24, %get3A_25] : memref<2x1x128xf32, #tpu.memory_space<vmem>>, vector<1x1x128xf32>
    %get3A_27 = vector.shape_cast %get3A_26 : vector<1x1x128xf32> to vector<128xf32>
    %broadcast_in_dim3A_28 = vector.shape_cast %get3A_27 : vector<128xf32> to vector<1x128xf32>
    %add3A_29 = vector.broadcast %broadcast_in_dim3A_28 : vector<1x128xf32> to vector<1000x128xf32>
    %add3A_30 = arith.addf %mul3A_22, %add3A_29 : vector<1000x128xf32>
    %swap3A_31 = arith.constant 0 : index
    %swap3A_32 = arith.constant 128 : index
    %swap3A_33 = vector.load %arg4[%swap3A_31, %swap3A_32] : memref<1000x256xf32, #tpu.memory_space<vmem>>, vector<1000x128xf32>
    tpu.vector_store %arg4[%swap3A_31, %swap3A_32], %add3A_30 {strides = array<i32>} : memref<1000x256xf32, #tpu.memory_space<vmem>>, vector<1000x128xf32>,
    return
  }
  func.func @transform_0(%arg0: i32) -> (i32, i32, i32) {
    %c0_i32 = arith.constant 0 : i32
    %c0_i32_0 = arith.constant 0 : i32
    %c0_i32_1 = arith.constant 0 : i32
    return %c0_i32, %arg0, %c0_i32_0 : i32, i32, i32
  }
  func.func @transform_1(%arg0: i32) -> (i32, i32, i32) {
    %c0_i32 = arith.constant 0 : i32
    %c0_i32_0 = arith.constant 0 : i32
    %c0_i32_1 = arith.constant 0 : i32
    %c0_i32_2 = arith.constant 0 : i32
    return %c0_i32, %c0_i32_0, %c0_i32_1 : i32, i32, i32
  }
  func.func @transform_2(%arg0: i32) -> (i32, i32) {
    %c0_i32 = arith.constant 0 : i32
    %c0_i32_0 = arith.constant 0 : i32
    return %arg0, %c0_i32 : i32, i32
  }
  func.func @transform_3(%arg0: i32) -> (i32, i32) {
    %c0_i32 = arith.constant 0 : i32
    %c0_i32_0 = arith.constant 0 : i32
    return %arg0, %c0_i32 : i32, i32
  }
}

</mosaic_0001>

<sc_bundles>
// kernel: kernel.14.cloned.1.call-start
scs
__scs_entry_jumppad:
0x0: {  	(pc) =	sbr.rel $0x88, $3  }
0x1: {  	(tag) =	ssettag $0x0;
	lr =	simm.s32 $0x1  }
0x2: {  	[smem:$0x3F95] =	sst lr;
	_ =	strace $0xD0000000  }
0x3: {  	_ = 	snop  }
0x4: {  	_ = 	snop  }
0x5: {  	_ = 	snop  }
0x6: {  	_ = 	snop  }
0x7: {  	_ = 	snop  }
__scs_overlays_trampoline_lowered:
0x8: {  	[smem:$0x3FA4] =	sst s0  }
0x9: {  	[smem:$0x3FA5] =	sst s1  }
0xa: {  	[smem:$0x3FA6] =	sst s2  }
0xb: {  	[smem:$0x3FA7] =	sst s3  }
0xc: {  	[smem:$0x3FA8] =	sst s4  }
0xd: {  	[smem:$0x3FA9] =	sst s5  }
0xe: {  	[smem:$0x3FAA] =	sst s6  }
0xf: {  	[smem:$0x3FAB] =	sst s7  }
0x10: {  	[smem:$0x3FAC] =	sst s8  }
0x11: {  	[smem:$0x3FAD] =	sst s9;
	s0 =	simm.s32 @!p0 $0x0  }
0x12: {  	s1 =	sld [smem:$0x3F93];
	s0 =	simm.s32 @p0 $0x1  }
0x13: {  	[smem:$0x3FAE] =	sst s0;
	s0 =	simm.s32 @!p1 $0x0  }
0x14: {  	s2 =	sld [smem:$0x3F92];
	s0 =	simm.s32 @p1 $0x1  }
0x15: {  	[smem:$0x3FAF] =	sst s0;
	s0 =	simm.s32 @!p2 $0x0  }
0x16: {  	s3 =	sld [smem:$0x3FDB];
	s0 =	simm.s32 @p2 $0x1  }
0x17: {  	s4 =	simm.s32 $0x1BF5;
	[smem:$0x3FB1] =	sst s0  }
0x18: {  	s0 =	sld [smem:$0x3F94];
	_ =	swait.ge [sflag:s4], $0x0  }
0x19: {  	s7 =	sld [smem:$0x3F95]  }
0x1a: {  	s8 =	sadd.s32 $0xFFFFE003, lr  }
0x1b: {  	s9 =	sadd.s32 $0xFFFFFEF7, lr;
	s5 =	simm.s32 $0xFFFFFFFF;
	p2 =	slt.u32 s8, $0xFFFFF086  }
0x1c: {  	p1 =	slt.u32 s9, $0xF7A;
	s5 =	simm.s32 @!p2 $0x0  }
0x1d: {  	s5 =	simm.s32 @p1 $0x1;
	p0 =	seq.s32 s7, s2  }
0x1e: {  	s7 =	smul.u32 @!p0 $0xF7A, s2;
	p2 =	seq.s32 @!p0 s5, $0x0  }
0x1f: {  	s9 =	smul.u32 $0xF7A, s1;
	s8 =	simm.s32 @!p0 $0x1BF5;
	p2 =	por !p2, p0  }
0x20: {  	[sflag:s8] =	ssyncset.s32 @!p0 $0xFFFFF086;
	s6 =	sadd.s32 @!p0 s3, s7;
	s7 =	simm.s32 @!p0 $0x108  }
0x21: {  	s3 =	sadd.s32 s3, s9;
	s6 =	sadd.s32 @!p0 $0x88, s6;
	s7 =	simm.s32 @p2 $0x1082  }
0x22: {  	[simem:s7], [sflag:s8] =	dma.local @!p0 [hbm:s6], $0xF7A  }
0x23: {  	s9 =	sor.u32 $0xD0000000, s2;
	s6 =	simm.s32 $0x108;
	_ =	swait.ge @!p0 [sflag:s8], $0x0  }
0x24: {  	s3 =	sadd.s32 $0x88, s3;
	s6 =	simm.s32 @!p1 $0x1082;
	[sflag:s4] =	ssyncset.s32 $0xFFFFF086  }
0x25: {  	[simem:s6], [sflag:s4] =	dma.local [hbm:s3], $0xF7A  }
0x26: {  	[smem:$0x3F95] =	sst s1;
	(tag) =	ssettag s2;
	_ =	strace s9  }
0x27: {  	s1 =	sld [smem:$0x3FA5]  }
0x28: {  	s2 =	sld [smem:$0x3FA6]  }
0x29: {  	s4 =	sld [smem:$0x3FA8]  }
0x2a: {  	p0 =	seq.s32 s5, $0x0;
	s5 =	sld [smem:$0x3FA9]  }
0x2b: {  	s6 =	sld [smem:$0x3FAA]  }
0x2c: {  	s7 =	sld [smem:$0x3FAB]  }
0x2d: {  	s3 =	simm.s32 $0x108;
	s8 =	sld [smem:$0x3FAC]  }
0x2e: {  	s3 =	simm.s32 @!p0 $0x1082;
	s9 =	sld [smem:$0x3FAD]  }
0x2f: {  	lr =	sadd.s32 s0, s3;
	s0 =	sld [smem:$0x3FA4]  }
0x30: {  	s3 =	sld [smem:$0x3FA7]  }
0x31: {  	[smem:$0x3FB0] =	sst s10  }
0x32: {  	s10 =	sld [smem:$0x3FAE];
	_ =	sdelay $0x3  }
0x33: {  	p0 =	seq.s32 s10, $0x1;
	s10 =	sld [smem:$0x3FB0];
	_ =	sdelay $0x3  }
0x34: {  	[smem:$0x3FB0] =	sst s10  }
0x35: {  	s10 =	sld [smem:$0x3FAF];
	_ =	sdelay $0x3  }
0x36: {  	p1 =	seq.s32 s10, $0x1;
	s10 =	sld [smem:$0x3FB0];
	_ =	sdelay $0x3  }
0x37: {  	[smem:$0x3FB0] =	sst s10  }
0x38: {  	s10 =	sld [smem:$0x3FB1]  }
0x39: {  	_ = 	snop;
	(pc) =	sbr.ind lr, $3  }
0x3a: {  	_ = 	snop  }
0x3b: {  	_ = 	snop  }
0x3c: {  	p2 =	seq.s32 s10, $0x1;
	s10 =	sld [smem:$0x3FB0]  }
0x3d: {  	_ =	shalt  }
0x3e: {  	_ =	shalt  }
0x3f: {  	_ =	shalt  }
0x40: {  	_ =	shalt  }
0x41: {  	_ =	shalt  }
0x42: {  	_ =	shalt  }
0x43: {  	_ =	shalt  }
0x44: {  	_ =	shalt  }
0x45: {  	_ =	shalt  }
0x46: {  	_ =	shalt  }
0x47: {  	_ =	shalt  }
0x48: {  	_ =	shalt  }
0x49: {  	_ =	shalt  }
0x4a: {  	_ =	shalt  }
0x4b: {  	_ =	shalt  }
0x4c: {  	_ =	shalt  }
0x4d: {  	_ =	shalt  }
0x4e: {  	_ =	shalt  }
0x4f: {  	_ =	shalt  }
0x50: {  	_ =	shalt  }
0x51: {  	_ =	shalt  }
0x52: {  	_ =	shalt  }
0x53: {  	_ =	shalt  }
0x54: {  	_ =	shalt  }
0x55: {  	_ =	shalt  }
0x56: {  	_ =	shalt  }
0x57: {  	_ =	shalt  }
0x58: {  	_ =	shalt  }
0x59: {  	_ =	shalt  }
0x5a: {  	_ =	shalt  }
0x5b: {  	_ =	shalt  }
0x5c: {  	_ =	shalt  }
0x5d: {  	_ =	shalt  }
0x5e: {  	_ =	shalt  }
0x5f: {  	_ =	shalt  }
0x60: {  	_ =	shalt  }
0x61: {  	_ =	shalt  }
0x62: {  	_ =	shalt  }
0x63: {  	_ =	shalt  }
0x64: {  	_ =	shalt  }
0x65: {  	_ =	shalt  }
0x66: {  	_ =	shalt  }
0x67: {  	_ =	shalt  }
0x68: {  	_ =	shalt  }
0x69: {  	_ =	shalt  }
0x6a: {  	_ =	shalt  }
0x6b: {  	_ =	shalt  }
0x6c: {  	_ =	shalt  }
0x6d: {  	_ =	shalt  }
0x6e: {  	_ =	shalt  }
0x6f: {  	_ =	shalt  }
0x70: {  	_ =	shalt  }
0x71: {  	_ =	shalt  }
0x72: {  	_ =	shalt  }
0x73: {  	_ =	shalt  }
0x74: {  	_ =	shalt  }
0x75: {  	_ =	shalt  }
0x76: {  	_ =	shalt  }
0x77: {  	_ =	shalt  }
0x78: {  	_ =	shalt  }
0x79: {  	_ =	shalt  }
0x7a: {  	_ =	shalt  }
0x7b: {  	_ =	shalt  }
0x7c: {  	_ =	shalt  }
0x7d: {  	_ =	shalt  }
0x7e: {  	_ =	shalt  }
0x7f: {  	_ =	shalt  }
0x80: {  	_ =	shalt  }
0x81: {  	_ =	shalt  }
0x82: {  	_ =	shalt  }
0x83: {  	_ =	shalt  }
0x84: {  	_ =	shalt  }
0x85: {  	_ =	shalt  }
0x86: {  	_ =	shalt  }
0x87: {  	_ =	shalt  }
.Lfunc_end0:
.L_simem_size_0:
called_computation_lowered:
.L_overlay_start_0:
0x88: {  	s2 =	sld [smem:$0x3FD9]  }
0x89: {  	s3 =	sld [smem:$0x3FFE];
	_ =	sdelay $0x1  }
0x8a: {  	s1 =	srdreg.scid  }
0x8b: {  	s0 =	sand.u32 $0x1, s1  }
0x8c: {  	s17 =	sshll.u32 s0, $0xA;
	s2 =	sadd.s32 s3, s2  }
0x8d: {  	s2 =	sadd.s32 s2, s17  }
0x8e: {  	[smem:$0x3FBC] =	sst s2  }
0x8f: {  	_ = 	snop  }
0x90: {  	s2 =	sld [smem:$0x3FD0];
	(tm) =	ssettm $0x1  }
0x91: {  	s18 =	sld [smem:$0x3FFB];
	_ =	sdelay $0x3  }
0x92: {  	_ =	strace s18  }
0x93: {  	s3 =	sld [smem:$0x3FFC];
	_ =	sdelay $0x3  }
0x94: {  	_ =	strace s3  }
0x95: {  	s3 =	sld [smem:$0x3FFD];
	_ =	sdelay $0x3  }
0x96: {  	_ =	strace s3  }
0x97: {  	_ =	strace $0x8FFFFFFF  }
0x98: {  	s19 =	sld [smem:$0x3FDB];
	_ =	sdelay $0x1  }
0x99: {  	s4 =	simm.s32 $_scs_section_size  }
0x9a: {  	s5 =	simm.s32 $_size__tile_overlayer_lowered;
	s6 =	simm.s32 $_tile_overlayer_lowered  }
0x9b: {  	s22 =	simm.s32 $0x1BFF;
	s21 =	sshll.u32 s6, $0x1;
	s3 =	sadd.s32 s4, s19  }
0x9c: {  	s7 =	simm.s32 $0x0;
	s20 =	sshll.u32 s5, $0x1;
	s5 =	sadd.s32 s21, s3  }
0x9d: {  	[timem:s7], [sflag:s22] =	dma.local [hbm:s5], s20  }
0x9e: {  	_ =	swait.ge [sflag:s22], s20  }
0x9f: {  	s4 =	ssub.s32 $0x0, s20;
	[sflag:s22] =	ssyncset.done $0x0  }
0xa0: {  	[sflag:s22] =	ssyncadd.s32 s4;
	_ =	sdelay $0x1  }
0xa1: {  	s23 =	simm.s32 $0x1B8B  }
0xa2: {  	_ =	swait.ge [sflag:s23], $0x1  }
0xa3: {  	[sflag:s23] =	ssyncset.done $0x0  }
0xa4: {  	s25 =	simm.s32 $0x1B8E;
	s24 =	sld [smem:$0x3FFE];
	[sflag:s23] =	ssyncadd.s32 $0xFFFFFFFF  }
0xa5: {  	s26 =	simm.s32 $execute0_lowered;
	[smem:$0x3FD2] =	sst s25  }
0xa6: {  	s5 =	sshll.u32 s26, $0x1;
	_ =	strace $0x80000046;
	[dreg:$0x1] =	wrdreg $0xFFFFFFFF  }
0xa7: {  	s28 =	simm.s32 $_size_execute0_lowered;
	s3 =	sadd.s32 s3, s5;
	[dreg:$0x0] =	wrdreg $0x0  }
0xa8: {  	s5 =	sshll.u32 s28, $0x1;
	[dreg:$0x2] =	wrdreg s3  }
0xa9: {  	[dreg:$0x3] =	wrdreg s5  }
0xaa: {  	[dreg:$0x4] =	wrdreg $0xC0  }
0xab: {  	_ =	task [dreg:s7], $0x5FFFF  }
0xac: {  	[dreg:$0x1] =	wrdreg $0xFFFFFFFF  }
0xad: {  	[dreg:$0x0] =	wrdreg $0x60  }
0xae: {  	[dreg:$0x2] =	wrdreg s2  }
0xaf: {  	[dreg:$0x3] =	wrdreg s24  }
0xb0: {  	[dreg:$0x4] =	wrdreg $0x53900  }
0xb1: {  	[dreg:$0x5] =	wrdreg $0x9  }
0xb2: {  	_ =	task.clear_ibuf [dreg:s7], $0x6FFFF;
	_ =	strace $0x90000046  }
0xb3: {  	s29 =	simm.s32 $0x9;
	_ =	strace $0x80000048  }
0xb4: {  	_ =	swait.ge [sflag:s29], $0x1  }
0xb5: {  	[sflag:s29] =	ssyncadd.s32 $0xFFFFFFFF  }
0xb6: {  	_ =	strace $0x90000048  }
0xb7: {  	_ =	sfence  }
0xb8: {  	s30 =	sld [smem:$0x0];
	_ =	sdelay $0x2  }
0xb9: {  	s31 =	sshll.u32 s1, $0xD;
	s1 =	sshrl.u32 s1, $0x2  }
0xba: {  	s3 =	sand.u32 $0x4000, s31;
	s1 =	sadd.s32 s1, s30  }
0xbb: {  	s0 =	sor.u32 s3, s0;
	s1 =	sshll.u32 s1, $0x11  }
0xbc: {  	s0 =	sor.u32 s1, s0  }
0xbd: {  	s0 =	sadd.s32 $0x8F2B, s0  }
0xbe: {  	[sflag:s0] =	ssyncadd.remote.s32 $0x1  }
0xbf: {  	_ =	sfence.sel $0xFFFF  }
0xc0: {  	[dreg:$0x0] =	wrdreg $0xFFFFFFFF;
	(pc) =	sbr.abs _section_cstart, $3  }
0xc1: {  	[dreg:$0x1] =	wrdreg $0xFFFFFFFF  }
0xc2: {  	_ =	task.clear_ibuf [dreg:s7], $0x2FFFF;
	_ =	strace $0x9FFFFFFF  }
0xc3: {  	(tm) =	ssettm $0x7FFFFFFF  }
tec
execute0_lowered:
.L_overlay_start_1:
0x0: {  	(tag) =	ssettag $0x1  }
0x1: {  	s1 =	srdreg.scid  }
0x2: {  	s1 =	sand.u32 $0x1, s1  }
0x3: {  	p0 =	seq.s32 s1, $0x1  }
.Ltmp0:
0x4: {  	s3 =	rddreg [dreg:$0x0];
	(pc) =	sbr.rel @p0 .LBB2_8-.Ltmp0, $4  }
0x5: {  	s6 =	rddreg [dreg:$0x1]  }
0x6: {  	s2 =	rddreg [dreg:$0x2];
	s8 =	simm.s32 $0x0  }
0x7: {  	[smem:$0x7FF] =	sst s8  }
0x8: {  	s0 =	rddreg [dreg:$0x3];
	_ =	strace $0x80000047;
	s1 =	stileid.u32  }
0x9: {  	s4 =	smul.u32 $0x2710, s1;
	_ =	sdelay $0x1  }
0xa: {  	s30 =	smul.u32 $0x9E00, s1;
	s4 =	sshrl.u32 s4, $0x3  }
0xb: {  	s9 =	smul.u32 $0x2780, s1;
	s10 =	simm.s32 $0x1;
	s3 =	sadd.s32 s3, s4  }
0xc: {  	s5 =	sadd.s32 $0x25080, s2;
	s4 =	sshrl.u32 s30, $0x2;
	s3 =	sadd.s32 $0x4E20, s3  }
0xd: {  	[tilespmem:s8], [sflag:$0x1] =	stream.linear.gather [hbm4b:s3+s8], $0x2710, $0x38;
	[tilespmem:$0x7AA8] =	vst v63  }
0xe: {  	s31 =	sshrl.u32 s9, $0x3;
	s7 =	sadd.s32 s4, s2;
	_ =	swait.ge [sflag:s10], $0x2710  }
0xf: {  	s4 =	sadd.s32 s9, s2;
	s3 =	sadd.s32 s31, s6;
	[sflag:s10] =	ssyncset.done $0x0  }
0x10: {  	v0 =	vimm.f32 $1.000000000e+00;
	s6 =	sadd.s32 $0x7C10, s6;
	s3 =	sadd.s32 $0x3200, s3;
	[sflag:s10] =	ssyncadd.s32 $0xFFFFD8F0  }
.LBB2_2:
0x11: {  	p0 =	sne.s32 s8, $0x13C0  }
.Ltmp1:
0x12: {  	_ = 	snop;
	(pc) =	sbr.rel @p0 .LBB2_2-.Ltmp1, $3  }
0x13: {  	_ =	sdelay $0x1  }
0x14: {  	s9 =	sshra.s32 s8, $0x2  }
0x15: {  	s8 =	sadd.s32 $0x40, s8;
	[tilespmem:s9+$0x2710] =	vst v0  }
0x16: {  	v0 =	vimm.f32 $1.000000000e+00;
	s8 =	simm.s32 $0x40;
	s9 =	simm.s32 $0x0  }
.LBB2_4:
0x17: {  	p0 =	sne.s32 s8, $0x9DC0;
	[tilespmem:s9+$0x2C10] =	vst v0;
	s9 =	smov.u32 s8;
	s8 =	sadd.s32 $0x40, s8  }
.Ltmp2:
0x18: {  	(pc) =	sbr.rel @p0 .LBB2_4-.Ltmp2, $2  }
0x19: {  	_ =	sdelay $0x2  }
0x1a: {  	s9 =	sshra.s32 s9, $0x2  }
0x1b: {  	p0 =	seq.s32 s1, $0xF  }
0x1c: {  	[tilespmem:s9+$0x2C10] =	vst v0;
	s8 =	simm.s32 @p0 $0x2C10  }
0x1d: {  	[spmem:s5] =	stream.linear.scatter @p0 [tilespmem:s8], [sflag:$0x1], $0x2100, $0x38;
	[tilespmem:$0x7AA8] =	vst v63  }
0x1e: {  	s8 =	simm.s32 @p0 $0x1  }
0x1f: {  	_ =	swait.ge @p0 [sflag:s8], $0x2100  }
0x20: {  	[sflag:s8] =	ssyncset.done @p0 $0x0  }
0x21: {  	[sflag:s8] =	ssyncadd.s32 @p0 $0xFFFFDF00;
	s8 =	simm.s32 @!p0 $0x2C10  }
0x22: {  	[spmem:s7] =	stream.linear.scatter @!p0 [tilespmem:s8], [sflag:$0x1], $0x2780, $0x38;
	[tilespmem:$0x7AA8] =	vst v63  }
0x23: {  	s7 =	simm.s32 @!p0 $0x1  }
0x24: {  	_ =	swait.ge @!p0 [sflag:s7], $0x2780  }
0x25: {  	[sflag:s7] =	ssyncset.done @!p0 $0x0  }
0x26: {  	s9 =	simm.s32 $0x2710;
	s10 =	simm.s32 $0x0;
	[sflag:s7] =	ssyncadd.s32 @!p0 $0xFFFFD880  }
0x27: {  	s8 =	simm.s32 $0x1;
	s7 =	simm.s32 $0x50;
	[bflag:$0x0] =	sbarrier.arrive $0xFFFF  }
0x28: {  	[spmem:s2] =	stream.indirect.scatter.add.f32 [tilespmem:s9], [sflag:$0x1], $0x10, s10, s7, $0xb8;
	[tilespmem:$0x7AA8] =	vst v63  }
0x29: {  	_ =	swait.ge [sflag:s8], $0x500  }
0x2a: {  	s10 =	simm.s32 $0x140;
	[sflag:s8] =	ssyncset.done $0x0  }
.LBB2_6:
0x2b: {  	s11 =	sshra.s32 s10, $0x2;
	[sflag:s8] =	ssyncadd.s32 $0xFFFFFB00;
	p1 =	sne.s32 s10, $0x9B00  }
0x2c: {  	[spmem:s2] =	stream.indirect.scatter.add.f32 [tilespmem:s9], [sflag:$0x1], $0x10, s11, s7, $0xb8;
	[tilespmem:$0x7AA8] =	vst v63  }
.Ltmp3:
0x2d: {  	_ = 	snop;
	(pc) =	sbr.rel @p1 .LBB2_6-.Ltmp3, $4  }
0x2e: {  	_ = 	snop  }
0x2f: {  	s10 =	sadd.s32 $0x140, s10  }
0x30: {  	_ =	swait.ge [sflag:s8], $0x500  }
0x31: {  	[sflag:s8] =	ssyncset.done $0x0  }
0x32: {  	[sflag:s8] =	ssyncadd.s32 $0xFFFFFB00  }
0x33: {  	s2 =	sshrl.u32 @p0 s5, $0x3;
	s5 =	simm.s32 @p0 $0x1FC1;
	[bflag:$0x0] =	sbarrier.arrive $0xFFFF  }
0x34: {  	[hbm:s6], [sflag:s5] =	dma.local @p0 [spmem:s2], $0x420  }
0x35: {  	s2 =	simm.s32 @p0 $0x1  }
0x36: {  	_ =	swait.ge @p0 [sflag:s2], $0x420  }
0x37: {  	s5 =	sshll.u32 @!p0 s1, $0x6;
	[sflag:s2] =	ssyncset.done @p0 $0x0  }
0x38: {  	s4 =	sshrl.u32 @!p0 s4, $0x3;
	[sflag:s2] =	ssyncadd.s32 @p0 $0xFFFFFBE0;
	s2 =	sor.u32 @!p0 $0x1C01, s5  }
0x39: {  	[hbm:s3], [sflag:s2] =	dma.local @!p0 [spmem:s4], $0x4F0  }
0x3a: {  	s2 =	simm.s32 @!p0 $0x1  }
0x3b: {  	_ =	swait.ge @!p0 [sflag:s2], $0x4F0  }
0x3c: {  	[sflag:s2] =	ssyncset.done @!p0 $0x0  }
0x3d: {  	[sflag:s2] =	ssyncadd.s32 @!p0 $0xFFFFFB10  }
.LBB2_8:
0x3e: {  	_ =	sfence.sel $0x180000  }
0x3f: {  	[bflag:$0x0] =	sbarrier.arrive $0xFFFF  }
0x40: {  	p0 =	sne.s32 s1, $0x0;
	_ =	strace $0x90000047  }
0x41: {  	s0 =	sadd.s32 @!p0 $0x100000, s0;
	[bflag:$0x2] =	sbarrier.arrive $0xFFFF  }
0x42: {  	[sflag:s0] =	ssyncadd.tile.s32 @!p0 $0x1;
	_ =	shalt  }
.Lfunc_end2:
_tile_overlayer_lowered:
.L_overlay_start_2:
0x43: {  	(tag) =	ssettag $0x2  }
0x44: {  	s0 =	rddreg [dreg:$0x0];
	s2 =	stileid.u32  }
0x45: {  	s1 =	rddreg [dreg:$0x1];
	p0 =	sne.s32 s2, $0x0  }
0x46: {  	s3 =	rddreg [dreg:$0x2];
	[bflag:$0x3] =	sbarrier.arrive $0xFFFF;
	s2 =	simm.s32 @!p0 $0x1C01  }
0x47: {  	[timem:s3], [sflag:s2] =	dma.local @!p0 [hbm:s0], s1  }
0x48: {  	s0 =	simm.s32 @!p0 $0x1  }
0x49: {  	_ =	swait.ge @!p0 [sflag:s0], s1  }
0x4a: {  	s1 =	ssub.s32 @!p0 $0x0, s1;
	[sflag:s0] =	ssyncset.done @!p0 $0x0  }
0x4b: {  	[sflag:s0] =	ssyncadd.s32 @!p0 s1  }
0x4c: {  	[bflag:$0x3] =	sbarrier.arrive $0xFFFF  }
0x4d: {  	_ =	shalt  }

// kernel: kernel.17.cloned.1.call-start
scs
__scs_entry_jumppad:
0x0: {  	(pc) =	sbr.rel $0x88, $3  }
0x1: {  	(tag) =	ssettag $0x0;
	lr =	simm.s32 $0x1  }
0x2: {  	[smem:$0x3F95] =	sst lr;
	_ =	strace $0xD0000000  }
0x3: {  	_ = 	snop  }
0x4: {  	_ = 	snop  }
0x5: {  	_ = 	snop  }
0x6: {  	_ = 	snop  }
0x7: {  	_ = 	snop  }
__scs_overlays_trampoline_lowered:
0x8: {  	[smem:$0x3FA4] =	sst s0  }
0x9: {  	[smem:$0x3FA5] =	sst s1  }
0xa: {  	[smem:$0x3FA6] =	sst s2  }
0xb: {  	[smem:$0x3FA7] =	sst s3  }
0xc: {  	[smem:$0x3FA8] =	sst s4  }
0xd: {  	[smem:$0x3FA9] =	sst s5  }
0xe: {  	[smem:$0x3FAA] =	sst s6  }
0xf: {  	[smem:$0x3FAB] =	sst s7  }
0x10: {  	[smem:$0x3FAC] =	sst s8  }
0x11: {  	[smem:$0x3FAD] =	sst s9;
	s0 =	simm.s32 @!p0 $0x0  }
0x12: {  	s1 =	sld [smem:$0x3F93];
	s0 =	simm.s32 @p0 $0x1  }
0x13: {  	[smem:$0x3FAE] =	sst s0;
	s0 =	simm.s32 @!p1 $0x0  }
0x14: {  	s2 =	sld [smem:$0x3F92];
	s0 =	simm.s32 @p1 $0x1  }
0x15: {  	[smem:$0x3FAF] =	sst s0;
	s0 =	simm.s32 @!p2 $0x0  }
0x16: {  	s3 =	sld [smem:$0x3FDB];
	s0 =	simm.s32 @p2 $0x1  }
0x17: {  	s4 =	simm.s32 $0x1BF5;
	[smem:$0x3FB1] =	sst s0  }
0x18: {  	s0 =	sld [smem:$0x3F94];
	_ =	swait.ge [sflag:s4], $0x0  }
0x19: {  	s7 =	sld [smem:$0x3F95]  }
0x1a: {  	s8 =	sadd.s32 $0xFFFFE003, lr  }
0x1b: {  	s9 =	sadd.s32 $0xFFFFFEF7, lr;
	s5 =	simm.s32 $0xFFFFFFFF;
	p2 =	slt.u32 s8, $0xFFFFF086  }
0x1c: {  	p1 =	slt.u32 s9, $0xF7A;
	s5 =	simm.s32 @!p2 $0x0  }
0x1d: {  	s5 =	simm.s32 @p1 $0x1;
	p0 =	seq.s32 s7, s2  }
0x1e: {  	s7 =	smul.u32 @!p0 $0xF7A, s2;
	p2 =	seq.s32 @!p0 s5, $0x0  }
0x1f: {  	s9 =	smul.u32 $0xF7A, s1;
	s8 =	simm.s32 @!p0 $0x1BF5;
	p2 =	por !p2, p0  }
0x20: {  	[sflag:s8] =	ssyncset.s32 @!p0 $0xFFFFF086;
	s6 =	sadd.s32 @!p0 s3, s7;
	s7 =	simm.s32 @!p0 $0x108  }
0x21: {  	s3 =	sadd.s32 s3, s9;
	s6 =	sadd.s32 @!p0 $0x88, s6;
	s7 =	simm.s32 @p2 $0x1082  }
0x22: {  	[simem:s7], [sflag:s8] =	dma.local @!p0 [hbm:s6], $0xF7A  }
0x23: {  	s9 =	sor.u32 $0xD0000000, s2;
	s6 =	simm.s32 $0x108;
	_ =	swait.ge @!p0 [sflag:s8], $0x0  }
0x24: {  	s3 =	sadd.s32 $0x88, s3;
	s6 =	simm.s32 @!p1 $0x1082;
	[sflag:s4] =	ssyncset.s32 $0xFFFFF086  }
0x25: {  	[simem:s6], [sflag:s4] =	dma.local [hbm:s3], $0xF7A  }
0x26: {  	[smem:$0x3F95] =	sst s1;
	(tag) =	ssettag s2;
	_ =	strace s9  }
0x27: {  	s1 =	sld [smem:$0x3FA5]  }
0x28: {  	s2 =	sld [smem:$0x3FA6]  }
0x29: {  	s4 =	sld [smem:$0x3FA8]  }
0x2a: {  	p0 =	seq.s32 s5, $0x0;
	s5 =	sld [smem:$0x3FA9]  }
0x2b: {  	s6 =	sld [smem:$0x3FAA]  }
0x2c: {  	s7 =	sld [smem:$0x3FAB]  }
0x2d: {  	s3 =	simm.s32 $0x108;
	s8 =	sld [smem:$0x3FAC]  }
0x2e: {  	s3 =	simm.s32 @!p0 $0x1082;
	s9 =	sld [smem:$0x3FAD]  }
0x2f: {  	lr =	sadd.s32 s0, s3;
	s0 =	sld [smem:$0x3FA4]  }
0x30: {  	s3 =	sld [smem:$0x3FA7]  }
0x31: {  	[smem:$0x3FB0] =	sst s10  }
0x32: {  	s10 =	sld [smem:$0x3FAE];
	_ =	sdelay $0x3  }
0x33: {  	p0 =	seq.s32 s10, $0x1;
	s10 =	sld [smem:$0x3FB0];
	_ =	sdelay $0x3  }
0x34: {  	[smem:$0x3FB0] =	sst s10  }
0x35: {  	s10 =	sld [smem:$0x3FAF];
	_ =	sdelay $0x3  }
0x36: {  	p1 =	seq.s32 s10, $0x1;
	s10 =	sld [smem:$0x3FB0];
	_ =	sdelay $0x3  }
0x37: {  	[smem:$0x3FB0] =	sst s10  }
0x38: {  	s10 =	sld [smem:$0x3FB1]  }
0x39: {  	_ = 	snop;
	(pc) =	sbr.ind lr, $3  }
0x3a: {  	_ = 	snop  }
0x3b: {  	_ = 	snop  }
0x3c: {  	p2 =	seq.s32 s10, $0x1;
	s10 =	sld [smem:$0x3FB0]  }
0x3d: {  	_ =	shalt  }
0x3e: {  	_ =	shalt  }
0x3f: {  	_ =	shalt  }
0x40: {  	_ =	shalt  }
0x41: {  	_ =	shalt  }
0x42: {  	_ =	shalt  }
0x43: {  	_ =	shalt  }
0x44: {  	_ =	shalt  }
0x45: {  	_ =	shalt  }
0x46: {  	_ =	shalt  }
0x47: {  	_ =	shalt  }
0x48: {  	_ =	shalt  }
0x49: {  	_ =	shalt  }
0x4a: {  	_ =	shalt  }
0x4b: {  	_ =	shalt  }
0x4c: {  	_ =	shalt  }
0x4d: {  	_ =	shalt  }
0x4e: {  	_ =	shalt  }
0x4f: {  	_ =	shalt  }
0x50: {  	_ =	shalt  }
0x51: {  	_ =	shalt  }
0x52: {  	_ =	shalt  }
0x53: {  	_ =	shalt  }
0x54: {  	_ =	shalt  }
0x55: {  	_ =	shalt  }
0x56: {  	_ =	shalt  }
0x57: {  	_ =	shalt  }
0x58: {  	_ =	shalt  }
0x59: {  	_ =	shalt  }
0x5a: {  	_ =	shalt  }
0x5b: {  	_ =	shalt  }
0x5c: {  	_ =	shalt  }
0x5d: {  	_ =	shalt  }
0x5e: {  	_ =	shalt  }
0x5f: {  	_ =	shalt  }
0x60: {  	_ =	shalt  }
0x61: {  	_ =	shalt  }
0x62: {  	_ =	shalt  }
0x63: {  	_ =	shalt  }
0x64: {  	_ =	shalt  }
0x65: {  	_ =	shalt  }
0x66: {  	_ =	shalt  }
0x67: {  	_ =	shalt  }
0x68: {  	_ =	shalt  }
0x69: {  	_ =	shalt  }
0x6a: {  	_ =	shalt  }
0x6b: {  	_ =	shalt  }
0x6c: {  	_ =	shalt  }
0x6d: {  	_ =	shalt  }
0x6e: {  	_ =	shalt  }
0x6f: {  	_ =	shalt  }
0x70: {  	_ =	shalt  }
0x71: {  	_ =	shalt  }
0x72: {  	_ =	shalt  }
0x73: {  	_ =	shalt  }
0x74: {  	_ =	shalt  }
0x75: {  	_ =	shalt  }
0x76: {  	_ =	shalt  }
0x77: {  	_ =	shalt  }
0x78: {  	_ =	shalt  }
0x79: {  	_ =	shalt  }
0x7a: {  	_ =	shalt  }
0x7b: {  	_ =	shalt  }
0x7c: {  	_ =	shalt  }
0x7d: {  	_ =	shalt  }
0x7e: {  	_ =	shalt  }
0x7f: {  	_ =	shalt  }
0x80: {  	_ =	shalt  }
0x81: {  	_ =	shalt  }
0x82: {  	_ =	shalt  }
0x83: {  	_ =	shalt  }
0x84: {  	_ =	shalt  }
0x85: {  	_ =	shalt  }
0x86: {  	_ =	shalt  }
0x87: {  	_ =	shalt  }
.Lfunc_end0:
.L_simem_size_0:
called_computation.1_lowered:
.L_overlay_start_0:
0x88: {  	s2 =	sld [smem:$0x3FD9]  }
0x89: {  	s3 =	sld [smem:$0x3FFE];
	_ =	sdelay $0x1  }
0x8a: {  	s1 =	srdreg.scid  }
0x8b: {  	s0 =	sand.u32 $0x1, s1  }
0x8c: {  	s17 =	sshll.u32 s0, $0xA;
	s2 =	sadd.s32 s3, s2  }
0x8d: {  	s2 =	sadd.s32 s2, s17  }
0x8e: {  	[smem:$0x3FBC] =	sst s2  }
0x8f: {  	_ = 	snop  }
0x90: {  	s2 =	sld [smem:$0x3FD0];
	(tm) =	ssettm $0x1  }
0x91: {  	s18 =	sld [smem:$0x3FFB];
	_ =	sdelay $0x3  }
0x92: {  	_ =	strace s18  }
0x93: {  	s3 =	sld [smem:$0x3FFC];
	_ =	sdelay $0x3  }
0x94: {  	_ =	strace s3  }
0x95: {  	s3 =	sld [smem:$0x3FFD];
	_ =	sdelay $0x3  }
0x96: {  	_ =	strace s3  }
0x97: {  	_ =	strace $0x8FFFFFFF  }
0x98: {  	s19 =	sld [smem:$0x3FDB];
	_ =	sdelay $0x1  }
0x99: {  	s4 =	simm.s32 $_scs_section_size  }
0x9a: {  	s5 =	simm.s32 $_size__tile_overlayer_lowered;
	s6 =	simm.s32 $_tile_overlayer_lowered  }
0x9b: {  	s22 =	simm.s32 $0x1BFF;
	s21 =	sshll.u32 s6, $0x1;
	s3 =	sadd.s32 s4, s19  }
0x9c: {  	s7 =	simm.s32 $0x0;
	s20 =	sshll.u32 s5, $0x1;
	s5 =	sadd.s32 s21, s3  }
0x9d: {  	[timem:s7], [sflag:s22] =	dma.local [hbm:s5], s20  }
0x9e: {  	_ =	swait.ge [sflag:s22], s20  }
0x9f: {  	s4 =	ssub.s32 $0x0, s20;
	[sflag:s22] =	ssyncset.done $0x0  }
0xa0: {  	[sflag:s22] =	ssyncadd.s32 s4;
	_ =	sdelay $0x1  }
0xa1: {  	s23 =	simm.s32 $0x1B8B  }
0xa2: {  	_ =	swait.ge [sflag:s23], $0x1  }
0xa3: {  	[sflag:s23] =	ssyncset.done $0x0  }
0xa4: {  	s25 =	simm.s32 $0x1B8E;
	s24 =	sld [smem:$0x3FFE];
	[sflag:s23] =	ssyncadd.s32 $0xFFFFFFFF  }
0xa5: {  	s26 =	simm.s32 $execute0_lowered;
	[smem:$0x3FD2] =	sst s25  }
0xa6: {  	s5 =	sshll.u32 s26, $0x1;
	_ =	strace $0x80000049;
	[dreg:$0x1] =	wrdreg $0xFFFFFFFF  }
0xa7: {  	s28 =	simm.s32 $_size_execute0_lowered;
	s3 =	sadd.s32 s3, s5;
	[dreg:$0x0] =	wrdreg $0x0  }
0xa8: {  	s5 =	sshll.u32 s28, $0x1;
	[dreg:$0x2] =	wrdreg s3  }
0xa9: {  	[dreg:$0x3] =	wrdreg s5  }
0xaa: {  	[dreg:$0x4] =	wrdreg $0xC0  }
0xab: {  	_ =	task [dreg:s7], $0x5FFFF  }
0xac: {  	[dreg:$0x1] =	wrdreg $0xFFFFFFFF  }
0xad: {  	[dreg:$0x0] =	wrdreg $0x60  }
0xae: {  	[dreg:$0x2] =	wrdreg s24  }
0xaf: {  	[dreg:$0x3] =	wrdreg s2  }
0xb0: {  	[dreg:$0x4] =	wrdreg $0xC6200  }
0xb1: {  	[dreg:$0x5] =	wrdreg $0x9  }
0xb2: {  	_ =	task.clear_ibuf [dreg:s7], $0x6FFFF;
	_ =	strace $0x90000049  }
0xb3: {  	s29 =	simm.s32 $0x9;
	_ =	strace $0x8000004B  }
0xb4: {  	_ =	swait.ge [sflag:s29], $0x1  }
0xb5: {  	[sflag:s29] =	ssyncadd.s32 $0xFFFFFFFF  }
0xb6: {  	_ =	strace $0x9000004B  }
0xb7: {  	_ =	sfence  }
0xb8: {  	s30 =	sld [smem:$0x0];
	_ =	sdelay $0x2  }
0xb9: {  	s31 =	sshll.u32 s1, $0xD;
	s1 =	sshrl.u32 s1, $0x2  }
0xba: {  	s3 =	sand.u32 $0x4000, s31;
	s1 =	sadd.s32 s1, s30  }
0xbb: {  	s0 =	sor.u32 s3, s0;
	s1 =	sshll.u32 s1, $0x11  }
0xbc: {  	s0 =	sor.u32 s1, s0  }
0xbd: {  	s0 =	sadd.s32 $0x8F2B, s0  }
0xbe: {  	[sflag:s0] =	ssyncadd.remote.s32 $0x1  }
0xbf: {  	_ =	sfence.sel $0xFFFF  }
0xc0: {  	[dreg:$0x0] =	wrdreg $0xFFFFFFFF;
	(pc) =	sbr.abs _section_cstart, $3  }
0xc1: {  	[dreg:$0x1] =	wrdreg $0xFFFFFFFF  }
0xc2: {  	_ =	task.clear_ibuf [dreg:s7], $0x2FFFF;
	_ =	strace $0x9FFFFFFF  }
0xc3: {  	(tm) =	ssettm $0x7FFFFFFF  }
tec
execute0_lowered:
.L_overlay_start_1:
0x0: {  	(tag) =	ssettag $0x1  }
0x1: {  	s0 =	rddreg [dreg:$0x0]  }
0x2: {  	s1 =	rddreg [dreg:$0x1]  }
0x3: {  	s3 =	srdreg.scid;
	s2 =	rddreg [dreg:$0x2]  }
0x4: {  	s17 =	stileid.u32;
	s11 =	simm.s32 $0x2710;
	s12 =	simm.s32 $0x50  }
0x5: {  	s13 =	simm.s32 $0x4E20;
	s14 =	simm.s32 $0x7620;
	s20 =	simm.s32 $0x1  }
0x6: {  	s22 =	simm.s32 $0x9E20;
	s23 =	simm.s32 $0x2;
	s25 =	simm.s32 $0x4  }
0x7: {  	s28 =	simm.s32 $0x3;
	s30 =	simm.s32 $0x5;
	s6 =	smul.u32 $0x4E2, s17  }
0x8: {  	s21 =	simm.s32 $0x0;
	s4 =	sand.u32 $0x1, s3;
	s7 =	smul.u32 $0x2710, s17  }
0x9: {  	s3 =	simm.s32 $0x0;
	s9 =	smul.u32 $0x27800, s17;
	s16 =	sadd.s32 $0x128400, s2  }
0xa: {  	p0 =	seq.s32 s17, $0xF;
	s5 =	smul.u32 $0x27180, s4;
	[smem:$0x7FF] =	sst s3  }
0xb: {  	s4 =	ssub.s32 $0x2, s4;
	s16 =	sshrl.u32 @p0 s16, $0x3;
	_ =	strace $0x8000004A  }
0xc: {  	s8 =	sshrl.u32 s4, $0x1;
	s29 =	sshrl.u32 s7, $0x3;
	s31 =	sshrl.u32 s9, $0x1  }
0xd: {  	s10 =	ssub.s32 s4, s8;
	s4 =	sadd.s32 s1, s6;
	s1 =	sadd.s32 s1, s29  }
0xe: {  	s7 =	sshrl.u32 s9, $0x4;
	s0 =	sadd.s32 s5, s0;
	s5 =	sadd.s32 $0x4E20, s1  }
0xf: {  	s6 =	sadd.s32 $0x3200, s0;
	s1 =	sadd.s32 s31, s2;
	s8 =	sadd.s32 $0x51600, s0  }
0x10: {  	s9 =	smax.u32 s10, $0x1;
	s10 =	simm.s32 $0x7;
	s0 =	sshll.u32 @!p0 s17, $0x6  }
0x11: {  	s15 =	sadd.s32 @p0 $0x25080, s6;
	s17 =	sadd.s32 @!p0 s7, s6;
	s18 =	sor.u32 @!p0 $0x1C07, s0  }
0x12: {  	s19 =	sshrl.u32 @!p0 s1, $0x3;
	s0 =	simm.s32 $0x2800;
	s1 =	simm.s32 $0x6  }
.LBB2_1:
0x13: {  	[tilespmem:s3], [sflag:$0x7] =	stream.linear.gather [hbm4b:s4+s3], $0x2710, $0x38;
	[tilespmem:$0x1FEE0] =	vst v63  }
0x14: {  	_ =	swait.ge [sflag:s10], $0x2710  }
0x15: {  	[sflag:s10] =	ssyncset.done $0x0  }
0x16: {  	[sflag:s10] =	ssyncadd.s32 $0xFFFFD8F0  }
0x17: {  	[tilespmem:s11], [sflag:$0x7] =	stream.linear.gather [hbm4b:s5+s3], $0x2710, $0x38;
	[tilespmem:$0x1FEE0] =	vst v63  }
0x18: {  	_ =	swait.ge [sflag:s10], $0x2710  }
0x19: {  	[sflag:s10] =	ssyncset.done $0x0  }
0x1a: {  	[sflag:s10] =	ssyncadd.s32 $0xFFFFD8F0  }
0x1b: {  	[tilespmem:s13], [sflag:$0x1] =	stream.indirect.gather [hbm4b:s6+s12], $0x80, s3, s12, $0xb8;
	[tilespmem:$0x1FEE0] =	vst v63  }
0x1c: {  	s24 =	simm.s32 @p0 $0x1FC7  }
0x1d: {  	[tilespmem:s14], [sflag:$0x2] =	stream.indirect.gather [hbm4b:s6+s12], $0x80, s12, s12, $0xb8;
	[tilespmem:$0x1FEE0] =	vst v63  }
0x1e: {  	[spmem:s16], [sflag:s24] =	dma.local @p0 [hbm:s15], $0x2100  }
0x1f: {  	s24 =	simm.s32 @p0 $0x7  }
0x20: {  	_ =	swait.ge @p0 [sflag:s24], $0x2100  }
0x21: {  	[sflag:s24] =	ssyncset.done @p0 $0x0  }
0x22: {  	[sflag:s24] =	ssyncadd.s32 @p0 $0xFFFFDF00;
	s24 =	simm.s32 @!p0 $0x7  }
0x23: {  	[spmem:s19], [sflag:s18] =	dma.local @!p0 [hbm:s17], $0x2780  }
0x24: {  	_ =	swait.ge @!p0 [sflag:s24], $0x2780  }
0x25: {  	[sflag:s24] =	ssyncset.done @!p0 $0x0  }
0x26: {  	[sflag:s24] =	ssyncadd.s32 @!p0 $0xFFFFD880  }
0x27: {  	[bflag:$0x0] =	sbarrier.arrive $0xFFFF  }
0x28: {  	_ =	swait.ge [sflag:s20], $0x2800  }
0x29: {  	[sflag:s20] =	ssyncset.done $0x0  }
0x2a: {  	[sflag:s20] =	ssyncadd.s32 $0xFFFFD800  }
0x2b: {  	[spmem:s2] =	stream.indirect.scatter.add.bf16 [tilespmem:s13], [sflag:$0x4], $0x80, s11, s12, $0xb8;
	[tilespmem:$0x1FEE0] =	vst v63  }
0x2c: {  	s29 =	simm.s32 $0xA0  }
0x2d: {  	[tilespmem:s22], [sflag:$0x3] =	stream.indirect.gather [hbm4b:s6+s12], $0x80, s29, s12, $0xb8;
	[tilespmem:$0x1FEE0] =	vst v63  }
0x2e: {  	_ =	swait.ge [sflag:s23], $0x2800  }
0x2f: {  	[sflag:s23] =	ssyncset.done $0x0  }
0x30: {  	s31 =	simm.s32 $0x2760;
	[sflag:s23] =	ssyncadd.s32 $0xFFFFD800  }
0x31: {  	[spmem:s2] =	stream.indirect.scatter.add.bf16 [tilespmem:s14], [sflag:$0x5], $0x80, s31, s12, $0xb8;
	[tilespmem:$0x1FEE0] =	vst v63  }
0x32: {  	_ =	swait.ge [sflag:s25], $0x2800  }
0x33: {  	[sflag:s25] =	ssyncset.done $0x0  }
0x34: {  	s26 =	simm.s32 $0xF0;
	[sflag:s25] =	ssyncadd.s32 $0xFFFFD800  }
0x35: {  	[tilespmem:s13], [sflag:$0x1] =	stream.indirect.gather [hbm4b:s6+s12], $0x80, s26, s12, $0xb8;
	[tilespmem:$0x1FEE0] =	vst v63  }
0x36: {  	_ =	swait.ge [sflag:s28], $0x2800  }
0x37: {  	[sflag:s28] =	ssyncset.done $0x0  }
0x38: {  	s29 =	simm.s32 $0x27B0;
	[sflag:s28] =	ssyncadd.s32 $0xFFFFD800  }
0x39: {  	[spmem:s2] =	stream.indirect.scatter.add.bf16 [tilespmem:s22], [sflag:$0x6], $0x80, s29, s12, $0xb8;
	[tilespmem:$0x1FEE0] =	vst v63  }
0x3a: {  	_ =	swait.ge [sflag:s30], $0x2800  }
0x3b: {  	[sflag:s30] =	ssyncset.done $0x0  }
0x3c: {  	s31 =	simm.s32 $0x140;
	[sflag:s30] =	ssyncadd.s32 $0xFFFFD800  }
0x3d: {  	[tilespmem:s14], [sflag:$0x2] =	stream.indirect.gather [hbm4b:s6+s12], $0x80, s31, s12, $0xb8;
	[tilespmem:$0x1FEE0] =	vst v63  }
0x3e: {  	_ =	swait.ge [sflag:s20], $0x2800  }
0x3f: {  	[sflag:s20] =	ssyncset.done $0x0  }
0x40: {  	[sflag:s20] =	ssyncadd.s32 $0xFFFFD800  }
0x41: {  	[spmem:s2] =	stream.indirect.scatter.add.bf16 [tilespmem:s13], [sflag:$0x4], $0x80, s0, s12, $0xb8;
	[tilespmem:$0x1FEE0] =	vst v63  }
0x42: {  	_ =	swait.ge [sflag:s1], $0x2800  }
0x43: {  	[sflag:s1] =	ssyncset.done $0x0  }
0x44: {  	s26 =	simm.s32 $0x190;
	[sflag:s1] =	ssyncadd.s32 $0xFFFFD800  }
0x45: {  	[tilespmem:s22], [sflag:$0x3] =	stream.indirect.gather [hbm4b:s6+s12], $0x80, s26, s12, $0xb8;
	[tilespmem:$0x1FEE0] =	vst v63  }
0x46: {  	_ =	swait.ge [sflag:s23], $0x2800  }
0x47: {  	[sflag:s23] =	ssyncset.done $0x0  }
0x48: {  	s29 =	simm.s32 $0x2850;
	[sflag:s23] =	ssyncadd.s32 $0xFFFFD800  }
0x49: {  	[spmem:s2] =	stream.indirect.scatter.add.bf16 [tilespmem:s14], [sflag:$0x5], $0x80, s29, s12, $0xb8;
	[tilespmem:$0x1FEE0] =	vst v63  }
0x4a: {  	_ =	swait.ge [sflag:s25], $0x2800  }
0x4b: {  	[sflag:s25] =	ssyncset.done $0x0  }
0x4c: {  	s31 =	simm.s32 $0x1E0;
	[sflag:s25] =	ssyncadd.s32 $0xFFFFD800  }
0x4d: {  	[tilespmem:s13], [sflag:$0x1] =	stream.indirect.gather [hbm4b:s6+s12], $0x80, s31, s12, $0xb8;
	[tilespmem:$0x1FEE0] =	vst v63  }
0x4e: {  	_ =	swait.ge [sflag:s28], $0x2800  }
0x4f: {  	[sflag:s28] =	ssyncset.done $0x0  }
0x50: {  	s26 =	simm.s32 $0x28A0;
	[sflag:s28] =	ssyncadd.s32 $0xFFFFD800  }
0x51: {  	[spmem:s2] =	stream.indirect.scatter.add.bf16 [tilespmem:s22], [sflag:$0x6], $0x80, s26, s12, $0xb8;
	[tilespmem:$0x1FEE0] =	vst v63  }
0x52: {  	_ =	swait.ge [sflag:s30], $0x2800  }
0x53: {  	[sflag:s30] =	ssyncset.done $0x0  }
0x54: {  	s29 =	simm.s32 $0x230;
	[sflag:s30] =	ssyncadd.s32 $0xFFFFD800  }
0x55: {  	[tilespmem:s14], [sflag:$0x2] =	stream.indirect.gather [hbm4b:s6+s12], $0x80, s29, s12, $0xb8;
	[tilespmem:$0x1FEE0] =	vst v63  }
0x56: {  	_ =	swait.ge [sflag:s20], $0x2800  }
0x57: {  	[sflag:s20] =	ssyncset.done $0x0  }
0x58: {  	s31 =	simm.s32 $0x28F0;
	[sflag:s20] =	ssyncadd.s32 $0xFFFFD800  }
0x59: {  	[spmem:s2] =	stream.indirect.scatter.add.bf16 [tilespmem:s13], [sflag:$0x4], $0x80, s31, s12, $0xb8;
	[tilespmem:$0x1FEE0] =	vst v63  }
0x5a: {  	_ =	swait.ge [sflag:s1], $0x2800  }
0x5b: {  	s24 =	simm.s32 $0x780;
	s26 =	simm.s32 $0xF0;
	[sflag:s1] =	ssyncset.done $0x0  }
.LBB2_2:
0x5c: {  	s29 =	sadd.s32 $0x190, s26  }
0x5d: {  	[sflag:s1] =	ssyncadd.s32 $0xFFFFD800;
	s31 =	smov.u32 s24;
	s24 =	sadd.s32 $0x3C0, s24  }
0x5e: {  	[tilespmem:s22], [sflag:$0x3] =	stream.indirect.gather [hbm4b:s6+s12], $0x80, s29, s12, $0xb8;
	[tilespmem:$0x1FEE0] =	vst v63  }
0x5f: {  	p1 =	sne.s32 s24, $0x9600;
	_ =	swait.ge [sflag:s23], $0x2800  }
0x60: {  	[sflag:s23] =	ssyncset.done $0x0  }
0x61: {  	s29 =	sadd.s32 $0x2850, s26;
	[sflag:s23] =	ssyncadd.s32 $0xFFFFD800  }
0x62: {  	[spmem:s2] =	stream.indirect.scatter.add.bf16 [tilespmem:s14], [sflag:$0x5], $0x80, s29, s12, $0xb8;
	[tilespmem:$0x1FEE0] =	vst v63  }
0x63: {  	_ =	swait.ge [sflag:s25], $0x2800  }
0x64: {  	[sflag:s25] =	ssyncset.done $0x0  }
0x65: {  	s29 =	sadd.s32 $0x1E0, s26;
	[sflag:s25] =	ssyncadd.s32 $0xFFFFD800  }
0x66: {  	[tilespmem:s13], [sflag:$0x1] =	stream.indirect.gather [hbm4b:s6+s12], $0x80, s29, s12, $0xb8;
	[tilespmem:$0x1FEE0] =	vst v63  }
0x67: {  	_ =	swait.ge [sflag:s28], $0x2800  }
0x68: {  	[sflag:s28] =	ssyncset.done $0x0  }
0x69: {  	s29 =	sadd.s32 $0x28A0, s26;
	[sflag:s28] =	ssyncadd.s32 $0xFFFFD800  }
0x6a: {  	[spmem:s2] =	stream.indirect.scatter.add.bf16 [tilespmem:s22], [sflag:$0x6], $0x80, s29, s12, $0xb8;
	[tilespmem:$0x1FEE0] =	vst v63  }
0x6b: {  	_ =	swait.ge [sflag:s30], $0x2800  }
0x6c: {  	[sflag:s30] =	ssyncset.done $0x0  }
0x6d: {  	s29 =	sadd.s32 $0x230, s26;
	[sflag:s30] =	ssyncadd.s32 $0xFFFFD800  }
0x6e: {  	[tilespmem:s14], [sflag:$0x2] =	stream.indirect.gather [hbm4b:s6+s12], $0x80, s29, s12, $0xb8;
	[tilespmem:$0x1FEE0] =	vst v63  }
0x6f: {  	_ =	swait.ge [sflag:s20], $0x2800  }
.Ltmp0:
0x70: {  	[sflag:s20] =	ssyncset.done $0x0;
	(pc) =	sbr.rel @p1 .LBB2_2-.Ltmp0, $4  }
0x71: {  	s26 =	sadd.s32 $0x28F0, s26;
	[sflag:s20] =	ssyncadd.s32 $0xFFFFD800  }
0x72: {  	[spmem:s2] =	stream.indirect.scatter.add.bf16 [tilespmem:s13], [sflag:$0x4], $0x80, s26, s12, $0xb8;
	[tilespmem:$0x1FEE0] =	vst v63  }
0x73: {  	_ =	swait.ge [sflag:s1], $0x2800  }
0x74: {  	s26 =	sshra.s32 s31, $0x2;
	[sflag:s1] =	ssyncset.done $0x0  }
0x75: {  	s29 =	sadd.s32 $0x190, s26;
	[sflag:s1] =	ssyncadd.s32 $0xFFFFD800  }
0x76: {  	[tilespmem:s22], [sflag:$0x3] =	stream.indirect.gather [hbm4b:s6+s12], $0x80, s29, s12, $0xb8;
	[tilespmem:$0x1FEE0] =	vst v63  }
0x77: {  	_ =	swait.ge [sflag:s23], $0x2800  }
0x78: {  	[sflag:s23] =	ssyncset.done $0x0  }
0x79: {  	s31 =	sadd.s32 $0x2850, s26;
	[sflag:s23] =	ssyncadd.s32 $0xFFFFD800  }
0x7a: {  	[spmem:s2] =	stream.indirect.scatter.add.bf16 [tilespmem:s14], [sflag:$0x5], $0x80, s31, s12, $0xb8;
	[tilespmem:$0x1FEE0] =	vst v63  }
0x7b: {  	_ =	swait.ge [sflag:s25], $0x2800  }
0x7c: {  	[sflag:s25] =	ssyncset.done $0x0  }
0x7d: {  	s31 =	sadd.s32 $0x1E0, s26;
	[sflag:s25] =	ssyncadd.s32 $0xFFFFD800  }
0x7e: {  	[tilespmem:s13], [sflag:$0x1] =	stream.indirect.gather [hbm4b:s6+s12], $0x80, s31, s12, $0xb8;
	[tilespmem:$0x1FEE0] =	vst v63  }
0x7f: {  	_ =	swait.ge [sflag:s28], $0x2800  }
0x80: {  	[sflag:s28] =	ssyncset.done $0x0  }
0x81: {  	s31 =	sadd.s32 $0x28A0, s26;
	[sflag:s28] =	ssyncadd.s32 $0xFFFFD800  }
0x82: {  	[spmem:s2] =	stream.indirect.scatter.add.bf16 [tilespmem:s22], [sflag:$0x6], $0x80, s31, s12, $0xb8;
	[tilespmem:$0x1FEE0] =	vst v63  }
0x83: {  	_ =	swait.ge [sflag:s30], $0x2800  }
0x84: {  	[sflag:s30] =	ssyncset.done $0x0  }
0x85: {  	s31 =	sadd.s32 $0x230, s26;
	[sflag:s30] =	ssyncadd.s32 $0xFFFFD800  }
0x86: {  	[tilespmem:s14], [sflag:$0x2] =	stream.indirect.gather [hbm4b:s6+s12], $0x80, s31, s12, $0xb8;
	[tilespmem:$0x1FEE0] =	vst v63  }
0x87: {  	_ =	swait.ge [sflag:s20], $0x2800  }
0x88: {  	[sflag:s20] =	ssyncset.done $0x0  }
0x89: {  	s31 =	sadd.s32 $0x28F0, s26;
	[sflag:s20] =	ssyncadd.s32 $0xFFFFD800  }
0x8a: {  	[spmem:s2] =	stream.indirect.scatter.add.bf16 [tilespmem:s13], [sflag:$0x4], $0x80, s31, s12, $0xb8;
	[tilespmem:$0x1FEE0] =	vst v63  }
0x8b: {  	_ =	swait.ge [sflag:s1], $0x2800  }
0x8c: {  	[sflag:s1] =	ssyncset.done $0x0  }
0x8d: {  	[sflag:s1] =	ssyncadd.s32 $0xFFFFD800  }
0x8e: {  	_ =	swait.ge [sflag:s23], $0x2800  }
0x8f: {  	s24 =	sshra.s32 s24, $0x2;
	[sflag:s23] =	ssyncset.done $0x0  }
0x90: {  	s24 =	sadd.s32 $0x2850, s24;
	[sflag:s23] =	ssyncadd.s32 $0xFFFFD800  }
0x91: {  	[spmem:s2] =	stream.indirect.scatter.add.bf16 [tilespmem:s14], [sflag:$0x5], $0x80, s24, s12, $0xb8;
	[tilespmem:$0x1FEE0] =	vst v63  }
0x92: {  	_ =	swait.ge [sflag:s25], $0x2800  }
0x93: {  	[sflag:s25] =	ssyncset.done $0x0  }
0x94: {  	[sflag:s25] =	ssyncadd.s32 $0xFFFFD800  }
0x95: {  	_ =	swait.ge [sflag:s30], $0x2800  }
0x96: {  	[sflag:s30] =	ssyncset.done $0x0  }
0x97: {  	[sflag:s30] =	ssyncadd.s32 $0xFFFFD800  }
0x98: {  	s26 =	simm.s32 @p0 $0x1FC7;
	s24 =	sadd.s32 @p0 $0x25080, s8;
	[bflag:$0x0] =	sbarrier.arrive $0xFFFF  }
0x99: {  	[hbm:s24], [sflag:s26] =	dma.local @p0 [spmem:s16], $0x2100  }
0x9a: {  	s24 =	simm.s32 @p0 $0x7  }
0x9b: {  	_ =	swait.ge @p0 [sflag:s24], $0x2100  }
0x9c: {  	s21 =	sadd.s32 $0x1, s21;
	[sflag:s24] =	ssyncset.done @p0 $0x0  }
0x9d: {  	p1 =	sne.s32 s21, s9;
	[sflag:s24] =	ssyncadd.s32 @p0 $0xFFFFDF00;
	s24 =	sadd.s32 @!p0 s7, s8  }
0x9e: {  	[hbm:s24], [sflag:s18] =	dma.local @!p0 [spmem:s19], $0x2780  }
.Ltmp1:
0x9f: {  	_ = 	snop;
	(pc) =	sbr.rel @p1 .LBB2_1-.Ltmp1, $4  }
0xa0: {  	s24 =	simm.s32 @!p0 $0x7  }
0xa1: {  	_ =	swait.ge @!p0 [sflag:s24], $0x2780  }
0xa2: {  	[sflag:s24] =	ssyncset.done @!p0 $0x0  }
0xa3: {  	[sflag:s24] =	ssyncadd.s32 @!p0 $0xFFFFD880  }
0xa4: {  	_ =	sfence.sel $0x180000  }
0xa5: {  	[bflag:$0x0] =	sbarrier.arrive $0xFFFF  }
0xa6: {  	_ =	strace $0x9000004A  }
0xa7: {  	s0 =	stileid.u32;
	[bflag:$0x2] =	sbarrier.arrive $0xFFFF  }
0xa8: {  	p0 =	sne.s32 s0, $0x0;
	s0 =	rddreg [dreg:$0x3]  }
0xa9: {  	s0 =	sadd.s32 @!p0 $0x100000, s0  }
0xaa: {  	[sflag:s0] =	ssyncadd.tile.s32 @!p0 $0x1;
	_ =	shalt  }
.Lfunc_end2:
_tile_overlayer_lowered:
.L_overlay_start_2:
0xab: {  	(tag) =	ssettag $0x2  }
0xac: {  	s0 =	rddreg [dreg:$0x0];
	s2 =	stileid.u32  }
0xad: {  	s1 =	rddreg [dreg:$0x1];
	p0 =	sne.s32 s2, $0x0  }
0xae: {  	s3 =	rddreg [dreg:$0x2];
	[bflag:$0x3] =	sbarrier.arrive $0xFFFF;
	s2 =	simm.s32 @!p0 $0x1C07  }
0xaf: {  	[timem:s3], [sflag:s2] =	dma.local @!p0 [hbm:s0], s1  }
0xb0: {  	s0 =	simm.s32 @!p0 $0x7  }
0xb1: {  	_ =	swait.ge @!p0 [sflag:s0], s1  }
0xb2: {  	s1 =	ssub.s32 @!p0 $0x0, s1;
	[sflag:s0] =	ssyncset.done @!p0 $0x0  }
0xb3: {  	[sflag:s0] =	ssyncadd.s32 @!p0 s1  }
0xb4: {  	[bflag:$0x3] =	sbarrier.arrive $0xFFFF  }
0xb5: {  	_ =	shalt  }

// kernel: kernel.20.cloned.1.call-start
scs
__scs_entry_jumppad:
0x0: {  	(pc) =	sbr.rel $0x88, $3  }
0x1: {  	(tag) =	ssettag $0x0;
	lr =	simm.s32 $0x1  }
0x2: {  	[smem:$0x3F95] =	sst lr;
	_ =	strace $0xD0000000  }
0x3: {  	_ = 	snop  }
0x4: {  	_ = 	snop  }
0x5: {  	_ = 	snop  }
0x6: {  	_ = 	snop  }
0x7: {  	_ = 	snop  }
__scs_overlays_trampoline_lowered:
0x8: {  	[smem:$0x3FA4] =	sst s0  }
0x9: {  	[smem:$0x3FA5] =	sst s1  }
0xa: {  	[smem:$0x3FA6] =	sst s2  }
0xb: {  	[smem:$0x3FA7] =	sst s3  }
0xc: {  	[smem:$0x3FA8] =	sst s4  }
0xd: {  	[smem:$0x3FA9] =	sst s5  }
0xe: {  	[smem:$0x3FAA] =	sst s6  }
0xf: {  	[smem:$0x3FAB] =	sst s7  }
0x10: {  	[smem:$0x3FAC] =	sst s8  }
0x11: {  	[smem:$0x3FAD] =	sst s9;
	s0 =	simm.s32 @!p0 $0x0  }
0x12: {  	s1 =	sld [smem:$0x3F93];
	s0 =	simm.s32 @p0 $0x1  }
0x13: {  	[smem:$0x3FAE] =	sst s0;
	s0 =	simm.s32 @!p1 $0x0  }
0x14: {  	s2 =	sld [smem:$0x3F92];
	s0 =	simm.s32 @p1 $0x1  }
0x15: {  	[smem:$0x3FAF] =	sst s0;
	s0 =	simm.s32 @!p2 $0x0  }
0x16: {  	s3 =	sld [smem:$0x3FDB];
	s0 =	simm.s32 @p2 $0x1  }
0x17: {  	s4 =	simm.s32 $0x1BF5;
	[smem:$0x3FB1] =	sst s0  }
0x18: {  	s0 =	sld [smem:$0x3F94];
	_ =	swait.ge [sflag:s4], $0x0  }
0x19: {  	s7 =	sld [smem:$0x3F95]  }
0x1a: {  	s8 =	sadd.s32 $0xFFFFE003, lr  }
0x1b: {  	s9 =	sadd.s32 $0xFFFFFEF7, lr;
	s5 =	simm.s32 $0xFFFFFFFF;
	p2 =	slt.u32 s8, $0xFFFFF086  }
0x1c: {  	p1 =	slt.u32 s9, $0xF7A;
	s5 =	simm.s32 @!p2 $0x0  }
0x1d: {  	s5 =	simm.s32 @p1 $0x1;
	p0 =	seq.s32 s7, s2  }
0x1e: {  	s7 =	smul.u32 @!p0 $0xF7A, s2;
	p2 =	seq.s32 @!p0 s5, $0x0  }
0x1f: {  	s9 =	smul.u32 $0xF7A, s1;
	s8 =	simm.s32 @!p0 $0x1BF5;
	p2 =	por !p2, p0  }
0x20: {  	[sflag:s8] =	ssyncset.s32 @!p0 $0xFFFFF086;
	s6 =	sadd.s32 @!p0 s3, s7;
	s7 =	simm.s32 @!p0 $0x108  }
0x21: {  	s3 =	sadd.s32 s3, s9;
	s6 =	sadd.s32 @!p0 $0x88, s6;
	s7 =	simm.s32 @p2 $0x1082  }
0x22: {  	[simem:s7], [sflag:s8] =	dma.local @!p0 [hbm:s6], $0xF7A  }
0x23: {  	s9 =	sor.u32 $0xD0000000, s2;
	s6 =	simm.s32 $0x108;
	_ =	swait.ge @!p0 [sflag:s8], $0x0  }
0x24: {  	s3 =	sadd.s32 $0x88, s3;
	s6 =	simm.s32 @!p1 $0x1082;
	[sflag:s4] =	ssyncset.s32 $0xFFFFF086  }
0x25: {  	[simem:s6], [sflag:s4] =	dma.local [hbm:s3], $0xF7A  }
0x26: {  	[smem:$0x3F95] =	sst s1;
	(tag) =	ssettag s2;
	_ =	strace s9  }
0x27: {  	s1 =	sld [smem:$0x3FA5]  }
0x28: {  	s2 =	sld [smem:$0x3FA6]  }
0x29: {  	s4 =	sld [smem:$0x3FA8]  }
0x2a: {  	p0 =	seq.s32 s5, $0x0;
	s5 =	sld [smem:$0x3FA9]  }
0x2b: {  	s6 =	sld [smem:$0x3FAA]  }
0x2c: {  	s7 =	sld [smem:$0x3FAB]  }
0x2d: {  	s3 =	simm.s32 $0x108;
	s8 =	sld [smem:$0x3FAC]  }
0x2e: {  	s3 =	simm.s32 @!p0 $0x1082;
	s9 =	sld [smem:$0x3FAD]  }
0x2f: {  	lr =	sadd.s32 s0, s3;
	s0 =	sld [smem:$0x3FA4]  }
0x30: {  	s3 =	sld [smem:$0x3FA7]  }
0x31: {  	[smem:$0x3FB0] =	sst s10  }
0x32: {  	s10 =	sld [smem:$0x3FAE];
	_ =	sdelay $0x3  }
0x33: {  	p0 =	seq.s32 s10, $0x1;
	s10 =	sld [smem:$0x3FB0];
	_ =	sdelay $0x3  }
0x34: {  	[smem:$0x3FB0] =	sst s10  }
0x35: {  	s10 =	sld [smem:$0x3FAF];
	_ =	sdelay $0x3  }
0x36: {  	p1 =	seq.s32 s10, $0x1;
	s10 =	sld [smem:$0x3FB0];
	_ =	sdelay $0x3  }
0x37: {  	[smem:$0x3FB0] =	sst s10  }
0x38: {  	s10 =	sld [smem:$0x3FB1]  }
0x39: {  	_ = 	snop;
	(pc) =	sbr.ind lr, $3  }
0x3a: {  	_ = 	snop  }
0x3b: {  	_ = 	snop  }
0x3c: {  	p2 =	seq.s32 s10, $0x1;
	s10 =	sld [smem:$0x3FB0]  }
0x3d: {  	_ =	shalt  }
0x3e: {  	_ =	shalt  }
0x3f: {  	_ =	shalt  }
0x40: {  	_ =	shalt  }
0x41: {  	_ =	shalt  }
0x42: {  	_ =	shalt  }
0x43: {  	_ =	shalt  }
0x44: {  	_ =	shalt  }
0x45: {  	_ =	shalt  }
0x46: {  	_ =	shalt  }
0x47: {  	_ =	shalt  }
0x48: {  	_ =	shalt  }
0x49: {  	_ =	shalt  }
0x4a: {  	_ =	shalt  }
0x4b: {  	_ =	shalt  }
0x4c: {  	_ =	shalt  }
0x4d: {  	_ =	shalt  }
0x4e: {  	_ =	shalt  }
0x4f: {  	_ =	shalt  }
0x50: {  	_ =	shalt  }
0x51: {  	_ =	shalt  }
0x52: {  	_ =	shalt  }
0x53: {  	_ =	shalt  }
0x54: {  	_ =	shalt  }
0x55: {  	_ =	shalt  }
0x56: {  	_ =	shalt  }
0x57: {  	_ =	shalt  }
0x58: {  	_ =	shalt  }
0x59: {  	_ =	shalt  }
0x5a: {  	_ =	shalt  }
0x5b: {  	_ =	shalt  }
0x5c: {  	_ =	shalt  }
0x5d: {  	_ =	shalt  }
0x5e: {  	_ =	shalt  }
0x5f: {  	_ =	shalt  }
0x60: {  	_ =	shalt  }
0x61: {  	_ =	shalt  }
0x62: {  	_ =	shalt  }
0x63: {  	_ =	shalt  }
0x64: {  	_ =	shalt  }
0x65: {  	_ =	shalt  }
0x66: {  	_ =	shalt  }
0x67: {  	_ =	shalt  }
0x68: {  	_ =	shalt  }
0x69: {  	_ =	shalt  }
0x6a: {  	_ =	shalt  }
0x6b: {  	_ =	shalt  }
0x6c: {  	_ =	shalt  }
0x6d: {  	_ =	shalt  }
0x6e: {  	_ =	shalt  }
0x6f: {  	_ =	shalt  }
0x70: {  	_ =	shalt  }
0x71: {  	_ =	shalt  }
0x72: {  	_ =	shalt  }
0x73: {  	_ =	shalt  }
0x74: {  	_ =	shalt  }
0x75: {  	_ =	shalt  }
0x76: {  	_ =	shalt  }
0x77: {  	_ =	shalt  }
0x78: {  	_ =	shalt  }
0x79: {  	_ =	shalt  }
0x7a: {  	_ =	shalt  }
0x7b: {  	_ =	shalt  }
0x7c: {  	_ =	shalt  }
0x7d: {  	_ =	shalt  }
0x7e: {  	_ =	shalt  }
0x7f: {  	_ =	shalt  }
0x80: {  	_ =	shalt  }
0x81: {  	_ =	shalt  }
0x82: {  	_ =	shalt  }
0x83: {  	_ =	shalt  }
0x84: {  	_ =	shalt  }
0x85: {  	_ =	shalt  }
0x86: {  	_ =	shalt  }
0x87: {  	_ =	shalt  }
.Lfunc_end0:
.L_simem_size_0:
called_computation.2_lowered:
.L_overlay_start_0:
0x88: {  	s2 =	sld [smem:$0x3FD9]  }
0x89: {  	s3 =	sld [smem:$0x3FFE];
	_ =	sdelay $0x1  }
0x8a: {  	s1 =	srdreg.scid  }
0x8b: {  	s0 =	sand.u32 $0x1, s1  }
0x8c: {  	s17 =	sshll.u32 s0, $0xA;
	s2 =	sadd.s32 s3, s2  }
0x8d: {  	s2 =	sadd.s32 s2, s17  }
0x8e: {  	[smem:$0x3FBC] =	sst s2  }
0x8f: {  	_ = 	snop  }
0x90: {  	s2 =	sld [smem:$0x3FD0];
	(tm) =	ssettm $0x1  }
0x91: {  	s18 =	sld [smem:$0x3FFB];
	_ =	sdelay $0x3  }
0x92: {  	_ =	strace s18  }
0x93: {  	s3 =	sld [smem:$0x3FFC];
	_ =	sdelay $0x3  }
0x94: {  	_ =	strace s3  }
0x95: {  	s3 =	sld [smem:$0x3FFD];
	_ =	sdelay $0x3  }
0x96: {  	_ =	strace s3  }
0x97: {  	_ =	strace $0x8FFFFFFF  }
0x98: {  	s19 =	sld [smem:$0x3FDB];
	_ =	sdelay $0x1  }
0x99: {  	s4 =	simm.s32 $_scs_section_size  }
0x9a: {  	s5 =	simm.s32 $_size__tile_overlayer_lowered;
	s6 =	simm.s32 $_tile_overlayer_lowered  }
0x9b: {  	s22 =	simm.s32 $0x1BFF;
	s21 =	sshll.u32 s6, $0x1;
	s3 =	sadd.s32 s4, s19  }
0x9c: {  	s7 =	simm.s32 $0x0;
	s20 =	sshll.u32 s5, $0x1;
	s5 =	sadd.s32 s21, s3  }
0x9d: {  	[timem:s7], [sflag:s22] =	dma.local [hbm:s5], s20  }
0x9e: {  	_ =	swait.ge [sflag:s22], s20  }
0x9f: {  	s4 =	ssub.s32 $0x0, s20;
	[sflag:s22] =	ssyncset.done $0x0  }
0xa0: {  	[sflag:s22] =	ssyncadd.s32 s4;
	_ =	sdelay $0x1  }
0xa1: {  	s23 =	simm.s32 $0x1B8B  }
0xa2: {  	_ =	swait.ge [sflag:s23], $0x1  }
0xa3: {  	[sflag:s23] =	ssyncset.done $0x0  }
0xa4: {  	s25 =	simm.s32 $0x1B8E;
	s24 =	sld [smem:$0x3FFE];
	[sflag:s23] =	ssyncadd.s32 $0xFFFFFFFF  }
0xa5: {  	s26 =	simm.s32 $execute0_lowered;
	[smem:$0x3FD2] =	sst s25  }
0xa6: {  	s5 =	sshll.u32 s26, $0x1;
	_ =	strace $0x8000004C;
	[dreg:$0x1] =	wrdreg $0xFFFFFFFF  }
0xa7: {  	s28 =	simm.s32 $_size_execute0_lowered;
	s3 =	sadd.s32 s3, s5;
	[dreg:$0x0] =	wrdreg $0x0  }
0xa8: {  	s5 =	sshll.u32 s28, $0x1;
	[dreg:$0x2] =	wrdreg s3  }
0xa9: {  	[dreg:$0x3] =	wrdreg s5  }
0xaa: {  	[dreg:$0x4] =	wrdreg $0xC0  }
0xab: {  	_ =	task [dreg:s7], $0x5FFFF  }
0xac: {  	[dreg:$0x1] =	wrdreg $0xFFFFFFFF  }
0xad: {  	[dreg:$0x0] =	wrdreg $0x60  }
0xae: {  	[dreg:$0x2] =	wrdreg s24  }
0xaf: {  	[dreg:$0x3] =	wrdreg s2  }
0xb0: {  	[dreg:$0x4] =	wrdreg $0xC6200  }
0xb1: {  	[dreg:$0x5] =	wrdreg $0x9  }
0xb2: {  	_ =	task.clear_ibuf [dreg:s7], $0x6FFFF;
	_ =	strace $0x9000004C  }
0xb3: {  	s29 =	simm.s32 $0x9;
	_ =	strace $0x8000004E  }
0xb4: {  	_ =	swait.ge [sflag:s29], $0x1  }
0xb5: {  	[sflag:s29] =	ssyncadd.s32 $0xFFFFFFFF  }
0xb6: {  	_ =	strace $0x9000004E  }
0xb7: {  	_ =	sfence  }
0xb8: {  	s30 =	sld [smem:$0x0];
	_ =	sdelay $0x2  }
0xb9: {  	s31 =	sshll.u32 s1, $0xD;
	s1 =	sshrl.u32 s1, $0x2  }
0xba: {  	s3 =	sand.u32 $0x4000, s31;
	s1 =	sadd.s32 s1, s30  }
0xbb: {  	s0 =	sor.u32 s3, s0;
	s1 =	sshll.u32 s1, $0x11  }
0xbc: {  	s0 =	sor.u32 s1, s0  }
0xbd: {  	s0 =	sadd.s32 $0x8F2B, s0  }
0xbe: {  	[sflag:s0] =	ssyncadd.remote.s32 $0x1  }
0xbf: {  	_ =	sfence.sel $0xFFFF  }
0xc0: {  	[dreg:$0x0] =	wrdreg $0xFFFFFFFF;
	(pc) =	sbr.abs _section_cstart, $3  }
0xc1: {  	[dreg:$0x1] =	wrdreg $0xFFFFFFFF  }
0xc2: {  	_ =	task.clear_ibuf [dreg:s7], $0x2FFFF;
	_ =	strace $0x9FFFFFFF  }
0xc3: {  	(tm) =	ssettm $0x7FFFFFFF  }
tec
execute0_lowered:
.L_overlay_start_1:
0x0: {  	(tag) =	ssettag $0x1  }
0x1: {  	s0 =	rddreg [dreg:$0x0]  }
0x2: {  	s1 =	rddreg [dreg:$0x1]  }
0x3: {  	s3 =	srdreg.scid;
	s2 =	rddreg [dreg:$0x2]  }
0x4: {  	s17 =	stileid.u32;
	s11 =	simm.s32 $0x2710;
	s12 =	simm.s32 $0x50  }
0x5: {  	s13 =	simm.s32 $0x4E20;
	s14 =	simm.s32 $0x7620;
	s20 =	simm.s32 $0x1  }
0x6: {  	s22 =	simm.s32 $0x9E20;
	s23 =	simm.s32 $0x2;
	s25 =	simm.s32 $0x4  }
0x7: {  	s28 =	simm.s32 $0x3;
	s30 =	simm.s32 $0x5;
	s6 =	smul.u32 $0x4E2, s17  }
0x8: {  	s21 =	simm.s32 $0x0;
	s4 =	sand.u32 $0x1, s3;
	s7 =	smul.u32 $0x2710, s17  }
0x9: {  	s3 =	simm.s32 $0x0;
	s9 =	smul.u32 $0x27800, s17;
	s16 =	sadd.s32 $0x128400, s2  }
0xa: {  	p0 =	seq.s32 s17, $0xF;
	s5 =	smul.u32 $0x27180, s4;
	[smem:$0x7FF] =	sst s3  }
0xb: {  	s4 =	ssub.s32 $0x2, s4;
	s16 =	sshrl.u32 @p0 s16, $0x3;
	_ =	strace $0x8000004D  }
0xc: {  	s8 =	sshrl.u32 s4, $0x1;
	s29 =	sshrl.u32 s7, $0x3;
	s31 =	sshrl.u32 s9, $0x1  }
0xd: {  	s10 =	ssub.s32 s4, s8;
	s4 =	sadd.s32 s1, s6;
	s1 =	sadd.s32 s1, s29  }
0xe: {  	s7 =	sshrl.u32 s9, $0x4;
	s0 =	sadd.s32 s5, s0;
	s5 =	sadd.s32 $0x4E20, s1  }
0xf: {  	s6 =	sadd.s32 $0x3200, s0;
	s1 =	sadd.s32 s31, s2;
	s8 =	sadd.s32 $0x51600, s0  }
0x10: {  	s9 =	smax.u32 s10, $0x1;
	s10 =	simm.s32 $0x7;
	s0 =	sshll.u32 @!p0 s17, $0x6  }
0x11: {  	s15 =	sadd.s32 @p0 $0x25080, s6;
	s17 =	sadd.s32 @!p0 s7, s6;
	s18 =	sor.u32 @!p0 $0x1C07, s0  }
0x12: {  	s19 =	sshrl.u32 @!p0 s1, $0x3;
	s0 =	simm.s32 $0x2800;
	s1 =	simm.s32 $0x6  }
.LBB2_1:
0x13: {  	[tilespmem:s3], [sflag:$0x7] =	stream.linear.gather [hbm4b:s4+s3], $0x2710, $0x38;
	[tilespmem:$0x1FEE0] =	vst v63  }
0x14: {  	_ =	swait.ge [sflag:s10], $0x2710  }
0x15: {  	[sflag:s10] =	ssyncset.done $0x0  }
0x16: {  	[sflag:s10] =	ssyncadd.s32 $0xFFFFD8F0  }
0x17: {  	[tilespmem:s11], [sflag:$0x7] =	stream.linear.gather [hbm4b:s5+s3], $0x2710, $0x38;
	[tilespmem:$0x1FEE0] =	vst v63  }
0x18: {  	_ =	swait.ge [sflag:s10], $0x2710  }
0x19: {  	[sflag:s10] =	ssyncset.done $0x0  }
0x1a: {  	[sflag:s10] =	ssyncadd.s32 $0xFFFFD8F0  }
0x1b: {  	[tilespmem:s13], [sflag:$0x1] =	stream.indirect.gather [hbm4b:s6+s12], $0x80, s3, s12, $0xb8;
	[tilespmem:$0x1FEE0] =	vst v63  }
0x1c: {  	s24 =	simm.s32 @p0 $0x1FC7  }
0x1d: {  	[tilespmem:s14], [sflag:$0x2] =	stream.indirect.gather [hbm4b:s6+s12], $0x80, s12, s12, $0xb8;
	[tilespmem:$0x1FEE0] =	vst v63  }
0x1e: {  	[spmem:s16], [sflag:s24] =	dma.local @p0 [hbm:s15], $0x2100  }
0x1f: {  	s24 =	simm.s32 @p0 $0x7  }
0x20: {  	_ =	swait.ge @p0 [sflag:s24], $0x2100  }
0x21: {  	[sflag:s24] =	ssyncset.done @p0 $0x0  }
0x22: {  	[sflag:s24] =	ssyncadd.s32 @p0 $0xFFFFDF00;
	s24 =	simm.s32 @!p0 $0x7  }
0x23: {  	[spmem:s19], [sflag:s18] =	dma.local @!p0 [hbm:s17], $0x2780  }
0x24: {  	_ =	swait.ge @!p0 [sflag:s24], $0x2780  }
0x25: {  	[sflag:s24] =	ssyncset.done @!p0 $0x0  }
0x26: {  	[sflag:s24] =	ssyncadd.s32 @!p0 $0xFFFFD880  }
0x27: {  	[bflag:$0x0] =	sbarrier.arrive $0xFFFF  }
0x28: {  	_ =	swait.ge [sflag:s20], $0x2800  }
0x29: {  	[sflag:s20] =	ssyncset.done $0x0  }
0x2a: {  	[sflag:s20] =	ssyncadd.s32 $0xFFFFD800  }
0x2b: {  	[spmem:s2] =	stream.indirect.scatter.add.bf16 [tilespmem:s13], [sflag:$0x4], $0x80, s11, s12, $0xb8;
	[tilespmem:$0x1FEE0] =	vst v63  }
0x2c: {  	s29 =	simm.s32 $0xA0  }
0x2d: {  	[tilespmem:s22], [sflag:$0x3] =	stream.indirect.gather [hbm4b:s6+s12], $0x80, s29, s12, $0xb8;
	[tilespmem:$0x1FEE0] =	vst v63  }
0x2e: {  	_ =	swait.ge [sflag:s23], $0x2800  }
0x2f: {  	[sflag:s23] =	ssyncset.done $0x0  }
0x30: {  	s31 =	simm.s32 $0x2760;
	[sflag:s23] =	ssyncadd.s32 $0xFFFFD800  }
0x31: {  	[spmem:s2] =	stream.indirect.scatter.add.bf16 [tilespmem:s14], [sflag:$0x5], $0x80, s31, s12, $0xb8;
	[tilespmem:$0x1FEE0] =	vst v63  }
0x32: {  	_ =	swait.ge [sflag:s25], $0x2800  }
0x33: {  	[sflag:s25] =	ssyncset.done $0x0  }
0x34: {  	s26 =	simm.s32 $0xF0;
	[sflag:s25] =	ssyncadd.s32 $0xFFFFD800  }
0x35: {  	[tilespmem:s13], [sflag:$0x1] =	stream.indirect.gather [hbm4b:s6+s12], $0x80, s26, s12, $0xb8;
	[tilespmem:$0x1FEE0] =	vst v63  }
0x36: {  	_ =	swait.ge [sflag:s28], $0x2800  }
0x37: {  	[sflag:s28] =	ssyncset.done $0x0  }
0x38: {  	s29 =	simm.s32 $0x27B0;
	[sflag:s28] =	ssyncadd.s32 $0xFFFFD800  }
0x39: {  	[spmem:s2] =	stream.indirect.scatter.add.bf16 [tilespmem:s22], [sflag:$0x6], $0x80, s29, s12, $0xb8;
	[tilespmem:$0x1FEE0] =	vst v63  }
0x3a: {  	_ =	swait.ge [sflag:s30], $0x2800  }
0x3b: {  	[sflag:s30] =	ssyncset.done $0x0  }
0x3c: {  	s31 =	simm.s32 $0x140;
	[sflag:s30] =	ssyncadd.s32 $0xFFFFD800  }
0x3d: {  	[tilespmem:s14], [sflag:$0x2] =	stream.indirect.gather [hbm4b:s6+s12], $0x80, s31, s12, $0xb8;
	[tilespmem:$0x1FEE0] =	vst v63  }
0x3e: {  	_ =	swait.ge [sflag:s20], $0x2800  }
0x3f: {  	[sflag:s20] =	ssyncset.done $0x0  }
0x40: {  	[sflag:s20] =	ssyncadd.s32 $0xFFFFD800  }
0x41: {  	[spmem:s2] =	stream.indirect.scatter.add.bf16 [tilespmem:s13], [sflag:$0x4], $0x80, s0, s12, $0xb8;
	[tilespmem:$0x1FEE0] =	vst v63  }
0x42: {  	_ =	swait.ge [sflag:s1], $0x2800  }
0x43: {  	[sflag:s1] =	ssyncset.done $0x0  }
0x44: {  	s26 =	simm.s32 $0x190;
	[sflag:s1] =	ssyncadd.s32 $0xFFFFD800  }
0x45: {  	[tilespmem:s22], [sflag:$0x3] =	stream.indirect.gather [hbm4b:s6+s12], $0x80, s26, s12, $0xb8;
	[tilespmem:$0x1FEE0] =	vst v63  }
0x46: {  	_ =	swait.ge [sflag:s23], $0x2800  }
0x47: {  	[sflag:s23] =	ssyncset.done $0x0  }
0x48: {  	s29 =	simm.s32 $0x2850;
	[sflag:s23] =	ssyncadd.s32 $0xFFFFD800  }
0x49: {  	[spmem:s2] =	stream.indirect.scatter.add.bf16 [tilespmem:s14], [sflag:$0x5], $0x80, s29, s12, $0xb8;
	[tilespmem:$0x1FEE0] =	vst v63  }
0x4a: {  	_ =	swait.ge [sflag:s25], $0x2800  }
0x4b: {  	[sflag:s25] =	ssyncset.done $0x0  }
0x4c: {  	s31 =	simm.s32 $0x1E0;
	[sflag:s25] =	ssyncadd.s32 $0xFFFFD800  }
0x4d: {  	[tilespmem:s13], [sflag:$0x1] =	stream.indirect.gather [hbm4b:s6+s12], $0x80, s31, s12, $0xb8;
	[tilespmem:$0x1FEE0] =	vst v63  }
0x4e: {  	_ =	swait.ge [sflag:s28], $0x2800  }
0x4f: {  	[sflag:s28] =	ssyncset.done $0x0  }
0x50: {  	s26 =	simm.s32 $0x28A0;
	[sflag:s28] =	ssyncadd.s32 $0xFFFFD800  }
0x51: {  	[spmem:s2] =	stream.indirect.scatter.add.bf16 [tilespmem:s22], [sflag:$0x6], $0x80, s26, s12, $0xb8;
	[tilespmem:$0x1FEE0] =	vst v63  }
0x52: {  	_ =	swait.ge [sflag:s30], $0x2800  }
0x53: {  	[sflag:s30] =	ssyncset.done $0x0  }
0x54: {  	s29 =	simm.s32 $0x230;
	[sflag:s30] =	ssyncadd.s32 $0xFFFFD800  }
0x55: {  	[tilespmem:s14], [sflag:$0x2] =	stream.indirect.gather [hbm4b:s6+s12], $0x80, s29, s12, $0xb8;
	[tilespmem:$0x1FEE0] =	vst v63  }
0x56: {  	_ =	swait.ge [sflag:s20], $0x2800  }
0x57: {  	[sflag:s20] =	ssyncset.done $0x0  }
0x58: {  	s31 =	simm.s32 $0x28F0;
	[sflag:s20] =	ssyncadd.s32 $0xFFFFD800  }
0x59: {  	[spmem:s2] =	stream.indirect.scatter.add.bf16 [tilespmem:s13], [sflag:$0x4], $0x80, s31, s12, $0xb8;
	[tilespmem:$0x1FEE0] =	vst v63  }
0x5a: {  	_ =	swait.ge [sflag:s1], $0x2800  }
0x5b: {  	s24 =	simm.s32 $0x780;
	s26 =	simm.s32 $0xF0;
	[sflag:s1] =	ssyncset.done $0x0  }
.LBB2_2:
0x5c: {  	s29 =	sadd.s32 $0x190, s26  }
0x5d: {  	[sflag:s1] =	ssyncadd.s32 $0xFFFFD800;
	s31 =	smov.u32 s24;
	s24 =	sadd.s32 $0x3C0, s24  }
0x5e: {  	[tilespmem:s22], [sflag:$0x3] =	stream.indirect.gather [hbm4b:s6+s12], $0x80, s29, s12, $0xb8;
	[tilespmem:$0x1FEE0] =	vst v63  }
0x5f: {  	p1 =	sne.s32 s24, $0x9600;
	_ =	swait.ge [sflag:s23], $0x2800  }
0x60: {  	[sflag:s23] =	ssyncset.done $0x0  }
0x61: {  	s29 =	sadd.s32 $0x2850, s26;
	[sflag:s23] =	ssyncadd.s32 $0xFFFFD800  }
0x62: {  	[spmem:s2] =	stream.indirect.scatter.add.bf16 [tilespmem:s14], [sflag:$0x5], $0x80, s29, s12, $0xb8;
	[tilespmem:$0x1FEE0] =	vst v63  }
0x63: {  	_ =	swait.ge [sflag:s25], $0x2800  }
0x64: {  	[sflag:s25] =	ssyncset.done $0x0  }
0x65: {  	s29 =	sadd.s32 $0x1E0, s26;
	[sflag:s25] =	ssyncadd.s32 $0xFFFFD800  }
0x66: {  	[tilespmem:s13], [sflag:$0x1] =	stream.indirect.gather [hbm4b:s6+s12], $0x80, s29, s12, $0xb8;
	[tilespmem:$0x1FEE0] =	vst v63  }
0x67: {  	_ =	swait.ge [sflag:s28], $0x2800  }
0x68: {  	[sflag:s28] =	ssyncset.done $0x0  }
0x69: {  	s29 =	sadd.s32 $0x28A0, s26;
	[sflag:s28] =	ssyncadd.s32 $0xFFFFD800  }
0x6a: {  	[spmem:s2] =	stream.indirect.scatter.add.bf16 [tilespmem:s22], [sflag:$0x6], $0x80, s29, s12, $0xb8;
	[tilespmem:$0x1FEE0] =	vst v63  }
0x6b: {  	_ =	swait.ge [sflag:s30], $0x2800  }
0x6c: {  	[sflag:s30] =	ssyncset.done $0x0  }
0x6d: {  	s29 =	sadd.s32 $0x230, s26;
	[sflag:s30] =	ssyncadd.s32 $0xFFFFD800  }
0x6e: {  	[tilespmem:s14], [sflag:$0x2] =	stream.indirect.gather [hbm4b:s6+s12], $0x80, s29, s12, $0xb8;
	[tilespmem:$0x1FEE0] =	vst v63  }
0x6f: {  	_ =	swait.ge [sflag:s20], $0x2800  }
.Ltmp0:
0x70: {  	[sflag:s20] =	ssyncset.done $0x0;
	(pc) =	sbr.rel @p1 .LBB2_2-.Ltmp0, $4  }
0x71: {  	s26 =	sadd.s32 $0x28F0, s26;
	[sflag:s20] =	ssyncadd.s32 $0xFFFFD800  }
0x72: {  	[spmem:s2] =	stream.indirect.scatter.add.bf16 [tilespmem:s13], [sflag:$0x4], $0x80, s26, s12, $0xb8;
	[tilespmem:$0x1FEE0] =	vst v63  }
0x73: {  	_ =	swait.ge [sflag:s1], $0x2800  }
0x74: {  	s26 =	sshra.s32 s31, $0x2;
	[sflag:s1] =	ssyncset.done $0x0  }
0x75: {  	s29 =	sadd.s32 $0x190, s26;
	[sflag:s1] =	ssyncadd.s32 $0xFFFFD800  }
0x76: {  	[tilespmem:s22], [sflag:$0x3] =	stream.indirect.gather [hbm4b:s6+s12], $0x80, s29, s12, $0xb8;
	[tilespmem:$0x1FEE0] =	vst v63  }
0x77: {  	_ =	swait.ge [sflag:s23], $0x2800  }
0x78: {  	[sflag:s23] =	ssyncset.done $0x0  }
0x79: {  	s31 =	sadd.s32 $0x2850, s26;
	[sflag:s23] =	ssyncadd.s32 $0xFFFFD800  }
0x7a: {  	[spmem:s2] =	stream.indirect.scatter.add.bf16 [tilespmem:s14], [sflag:$0x5], $0x80, s31, s12, $0xb8;
	[tilespmem:$0x1FEE0] =	vst v63  }
0x7b: {  	_ =	swait.ge [sflag:s25], $0x2800  }
0x7c: {  	[sflag:s25] =	ssyncset.done $0x0  }
0x7d: {  	s31 =	sadd.s32 $0x1E0, s26;
	[sflag:s25] =	ssyncadd.s32 $0xFFFFD800  }
0x7e: {  	[tilespmem:s13], [sflag:$0x1] =	stream.indirect.gather [hbm4b:s6+s12], $0x80, s31, s12, $0xb8;
	[tilespmem:$0x1FEE0] =	vst v63  }
0x7f: {  	_ =	swait.ge [sflag:s28], $0x2800  }
0x80: {  	[sflag:s28] =	ssyncset.done $0x0  }
0x81: {  	s31 =	sadd.s32 $0x28A0, s26;
	[sflag:s28] =	ssyncadd.s32 $0xFFFFD800  }
0x82: {  	[spmem:s2] =	stream.indirect.scatter.add.bf16 [tilespmem:s22], [sflag:$0x6], $0x80, s31, s12, $0xb8;
	[tilespmem:$0x1FEE0] =	vst v63  }
0x83: {  	_ =	swait.ge [sflag:s30], $0x2800  }
0x84: {  	[sflag:s30] =	ssyncset.done $0x0  }
0x85: {  	s31 =	sadd.s32 $0x230, s26;
	[sflag:s30] =	ssyncadd.s32 $0xFFFFD800  }
0x86: {  	[tilespmem:s14], [sflag:$0x2] =	stream.indirect.gather [hbm4b:s6+s12], $0x80, s31, s12, $0xb8;
	[tilespmem:$0x1FEE0] =	vst v63  }
0x87: {  	_ =	swait.ge [sflag:s20], $0x2800  }
0x88: {  	[sflag:s20] =	ssyncset.done $0x0  }
0x89: {  	s31 =	sadd.s32 $0x28F0, s26;
	[sflag:s20] =	ssyncadd.s32 $0xFFFFD800  }
0x8a: {  	[spmem:s2] =	stream.indirect.scatter.add.bf16 [tilespmem:s13], [sflag:$0x4], $0x80, s31, s12, $0xb8;
	[tilespmem:$0x1FEE0] =	vst v63  }
0x8b: {  	_ =	swait.ge [sflag:s1], $0x2800  }
0x8c: {  	[sflag:s1] =	ssyncset.done $0x0  }
0x8d: {  	[sflag:s1] =	ssyncadd.s32 $0xFFFFD800  }
0x8e: {  	_ =	swait.ge [sflag:s23], $0x2800  }
0x8f: {  	s24 =	sshra.s32 s24, $0x2;
	[sflag:s23] =	ssyncset.done $0x0  }
0x90: {  	s24 =	sadd.s32 $0x2850, s24;
	[sflag:s23] =	ssyncadd.s32 $0xFFFFD800  }
0x91: {  	[spmem:s2] =	stream.indirect.scatter.add.bf16 [tilespmem:s14], [sflag:$0x5], $0x80, s24, s12, $0xb8;
	[tilespmem:$0x1FEE0] =	vst v63  }
0x92: {  	_ =	swait.ge [sflag:s25], $0x2800  }
0x93: {  	[sflag:s25] =	ssyncset.done $0x0  }
0x94: {  	[sflag:s25] =	ssyncadd.s32 $0xFFFFD800  }
0x95: {  	_ =	swait.ge [sflag:s30], $0x2800  }
0x96: {  	[sflag:s30] =	ssyncset.done $0x0  }
0x97: {  	[sflag:s30] =	ssyncadd.s32 $0xFFFFD800  }
0x98: {  	s26 =	simm.s32 @p0 $0x1FC7;
	s24 =	sadd.s32 @p0 $0x25080, s8;
	[bflag:$0x0] =	sbarrier.arrive $0xFFFF  }
0x99: {  	[hbm:s24], [sflag:s26] =	dma.local @p0 [spmem:s16], $0x2100  }
0x9a: {  	s24 =	simm.s32 @p0 $0x7  }
0x9b: {  	_ =	swait.ge @p0 [sflag:s24], $0x2100  }
0x9c: {  	s21 =	sadd.s32 $0x1, s21;
	[sflag:s24] =	ssyncset.done @p0 $0x0  }
0x9d: {  	p1 =	sne.s32 s21, s9;
	[sflag:s24] =	ssyncadd.s32 @p0 $0xFFFFDF00;
	s24 =	sadd.s32 @!p0 s7, s8  }
0x9e: {  	[hbm:s24], [sflag:s18] =	dma.local @!p0 [spmem:s19], $0x2780  }
.Ltmp1:
0x9f: {  	_ = 	snop;
	(pc) =	sbr.rel @p1 .LBB2_1-.Ltmp1, $4  }
0xa0: {  	s24 =	simm.s32 @!p0 $0x7  }
0xa1: {  	_ =	swait.ge @!p0 [sflag:s24], $0x2780  }
0xa2: {  	[sflag:s24] =	ssyncset.done @!p0 $0x0  }
0xa3: {  	[sflag:s24] =	ssyncadd.s32 @!p0 $0xFFFFD880  }
0xa4: {  	_ =	sfence.sel $0x180000  }
0xa5: {  	[bflag:$0x0] =	sbarrier.arrive $0xFFFF  }
0xa6: {  	_ =	strace $0x9000004D  }
0xa7: {  	s0 =	stileid.u32;
	[bflag:$0x2] =	sbarrier.arrive $0xFFFF  }
0xa8: {  	p0 =	sne.s32 s0, $0x0;
	s0 =	rddreg [dreg:$0x3]  }
0xa9: {  	s0 =	sadd.s32 @!p0 $0x100000, s0  }
0xaa: {  	[sflag:s0] =	ssyncadd.tile.s32 @!p0 $0x1;
	_ =	shalt  }
.Lfunc_end2:
_tile_overlayer_lowered:
.L_overlay_start_2:
0xab: {  	(tag) =	ssettag $0x2  }
0xac: {  	s0 =	rddreg [dreg:$0x0];
	s2 =	stileid.u32  }
0xad: {  	s1 =	rddreg [dreg:$0x1];
	p0 =	sne.s32 s2, $0x0  }
0xae: {  	s3 =	rddreg [dreg:$0x2];
	[bflag:$0x3] =	sbarrier.arrive $0xFFFF;
	s2 =	simm.s32 @!p0 $0x1C07  }
0xaf: {  	[timem:s3], [sflag:s2] =	dma.local @!p0 [hbm:s0], s1  }
0xb0: {  	s0 =	simm.s32 @!p0 $0x7  }
0xb1: {  	_ =	swait.ge @!p0 [sflag:s0], s1  }
0xb2: {  	s1 =	ssub.s32 @!p0 $0x0, s1;
	[sflag:s0] =	ssyncset.done @!p0 $0x0  }
0xb3: {  	[sflag:s0] =	ssyncadd.s32 @!p0 s1  }
0xb4: {  	[bflag:$0x3] =	sbarrier.arrive $0xFFFF  }
0xb5: {  	_ =	shalt  }

// kernel: kernel.23.cloned.1.call-start
scs
__scs_entry_jumppad:
0x0: {  	(pc) =	sbr.rel $0x88, $3  }
0x1: {  	(tag) =	ssettag $0x0;
	lr =	simm.s32 $0x1  }
0x2: {  	[smem:$0x3F95] =	sst lr;
	_ =	strace $0xD0000000  }
0x3: {  	_ = 	snop  }
0x4: {  	_ = 	snop  }
0x5: {  	_ = 	snop  }
0x6: {  	_ = 	snop  }
0x7: {  	_ = 	snop  }
__scs_overlays_trampoline_lowered:
0x8: {  	[smem:$0x3FA4] =	sst s0  }
0x9: {  	[smem:$0x3FA5] =	sst s1  }
0xa: {  	[smem:$0x3FA6] =	sst s2  }
0xb: {  	[smem:$0x3FA7] =	sst s3  }
0xc: {  	[smem:$0x3FA8] =	sst s4  }
0xd: {  	[smem:$0x3FA9] =	sst s5  }
0xe: {  	[smem:$0x3FAA] =	sst s6  }
0xf: {  	[smem:$0x3FAB] =	sst s7  }
0x10: {  	[smem:$0x3FAC] =	sst s8  }
0x11: {  	[smem:$0x3FAD] =	sst s9;
	s0 =	simm.s32 @!p0 $0x0  }
0x12: {  	s1 =	sld [smem:$0x3F93];
	s0 =	simm.s32 @p0 $0x1  }
0x13: {  	[smem:$0x3FAE] =	sst s0;
	s0 =	simm.s32 @!p1 $0x0  }
0x14: {  	s2 =	sld [smem:$0x3F92];
	s0 =	simm.s32 @p1 $0x1  }
0x15: {  	[smem:$0x3FAF] =	sst s0;
	s0 =	simm.s32 @!p2 $0x0  }
0x16: {  	s3 =	sld [smem:$0x3FDB];
	s0 =	simm.s32 @p2 $0x1  }
0x17: {  	s4 =	simm.s32 $0x1BF5;
	[smem:$0x3FB1] =	sst s0  }
0x18: {  	s0 =	sld [smem:$0x3F94];
	_ =	swait.ge [sflag:s4], $0x0  }
0x19: {  	s7 =	sld [smem:$0x3F95]  }
0x1a: {  	s8 =	sadd.s32 $0xFFFFE003, lr  }
0x1b: {  	s9 =	sadd.s32 $0xFFFFFEF7, lr;
	s5 =	simm.s32 $0xFFFFFFFF;
	p2 =	slt.u32 s8, $0xFFFFF086  }
0x1c: {  	p1 =	slt.u32 s9, $0xF7A;
	s5 =	simm.s32 @!p2 $0x0  }
0x1d: {  	s5 =	simm.s32 @p1 $0x1;
	p0 =	seq.s32 s7, s2  }
0x1e: {  	s7 =	smul.u32 @!p0 $0xF7A, s2;
	p2 =	seq.s32 @!p0 s5, $0x0  }
0x1f: {  	s9 =	smul.u32 $0xF7A, s1;
	s8 =	simm.s32 @!p0 $0x1BF5;
	p2 =	por !p2, p0  }
0x20: {  	[sflag:s8] =	ssyncset.s32 @!p0 $0xFFFFF086;
	s6 =	sadd.s32 @!p0 s3, s7;
	s7 =	simm.s32 @!p0 $0x108  }
0x21: {  	s3 =	sadd.s32 s3, s9;
	s6 =	sadd.s32 @!p0 $0x88, s6;
	s7 =	simm.s32 @p2 $0x1082  }
0x22: {  	[simem:s7], [sflag:s8] =	dma.local @!p0 [hbm:s6], $0xF7A  }
0x23: {  	s9 =	sor.u32 $0xD0000000, s2;
	s6 =	simm.s32 $0x108;
	_ =	swait.ge @!p0 [sflag:s8], $0x0  }
0x24: {  	s3 =	sadd.s32 $0x88, s3;
	s6 =	simm.s32 @!p1 $0x1082;
	[sflag:s4] =	ssyncset.s32 $0xFFFFF086  }
0x25: {  	[simem:s6], [sflag:s4] =	dma.local [hbm:s3], $0xF7A  }
0x26: {  	[smem:$0x3F95] =	sst s1;
	(tag) =	ssettag s2;
	_ =	strace s9  }
0x27: {  	s1 =	sld [smem:$0x3FA5]  }
0x28: {  	s2 =	sld [smem:$0x3FA6]  }
0x29: {  	s4 =	sld [smem:$0x3FA8]  }
0x2a: {  	p0 =	seq.s32 s5, $0x0;
	s5 =	sld [smem:$0x3FA9]  }
0x2b: {  	s6 =	sld [smem:$0x3FAA]  }
0x2c: {  	s7 =	sld [smem:$0x3FAB]  }
0x2d: {  	s3 =	simm.s32 $0x108;
	s8 =	sld [smem:$0x3FAC]  }
0x2e: {  	s3 =	simm.s32 @!p0 $0x1082;
	s9 =	sld [smem:$0x3FAD]  }
0x2f: {  	lr =	sadd.s32 s0, s3;
	s0 =	sld [smem:$0x3FA4]  }
0x30: {  	s3 =	sld [smem:$0x3FA7]  }
0x31: {  	[smem:$0x3FB0] =	sst s10  }
0x32: {  	s10 =	sld [smem:$0x3FAE];
	_ =	sdelay $0x3  }
0x33: {  	p0 =	seq.s32 s10, $0x1;
	s10 =	sld [smem:$0x3FB0];
	_ =	sdelay $0x3  }
0x34: {  	[smem:$0x3FB0] =	sst s10  }
0x35: {  	s10 =	sld [smem:$0x3FAF];
	_ =	sdelay $0x3  }
0x36: {  	p1 =	seq.s32 s10, $0x1;
	s10 =	sld [smem:$0x3FB0];
	_ =	sdelay $0x3  }
0x37: {  	[smem:$0x3FB0] =	sst s10  }
0x38: {  	s10 =	sld [smem:$0x3FB1]  }
0x39: {  	_ = 	snop;
	(pc) =	sbr.ind lr, $3  }
0x3a: {  	_ = 	snop  }
0x3b: {  	_ = 	snop  }
0x3c: {  	p2 =	seq.s32 s10, $0x1;
	s10 =	sld [smem:$0x3FB0]  }
0x3d: {  	_ =	shalt  }
0x3e: {  	_ =	shalt  }
0x3f: {  	_ =	shalt  }
0x40: {  	_ =	shalt  }
0x41: {  	_ =	shalt  }
0x42: {  	_ =	shalt  }
0x43: {  	_ =	shalt  }
0x44: {  	_ =	shalt  }
0x45: {  	_ =	shalt  }
0x46: {  	_ =	shalt  }
0x47: {  	_ =	shalt  }
0x48: {  	_ =	shalt  }
0x49: {  	_ =	shalt  }
0x4a: {  	_ =	shalt  }
0x4b: {  	_ =	shalt  }
0x4c: {  	_ =	shalt  }
0x4d: {  	_ =	shalt  }
0x4e: {  	_ =	shalt  }
0x4f: {  	_ =	shalt  }
0x50: {  	_ =	shalt  }
0x51: {  	_ =	shalt  }
0x52: {  	_ =	shalt  }
0x53: {  	_ =	shalt  }
0x54: {  	_ =	shalt  }
0x55: {  	_ =	shalt  }
0x56: {  	_ =	shalt  }
0x57: {  	_ =	shalt  }
0x58: {  	_ =	shalt  }
0x59: {  	_ =	shalt  }
0x5a: {  	_ =	shalt  }
0x5b: {  	_ =	shalt  }
0x5c: {  	_ =	shalt  }
0x5d: {  	_ =	shalt  }
0x5e: {  	_ =	shalt  }
0x5f: {  	_ =	shalt  }
0x60: {  	_ =	shalt  }
0x61: {  	_ =	shalt  }
0x62: {  	_ =	shalt  }
0x63: {  	_ =	shalt  }
0x64: {  	_ =	shalt  }
0x65: {  	_ =	shalt  }
0x66: {  	_ =	shalt  }
0x67: {  	_ =	shalt  }
0x68: {  	_ =	shalt  }
0x69: {  	_ =	shalt  }
0x6a: {  	_ =	shalt  }
0x6b: {  	_ =	shalt  }
0x6c: {  	_ =	shalt  }
0x6d: {  	_ =	shalt  }
0x6e: {  	_ =	shalt  }
0x6f: {  	_ =	shalt  }
0x70: {  	_ =	shalt  }
0x71: {  	_ =	shalt  }
0x72: {  	_ =	shalt  }
0x73: {  	_ =	shalt  }
0x74: {  	_ =	shalt  }
0x75: {  	_ =	shalt  }
0x76: {  	_ =	shalt  }
0x77: {  	_ =	shalt  }
0x78: {  	_ =	shalt  }
0x79: {  	_ =	shalt  }
0x7a: {  	_ =	shalt  }
0x7b: {  	_ =	shalt  }
0x7c: {  	_ =	shalt  }
0x7d: {  	_ =	shalt  }
0x7e: {  	_ =	shalt  }
0x7f: {  	_ =	shalt  }
0x80: {  	_ =	shalt  }
0x81: {  	_ =	shalt  }
0x82: {  	_ =	shalt  }
0x83: {  	_ =	shalt  }
0x84: {  	_ =	shalt  }
0x85: {  	_ =	shalt  }
0x86: {  	_ =	shalt  }
0x87: {  	_ =	shalt  }
.Lfunc_end0:
.L_simem_size_0:
called_computation.3_lowered:
.L_overlay_start_0:
0x88: {  	s2 =	sld [smem:$0x3FD9]  }
0x89: {  	s3 =	sld [smem:$0x3FFE];
	_ =	sdelay $0x1  }
0x8a: {  	s1 =	srdreg.scid  }
0x8b: {  	s0 =	sand.u32 $0x1, s1  }
0x8c: {  	s17 =	sshll.u32 s0, $0xA;
	s2 =	sadd.s32 s3, s2  }
0x8d: {  	s2 =	sadd.s32 s2, s17  }
0x8e: {  	[smem:$0x3FBC] =	sst s2  }
0x8f: {  	_ = 	snop  }
0x90: {  	s2 =	sld [smem:$0x3FD0];
	(tm) =	ssettm $0x1  }
0x91: {  	s18 =	sld [smem:$0x3FFB];
	_ =	sdelay $0x3  }
0x92: {  	_ =	strace s18  }
0x93: {  	s3 =	sld [smem:$0x3FFC];
	_ =	sdelay $0x3  }
0x94: {  	_ =	strace s3  }
0x95: {  	s3 =	sld [smem:$0x3FFD];
	_ =	sdelay $0x3  }
0x96: {  	_ =	strace s3  }
0x97: {  	_ =	strace $0x8FFFFFFF  }
0x98: {  	s19 =	sld [smem:$0x3FDB];
	_ =	sdelay $0x1  }
0x99: {  	s4 =	simm.s32 $_scs_section_size  }
0x9a: {  	s5 =	simm.s32 $_size__tile_overlayer_lowered;
	s6 =	simm.s32 $_tile_overlayer_lowered  }
0x9b: {  	s22 =	simm.s32 $0x1BFF;
	s21 =	sshll.u32 s6, $0x1;
	s3 =	sadd.s32 s4, s19  }
0x9c: {  	s7 =	simm.s32 $0x0;
	s20 =	sshll.u32 s5, $0x1;
	s5 =	sadd.s32 s21, s3  }
0x9d: {  	[timem:s7], [sflag:s22] =	dma.local [hbm:s5], s20  }
0x9e: {  	_ =	swait.ge [sflag:s22], s20  }
0x9f: {  	s4 =	ssub.s32 $0x0, s20;
	[sflag:s22] =	ssyncset.done $0x0  }
0xa0: {  	[sflag:s22] =	ssyncadd.s32 s4;
	_ =	sdelay $0x1  }
0xa1: {  	s23 =	simm.s32 $0x1B8B  }
0xa2: {  	_ =	swait.ge [sflag:s23], $0x1  }
0xa3: {  	[sflag:s23] =	ssyncset.done $0x0  }
0xa4: {  	s25 =	simm.s32 $0x1B8E;
	s24 =	sld [smem:$0x3FFE];
	[sflag:s23] =	ssyncadd.s32 $0xFFFFFFFF  }
0xa5: {  	s26 =	simm.s32 $execute0_lowered;
	[smem:$0x3FD2] =	sst s25  }
0xa6: {  	s5 =	sshll.u32 s26, $0x1;
	_ =	strace $0x8000004F;
	[dreg:$0x1] =	wrdreg $0xFFFFFFFF  }
0xa7: {  	s28 =	simm.s32 $_size_execute0_lowered;
	s3 =	sadd.s32 s3, s5;
	[dreg:$0x0] =	wrdreg $0x0  }
0xa8: {  	s5 =	sshll.u32 s28, $0x1;
	[dreg:$0x2] =	wrdreg s3  }
0xa9: {  	[dreg:$0x3] =	wrdreg s5  }
0xaa: {  	[dreg:$0x4] =	wrdreg $0xC0  }
0xab: {  	_ =	task [dreg:s7], $0x5FFFF  }
0xac: {  	[dreg:$0x1] =	wrdreg $0xFFFFFFFF  }
0xad: {  	[dreg:$0x0] =	wrdreg $0x60  }
0xae: {  	[dreg:$0x2] =	wrdreg s24  }
0xaf: {  	[dreg:$0x3] =	wrdreg s2  }
0xb0: {  	[dreg:$0x4] =	wrdreg $0xC6200  }
0xb1: {  	[dreg:$0x5] =	wrdreg $0x9  }
0xb2: {  	_ =	task.clear_ibuf [dreg:s7], $0x6FFFF;
	_ =	strace $0x9000004F  }
0xb3: {  	s29 =	simm.s32 $0x9;
	_ =	strace $0x80000051  }
0xb4: {  	_ =	swait.ge [sflag:s29], $0x1  }
0xb5: {  	[sflag:s29] =	ssyncadd.s32 $0xFFFFFFFF  }
0xb6: {  	_ =	strace $0x90000051  }
0xb7: {  	_ =	sfence  }
0xb8: {  	s30 =	sld [smem:$0x0];
	_ =	sdelay $0x2  }
0xb9: {  	s31 =	sshll.u32 s1, $0xD;
	s1 =	sshrl.u32 s1, $0x2  }
0xba: {  	s3 =	sand.u32 $0x4000, s31;
	s1 =	sadd.s32 s1, s30  }
0xbb: {  	s0 =	sor.u32 s3, s0;
	s1 =	sshll.u32 s1, $0x11  }
0xbc: {  	s0 =	sor.u32 s1, s0  }
0xbd: {  	s0 =	sadd.s32 $0x8F2B, s0  }
0xbe: {  	[sflag:s0] =	ssyncadd.remote.s32 $0x1  }
0xbf: {  	_ =	sfence.sel $0xFFFF  }
0xc0: {  	[dreg:$0x0] =	wrdreg $0xFFFFFFFF;
	(pc) =	sbr.abs _section_cstart, $3  }
0xc1: {  	[dreg:$0x1] =	wrdreg $0xFFFFFFFF  }
0xc2: {  	_ =	task.clear_ibuf [dreg:s7], $0x2FFFF;
	_ =	strace $0x9FFFFFFF  }
0xc3: {  	(tm) =	ssettm $0x7FFFFFFF  }
tec
execute0_lowered:
.L_overlay_start_1:
0x0: {  	(tag) =	ssettag $0x1  }
0x1: {  	s0 =	rddreg [dreg:$0x0]  }
0x2: {  	s1 =	rddreg [dreg:$0x1]  }
0x3: {  	s3 =	srdreg.scid;
	s2 =	rddreg [dreg:$0x2]  }
0x4: {  	s17 =	stileid.u32;
	s11 =	simm.s32 $0x2710;
	s12 =	simm.s32 $0x50  }
0x5: {  	s13 =	simm.s32 $0x4E20;
	s14 =	simm.s32 $0x7620;
	s20 =	simm.s32 $0x1  }
0x6: {  	s22 =	simm.s32 $0x9E20;
	s23 =	simm.s32 $0x2;
	s25 =	simm.s32 $0x4  }
0x7: {  	s28 =	simm.s32 $0x3;
	s30 =	simm.s32 $0x5;
	s6 =	smul.u32 $0x4E2, s17  }
0x8: {  	s21 =	simm.s32 $0x0;
	s4 =	sand.u32 $0x1, s3;
	s7 =	smul.u32 $0x2710, s17  }
0x9: {  	s3 =	simm.s32 $0x0;
	s9 =	smul.u32 $0x27800, s17;
	s16 =	sadd.s32 $0x128400, s2  }
0xa: {  	p0 =	seq.s32 s17, $0xF;
	s5 =	smul.u32 $0x27180, s4;
	[smem:$0x7FF] =	sst s3  }
0xb: {  	s4 =	ssub.s32 $0x2, s4;
	s16 =	sshrl.u32 @p0 s16, $0x3;
	_ =	strace $0x80000050  }
0xc: {  	s8 =	sshrl.u32 s4, $0x1;
	s29 =	sshrl.u32 s7, $0x3;
	s31 =	sshrl.u32 s9, $0x1  }
0xd: {  	s10 =	ssub.s32 s4, s8;
	s4 =	sadd.s32 s1, s6;
	s1 =	sadd.s32 s1, s29  }
0xe: {  	s7 =	sshrl.u32 s9, $0x4;
	s0 =	sadd.s32 s5, s0;
	s5 =	sadd.s32 $0x4E20, s1  }
0xf: {  	s6 =	sadd.s32 $0x3200, s0;
	s1 =	sadd.s32 s31, s2;
	s8 =	sadd.s32 $0x51600, s0  }
0x10: {  	s9 =	smax.u32 s10, $0x1;
	s10 =	simm.s32 $0x7;
	s0 =	sshll.u32 @!p0 s17, $0x6  }
0x11: {  	s15 =	sadd.s32 @p0 $0x25080, s6;
	s17 =	sadd.s32 @!p0 s7, s6;
	s18 =	sor.u32 @!p0 $0x1C07, s0  }
0x12: {  	s19 =	sshrl.u32 @!p0 s1, $0x3;
	s0 =	simm.s32 $0x2800;
	s1 =	simm.s32 $0x6  }
.LBB2_1:
0x13: {  	[tilespmem:s3], [sflag:$0x7] =	stream.linear.gather [hbm4b:s4+s3], $0x2710, $0x38;
	[tilespmem:$0x1FEE0] =	vst v63  }
0x14: {  	_ =	swait.ge [sflag:s10], $0x2710  }
0x15: {  	[sflag:s10] =	ssyncset.done $0x0  }
0x16: {  	[sflag:s10] =	ssyncadd.s32 $0xFFFFD8F0  }
0x17: {  	[tilespmem:s11], [sflag:$0x7] =	stream.linear.gather [hbm4b:s5+s3], $0x2710, $0x38;
	[tilespmem:$0x1FEE0] =	vst v63  }
0x18: {  	_ =	swait.ge [sflag:s10], $0x2710  }
0x19: {  	[sflag:s10] =	ssyncset.done $0x0  }
0x1a: {  	[sflag:s10] =	ssyncadd.s32 $0xFFFFD8F0  }
0x1b: {  	[tilespmem:s13], [sflag:$0x1] =	stream.indirect.gather [hbm4b:s6+s12], $0x80, s3, s12, $0xb8;
	[tilespmem:$0x1FEE0] =	vst v63  }
0x1c: {  	s24 =	simm.s32 @p0 $0x1FC7  }
0x1d: {  	[tilespmem:s14], [sflag:$0x2] =	stream.indirect.gather [hbm4b:s6+s12], $0x80, s12, s12, $0xb8;
	[tilespmem:$0x1FEE0] =	vst v63  }
0x1e: {  	[spmem:s16], [sflag:s24] =	dma.local @p0 [hbm:s15], $0x2100  }
0x1f: {  	s24 =	simm.s32 @p0 $0x7  }
0x20: {  	_ =	swait.ge @p0 [sflag:s24], $0x2100  }
0x21: {  	[sflag:s24] =	ssyncset.done @p0 $0x0  }
0x22: {  	[sflag:s24] =	ssyncadd.s32 @p0 $0xFFFFDF00;
	s24 =	simm.s32 @!p0 $0x7  }
0x23: {  	[spmem:s19], [sflag:s18] =	dma.local @!p0 [hbm:s17], $0x2780  }
0x24: {  	_ =	swait.ge @!p0 [sflag:s24], $0x2780  }
0x25: {  	[sflag:s24] =	ssyncset.done @!p0 $0x0  }
0x26: {  	[sflag:s24] =	ssyncadd.s32 @!p0 $0xFFFFD880  }
0x27: {  	[bflag:$0x0] =	sbarrier.arrive $0xFFFF  }
0x28: {  	_ =	swait.ge [sflag:s20], $0x2800  }
0x29: {  	[sflag:s20] =	ssyncset.done $0x0  }
0x2a: {  	[sflag:s20] =	ssyncadd.s32 $0xFFFFD800  }
0x2b: {  	[spmem:s2] =	stream.indirect.scatter.add.bf16 [tilespmem:s13], [sflag:$0x4], $0x80, s11, s12, $0xb8;
	[tilespmem:$0x1FEE0] =	vst v63  }
0x2c: {  	s29 =	simm.s32 $0xA0  }
0x2d: {  	[tilespmem:s22], [sflag:$0x3] =	stream.indirect.gather [hbm4b:s6+s12], $0x80, s29, s12, $0xb8;
	[tilespmem:$0x1FEE0] =	vst v63  }
0x2e: {  	_ =	swait.ge [sflag:s23], $0x2800  }
0x2f: {  	[sflag:s23] =	ssyncset.done $0x0  }
0x30: {  	s31 =	simm.s32 $0x2760;
	[sflag:s23] =	ssyncadd.s32 $0xFFFFD800  }
0x31: {  	[spmem:s2] =	stream.indirect.scatter.add.bf16 [tilespmem:s14], [sflag:$0x5], $0x80, s31, s12, $0xb8;
	[tilespmem:$0x1FEE0] =	vst v63  }
0x32: {  	_ =	swait.ge [sflag:s25], $0x2800  }
0x33: {  	[sflag:s25] =	ssyncset.done $0x0  }
0x34: {  	s26 =	simm.s32 $0xF0;
	[sflag:s25] =	ssyncadd.s32 $0xFFFFD800  }
0x35: {  	[tilespmem:s13], [sflag:$0x1] =	stream.indirect.gather [hbm4b:s6+s12], $0x80, s26, s12, $0xb8;
	[tilespmem:$0x1FEE0] =	vst v63  }
0x36: {  	_ =	swait.ge [sflag:s28], $0x2800  }
0x37: {  	[sflag:s28] =	ssyncset.done $0x0  }
0x38: {  	s29 =	simm.s32 $0x27B0;
	[sflag:s28] =	ssyncadd.s32 $0xFFFFD800  }
0x39: {  	[spmem:s2] =	stream.indirect.scatter.add.bf16 [tilespmem:s22], [sflag:$0x6], $0x80, s29, s12, $0xb8;
	[tilespmem:$0x1FEE0] =	vst v63  }
0x3a: {  	_ =	swait.ge [sflag:s30], $0x2800  }
0x3b: {  	[sflag:s30] =	ssyncset.done $0x0  }
0x3c: {  	s31 =	simm.s32 $0x140;
	[sflag:s30] =	ssyncadd.s32 $0xFFFFD800  }
0x3d: {  	[tilespmem:s14], [sflag:$0x2] =	stream.indirect.gather [hbm4b:s6+s12], $0x80, s31, s12, $0xb8;
	[tilespmem:$0x1FEE0] =	vst v63  }
0x3e: {  	_ =	swait.ge [sflag:s20], $0x2800  }
0x3f: {  	[sflag:s20] =	ssyncset.done $0x0  }
0x40: {  	[sflag:s20] =	ssyncadd.s32 $0xFFFFD800  }
0x41: {  	[spmem:s2] =	stream.indirect.scatter.add.bf16 [tilespmem:s13], [sflag:$0x4], $0x80, s0, s12, $0xb8;
	[tilespmem:$0x1FEE0] =	vst v63  }
0x42: {  	_ =	swait.ge [sflag:s1], $0x2800  }
0x43: {  	[sflag:s1] =	ssyncset.done $0x0  }
0x44: {  	s26 =	simm.s32 $0x190;
	[sflag:s1] =	ssyncadd.s32 $0xFFFFD800  }
0x45: {  	[tilespmem:s22], [sflag:$0x3] =	stream.indirect.gather [hbm4b:s6+s12], $0x80, s26, s12, $0xb8;
	[tilespmem:$0x1FEE0] =	vst v63  }
0x46: {  	_ =	swait.ge [sflag:s23], $0x2800  }
0x47: {  	[sflag:s23] =	ssyncset.done $0x0  }
0x48: {  	s29 =	simm.s32 $0x2850;
	[sflag:s23] =	ssyncadd.s32 $0xFFFFD800  }
0x49: {  	[spmem:s2] =	stream.indirect.scatter.add.bf16 [tilespmem:s14], [sflag:$0x5], $0x80, s29, s12, $0xb8;
	[tilespmem:$0x1FEE0] =	vst v63  }
0x4a: {  	_ =	swait.ge [sflag:s25], $0x2800  }
0x4b: {  	[sflag:s25] =	ssyncset.done $0x0  }
0x4c: {  	s31 =	simm.s32 $0x1E0;
	[sflag:s25] =	ssyncadd.s32 $0xFFFFD800  }
0x4d: {  	[tilespmem:s13], [sflag:$0x1] =	stream.indirect.gather [hbm4b:s6+s12], $0x80, s31, s12, $0xb8;
	[tilespmem:$0x1FEE0] =	vst v63  }
0x4e: {  	_ =	swait.ge [sflag:s28], $0x2800  }
0x4f: {  	[sflag:s28] =	ssyncset.done $0x0  }
0x50: {  	s26 =	simm.s32 $0x28A0;
	[sflag:s28] =	ssyncadd.s32 $0xFFFFD800  }
0x51: {  	[spmem:s2] =	stream.indirect.scatter.add.bf16 [tilespmem:s22], [sflag:$0x6], $0x80, s26, s12, $0xb8;
	[tilespmem:$0x1FEE0] =	vst v63  }
0x52: {  	_ =	swait.ge [sflag:s30], $0x2800  }
0x53: {  	[sflag:s30] =	ssyncset.done $0x0  }
0x54: {  	s29 =	simm.s32 $0x230;
	[sflag:s30] =	ssyncadd.s32 $0xFFFFD800  }
0x55: {  	[tilespmem:s14], [sflag:$0x2] =	stream.indirect.gather [hbm4b:s6+s12], $0x80, s29, s12, $0xb8;
	[tilespmem:$0x1FEE0] =	vst v63  }
0x56: {  	_ =	swait.ge [sflag:s20], $0x2800  }
0x57: {  	[sflag:s20] =	ssyncset.done $0x0  }
0x58: {  	s31 =	simm.s32 $0x28F0;
	[sflag:s20] =	ssyncadd.s32 $0xFFFFD800  }
0x59: {  	[spmem:s2] =	stream.indirect.scatter.add.bf16 [tilespmem:s13], [sflag:$0x4], $0x80, s31, s12, $0xb8;
	[tilespmem:$0x1FEE0] =	vst v63  }
0x5a: {  	_ =	swait.ge [sflag:s1], $0x2800  }
0x5b: {  	s24 =	simm.s32 $0x780;
	s26 =	simm.s32 $0xF0;
	[sflag:s1] =	ssyncset.done $0x0  }
.LBB2_2:
0x5c: {  	s29 =	sadd.s32 $0x190, s26  }
0x5d: {  	[sflag:s1] =	ssyncadd.s32 $0xFFFFD800;
	s31 =	smov.u32 s24;
	s24 =	sadd.s32 $0x3C0, s24  }
0x5e: {  	[tilespmem:s22], [sflag:$0x3] =	stream.indirect.gather [hbm4b:s6+s12], $0x80, s29, s12, $0xb8;
	[tilespmem:$0x1FEE0] =	vst v63  }
0x5f: {  	p1 =	sne.s32 s24, $0x9600;
	_ =	swait.ge [sflag:s23], $0x2800  }
0x60: {  	[sflag:s23] =	ssyncset.done $0x0  }
0x61: {  	s29 =	sadd.s32 $0x2850, s26;
	[sflag:s23] =	ssyncadd.s32 $0xFFFFD800  }
0x62: {  	[spmem:s2] =	stream.indirect.scatter.add.bf16 [tilespmem:s14], [sflag:$0x5], $0x80, s29, s12, $0xb8;
	[tilespmem:$0x1FEE0] =	vst v63  }
0x63: {  	_ =	swait.ge [sflag:s25], $0x2800  }
0x64: {  	[sflag:s25] =	ssyncset.done $0x0  }
0x65: {  	s29 =	sadd.s32 $0x1E0, s26;
	[sflag:s25] =	ssyncadd.s32 $0xFFFFD800  }
0x66: {  	[tilespmem:s13], [sflag:$0x1] =	stream.indirect.gather [hbm4b:s6+s12], $0x80, s29, s12, $0xb8;
	[tilespmem:$0x1FEE0] =	vst v63  }
0x67: {  	_ =	swait.ge [sflag:s28], $0x2800  }
0x68: {  	[sflag:s28] =	ssyncset.done $0x0  }
0x69: {  	s29 =	sadd.s32 $0x28A0, s26;
	[sflag:s28] =	ssyncadd.s32 $0xFFFFD800  }
0x6a: {  	[spmem:s2] =	stream.indirect.scatter.add.bf16 [tilespmem:s22], [sflag:$0x6], $0x80, s29, s12, $0xb8;
	[tilespmem:$0x1FEE0] =	vst v63  }
0x6b: {  	_ =	swait.ge [sflag:s30], $0x2800  }
0x6c: {  	[sflag:s30] =	ssyncset.done $0x0  }
0x6d: {  	s29 =	sadd.s32 $0x230, s26;
	[sflag:s30] =	ssyncadd.s32 $0xFFFFD800  }
0x6e: {  	[tilespmem:s14], [sflag:$0x2] =	stream.indirect.gather [hbm4b:s6+s12], $0x80, s29, s12, $0xb8;
	[tilespmem:$0x1FEE0] =	vst v63  }
0x6f: {  	_ =	swait.ge [sflag:s20], $0x2800  }
.Ltmp0:
0x70: {  	[sflag:s20] =	ssyncset.done $0x0;
	(pc) =	sbr.rel @p1 .LBB2_2-.Ltmp0, $4  }
0x71: {  	s26 =	sadd.s32 $0x28F0, s26;
	[sflag:s20] =	ssyncadd.s32 $0xFFFFD800  }
0x72: {  	[spmem:s2] =	stream.indirect.scatter.add.bf16 [tilespmem:s13], [sflag:$0x4], $0x80, s26, s12, $0xb8;
	[tilespmem:$0x1FEE0] =	vst v63  }
0x73: {  	_ =	swait.ge [sflag:s1], $0x2800  }
0x74: {  	s26 =	sshra.s32 s31, $0x2;
	[sflag:s1] =	ssyncset.done $0x0  }
0x75: {  	s29 =	sadd.s32 $0x190, s26;
	[sflag:s1] =	ssyncadd.s32 $0xFFFFD800  }
0x76: {  	[tilespmem:s22], [sflag:$0x3] =	stream.indirect.gather [hbm4b:s6+s12], $0x80, s29, s12, $0xb8;
	[tilespmem:$0x1FEE0] =	vst v63  }
0x77: {  	_ =	swait.ge [sflag:s23], $0x2800  }
0x78: {  	[sflag:s23] =	ssyncset.done $0x0  }
0x79: {  	s31 =	sadd.s32 $0x2850, s26;
	[sflag:s23] =	ssyncadd.s32 $0xFFFFD800  }
0x7a: {  	[spmem:s2] =	stream.indirect.scatter.add.bf16 [tilespmem:s14], [sflag:$0x5], $0x80, s31, s12, $0xb8;
	[tilespmem:$0x1FEE0] =	vst v63  }
0x7b: {  	_ =	swait.ge [sflag:s25], $0x2800  }
0x7c: {  	[sflag:s25] =	ssyncset.done $0x0  }
0x7d: {  	s31 =	sadd.s32 $0x1E0, s26;
	[sflag:s25] =	ssyncadd.s32 $0xFFFFD800  }
0x7e: {  	[tilespmem:s13], [sflag:$0x1] =	stream.indirect.gather [hbm4b:s6+s12], $0x80, s31, s12, $0xb8;
	[tilespmem:$0x1FEE0] =	vst v63  }
0x7f: {  	_ =	swait.ge [sflag:s28], $0x2800  }
0x80: {  	[sflag:s28] =	ssyncset.done $0x0  }
0x81: {  	s31 =	sadd.s32 $0x28A0, s26;
	[sflag:s28] =	ssyncadd.s32 $0xFFFFD800  }
0x82: {  	[spmem:s2] =	stream.indirect.scatter.add.bf16 [tilespmem:s22], [sflag:$0x6], $0x80, s31, s12, $0xb8;
	[tilespmem:$0x1FEE0] =	vst v63  }
0x83: {  	_ =	swait.ge [sflag:s30], $0x2800  }
0x84: {  	[sflag:s30] =	ssyncset.done $0x0  }
0x85: {  	s31 =	sadd.s32 $0x230, s26;
	[sflag:s30] =	ssyncadd.s32 $0xFFFFD800  }
0x86: {  	[tilespmem:s14], [sflag:$0x2] =	stream.indirect.gather [hbm4b:s6+s12], $0x80, s31, s12, $0xb8;
	[tilespmem:$0x1FEE0] =	vst v63  }
0x87: {  	_ =	swait.ge [sflag:s20], $0x2800  }
0x88: {  	[sflag:s20] =	ssyncset.done $0x0  }
0x89: {  	s31 =	sadd.s32 $0x28F0, s26;
	[sflag:s20] =	ssyncadd.s32 $0xFFFFD800  }
0x8a: {  	[spmem:s2] =	stream.indirect.scatter.add.bf16 [tilespmem:s13], [sflag:$0x4], $0x80, s31, s12, $0xb8;
	[tilespmem:$0x1FEE0] =	vst v63  }
0x8b: {  	_ =	swait.ge [sflag:s1], $0x2800  }
0x8c: {  	[sflag:s1] =	ssyncset.done $0x0  }
0x8d: {  	[sflag:s1] =	ssyncadd.s32 $0xFFFFD800  }
0x8e: {  	_ =	swait.ge [sflag:s23], $0x2800  }
0x8f: {  	s24 =	sshra.s32 s24, $0x2;
	[sflag:s23] =	ssyncset.done $0x0  }
0x90: {  	s24 =	sadd.s32 $0x2850, s24;
	[sflag:s23] =	ssyncadd.s32 $0xFFFFD800  }
0x91: {  	[spmem:s2] =	stream.indirect.scatter.add.bf16 [tilespmem:s14], [sflag:$0x5], $0x80, s24, s12, $0xb8;
	[tilespmem:$0x1FEE0] =	vst v63  }
0x92: {  	_ =	swait.ge [sflag:s25], $0x2800  }
0x93: {  	[sflag:s25] =	ssyncset.done $0x0  }
0x94: {  	[sflag:s25] =	ssyncadd.s32 $0xFFFFD800  }
0x95: {  	_ =	swait.ge [sflag:s30], $0x2800  }
0x96: {  	[sflag:s30] =	ssyncset.done $0x0  }
0x97: {  	[sflag:s30] =	ssyncadd.s32 $0xFFFFD800  }
0x98: {  	s26 =	simm.s32 @p0 $0x1FC7;
	s24 =	sadd.s32 @p0 $0x25080, s8;
	[bflag:$0x0] =	sbarrier.arrive $0xFFFF  }
0x99: {  	[hbm:s24], [sflag:s26] =	dma.local @p0 [spmem:s16], $0x2100  }
0x9a: {  	s24 =	simm.s32 @p0 $0x7  }
0x9b: {  	_ =	swait.ge @p0 [sflag:s24], $0x2100  }
0x9c: {  	s21 =	sadd.s32 $0x1, s21;
	[sflag:s24] =	ssyncset.done @p0 $0x0  }
0x9d: {  	p1 =	sne.s32 s21, s9;
	[sflag:s24] =	ssyncadd.s32 @p0 $0xFFFFDF00;
	s24 =	sadd.s32 @!p0 s7, s8  }
0x9e: {  	[hbm:s24], [sflag:s18] =	dma.local @!p0 [spmem:s19], $0x2780  }
.Ltmp1:
0x9f: {  	_ = 	snop;
	(pc) =	sbr.rel @p1 .LBB2_1-.Ltmp1, $4  }
0xa0: {  	s24 =	simm.s32 @!p0 $0x7  }
0xa1: {  	_ =	swait.ge @!p0 [sflag:s24], $0x2780  }
0xa2: {  	[sflag:s24] =	ssyncset.done @!p0 $0x0  }
0xa3: {  	[sflag:s24] =	ssyncadd.s32 @!p0 $0xFFFFD880  }
0xa4: {  	_ =	sfence.sel $0x180000  }
0xa5: {  	[bflag:$0x0] =	sbarrier.arrive $0xFFFF  }
0xa6: {  	_ =	strace $0x90000050  }
0xa7: {  	s0 =	stileid.u32;
	[bflag:$0x2] =	sbarrier.arrive $0xFFFF  }
0xa8: {  	p0 =	sne.s32 s0, $0x0;
	s0 =	rddreg [dreg:$0x3]  }
0xa9: {  	s0 =	sadd.s32 @!p0 $0x100000, s0  }
0xaa: {  	[sflag:s0] =	ssyncadd.tile.s32 @!p0 $0x1;
	_ =	shalt  }
.Lfunc_end2:
_tile_overlayer_lowered:
.L_overlay_start_2:
0xab: {  	(tag) =	ssettag $0x2  }
0xac: {  	s0 =	rddreg [dreg:$0x0];
	s2 =	stileid.u32  }
0xad: {  	s1 =	rddreg [dreg:$0x1];
	p0 =	sne.s32 s2, $0x0  }
0xae: {  	s3 =	rddreg [dreg:$0x2];
	[bflag:$0x3] =	sbarrier.arrive $0xFFFF;
	s2 =	simm.s32 @!p0 $0x1C07  }
0xaf: {  	[timem:s3], [sflag:s2] =	dma.local @!p0 [hbm:s0], s1  }
0xb0: {  	s0 =	simm.s32 @!p0 $0x7  }
0xb1: {  	_ =	swait.ge @!p0 [sflag:s0], s1  }
0xb2: {  	s1 =	ssub.s32 @!p0 $0x0, s1;
	[sflag:s0] =	ssyncset.done @!p0 $0x0  }
0xb3: {  	[sflag:s0] =	ssyncadd.s32 @!p0 s1  }
0xb4: {  	[bflag:$0x3] =	sbarrier.arrive $0xFFFF  }
0xb5: {  	_ =	shalt  }

// kernel: kernel.26.cloned.1.call-start
scs
__scs_entry_jumppad:
0x0: {  	(pc) =	sbr.rel $0x88, $3  }
0x1: {  	(tag) =	ssettag $0x0;
	lr =	simm.s32 $0x1  }
0x2: {  	[smem:$0x3F95] =	sst lr;
	_ =	strace $0xD0000000  }
0x3: {  	_ = 	snop  }
0x4: {  	_ = 	snop  }
0x5: {  	_ = 	snop  }
0x6: {  	_ = 	snop  }
0x7: {  	_ = 	snop  }
__scs_overlays_trampoline_lowered:
0x8: {  	[smem:$0x3FA4] =	sst s0  }
0x9: {  	[smem:$0x3FA5] =	sst s1  }
0xa: {  	[smem:$0x3FA6] =	sst s2  }
0xb: {  	[smem:$0x3FA7] =	sst s3  }
0xc: {  	[smem:$0x3FA8] =	sst s4  }
0xd: {  	[smem:$0x3FA9] =	sst s5  }
0xe: {  	[smem:$0x3FAA] =	sst s6  }
0xf: {  	[smem:$0x3FAB] =	sst s7  }
0x10: {  	[smem:$0x3FAC] =	sst s8  }
0x11: {  	[smem:$0x3FAD] =	sst s9;
	s0 =	simm.s32 @!p0 $0x0  }
0x12: {  	s1 =	sld [smem:$0x3F93];
	s0 =	simm.s32 @p0 $0x1  }
0x13: {  	[smem:$0x3FAE] =	sst s0;
	s0 =	simm.s32 @!p1 $0x0  }
0x14: {  	s2 =	sld [smem:$0x3F92];
	s0 =	simm.s32 @p1 $0x1  }
0x15: {  	[smem:$0x3FAF] =	sst s0;
	s0 =	simm.s32 @!p2 $0x0  }
0x16: {  	s3 =	sld [smem:$0x3FDB];
	s0 =	simm.s32 @p2 $0x1  }
0x17: {  	s4 =	simm.s32 $0x1BF5;
	[smem:$0x3FB1] =	sst s0  }
0x18: {  	s0 =	sld [smem:$0x3F94];
	_ =	swait.ge [sflag:s4], $0x0  }
0x19: {  	s7 =	sld [smem:$0x3F95]  }
0x1a: {  	s8 =	sadd.s32 $0xFFFFE003, lr  }
0x1b: {  	s9 =	sadd.s32 $0xFFFFFEF7, lr;
	s5 =	simm.s32 $0xFFFFFFFF;
	p2 =	slt.u32 s8, $0xFFFFF086  }
0x1c: {  	p1 =	slt.u32 s9, $0xF7A;
	s5 =	simm.s32 @!p2 $0x0  }
0x1d: {  	s5 =	simm.s32 @p1 $0x1;
	p0 =	seq.s32 s7, s2  }
0x1e: {  	s7 =	smul.u32 @!p0 $0xF7A, s2;
	p2 =	seq.s32 @!p0 s5, $0x0  }
0x1f: {  	s9 =	smul.u32 $0xF7A, s1;
	s8 =	simm.s32 @!p0 $0x1BF5;
	p2 =	por !p2, p0  }
0x20: {  	[sflag:s8] =	ssyncset.s32 @!p0 $0xFFFFF086;
	s6 =	sadd.s32 @!p0 s3, s7;
	s7 =	simm.s32 @!p0 $0x108  }
0x21: {  	s3 =	sadd.s32 s3, s9;
	s6 =	sadd.s32 @!p0 $0x88, s6;
	s7 =	simm.s32 @p2 $0x1082  }
0x22: {  	[simem:s7], [sflag:s8] =	dma.local @!p0 [hbm:s6], $0xF7A  }
0x23: {  	s9 =	sor.u32 $0xD0000000, s2;
	s6 =	simm.s32 $0x108;
	_ =	swait.ge @!p0 [sflag:s8], $0x0  }
0x24: {  	s3 =	sadd.s32 $0x88, s3;
	s6 =	simm.s32 @!p1 $0x1082;
	[sflag:s4] =	ssyncset.s32 $0xFFFFF086  }
0x25: {  	[simem:s6], [sflag:s4] =	dma.local [hbm:s3], $0xF7A  }
0x26: {  	[smem:$0x3F95] =	sst s1;
	(tag) =	ssettag s2;
	_ =	strace s9  }
0x27: {  	s1 =	sld [smem:$0x3FA5]  }
0x28: {  	s2 =	sld [smem:$0x3FA6]  }
0x29: {  	s4 =	sld [smem:$0x3FA8]  }
0x2a: {  	p0 =	seq.s32 s5, $0x0;
	s5 =	sld [smem:$0x3FA9]  }
0x2b: {  	s6 =	sld [smem:$0x3FAA]  }
0x2c: {  	s7 =	sld [smem:$0x3FAB]  }
0x2d: {  	s3 =	simm.s32 $0x108;
	s8 =	sld [smem:$0x3FAC]  }
0x2e: {  	s3 =	simm.s32 @!p0 $0x1082;
	s9 =	sld [smem:$0x3FAD]  }
0x2f: {  	lr =	sadd.s32 s0, s3;
	s0 =	sld [smem:$0x3FA4]  }
0x30: {  	s3 =	sld [smem:$0x3FA7]  }
0x31: {  	[smem:$0x3FB0] =	sst s10  }
0x32: {  	s10 =	sld [smem:$0x3FAE];
	_ =	sdelay $0x3  }
0x33: {  	p0 =	seq.s32 s10, $0x1;
	s10 =	sld [smem:$0x3FB0];
	_ =	sdelay $0x3  }
0x34: {  	[smem:$0x3FB0] =	sst s10  }
0x35: {  	s10 =	sld [smem:$0x3FAF];
	_ =	sdelay $0x3  }
0x36: {  	p1 =	seq.s32 s10, $0x1;
	s10 =	sld [smem:$0x3FB0];
	_ =	sdelay $0x3  }
0x37: {  	[smem:$0x3FB0] =	sst s10  }
0x38: {  	s10 =	sld [smem:$0x3FB1]  }
0x39: {  	_ = 	snop;
	(pc) =	sbr.ind lr, $3  }
0x3a: {  	_ = 	snop  }
0x3b: {  	_ = 	snop  }
0x3c: {  	p2 =	seq.s32 s10, $0x1;
	s10 =	sld [smem:$0x3FB0]  }
0x3d: {  	_ =	shalt  }
0x3e: {  	_ =	shalt  }
0x3f: {  	_ =	shalt  }
0x40: {  	_ =	shalt  }
0x41: {  	_ =	shalt  }
0x42: {  	_ =	shalt  }
0x43: {  	_ =	shalt  }
0x44: {  	_ =	shalt  }
0x45: {  	_ =	shalt  }
0x46: {  	_ =	shalt  }
0x47: {  	_ =	shalt  }
0x48: {  	_ =	shalt  }
0x49: {  	_ =	shalt  }
0x4a: {  	_ =	shalt  }
0x4b: {  	_ =	shalt  }
0x4c: {  	_ =	shalt  }
0x4d: {  	_ =	shalt  }
0x4e: {  	_ =	shalt  }
0x4f: {  	_ =	shalt  }
0x50: {  	_ =	shalt  }
0x51: {  	_ =	shalt  }
0x52: {  	_ =	shalt  }
0x53: {  	_ =	shalt  }
0x54: {  	_ =	shalt  }
0x55: {  	_ =	shalt  }
0x56: {  	_ =	shalt  }
0x57: {  	_ =	shalt  }
0x58: {  	_ =	shalt  }
0x59: {  	_ =	shalt  }
0x5a: {  	_ =	shalt  }
0x5b: {  	_ =	shalt  }
0x5c: {  	_ =	shalt  }
0x5d: {  	_ =	shalt  }
0x5e: {  	_ =	shalt  }
0x5f: {  	_ =	shalt  }
0x60: {  	_ =	shalt  }
0x61: {  	_ =	shalt  }
0x62: {  	_ =	shalt  }
0x63: {  	_ =	shalt  }
0x64: {  	_ =	shalt  }
0x65: {  	_ =	shalt  }
0x66: {  	_ =	shalt  }
0x67: {  	_ =	shalt  }
0x68: {  	_ =	shalt  }
0x69: {  	_ =	shalt  }
0x6a: {  	_ =	shalt  }
0x6b: {  	_ =	shalt  }
0x6c: {  	_ =	shalt  }
0x6d: {  	_ =	shalt  }
0x6e: {  	_ =	shalt  }
0x6f: {  	_ =	shalt  }
0x70: {  	_ =	shalt  }
0x71: {  	_ =	shalt  }
0x72: {  	_ =	shalt  }
0x73: {  	_ =	shalt  }
0x74: {  	_ =	shalt  }
0x75: {  	_ =	shalt  }
0x76: {  	_ =	shalt  }
0x77: {  	_ =	shalt  }
0x78: {  	_ =	shalt  }
0x79: {  	_ =	shalt  }
0x7a: {  	_ =	shalt  }
0x7b: {  	_ =	shalt  }
0x7c: {  	_ =	shalt  }
0x7d: {  	_ =	shalt  }
0x7e: {  	_ =	shalt  }
0x7f: {  	_ =	shalt  }
0x80: {  	_ =	shalt  }
0x81: {  	_ =	shalt  }
0x82: {  	_ =	shalt  }
0x83: {  	_ =	shalt  }
0x84: {  	_ =	shalt  }
0x85: {  	_ =	shalt  }
0x86: {  	_ =	shalt  }
0x87: {  	_ =	shalt  }
.Lfunc_end0:
.L_simem_size_0:
called_computation.4_lowered:
.L_overlay_start_0:
0x88: {  	s2 =	sld [smem:$0x3FD9]  }
0x89: {  	s3 =	sld [smem:$0x3FFE];
	_ =	sdelay $0x1  }
0x8a: {  	s1 =	srdreg.scid  }
0x8b: {  	s0 =	sand.u32 $0x1, s1  }
0x8c: {  	s17 =	sshll.u32 s0, $0xA;
	s2 =	sadd.s32 s3, s2  }
0x8d: {  	s2 =	sadd.s32 s2, s17  }
0x8e: {  	[smem:$0x3FBC] =	sst s2  }
0x8f: {  	_ = 	snop  }
0x90: {  	s2 =	sld [smem:$0x3FD0];
	(tm) =	ssettm $0x1  }
0x91: {  	s18 =	sld [smem:$0x3FFB];
	_ =	sdelay $0x3  }
0x92: {  	_ =	strace s18  }
0x93: {  	s3 =	sld [smem:$0x3FFC];
	_ =	sdelay $0x3  }
0x94: {  	_ =	strace s3  }
0x95: {  	s3 =	sld [smem:$0x3FFD];
	_ =	sdelay $0x3  }
0x96: {  	_ =	strace s3  }
0x97: {  	_ =	strace $0x8FFFFFFF  }
0x98: {  	s19 =	sld [smem:$0x3FDB];
	_ =	sdelay $0x1  }
0x99: {  	s4 =	simm.s32 $_scs_section_size  }
0x9a: {  	s5 =	simm.s32 $_size__tile_overlayer_lowered;
	s6 =	simm.s32 $_tile_overlayer_lowered  }
0x9b: {  	s22 =	simm.s32 $0x1BFF;
	s21 =	sshll.u32 s6, $0x1;
	s3 =	sadd.s32 s4, s19  }
0x9c: {  	s7 =	simm.s32 $0x0;
	s20 =	sshll.u32 s5, $0x1;
	s5 =	sadd.s32 s21, s3  }
0x9d: {  	[timem:s7], [sflag:s22] =	dma.local [hbm:s5], s20  }
0x9e: {  	_ =	swait.ge [sflag:s22], s20  }
0x9f: {  	s4 =	ssub.s32 $0x0, s20;
	[sflag:s22] =	ssyncset.done $0x0  }
0xa0: {  	[sflag:s22] =	ssyncadd.s32 s4;
	_ =	sdelay $0x1  }
0xa1: {  	s23 =	simm.s32 $0x1B8B  }
0xa2: {  	_ =	swait.ge [sflag:s23], $0x1  }
0xa3: {  	[sflag:s23] =	ssyncset.done $0x0  }
0xa4: {  	s25 =	simm.s32 $0x1B8E;
	s24 =	sld [smem:$0x3FFE];
	[sflag:s23] =	ssyncadd.s32 $0xFFFFFFFF  }
0xa5: {  	s26 =	simm.s32 $execute0_lowered;
	[smem:$0x3FD2] =	sst s25  }
0xa6: {  	s5 =	sshll.u32 s26, $0x1;
	_ =	strace $0x80000052;
	[dreg:$0x1] =	wrdreg $0xFFFFFFFF  }
0xa7: {  	s28 =	simm.s32 $_size_execute0_lowered;
	s3 =	sadd.s32 s3, s5;
	[dreg:$0x0] =	wrdreg $0x0  }
0xa8: {  	s5 =	sshll.u32 s28, $0x1;
	[dreg:$0x2] =	wrdreg s3  }
0xa9: {  	[dreg:$0x3] =	wrdreg s5  }
0xaa: {  	[dreg:$0x4] =	wrdreg $0xC0  }
0xab: {  	_ =	task [dreg:s7], $0x5FFFF  }
0xac: {  	[dreg:$0x1] =	wrdreg $0xFFFFFFFF  }
0xad: {  	[dreg:$0x0] =	wrdreg $0x60  }
0xae: {  	[dreg:$0x2] =	wrdreg s24  }
0xaf: {  	[dreg:$0x3] =	wrdreg s2  }
0xb0: {  	[dreg:$0x4] =	wrdreg $0xC6200  }
0xb1: {  	[dreg:$0x5] =	wrdreg $0x9  }
0xb2: {  	_ =	task.clear_ibuf [dreg:s7], $0x6FFFF;
	_ =	strace $0x90000052  }
0xb3: {  	s29 =	simm.s32 $0x9;
	_ =	strace $0x80000054  }
0xb4: {  	_ =	swait.ge [sflag:s29], $0x1  }
0xb5: {  	[sflag:s29] =	ssyncadd.s32 $0xFFFFFFFF  }
0xb6: {  	_ =	strace $0x90000054  }
0xb7: {  	_ =	sfence  }
0xb8: {  	s30 =	sld [smem:$0x0];
	_ =	sdelay $0x2  }
0xb9: {  	s31 =	sshll.u32 s1, $0xD;
	s1 =	sshrl.u32 s1, $0x2  }
0xba: {  	s3 =	sand.u32 $0x4000, s31;
	s1 =	sadd.s32 s1, s30  }
0xbb: {  	s0 =	sor.u32 s3, s0;
	s1 =	sshll.u32 s1, $0x11  }
0xbc: {  	s0 =	sor.u32 s1, s0  }
0xbd: {  	s0 =	sadd.s32 $0x8F2B, s0  }
0xbe: {  	[sflag:s0] =	ssyncadd.remote.s32 $0x1  }
0xbf: {  	_ =	sfence.sel $0xFFFF  }
0xc0: {  	[dreg:$0x0] =	wrdreg $0xFFFFFFFF;
	(pc) =	sbr.abs _section_cstart, $3  }
0xc1: {  	[dreg:$0x1] =	wrdreg $0xFFFFFFFF  }
0xc2: {  	_ =	task.clear_ibuf [dreg:s7], $0x2FFFF;
	_ =	strace $0x9FFFFFFF  }
0xc3: {  	(tm) =	ssettm $0x7FFFFFFF  }
tec
execute0_lowered:
.L_overlay_start_1:
0x0: {  	(tag) =	ssettag $0x1  }
0x1: {  	s0 =	rddreg [dreg:$0x0]  }
0x2: {  	s1 =	rddreg [dreg:$0x1]  }
0x3: {  	s3 =	srdreg.scid;
	s2 =	rddreg [dreg:$0x2]  }
0x4: {  	s17 =	stileid.u32;
	s11 =	simm.s32 $0x2710;
	s12 =	simm.s32 $0x50  }
0x5: {  	s13 =	simm.s32 $0x4E20;
	s14 =	simm.s32 $0x7620;
	s20 =	simm.s32 $0x1  }
0x6: {  	s22 =	simm.s32 $0x9E20;
	s23 =	simm.s32 $0x2;
	s25 =	simm.s32 $0x4  }
0x7: {  	s28 =	simm.s32 $0x3;
	s30 =	simm.s32 $0x5;
	s6 =	smul.u32 $0x4E2, s17  }
0x8: {  	s21 =	simm.s32 $0x0;
	s4 =	sand.u32 $0x1, s3;
	s7 =	smul.u32 $0x2710, s17  }
0x9: {  	s3 =	simm.s32 $0x0;
	s9 =	smul.u32 $0x27800, s17;
	s16 =	sadd.s32 $0x128400, s2  }
0xa: {  	p0 =	seq.s32 s17, $0xF;
	s5 =	smul.u32 $0x27180, s4;
	[smem:$0x7FF] =	sst s3  }
0xb: {  	s4 =	ssub.s32 $0x2, s4;
	s16 =	sshrl.u32 @p0 s16, $0x3;
	_ =	strace $0x80000053  }
0xc: {  	s8 =	sshrl.u32 s4, $0x1;
	s29 =	sshrl.u32 s7, $0x3;
	s31 =	sshrl.u32 s9, $0x1  }
0xd: {  	s10 =	ssub.s32 s4, s8;
	s4 =	sadd.s32 s1, s6;
	s1 =	sadd.s32 s1, s29  }
0xe: {  	s7 =	sshrl.u32 s9, $0x4;
	s0 =	sadd.s32 s5, s0;
	s5 =	sadd.s32 $0x4E20, s1  }
0xf: {  	s6 =	sadd.s32 $0x3200, s0;
	s1 =	sadd.s32 s31, s2;
	s8 =	sadd.s32 $0x51600, s0  }
0x10: {  	s9 =	smax.u32 s10, $0x1;
	s10 =	simm.s32 $0x7;
	s0 =	sshll.u32 @!p0 s17, $0x6  }
0x11: {  	s15 =	sadd.s32 @p0 $0x25080, s6;
	s17 =	sadd.s32 @!p0 s7, s6;
	s18 =	sor.u32 @!p0 $0x1C07, s0  }
0x12: {  	s19 =	sshrl.u32 @!p0 s1, $0x3;
	s0 =	simm.s32 $0x2800;
	s1 =	simm.s32 $0x6  }
.LBB2_1:
0x13: {  	[tilespmem:s3], [sflag:$0x7] =	stream.linear.gather [hbm4b:s4+s3], $0x2710, $0x38;
	[tilespmem:$0x1FEE0] =	vst v63  }
0x14: {  	_ =	swait.ge [sflag:s10], $0x2710  }
0x15: {  	[sflag:s10] =	ssyncset.done $0x0  }
0x16: {  	[sflag:s10] =	ssyncadd.s32 $0xFFFFD8F0  }
0x17: {  	[tilespmem:s11], [sflag:$0x7] =	stream.linear.gather [hbm4b:s5+s3], $0x2710, $0x38;
	[tilespmem:$0x1FEE0] =	vst v63  }
0x18: {  	_ =	swait.ge [sflag:s10], $0x2710  }
0x19: {  	[sflag:s10] =	ssyncset.done $0x0  }
0x1a: {  	[sflag:s10] =	ssyncadd.s32 $0xFFFFD8F0  }
0x1b: {  	[tilespmem:s13], [sflag:$0x1] =	stream.indirect.gather [hbm4b:s6+s12], $0x80, s3, s12, $0xb8;
	[tilespmem:$0x1FEE0] =	vst v63  }
0x1c: {  	s24 =	simm.s32 @p0 $0x1FC7  }
0x1d: {  	[tilespmem:s14], [sflag:$0x2] =	stream.indirect.gather [hbm4b:s6+s12], $0x80, s12, s12, $0xb8;
	[tilespmem:$0x1FEE0] =	vst v63  }
0x1e: {  	[spmem:s16], [sflag:s24] =	dma.local @p0 [hbm:s15], $0x2100  }
0x1f: {  	s24 =	simm.s32 @p0 $0x7  }
0x20: {  	_ =	swait.ge @p0 [sflag:s24], $0x2100  }
0x21: {  	[sflag:s24] =	ssyncset.done @p0 $0x0  }
0x22: {  	[sflag:s24] =	ssyncadd.s32 @p0 $0xFFFFDF00;
	s24 =	simm.s32 @!p0 $0x7  }
0x23: {  	[spmem:s19], [sflag:s18] =	dma.local @!p0 [hbm:s17], $0x2780  }
0x24: {  	_ =	swait.ge @!p0 [sflag:s24], $0x2780  }
0x25: {  	[sflag:s24] =	ssyncset.done @!p0 $0x0  }
0x26: {  	[sflag:s24] =	ssyncadd.s32 @!p0 $0xFFFFD880  }
0x27: {  	[bflag:$0x0] =	sbarrier.arrive $0xFFFF  }
0x28: {  	_ =	swait.ge [sflag:s20], $0x2800  }
0x29: {  	[sflag:s20] =	ssyncset.done $0x0  }
0x2a: {  	[sflag:s20] =	ssyncadd.s32 $0xFFFFD800  }
0x2b: {  	[spmem:s2] =	stream.indirect.scatter.add.bf16 [tilespmem:s13], [sflag:$0x4], $0x80, s11, s12, $0xb8;
	[tilespmem:$0x1FEE0] =	vst v63  }
0x2c: {  	s29 =	simm.s32 $0xA0  }
0x2d: {  	[tilespmem:s22], [sflag:$0x3] =	stream.indirect.gather [hbm4b:s6+s12], $0x80, s29, s12, $0xb8;
	[tilespmem:$0x1FEE0] =	vst v63  }
0x2e: {  	_ =	swait.ge [sflag:s23], $0x2800  }
0x2f: {  	[sflag:s23] =	ssyncset.done $0x0  }
0x30: {  	s31 =	simm.s32 $0x2760;
	[sflag:s23] =	ssyncadd.s32 $0xFFFFD800  }
0x31: {  	[spmem:s2] =	stream.indirect.scatter.add.bf16 [tilespmem:s14], [sflag:$0x5], $0x80, s31, s12, $0xb8;
	[tilespmem:$0x1FEE0] =	vst v63  }
0x32: {  	_ =	swait.ge [sflag:s25], $0x2800  }
0x33: {  	[sflag:s25] =	ssyncset.done $0x0  }
0x34: {  	s26 =	simm.s32 $0xF0;
	[sflag:s25] =	ssyncadd.s32 $0xFFFFD800  }
0x35: {  	[tilespmem:s13], [sflag:$0x1] =	stream.indirect.gather [hbm4b:s6+s12], $0x80, s26, s12, $0xb8;
	[tilespmem:$0x1FEE0] =	vst v63  }
0x36: {  	_ =	swait.ge [sflag:s28], $0x2800  }
0x37: {  	[sflag:s28] =	ssyncset.done $0x0  }
0x38: {  	s29 =	simm.s32 $0x27B0;
	[sflag:s28] =	ssyncadd.s32 $0xFFFFD800  }
0x39: {  	[spmem:s2] =	stream.indirect.scatter.add.bf16 [tilespmem:s22], [sflag:$0x6], $0x80, s29, s12, $0xb8;
	[tilespmem:$0x1FEE0] =	vst v63  }
0x3a: {  	_ =	swait.ge [sflag:s30], $0x2800  }
0x3b: {  	[sflag:s30] =	ssyncset.done $0x0  }
0x3c: {  	s31 =	simm.s32 $0x140;
	[sflag:s30] =	ssyncadd.s32 $0xFFFFD800  }
0x3d: {  	[tilespmem:s14], [sflag:$0x2] =	stream.indirect.gather [hbm4b:s6+s12], $0x80, s31, s12, $0xb8;
	[tilespmem:$0x1FEE0] =	vst v63  }
0x3e: {  	_ =	swait.ge [sflag:s20], $0x2800  }
0x3f: {  	[sflag:s20] =	ssyncset.done $0x0  }
0x40: {  	[sflag:s20] =	ssyncadd.s32 $0xFFFFD800  }
0x41: {  	[spmem:s2] =	stream.indirect.scatter.add.bf16 [tilespmem:s13], [sflag:$0x4], $0x80, s0, s12, $0xb8;
	[tilespmem:$0x1FEE0] =	vst v63  }
0x42: {  	_ =	swait.ge [sflag:s1], $0x2800  }
0x43: {  	[sflag:s1] =	ssyncset.done $0x0  }
0x44: {  	s26 =	simm.s32 $0x190;
	[sflag:s1] =	ssyncadd.s32 $0xFFFFD800  }
0x45: {  	[tilespmem:s22], [sflag:$0x3] =	stream.indirect.gather [hbm4b:s6+s12], $0x80, s26, s12, $0xb8;
	[tilespmem:$0x1FEE0] =	vst v63  }
0x46: {  	_ =	swait.ge [sflag:s23], $0x2800  }
0x47: {  	[sflag:s23] =	ssyncset.done $0x0  }
0x48: {  	s29 =	simm.s32 $0x2850;
	[sflag:s23] =	ssyncadd.s32 $0xFFFFD800  }
0x49: {  	[spmem:s2] =	stream.indirect.scatter.add.bf16 [tilespmem:s14], [sflag:$0x5], $0x80, s29, s12, $0xb8;
	[tilespmem:$0x1FEE0] =	vst v63  }
0x4a: {  	_ =	swait.ge [sflag:s25], $0x2800  }
0x4b: {  	[sflag:s25] =	ssyncset.done $0x0  }
0x4c: {  	s31 =	simm.s32 $0x1E0;
	[sflag:s25] =	ssyncadd.s32 $0xFFFFD800  }
0x4d: {  	[tilespmem:s13], [sflag:$0x1] =	stream.indirect.gather [hbm4b:s6+s12], $0x80, s31, s12, $0xb8;
	[tilespmem:$0x1FEE0] =	vst v63  }
0x4e: {  	_ =	swait.ge [sflag:s28], $0x2800  }
0x4f: {  	[sflag:s28] =	ssyncset.done $0x0  }
0x50: {  	s26 =	simm.s32 $0x28A0;
	[sflag:s28] =	ssyncadd.s32 $0xFFFFD800  }
0x51: {  	[spmem:s2] =	stream.indirect.scatter.add.bf16 [tilespmem:s22], [sflag:$0x6], $0x80, s26, s12, $0xb8;
	[tilespmem:$0x1FEE0] =	vst v63  }
0x52: {  	_ =	swait.ge [sflag:s30], $0x2800  }
0x53: {  	[sflag:s30] =	ssyncset.done $0x0  }
0x54: {  	s29 =	simm.s32 $0x230;
	[sflag:s30] =	ssyncadd.s32 $0xFFFFD800  }
0x55: {  	[tilespmem:s14], [sflag:$0x2] =	stream.indirect.gather [hbm4b:s6+s12], $0x80, s29, s12, $0xb8;
	[tilespmem:$0x1FEE0] =	vst v63  }
0x56: {  	_ =	swait.ge [sflag:s20], $0x2800  }
0x57: {  	[sflag:s20] =	ssyncset.done $0x0  }
0x58: {  	s31 =	simm.s32 $0x28F0;
	[sflag:s20] =	ssyncadd.s32 $0xFFFFD800  }
0x59: {  	[spmem:s2] =	stream.indirect.scatter.add.bf16 [tilespmem:s13], [sflag:$0x4], $0x80, s31, s12, $0xb8;
	[tilespmem:$0x1FEE0] =	vst v63  }
0x5a: {  	_ =	swait.ge [sflag:s1], $0x2800  }
0x5b: {  	s24 =	simm.s32 $0x780;
	s26 =	simm.s32 $0xF0;
	[sflag:s1] =	ssyncset.done $0x0  }
.LBB2_2:
0x5c: {  	s29 =	sadd.s32 $0x190, s26  }
0x5d: {  	[sflag:s1] =	ssyncadd.s32 $0xFFFFD800;
	s31 =	smov.u32 s24;
	s24 =	sadd.s32 $0x3C0, s24  }
0x5e: {  	[tilespmem:s22], [sflag:$0x3] =	stream.indirect.gather [hbm4b:s6+s12], $0x80, s29, s12, $0xb8;
	[tilespmem:$0x1FEE0] =	vst v63  }
0x5f: {  	p1 =	sne.s32 s24, $0x9600;
	_ =	swait.ge [sflag:s23], $0x2800  }
0x60: {  	[sflag:s23] =	ssyncset.done $0x0  }
0x61: {  	s29 =	sadd.s32 $0x2850, s26;
	[sflag:s23] =	ssyncadd.s32 $0xFFFFD800  }
0x62: {  	[spmem:s2] =	stream.indirect.scatter.add.bf16 [tilespmem:s14], [sflag:$0x5], $0x80, s29, s12, $0xb8;
	[tilespmem:$0x1FEE0] =	vst v63  }
0x63: {  	_ =	swait.ge [sflag:s25], $0x2800  }
0x64: {  	[sflag:s25] =	ssyncset.done $0x0  }
0x65: {  	s29 =	sadd.s32 $0x1E0, s26;
	[sflag:s25] =	ssyncadd.s32 $0xFFFFD800  }
0x66: {  	[tilespmem:s13], [sflag:$0x1] =	stream.indirect.gather [hbm4b:s6+s12], $0x80, s29, s12, $0xb8;
	[tilespmem:$0x1FEE0] =	vst v63  }
0x67: {  	_ =	swait.ge [sflag:s28], $0x2800  }
0x68: {  	[sflag:s28] =	ssyncset.done $0x0  }
0x69: {  	s29 =	sadd.s32 $0x28A0, s26;
	[sflag:s28] =	ssyncadd.s32 $0xFFFFD800  }
0x6a: {  	[spmem:s2] =	stream.indirect.scatter.add.bf16 [tilespmem:s22], [sflag:$0x6], $0x80, s29, s12, $0xb8;
	[tilespmem:$0x1FEE0] =	vst v63  }
0x6b: {  	_ =	swait.ge [sflag:s30], $0x2800  }
0x6c: {  	[sflag:s30] =	ssyncset.done $0x0  }
0x6d: {  	s29 =	sadd.s32 $0x230, s26;
	[sflag:s30] =	ssyncadd.s32 $0xFFFFD800  }
0x6e: {  	[tilespmem:s14], [sflag:$0x2] =	stream.indirect.gather [hbm4b:s6+s12], $0x80, s29, s12, $0xb8;
	[tilespmem:$0x1FEE0] =	vst v63  }
0x6f: {  	_ =	swait.ge [sflag:s20], $0x2800  }
.Ltmp0:
0x70: {  	[sflag:s20] =	ssyncset.done $0x0;
	(pc) =	sbr.rel @p1 .LBB2_2-.Ltmp0, $4  }
0x71: {  	s26 =	sadd.s32 $0x28F0, s26;
	[sflag:s20] =	ssyncadd.s32 $0xFFFFD800  }
0x72: {  	[spmem:s2] =	stream.indirect.scatter.add.bf16 [tilespmem:s13], [sflag:$0x4], $0x80, s26, s12, $0xb8;
	[tilespmem:$0x1FEE0] =	vst v63  }
0x73: {  	_ =	swait.ge [sflag:s1], $0x2800  }
0x74: {  	s26 =	sshra.s32 s31, $0x2;
	[sflag:s1] =	ssyncset.done $0x0  }
0x75: {  	s29 =	sadd.s32 $0x190, s26;
	[sflag:s1] =	ssyncadd.s32 $0xFFFFD800  }
0x76: {  	[tilespmem:s22], [sflag:$0x3] =	stream.indirect.gather [hbm4b:s6+s12], $0x80, s29, s12, $0xb8;
	[tilespmem:$0x1FEE0] =	vst v63  }
0x77: {  	_ =	swait.ge [sflag:s23], $0x2800  }
0x78: {  	[sflag:s23] =	ssyncset.done $0x0  }
0x79: {  	s31 =	sadd.s32 $0x2850, s26;
	[sflag:s23] =	ssyncadd.s32 $0xFFFFD800  }
0x7a: {  	[spmem:s2] =	stream.indirect.scatter.add.bf16 [tilespmem:s14], [sflag:$0x5], $0x80, s31, s12, $0xb8;
	[tilespmem:$0x1FEE0] =	vst v63  }
0x7b: {  	_ =	swait.ge [sflag:s25], $0x2800  }
0x7c: {  	[sflag:s25] =	ssyncset.done $0x0  }
0x7d: {  	s31 =	sadd.s32 $0x1E0, s26;
	[sflag:s25] =	ssyncadd.s32 $0xFFFFD800  }
0x7e: {  	[tilespmem:s13], [sflag:$0x1] =	stream.indirect.gather [hbm4b:s6+s12], $0x80, s31, s12, $0xb8;
	[tilespmem:$0x1FEE0] =	vst v63  }
0x7f: {  	_ =	swait.ge [sflag:s28], $0x2800  }
0x80: {  	[sflag:s28] =	ssyncset.done $0x0  }
0x81: {  	s31 =	sadd.s32 $0x28A0, s26;
	[sflag:s28] =	ssyncadd.s32 $0xFFFFD800  }
0x82: {  	[spmem:s2] =	stream.indirect.scatter.add.bf16 [tilespmem:s22], [sflag:$0x6], $0x80, s31, s12, $0xb8;
	[tilespmem:$0x1FEE0] =	vst v63  }
0x83: {  	_ =	swait.ge [sflag:s30], $0x2800  }
0x84: {  	[sflag:s30] =	ssyncset.done $0x0  }
0x85: {  	s31 =	sadd.s32 $0x230, s26;
	[sflag:s30] =	ssyncadd.s32 $0xFFFFD800  }
0x86: {  	[tilespmem:s14], [sflag:$0x2] =	stream.indirect.gather [hbm4b:s6+s12], $0x80, s31, s12, $0xb8;
	[tilespmem:$0x1FEE0] =	vst v63  }
0x87: {  	_ =	swait.ge [sflag:s20], $0x2800  }
0x88: {  	[sflag:s20] =	ssyncset.done $0x0  }
0x89: {  	s31 =	sadd.s32 $0x28F0, s26;
	[sflag:s20] =	ssyncadd.s32 $0xFFFFD800  }
0x8a: {  	[spmem:s2] =	stream.indirect.scatter.add.bf16 [tilespmem:s13], [sflag:$0x4], $0x80, s31, s12, $0xb8;
	[tilespmem:$0x1FEE0] =	vst v63  }
0x8b: {  	_ =	swait.ge [sflag:s1], $0x2800  }
0x8c: {  	[sflag:s1] =	ssyncset.done $0x0  }
0x8d: {  	[sflag:s1] =	ssyncadd.s32 $0xFFFFD800  }
0x8e: {  	_ =	swait.ge [sflag:s23], $0x2800  }
0x8f: {  	s24 =	sshra.s32 s24, $0x2;
	[sflag:s23] =	ssyncset.done $0x0  }
0x90: {  	s24 =	sadd.s32 $0x2850, s24;
	[sflag:s23] =	ssyncadd.s32 $0xFFFFD800  }
0x91: {  	[spmem:s2] =	stream.indirect.scatter.add.bf16 [tilespmem:s14], [sflag:$0x5], $0x80, s24, s12, $0xb8;
	[tilespmem:$0x1FEE0] =	vst v63  }
0x92: {  	_ =	swait.ge [sflag:s25], $0x2800  }
0x93: {  	[sflag:s25] =	ssyncset.done $0x0  }
0x94: {  	[sflag:s25] =	ssyncadd.s32 $0xFFFFD800  }
0x95: {  	_ =	swait.ge [sflag:s30], $0x2800  }
0x96: {  	[sflag:s30] =	ssyncset.done $0x0  }
0x97: {  	[sflag:s30] =	ssyncadd.s32 $0xFFFFD800  }
0x98: {  	s26 =	simm.s32 @p0 $0x1FC7;
	s24 =	sadd.s32 @p0 $0x25080, s8;
	[bflag:$0x0] =	sbarrier.arrive $0xFFFF  }
0x99: {  	[hbm:s24], [sflag:s26] =	dma.local @p0 [spmem:s16], $0x2100  }
0x9a: {  	s24 =	simm.s32 @p0 $0x7  }
0x9b: {  	_ =	swait.ge @p0 [sflag:s24], $0x2100  }
0x9c: {  	s21 =	sadd.s32 $0x1, s21;
	[sflag:s24] =	ssyncset.done @p0 $0x0  }
0x9d: {  	p1 =	sne.s32 s21, s9;
	[sflag:s24] =	ssyncadd.s32 @p0 $0xFFFFDF00;
	s24 =	sadd.s32 @!p0 s7, s8  }
0x9e: {  	[hbm:s24], [sflag:s18] =	dma.local @!p0 [spmem:s19], $0x2780  }
.Ltmp1:
0x9f: {  	_ = 	snop;
	(pc) =	sbr.rel @p1 .LBB2_1-.Ltmp1, $4  }
0xa0: {  	s24 =	simm.s32 @!p0 $0x7  }
0xa1: {  	_ =	swait.ge @!p0 [sflag:s24], $0x2780  }
0xa2: {  	[sflag:s24] =	ssyncset.done @!p0 $0x0  }
0xa3: {  	[sflag:s24] =	ssyncadd.s32 @!p0 $0xFFFFD880  }
0xa4: {  	_ =	sfence.sel $0x180000  }
0xa5: {  	[bflag:$0x0] =	sbarrier.arrive $0xFFFF  }
0xa6: {  	_ =	strace $0x90000053  }
0xa7: {  	s0 =	stileid.u32;
	[bflag:$0x2] =	sbarrier.arrive $0xFFFF  }
0xa8: {  	p0 =	sne.s32 s0, $0x0;
	s0 =	rddreg [dreg:$0x3]  }
0xa9: {  	s0 =	sadd.s32 @!p0 $0x100000, s0  }
0xaa: {  	[sflag:s0] =	ssyncadd.tile.s32 @!p0 $0x1;
	_ =	shalt  }
.Lfunc_end2:
_tile_overlayer_lowered:
.L_overlay_start_2:
0xab: {  	(tag) =	ssettag $0x2  }
0xac: {  	s0 =	rddreg [dreg:$0x0];
	s2 =	stileid.u32  }
0xad: {  	s1 =	rddreg [dreg:$0x1];
	p0 =	sne.s32 s2, $0x0  }
0xae: {  	s3 =	rddreg [dreg:$0x2];
	[bflag:$0x3] =	sbarrier.arrive $0xFFFF;
	s2 =	simm.s32 @!p0 $0x1C07  }
0xaf: {  	[timem:s3], [sflag:s2] =	dma.local @!p0 [hbm:s0], s1  }
0xb0: {  	s0 =	simm.s32 @!p0 $0x7  }
0xb1: {  	_ =	swait.ge @!p0 [sflag:s0], s1  }
0xb2: {  	s1 =	ssub.s32 @!p0 $0x0, s1;
	[sflag:s0] =	ssyncset.done @!p0 $0x0  }
0xb3: {  	[sflag:s0] =	ssyncadd.s32 @!p0 s1  }
0xb4: {  	[bflag:$0x3] =	sbarrier.arrive $0xFFFF  }
0xb5: {  	_ =	shalt  }

// kernel: kernel.29.cloned.1.call-start
scs
__scs_entry_jumppad:
0x0: {  	(pc) =	sbr.rel $0x88, $3  }
0x1: {  	(tag) =	ssettag $0x0;
	lr =	simm.s32 $0x1  }
0x2: {  	[smem:$0x3F95] =	sst lr;
	_ =	strace $0xD0000000  }
0x3: {  	_ = 	snop  }
0x4: {  	_ = 	snop  }
0x5: {  	_ = 	snop  }
0x6: {  	_ = 	snop  }
0x7: {  	_ = 	snop  }
__scs_overlays_trampoline_lowered:
0x8: {  	[smem:$0x3FA4] =	sst s0  }
0x9: {  	[smem:$0x3FA5] =	sst s1  }
0xa: {  	[smem:$0x3FA6] =	sst s2  }
0xb: {  	[smem:$0x3FA7] =	sst s3  }
0xc: {  	[smem:$0x3FA8] =	sst s4  }
0xd: {  	[smem:$0x3FA9] =	sst s5  }
0xe: {  	[smem:$0x3FAA] =	sst s6  }
0xf: {  	[smem:$0x3FAB] =	sst s7  }
0x10: {  	[smem:$0x3FAC] =	sst s8  }
0x11: {  	[smem:$0x3FAD] =	sst s9;
	s0 =	simm.s32 @!p0 $0x0  }
0x12: {  	s1 =	sld [smem:$0x3F93];
	s0 =	simm.s32 @p0 $0x1  }
0x13: {  	[smem:$0x3FAE] =	sst s0;
	s0 =	simm.s32 @!p1 $0x0  }
0x14: {  	s2 =	sld [smem:$0x3F92];
	s0 =	simm.s32 @p1 $0x1  }
0x15: {  	[smem:$0x3FAF] =	sst s0;
	s0 =	simm.s32 @!p2 $0x0  }
0x16: {  	s3 =	sld [smem:$0x3FDB];
	s0 =	simm.s32 @p2 $0x1  }
0x17: {  	s4 =	simm.s32 $0x1BF5;
	[smem:$0x3FB1] =	sst s0  }
0x18: {  	s0 =	sld [smem:$0x3F94];
	_ =	swait.ge [sflag:s4], $0x0  }
0x19: {  	s7 =	sld [smem:$0x3F95]  }
0x1a: {  	s8 =	sadd.s32 $0xFFFFE003, lr  }
0x1b: {  	s9 =	sadd.s32 $0xFFFFFEF7, lr;
	s5 =	simm.s32 $0xFFFFFFFF;
	p2 =	slt.u32 s8, $0xFFFFF086  }
0x1c: {  	p1 =	slt.u32 s9, $0xF7A;
	s5 =	simm.s32 @!p2 $0x0  }
0x1d: {  	s5 =	simm.s32 @p1 $0x1;
	p0 =	seq.s32 s7, s2  }
0x1e: {  	s7 =	smul.u32 @!p0 $0xF7A, s2;
	p2 =	seq.s32 @!p0 s5, $0x0  }
0x1f: {  	s9 =	smul.u32 $0xF7A, s1;
	s8 =	simm.s32 @!p0 $0x1BF5;
	p2 =	por !p2, p0  }
0x20: {  	[sflag:s8] =	ssyncset.s32 @!p0 $0xFFFFF086;
	s6 =	sadd.s32 @!p0 s3, s7;
	s7 =	simm.s32 @!p0 $0x108  }
0x21: {  	s3 =	sadd.s32 s3, s9;
	s6 =	sadd.s32 @!p0 $0x88, s6;
	s7 =	simm.s32 @p2 $0x1082  }
0x22: {  	[simem:s7], [sflag:s8] =	dma.local @!p0 [hbm:s6], $0xF7A  }
0x23: {  	s9 =	sor.u32 $0xD0000000, s2;
	s6 =	simm.s32 $0x108;
	_ =	swait.ge @!p0 [sflag:s8], $0x0  }
0x24: {  	s3 =	sadd.s32 $0x88, s3;
	s6 =	simm.s32 @!p1 $0x1082;
	[sflag:s4] =	ssyncset.s32 $0xFFFFF086  }
0x25: {  	[simem:s6], [sflag:s4] =	dma.local [hbm:s3], $0xF7A  }
0x26: {  	[smem:$0x3F95] =	sst s1;
	(tag) =	ssettag s2;
	_ =	strace s9  }
0x27: {  	s1 =	sld [smem:$0x3FA5]  }
0x28: {  	s2 =	sld [smem:$0x3FA6]  }
0x29: {  	s4 =	sld [smem:$0x3FA8]  }
0x2a: {  	p0 =	seq.s32 s5, $0x0;
	s5 =	sld [smem:$0x3FA9]  }
0x2b: {  	s6 =	sld [smem:$0x3FAA]  }
0x2c: {  	s7 =	sld [smem:$0x3FAB]  }
0x2d: {  	s3 =	simm.s32 $0x108;
	s8 =	sld [smem:$0x3FAC]  }
0x2e: {  	s3 =	simm.s32 @!p0 $0x1082;
	s9 =	sld [smem:$0x3FAD]  }
0x2f: {  	lr =	sadd.s32 s0, s3;
	s0 =	sld [smem:$0x3FA4]  }
0x30: {  	s3 =	sld [smem:$0x3FA7]  }
0x31: {  	[smem:$0x3FB0] =	sst s10  }
0x32: {  	s10 =	sld [smem:$0x3FAE];
	_ =	sdelay $0x3  }
0x33: {  	p0 =	seq.s32 s10, $0x1;
	s10 =	sld [smem:$0x3FB0];
	_ =	sdelay $0x3  }
0x34: {  	[smem:$0x3FB0] =	sst s10  }
0x35: {  	s10 =	sld [smem:$0x3FAF];
	_ =	sdelay $0x3  }
0x36: {  	p1 =	seq.s32 s10, $0x1;
	s10 =	sld [smem:$0x3FB0];
	_ =	sdelay $0x3  }
0x37: {  	[smem:$0x3FB0] =	sst s10  }
0x38: {  	s10 =	sld [smem:$0x3FB1]  }
0x39: {  	_ = 	snop;
	(pc) =	sbr.ind lr, $3  }
0x3a: {  	_ = 	snop  }
0x3b: {  	_ = 	snop  }
0x3c: {  	p2 =	seq.s32 s10, $0x1;
	s10 =	sld [smem:$0x3FB0]  }
0x3d: {  	_ =	shalt  }
0x3e: {  	_ =	shalt  }
0x3f: {  	_ =	shalt  }
0x40: {  	_ =	shalt  }
0x41: {  	_ =	shalt  }
0x42: {  	_ =	shalt  }
0x43: {  	_ =	shalt  }
0x44: {  	_ =	shalt  }
0x45: {  	_ =	shalt  }
0x46: {  	_ =	shalt  }
0x47: {  	_ =	shalt  }
0x48: {  	_ =	shalt  }
0x49: {  	_ =	shalt  }
0x4a: {  	_ =	shalt  }
0x4b: {  	_ =	shalt  }
0x4c: {  	_ =	shalt  }
0x4d: {  	_ =	shalt  }
0x4e: {  	_ =	shalt  }
0x4f: {  	_ =	shalt  }
0x50: {  	_ =	shalt  }
0x51: {  	_ =	shalt  }
0x52: {  	_ =	shalt  }
0x53: {  	_ =	shalt  }
0x54: {  	_ =	shalt  }
0x55: {  	_ =	shalt  }
0x56: {  	_ =	shalt  }
0x57: {  	_ =	shalt  }
0x58: {  	_ =	shalt  }
0x59: {  	_ =	shalt  }
0x5a: {  	_ =	shalt  }
0x5b: {  	_ =	shalt  }
0x5c: {  	_ =	shalt  }
0x5d: {  	_ =	shalt  }
0x5e: {  	_ =	shalt  }
0x5f: {  	_ =	shalt  }
0x60: {  	_ =	shalt  }
0x61: {  	_ =	shalt  }
0x62: {  	_ =	shalt  }
0x63: {  	_ =	shalt  }
0x64: {  	_ =	shalt  }
0x65: {  	_ =	shalt  }
0x66: {  	_ =	shalt  }
0x67: {  	_ =	shalt  }
0x68: {  	_ =	shalt  }
0x69: {  	_ =	shalt  }
0x6a: {  	_ =	shalt  }
0x6b: {  	_ =	shalt  }
0x6c: {  	_ =	shalt  }
0x6d: {  	_ =	shalt  }
0x6e: {  	_ =	shalt  }
0x6f: {  	_ =	shalt  }
0x70: {  	_ =	shalt  }
0x71: {  	_ =	shalt  }
0x72: {  	_ =	shalt  }
0x73: {  	_ =	shalt  }
0x74: {  	_ =	shalt  }
0x75: {  	_ =	shalt  }
0x76: {  	_ =	shalt  }
0x77: {  	_ =	shalt  }
0x78: {  	_ =	shalt  }
0x79: {  	_ =	shalt  }
0x7a: {  	_ =	shalt  }
0x7b: {  	_ =	shalt  }
0x7c: {  	_ =	shalt  }
0x7d: {  	_ =	shalt  }
0x7e: {  	_ =	shalt  }
0x7f: {  	_ =	shalt  }
0x80: {  	_ =	shalt  }
0x81: {  	_ =	shalt  }
0x82: {  	_ =	shalt  }
0x83: {  	_ =	shalt  }
0x84: {  	_ =	shalt  }
0x85: {  	_ =	shalt  }
0x86: {  	_ =	shalt  }
0x87: {  	_ =	shalt  }
.Lfunc_end0:
.L_simem_size_0:
called_computation.5_lowered:
.L_overlay_start_0:
0x88: {  	s2 =	sld [smem:$0x3FD9]  }
0x89: {  	s3 =	sld [smem:$0x3FFE];
	_ =	sdelay $0x1  }
0x8a: {  	s1 =	srdreg.scid  }
0x8b: {  	s0 =	sand.u32 $0x1, s1  }
0x8c: {  	s17 =	sshll.u32 s0, $0xA;
	s2 =	sadd.s32 s3, s2  }
0x8d: {  	s2 =	sadd.s32 s2, s17  }
0x8e: {  	[smem:$0x3FBC] =	sst s2  }
0x8f: {  	_ = 	snop  }
0x90: {  	s2 =	sld [smem:$0x3FD0];
	(tm) =	ssettm $0x1  }
0x91: {  	s18 =	sld [smem:$0x3FFB];
	_ =	sdelay $0x3  }
0x92: {  	_ =	strace s18  }
0x93: {  	s3 =	sld [smem:$0x3FFC];
	_ =	sdelay $0x3  }
0x94: {  	_ =	strace s3  }
0x95: {  	s3 =	sld [smem:$0x3FFD];
	_ =	sdelay $0x3  }
0x96: {  	_ =	strace s3  }
0x97: {  	_ =	strace $0x8FFFFFFF  }
0x98: {  	s19 =	sld [smem:$0x3FDB];
	_ =	sdelay $0x1  }
0x99: {  	s4 =	simm.s32 $_scs_section_size  }
0x9a: {  	s5 =	simm.s32 $_size__tile_overlayer_lowered;
	s6 =	simm.s32 $_tile_overlayer_lowered  }
0x9b: {  	s22 =	simm.s32 $0x1BFF;
	s21 =	sshll.u32 s6, $0x1;
	s3 =	sadd.s32 s4, s19  }
0x9c: {  	s7 =	simm.s32 $0x0;
	s20 =	sshll.u32 s5, $0x1;
	s5 =	sadd.s32 s21, s3  }
0x9d: {  	[timem:s7], [sflag:s22] =	dma.local [hbm:s5], s20  }
0x9e: {  	_ =	swait.ge [sflag:s22], s20  }
0x9f: {  	s4 =	ssub.s32 $0x0, s20;
	[sflag:s22] =	ssyncset.done $0x0  }
0xa0: {  	[sflag:s22] =	ssyncadd.s32 s4;
	_ =	sdelay $0x1  }
0xa1: {  	s23 =	simm.s32 $0x1B8B  }
0xa2: {  	_ =	swait.ge [sflag:s23], $0x1  }
0xa3: {  	[sflag:s23] =	ssyncset.done $0x0  }
0xa4: {  	s25 =	simm.s32 $0x1B8E;
	s24 =	sld [smem:$0x3FFE];
	[sflag:s23] =	ssyncadd.s32 $0xFFFFFFFF  }
0xa5: {  	s26 =	simm.s32 $execute0_lowered;
	[smem:$0x3FD2] =	sst s25  }
0xa6: {  	s5 =	sshll.u32 s26, $0x1;
	_ =	strace $0x80000055;
	[dreg:$0x1] =	wrdreg $0xFFFFFFFF  }
0xa7: {  	s28 =	simm.s32 $_size_execute0_lowered;
	s3 =	sadd.s32 s3, s5;
	[dreg:$0x0] =	wrdreg $0x0  }
0xa8: {  	s5 =	sshll.u32 s28, $0x1;
	[dreg:$0x2] =	wrdreg s3  }
0xa9: {  	[dreg:$0x3] =	wrdreg s5  }
0xaa: {  	[dreg:$0x4] =	wrdreg $0xC0  }
0xab: {  	_ =	task [dreg:s7], $0x5FFFF  }
0xac: {  	[dreg:$0x1] =	wrdreg $0xFFFFFFFF  }
0xad: {  	[dreg:$0x0] =	wrdreg $0x60  }
0xae: {  	[dreg:$0x2] =	wrdreg s24  }
0xaf: {  	[dreg:$0x3] =	wrdreg s2  }
0xb0: {  	[dreg:$0x4] =	wrdreg $0xC6200  }
0xb1: {  	[dreg:$0x5] =	wrdreg $0x9  }
0xb2: {  	_ =	task.clear_ibuf [dreg:s7], $0x6FFFF;
	_ =	strace $0x90000055  }
0xb3: {  	s29 =	simm.s32 $0x9;
	_ =	strace $0x80000057  }
0xb4: {  	_ =	swait.ge [sflag:s29], $0x1  }
0xb5: {  	[sflag:s29] =	ssyncadd.s32 $0xFFFFFFFF  }
0xb6: {  	_ =	strace $0x90000057  }
0xb7: {  	_ =	sfence  }
0xb8: {  	s30 =	sld [smem:$0x0];
	_ =	sdelay $0x2  }
0xb9: {  	s31 =	sshll.u32 s1, $0xD;
	s1 =	sshrl.u32 s1, $0x2  }
0xba: {  	s3 =	sand.u32 $0x4000, s31;
	s1 =	sadd.s32 s1, s30  }
0xbb: {  	s0 =	sor.u32 s3, s0;
	s1 =	sshll.u32 s1, $0x11  }
0xbc: {  	s0 =	sor.u32 s1, s0  }
0xbd: {  	s0 =	sadd.s32 $0x8F2B, s0  }
0xbe: {  	[sflag:s0] =	ssyncadd.remote.s32 $0x1  }
0xbf: {  	_ =	sfence.sel $0xFFFF  }
0xc0: {  	[dreg:$0x0] =	wrdreg $0xFFFFFFFF;
	(pc) =	sbr.abs _section_cstart, $3  }
0xc1: {  	[dreg:$0x1] =	wrdreg $0xFFFFFFFF  }
0xc2: {  	_ =	task.clear_ibuf [dreg:s7], $0x2FFFF;
	_ =	strace $0x9FFFFFFF  }
0xc3: {  	(tm) =	ssettm $0x7FFFFFFF  }
tec
execute0_lowered:
.L_overlay_start_1:
0x0: {  	(tag) =	ssettag $0x1  }
0x1: {  	s0 =	rddreg [dreg:$0x0]  }
0x2: {  	s3 =	rddreg [dreg:$0x1]  }
0x3: {  	s1 =	rddreg [dreg:$0x2]  }
0x4: {  	s2 =	simm.s32 $0x0;
	s4 =	srdreg.scid;
	s17 =	stileid.u32  }
0x5: {  	s10 =	simm.s32 $0x7;
	s11 =	simm.s32 $0x2710;
	s12 =	simm.s32 $0x50  }
0x6: {  	s13 =	simm.s32 $0x4E20;
	s14 =	simm.s32 $0x7620;
	s20 =	simm.s32 $0x1  }
0x7: {  	s22 =	simm.s32 $0x9E20;
	s23 =	simm.s32 $0x2;
	s25 =	simm.s32 $0x4  }
0x8: {  	s28 =	simm.s32 $0x3;
	s30 =	simm.s32 $0x5;
	s6 =	smul.u32 $0x2710, s17  }
0x9: {  	s21 =	simm.s32 $0x0;
	[smem:$0x7FF] =	sst s2;
	s31 =	smul.u32 $0x4E2, s17  }
0xa: {  	s4 =	sand.u32 $0x1, s4;
	s8 =	smul.u32 $0x13C00, s17;
	s16 =	sadd.s32 $0x128400, s1  }
0xb: {  	p0 =	seq.s32 s17, $0xF;
	s5 =	smul.u32 $0x27180, s4;
	s4 =	ssub.s32 $0x2, s4  }
0xc: {  	_ =	strace $0x80000056;
	s16 =	sshrl.u32 @p0 s16, $0x3;
	s7 =	sshrl.u32 s4, $0x1  }
0xd: {  	s6 =	sshrl.u32 s6, $0x3;
	s0 =	sadd.s32 s5, s0;
	s9 =	ssub.s32 s4, s7  }
0xe: {  	s4 =	sadd.s32 s3, s31;
	s3 =	sadd.s32 s3, s6;
	s7 =	sshrl.u32 s8, $0x3  }
0xf: {  	s5 =	sadd.s32 $0x4E20, s3;
	s6 =	sadd.s32 $0x3200, s0;
	s3 =	sadd.s32 s8, s1  }
0x10: {  	s8 =	sadd.s32 $0x51600, s0;
	s9 =	smax.u32 s9, $0x1;
	s0 =	sshll.u32 @!p0 s17, $0x6  }
0x11: {  	s15 =	sadd.s32 @p0 $0x25080, s6;
	s17 =	sadd.s32 @!p0 s7, s6;
	s18 =	sor.u32 @!p0 $0x1C07, s0  }
0x12: {  	s19 =	sshrl.u32 @!p0 s3, $0x3;
	s0 =	simm.s32 $0x2800;
	s3 =	simm.s32 $0x6  }
.LBB2_1:
0x13: {  	[tilespmem:s2], [sflag:$0x7] =	stream.linear.gather [hbm4b:s4+s2], $0x2710, $0x38;
	[tilespmem:$0x1FEE0] =	vst v63  }
0x14: {  	_ =	swait.ge [sflag:s10], $0x2710  }
0x15: {  	[sflag:s10] =	ssyncset.done $0x0  }
0x16: {  	[sflag:s10] =	ssyncadd.s32 $0xFFFFD8F0  }
0x17: {  	[tilespmem:s11], [sflag:$0x7] =	stream.linear.gather [hbm4b:s5+s2], $0x2710, $0x38;
	[tilespmem:$0x1FEE0] =	vst v63  }
0x18: {  	_ =	swait.ge [sflag:s10], $0x2710  }
0x19: {  	[sflag:s10] =	ssyncset.done $0x0  }
0x1a: {  	[sflag:s10] =	ssyncadd.s32 $0xFFFFD8F0  }
0x1b: {  	[tilespmem:s13], [sflag:$0x1] =	stream.indirect.gather [hbm4b:s6+s12], $0x80, s2, s12, $0xb8;
	[tilespmem:$0x1FEE0] =	vst v63  }
0x1c: {  	s24 =	simm.s32 @p0 $0x1FC7  }
0x1d: {  	[tilespmem:s14], [sflag:$0x2] =	stream.indirect.gather [hbm4b:s6+s12], $0x80, s12, s12, $0xb8;
	[tilespmem:$0x1FEE0] =	vst v63  }
0x1e: {  	[spmem:s16], [sflag:s24] =	dma.local @p0 [hbm:s15], $0x2100  }
0x1f: {  	s24 =	simm.s32 @p0 $0x7  }
0x20: {  	_ =	swait.ge @p0 [sflag:s24], $0x2100  }
0x21: {  	[sflag:s24] =	ssyncset.done @p0 $0x0  }
0x22: {  	[sflag:s24] =	ssyncadd.s32 @p0 $0xFFFFDF00;
	s24 =	simm.s32 @!p0 $0x7  }
0x23: {  	[spmem:s19], [sflag:s18] =	dma.local @!p0 [hbm:s17], $0x2780  }
0x24: {  	_ =	swait.ge @!p0 [sflag:s24], $0x2780  }
0x25: {  	[sflag:s24] =	ssyncset.done @!p0 $0x0  }
0x26: {  	[sflag:s24] =	ssyncadd.s32 @!p0 $0xFFFFD880  }
0x27: {  	[bflag:$0x0] =	sbarrier.arrive $0xFFFF  }
0x28: {  	_ =	swait.ge [sflag:s20], $0x2800  }
0x29: {  	[sflag:s20] =	ssyncset.done $0x0  }
0x2a: {  	[sflag:s20] =	ssyncadd.s32 $0xFFFFD800  }
0x2b: {  	[spmem:s1] =	stream.indirect.scatter.add.f32 [tilespmem:s13], [sflag:$0x4], $0x80, s11, s12, $0xb8;
	[tilespmem:$0x1FEE0] =	vst v63  }
0x2c: {  	s29 =	simm.s32 $0xA0  }
0x2d: {  	[tilespmem:s22], [sflag:$0x3] =	stream.indirect.gather [hbm4b:s6+s12], $0x80, s29, s12, $0xb8;
	[tilespmem:$0x1FEE0] =	vst v63  }
0x2e: {  	_ =	swait.ge [sflag:s23], $0x2800  }
0x2f: {  	[sflag:s23] =	ssyncset.done $0x0  }
0x30: {  	s31 =	simm.s32 $0x2760;
	[sflag:s23] =	ssyncadd.s32 $0xFFFFD800  }
0x31: {  	[spmem:s1] =	stream.indirect.scatter.add.f32 [tilespmem:s14], [sflag:$0x5], $0x80, s31, s12, $0xb8;
	[tilespmem:$0x1FEE0] =	vst v63  }
0x32: {  	_ =	swait.ge [sflag:s25], $0x2800  }
0x33: {  	[sflag:s25] =	ssyncset.done $0x0  }
0x34: {  	s26 =	simm.s32 $0xF0;
	[sflag:s25] =	ssyncadd.s32 $0xFFFFD800  }
0x35: {  	[tilespmem:s13], [sflag:$0x1] =	stream.indirect.gather [hbm4b:s6+s12], $0x80, s26, s12, $0xb8;
	[tilespmem:$0x1FEE0] =	vst v63  }
0x36: {  	_ =	swait.ge [sflag:s28], $0x2800  }
0x37: {  	[sflag:s28] =	ssyncset.done $0x0  }
0x38: {  	s29 =	simm.s32 $0x27B0;
	[sflag:s28] =	ssyncadd.s32 $0xFFFFD800  }
0x39: {  	[spmem:s1] =	stream.indirect.scatter.add.f32 [tilespmem:s22], [sflag:$0x6], $0x80, s29, s12, $0xb8;
	[tilespmem:$0x1FEE0] =	vst v63  }
0x3a: {  	_ =	swait.ge [sflag:s30], $0x2800  }
0x3b: {  	[sflag:s30] =	ssyncset.done $0x0  }
0x3c: {  	s31 =	simm.s32 $0x140;
	[sflag:s30] =	ssyncadd.s32 $0xFFFFD800  }
0x3d: {  	[tilespmem:s14], [sflag:$0x2] =	stream.indirect.gather [hbm4b:s6+s12], $0x80, s31, s12, $0xb8;
	[tilespmem:$0x1FEE0] =	vst v63  }
0x3e: {  	_ =	swait.ge [sflag:s20], $0x2800  }
0x3f: {  	[sflag:s20] =	ssyncset.done $0x0  }
0x40: {  	[sflag:s20] =	ssyncadd.s32 $0xFFFFD800  }
0x41: {  	[spmem:s1] =	stream.indirect.scatter.add.f32 [tilespmem:s13], [sflag:$0x4], $0x80, s0, s12, $0xb8;
	[tilespmem:$0x1FEE0] =	vst v63  }
0x42: {  	_ =	swait.ge [sflag:s3], $0x2800  }
0x43: {  	[sflag:s3] =	ssyncset.done $0x0  }
0x44: {  	s26 =	simm.s32 $0x190;
	[sflag:s3] =	ssyncadd.s32 $0xFFFFD800  }
0x45: {  	[tilespmem:s22], [sflag:$0x3] =	stream.indirect.gather [hbm4b:s6+s12], $0x80, s26, s12, $0xb8;
	[tilespmem:$0x1FEE0] =	vst v63  }
0x46: {  	_ =	swait.ge [sflag:s23], $0x2800  }
0x47: {  	[sflag:s23] =	ssyncset.done $0x0  }
0x48: {  	s29 =	simm.s32 $0x2850;
	[sflag:s23] =	ssyncadd.s32 $0xFFFFD800  }
0x49: {  	[spmem:s1] =	stream.indirect.scatter.add.f32 [tilespmem:s14], [sflag:$0x5], $0x80, s29, s12, $0xb8;
	[tilespmem:$0x1FEE0] =	vst v63  }
0x4a: {  	_ =	swait.ge [sflag:s25], $0x2800  }
0x4b: {  	[sflag:s25] =	ssyncset.done $0x0  }
0x4c: {  	s31 =	simm.s32 $0x1E0;
	[sflag:s25] =	ssyncadd.s32 $0xFFFFD800  }
0x4d: {  	[tilespmem:s13], [sflag:$0x1] =	stream.indirect.gather [hbm4b:s6+s12], $0x80, s31, s12, $0xb8;
	[tilespmem:$0x1FEE0] =	vst v63  }
0x4e: {  	_ =	swait.ge [sflag:s28], $0x2800  }
0x4f: {  	[sflag:s28] =	ssyncset.done $0x0  }
0x50: {  	s26 =	simm.s32 $0x28A0;
	[sflag:s28] =	ssyncadd.s32 $0xFFFFD800  }
0x51: {  	[spmem:s1] =	stream.indirect.scatter.add.f32 [tilespmem:s22], [sflag:$0x6], $0x80, s26, s12, $0xb8;
	[tilespmem:$0x1FEE0] =	vst v63  }
0x52: {  	_ =	swait.ge [sflag:s30], $0x2800  }
0x53: {  	[sflag:s30] =	ssyncset.done $0x0  }
0x54: {  	s29 =	simm.s32 $0x230;
	[sflag:s30] =	ssyncadd.s32 $0xFFFFD800  }
0x55: {  	[tilespmem:s14], [sflag:$0x2] =	stream.indirect.gather [hbm4b:s6+s12], $0x80, s29, s12, $0xb8;
	[tilespmem:$0x1FEE0] =	vst v63  }
0x56: {  	_ =	swait.ge [sflag:s20], $0x2800  }
0x57: {  	[sflag:s20] =	ssyncset.done $0x0  }
0x58: {  	s31 =	simm.s32 $0x28F0;
	[sflag:s20] =	ssyncadd.s32 $0xFFFFD800  }
0x59: {  	[spmem:s1] =	stream.indirect.scatter.add.f32 [tilespmem:s13], [sflag:$0x4], $0x80, s31, s12, $0xb8;
	[tilespmem:$0x1FEE0] =	vst v63  }
0x5a: {  	_ =	swait.ge [sflag:s3], $0x2800  }
0x5b: {  	s24 =	simm.s32 $0x780;
	s26 =	simm.s32 $0xF0;
	[sflag:s3] =	ssyncset.done $0x0  }
.LBB2_2:
0x5c: {  	s29 =	sadd.s32 $0x190, s26  }
0x5d: {  	[sflag:s3] =	ssyncadd.s32 $0xFFFFD800;
	s31 =	smov.u32 s24;
	s24 =	sadd.s32 $0x3C0, s24  }
0x5e: {  	[tilespmem:s22], [sflag:$0x3] =	stream.indirect.gather [hbm4b:s6+s12], $0x80, s29, s12, $0xb8;
	[tilespmem:$0x1FEE0] =	vst v63  }
0x5f: {  	p1 =	sne.s32 s24, $0x9600;
	_ =	swait.ge [sflag:s23], $0x2800  }
0x60: {  	[sflag:s23] =	ssyncset.done $0x0  }
0x61: {  	s29 =	sadd.s32 $0x2850, s26;
	[sflag:s23] =	ssyncadd.s32 $0xFFFFD800  }
0x62: {  	[spmem:s1] =	stream.indirect.scatter.add.f32 [tilespmem:s14], [sflag:$0x5], $0x80, s29, s12, $0xb8;
	[tilespmem:$0x1FEE0] =	vst v63  }
0x63: {  	_ =	swait.ge [sflag:s25], $0x2800  }
0x64: {  	[sflag:s25] =	ssyncset.done $0x0  }
0x65: {  	s29 =	sadd.s32 $0x1E0, s26;
	[sflag:s25] =	ssyncadd.s32 $0xFFFFD800  }
0x66: {  	[tilespmem:s13], [sflag:$0x1] =	stream.indirect.gather [hbm4b:s6+s12], $0x80, s29, s12, $0xb8;
	[tilespmem:$0x1FEE0] =	vst v63  }
0x67: {  	_ =	swait.ge [sflag:s28], $0x2800  }
0x68: {  	[sflag:s28] =	ssyncset.done $0x0  }
0x69: {  	s29 =	sadd.s32 $0x28A0, s26;
	[sflag:s28] =	ssyncadd.s32 $0xFFFFD800  }
0x6a: {  	[spmem:s1] =	stream.indirect.scatter.add.f32 [tilespmem:s22], [sflag:$0x6], $0x80, s29, s12, $0xb8;
	[tilespmem:$0x1FEE0] =	vst v63  }
0x6b: {  	_ =	swait.ge [sflag:s30], $0x2800  }
0x6c: {  	[sflag:s30] =	ssyncset.done $0x0  }
0x6d: {  	s29 =	sadd.s32 $0x230, s26;
	[sflag:s30] =	ssyncadd.s32 $0xFFFFD800  }
0x6e: {  	[tilespmem:s14], [sflag:$0x2] =	stream.indirect.gather [hbm4b:s6+s12], $0x80, s29, s12, $0xb8;
	[tilespmem:$0x1FEE0] =	vst v63  }
0x6f: {  	_ =	swait.ge [sflag:s20], $0x2800  }
.Ltmp0:
0x70: {  	[sflag:s20] =	ssyncset.done $0x0;
	(pc) =	sbr.rel @p1 .LBB2_2-.Ltmp0, $4  }
0x71: {  	s26 =	sadd.s32 $0x28F0, s26;
	[sflag:s20] =	ssyncadd.s32 $0xFFFFD800  }
0x72: {  	[spmem:s1] =	stream.indirect.scatter.add.f32 [tilespmem:s13], [sflag:$0x4], $0x80, s26, s12, $0xb8;
	[tilespmem:$0x1FEE0] =	vst v63  }
0x73: {  	_ =	swait.ge [sflag:s3], $0x2800  }
0x74: {  	s26 =	sshra.s32 s31, $0x2;
	[sflag:s3] =	ssyncset.done $0x0  }
0x75: {  	s29 =	sadd.s32 $0x190, s26;
	[sflag:s3] =	ssyncadd.s32 $0xFFFFD800  }
0x76: {  	[tilespmem:s22], [sflag:$0x3] =	stream.indirect.gather [hbm4b:s6+s12], $0x80, s29, s12, $0xb8;
	[tilespmem:$0x1FEE0] =	vst v63  }
0x77: {  	_ =	swait.ge [sflag:s23], $0x2800  }
0x78: {  	[sflag:s23] =	ssyncset.done $0x0  }
0x79: {  	s31 =	sadd.s32 $0x2850, s26;
	[sflag:s23] =	ssyncadd.s32 $0xFFFFD800  }
0x7a: {  	[spmem:s1] =	stream.indirect.scatter.add.f32 [tilespmem:s14], [sflag:$0x5], $0x80, s31, s12, $0xb8;
	[tilespmem:$0x1FEE0] =	vst v63  }
0x7b: {  	_ =	swait.ge [sflag:s25], $0x2800  }
0x7c: {  	[sflag:s25] =	ssyncset.done $0x0  }
0x7d: {  	s31 =	sadd.s32 $0x1E0, s26;
	[sflag:s25] =	ssyncadd.s32 $0xFFFFD800  }
0x7e: {  	[tilespmem:s13], [sflag:$0x1] =	stream.indirect.gather [hbm4b:s6+s12], $0x80, s31, s12, $0xb8;
	[tilespmem:$0x1FEE0] =	vst v63  }
0x7f: {  	_ =	swait.ge [sflag:s28], $0x2800  }
0x80: {  	[sflag:s28] =	ssyncset.done $0x0  }
0x81: {  	s31 =	sadd.s32 $0x28A0, s26;
	[sflag:s28] =	ssyncadd.s32 $0xFFFFD800  }
0x82: {  	[spmem:s1] =	stream.indirect.scatter.add.f32 [tilespmem:s22], [sflag:$0x6], $0x80, s31, s12, $0xb8;
	[tilespmem:$0x1FEE0] =	vst v63  }
0x83: {  	_ =	swait.ge [sflag:s30], $0x2800  }
0x84: {  	[sflag:s30] =	ssyncset.done $0x0  }
0x85: {  	s31 =	sadd.s32 $0x230, s26;
	[sflag:s30] =	ssyncadd.s32 $0xFFFFD800  }
0x86: {  	[tilespmem:s14], [sflag:$0x2] =	stream.indirect.gather [hbm4b:s6+s12], $0x80, s31, s12, $0xb8;
	[tilespmem:$0x1FEE0] =	vst v63  }
0x87: {  	_ =	swait.ge [sflag:s20], $0x2800  }
0x88: {  	[sflag:s20] =	ssyncset.done $0x0  }
0x89: {  	s31 =	sadd.s32 $0x28F0, s26;
	[sflag:s20] =	ssyncadd.s32 $0xFFFFD800  }
0x8a: {  	[spmem:s1] =	stream.indirect.scatter.add.f32 [tilespmem:s13], [sflag:$0x4], $0x80, s31, s12, $0xb8;
	[tilespmem:$0x1FEE0] =	vst v63  }
0x8b: {  	_ =	swait.ge [sflag:s3], $0x2800  }
0x8c: {  	[sflag:s3] =	ssyncset.done $0x0  }
0x8d: {  	[sflag:s3] =	ssyncadd.s32 $0xFFFFD800  }
0x8e: {  	_ =	swait.ge [sflag:s23], $0x2800  }
0x8f: {  	s24 =	sshra.s32 s24, $0x2;
	[sflag:s23] =	ssyncset.done $0x0  }
0x90: {  	s24 =	sadd.s32 $0x2850, s24;
	[sflag:s23] =	ssyncadd.s32 $0xFFFFD800  }
0x91: {  	[spmem:s1] =	stream.indirect.scatter.add.f32 [tilespmem:s14], [sflag:$0x5], $0x80, s24, s12, $0xb8;
	[tilespmem:$0x1FEE0] =	vst v63  }
0x92: {  	_ =	swait.ge [sflag:s25], $0x2800  }
0x93: {  	[sflag:s25] =	ssyncset.done $0x0  }
0x94: {  	[sflag:s25] =	ssyncadd.s32 $0xFFFFD800  }
0x95: {  	_ =	swait.ge [sflag:s30], $0x2800  }
0x96: {  	[sflag:s30] =	ssyncset.done $0x0  }
0x97: {  	[sflag:s30] =	ssyncadd.s32 $0xFFFFD800  }
0x98: {  	s26 =	simm.s32 @p0 $0x1FC7;
	s24 =	sadd.s32 @p0 $0x25080, s8;
	[bflag:$0x0] =	sbarrier.arrive $0xFFFF  }
0x99: {  	[hbm:s24], [sflag:s26] =	dma.local @p0 [spmem:s16], $0x2100  }
0x9a: {  	s24 =	simm.s32 @p0 $0x7  }
0x9b: {  	_ =	swait.ge @p0 [sflag:s24], $0x2100  }
0x9c: {  	s21 =	sadd.s32 $0x1, s21;
	[sflag:s24] =	ssyncset.done @p0 $0x0  }
0x9d: {  	p1 =	sne.s32 s21, s9;
	[sflag:s24] =	ssyncadd.s32 @p0 $0xFFFFDF00;
	s24 =	sadd.s32 @!p0 s7, s8  }
0x9e: {  	[hbm:s24], [sflag:s18] =	dma.local @!p0 [spmem:s19], $0x2780  }
.Ltmp1:
0x9f: {  	_ = 	snop;
	(pc) =	sbr.rel @p1 .LBB2_1-.Ltmp1, $4  }
0xa0: {  	s24 =	simm.s32 @!p0 $0x7  }
0xa1: {  	_ =	swait.ge @!p0 [sflag:s24], $0x2780  }
0xa2: {  	[sflag:s24] =	ssyncset.done @!p0 $0x0  }
0xa3: {  	[sflag:s24] =	ssyncadd.s32 @!p0 $0xFFFFD880  }
0xa4: {  	_ =	sfence.sel $0x180000  }
0xa5: {  	[bflag:$0x0] =	sbarrier.arrive $0xFFFF  }
0xa6: {  	_ =	strace $0x90000056  }
0xa7: {  	s0 =	stileid.u32;
	[bflag:$0x2] =	sbarrier.arrive $0xFFFF  }
0xa8: {  	p0 =	sne.s32 s0, $0x0;
	s0 =	rddreg [dreg:$0x3]  }
0xa9: {  	s0 =	sadd.s32 @!p0 $0x100000, s0  }
0xaa: {  	[sflag:s0] =	ssyncadd.tile.s32 @!p0 $0x1;
	_ =	shalt  }
.Lfunc_end2:
_tile_overlayer_lowered:
.L_overlay_start_2:
0xab: {  	(tag) =	ssettag $0x2  }
0xac: {  	s0 =	rddreg [dreg:$0x0];
	s2 =	stileid.u32  }
0xad: {  	s1 =	rddreg [dreg:$0x1];
	p0 =	sne.s32 s2, $0x0  }
0xae: {  	s3 =	rddreg [dreg:$0x2];
	[bflag:$0x3] =	sbarrier.arrive $0xFFFF;
	s2 =	simm.s32 @!p0 $0x1C07  }
0xaf: {  	[timem:s3], [sflag:s2] =	dma.local @!p0 [hbm:s0], s1  }
0xb0: {  	s0 =	simm.s32 @!p0 $0x7  }
0xb1: {  	_ =	swait.ge @!p0 [sflag:s0], s1  }
0xb2: {  	s1 =	ssub.s32 @!p0 $0x0, s1;
	[sflag:s0] =	ssyncset.done @!p0 $0x0  }
0xb3: {  	[sflag:s0] =	ssyncadd.s32 @!p0 s1  }
0xb4: {  	[bflag:$0x3] =	sbarrier.arrive $0xFFFF  }
0xb5: {  	_ =	shalt  }

</sc_bundles>
